<compile_context>
chip_gen: v7x
topology: tpu7x:2x2x1
jax: 0.10.2.dev20260603
libtpu: 0.0.44.dev20260713+nightly
codegen_flags: <defaults>
</compile_context>

<pallas_src>
import functools

import jax
import jax.numpy as jnp
from jax import lax
from jax.experimental import pallas as pl
from jax.experimental.pallas import tpu as pltpu
from jax.experimental.pallas import tpu_sc as plsc

N_NODES = 10000
N_EDGES = 320000
D = 128
HIDDEN = 256
OUT_D = 64
NC = 2
NS = 16
NW = NC * NS
E_PER_W = N_EDGES // NW
CHUNK = 100
GRP = 20
NGRP = 5
N_PAD = 10240
ROWS_PER_TILE = N_PAD // NS


def _sc_mesh():
    return plsc.VectorSubcoreMesh(
        core_axis_name="c", subcore_axis_name="s", num_cores=NC, num_subcores=NS
    )


def _make_sc_agg():
    scratch = [
        pltpu.VMEM_SHARED((N_PAD, D), jnp.float32),
        pltpu.VMEM((GRP, CHUNK), jnp.int32),
        pltpu.VMEM((GRP, CHUNK), jnp.int32),
        pltpu.VMEM((CHUNK, D), jnp.float32),
        pltpu.VMEM((CHUNK, D), jnp.float32),
        pltpu.SemaphoreType.DMA,
        pltpu.SemaphoreType.DMA,
        pltpu.SemaphoreType.DMA,
        pltpu.SemaphoreType.DMA,
    ]

    def body(table, src4, dst4, zrows, dummy, psum, acc_sh, src_v, dst_v,
             rows0, rows1, g0, g1, s0, s1):
        cid = lax.axis_index("c")
        sid = lax.axis_index("s")
        wid = cid * NS + sid
        r0 = sid * ROWS_PER_TILE
        rows = (rows0, rows1)
        gsem = (g0, g1)
        ssem = (s0, s1)

        pltpu.sync_copy(zrows.at[pl.ds(r0, ROWS_PER_TILE)],
                        acc_sh.at[pl.ds(r0, ROWS_PER_TILE)])
        plsc.subcore_barrier()

        tb = (GRP - 1) % 2

        def drain(sem, b):
            pltpu.make_async_copy(dummy, rows[b], sem).wait()

        def group_body(g, carry):
            pltpu.sync_copy(src4.at[wid, g], src_v)

            @pl.when(g > 0)
            def _():
                drain(s0, 0)
                drain(s1, 1)

            pltpu.sync_copy(dst4.at[wid, g], dst_v)

            for c in range(GRP):
                b = c % 2
                if c >= 2:
                    drain(ssem[b], b)
                pltpu.async_copy(table.at[src_v.at[c]], rows[b], gsem[b])
                if c >= 1:
                    drain(gsem[1 - b], 1 - b)
                    pltpu.async_copy(
                        rows[1 - b], acc_sh.at[dst_v.at[c - 1]], ssem[1 - b],
                        add=True)
            drain(gsem[tb], tb)
            pltpu.async_copy(rows[tb], acc_sh.at[dst_v.at[GRP - 1]],
                             ssem[tb], add=True)
            return carry

        lax.fori_loop(0, NGRP, group_body, 0)
        drain(s0, 0)
        drain(s1, 1)
        plsc.subcore_barrier()

        pltpu.sync_copy(acc_sh.at[pl.ds(r0, ROWS_PER_TILE)],
                        psum.at[cid, pl.ds(r0, ROWS_PER_TILE)])

    return pl.kernel(
        body, out_type=jax.ShapeDtypeStruct((NC, N_PAD, D), jnp.float32),
        mesh=_sc_mesh(), scratch_types=scratch,
    )


def _make_sc_count():
    scratch = [
        pltpu.VMEM_SHARED((N_PAD, D), jnp.float32),
        pltpu.VMEM((GRP, CHUNK), jnp.int32),
        pltpu.VMEM((CHUNK, D), jnp.float32),
        pltpu.SemaphoreType.DMA,
    ]

    def body(ones_tab, dst4, zrows, psum, acc_sh, dst_v, ones_v, sem):
        cid = lax.axis_index("c")
        sid = lax.axis_index("s")
        wid = cid * NS + sid
        r0 = sid * ROWS_PER_TILE

        pltpu.sync_copy(zrows.at[pl.ds(r0, ROWS_PER_TILE)],
                        acc_sh.at[pl.ds(r0, ROWS_PER_TILE)])
        pltpu.sync_copy(ones_tab, ones_v)
        plsc.subcore_barrier()

        def group_body(g, carry):
            pltpu.sync_copy(dst4.at[wid, g], dst_v)
            descs = [
                pltpu.async_copy(ones_v, acc_sh.at[dst_v.at[c]], sem, add=True)
                for c in range(GRP)
            ]
            for d in descs:
                d.wait()
            return carry

        lax.fori_loop(0, NGRP, group_body, 0)
        plsc.subcore_barrier()
        pltpu.sync_copy(acc_sh.at[pl.ds(r0, ROWS_PER_TILE)],
                        psum.at[cid, pl.ds(r0, ROWS_PER_TILE)])

    return pl.kernel(
        body, out_type=jax.ShapeDtypeStruct((NC, N_PAD, D), jnp.float32),
        mesh=_sc_mesh(), scratch_types=scratch,
    )


_sc_agg = _make_sc_agg()
_sc_count = _make_sc_count()

BLK = 640


def _tc_layer_body(p0_ref, p1_ref, inv_ref, w_ref, o_ref):
    m = (p0_ref[0] + p1_ref[0]) * inv_ref[...]
    o_ref[...] = lax.dot_general(
        m, w_ref[...], (((1,), (1,)), ((), ())),
        preferred_element_type=jnp.float32)


def _tc_layer(psum, inv, W):
    grid = (N_PAD // BLK,)
    return pl.pallas_call(
        _tc_layer_body,
        grid=grid,
        in_specs=[
            pl.BlockSpec((1, BLK, D), lambda i: (0, i, 0)),
            pl.BlockSpec((1, BLK, D), lambda i: (1, i, 0)),
            pl.BlockSpec((BLK, 1), lambda i: (i, 0)),
            pl.BlockSpec((D, D), lambda i: (0, 0)),
        ],
        out_specs=pl.BlockSpec((BLK, D), lambda i: (i, 0)),
        out_shape=jax.ShapeDtypeStruct((N_PAD, D), jnp.float32),
    )(psum, psum, inv, W)


def _tc_final_body(x_ref, z1_ref, z2_ref, p30_ref, p31_ref, inv_ref, w3_ref,
                   l0_ref, l1_ref, l2_ref, l3_ref, b1_ref, g_ref, bb_ref,
                   l2w_ref, b2_ref, o_ref):
    dn = (((1,), (1,)), ((), ()))
    z3 = lax.dot_general(
        (p30_ref[0] + p31_ref[0]) * inv_ref[...], w3_ref[...], dn,
        preferred_element_type=jnp.float32)
    h = (lax.dot_general(x_ref[...], l0_ref[...], dn, preferred_element_type=jnp.float32)
         + lax.dot_general(z1_ref[...], l1_ref[...], dn, preferred_element_type=jnp.float32)
         + lax.dot_general(z2_ref[...], l2_ref[...], dn, preferred_element_type=jnp.float32)
         + lax.dot_general(z3, l3_ref[...], dn, preferred_element_type=jnp.float32)
         + b1_ref[...])
    mu = jnp.mean(h, axis=1, keepdims=True)
    var = jnp.mean((h - mu) ** 2, axis=1, keepdims=True)
    hn = (h - mu) * lax.rsqrt(var + 1e-5) * g_ref[...] + bb_ref[...]
    hr = jnp.maximum(hn, 0.0)
    o_ref[...] = lax.dot_general(
        hr, l2w_ref[...], dn, preferred_element_type=jnp.float32) + b2_ref[...]


def _tc_final(x_pad, z1, z2, psum3, inv, W3, l1w, lin1_b, ln_g, ln_b,
              lin2_w, lin2_b):
    grid = (N_PAD // BLK,)
    l0, l1, l2, l3 = (l1w[:, 0:D], l1w[:, D:2 * D],
                      l1w[:, 2 * D:3 * D], l1w[:, 3 * D:4 * D])
    row = pl.BlockSpec((BLK, D), lambda i: (i, 0))
    full = lambda a, b: pl.BlockSpec((a, b), lambda i: (0, 0))
    return pl.pallas_call(
        _tc_final_body,
        grid=grid,
        in_specs=[
            row, row, row,
            pl.BlockSpec((1, BLK, D), lambda i: (0, i, 0)),
            pl.BlockSpec((1, BLK, D), lambda i: (1, i, 0)),
            pl.BlockSpec((BLK, 1), lambda i: (i, 0)),
            full(D, D),
            full(HIDDEN, D), full(HIDDEN, D), full(HIDDEN, D), full(HIDDEN, D),
            full(1, HIDDEN), full(1, HIDDEN), full(1, HIDDEN),
            full(OUT_D, HIDDEN), full(1, OUT_D),
        ],
        out_specs=pl.BlockSpec((BLK, OUT_D), lambda i: (i, 0)),
        out_shape=jax.ShapeDtypeStruct((N_PAD, OUT_D), jnp.float32),
    )(x_pad, z1, z2, psum3, psum3, inv, W3, l0, l1, l2, l3,
      lin1_b.reshape(1, HIDDEN), ln_g.reshape(1, HIDDEN),
      ln_b.reshape(1, HIDDEN), lin2_w, lin2_b.reshape(1, OUT_D))


def kernel(x, edge_index, W1, W2, W3, lin1_w, lin1_b, ln_g, ln_b,
           lin2_w, lin2_b):
    ei = edge_index.astype(jnp.int32)
    src4 = ei[0].reshape(NW, NGRP, GRP, CHUNK)
    dst4 = ei[1].reshape(NW, NGRP, GRP, CHUNK)
    zrows = jnp.zeros((N_PAD, D), jnp.float32)
    ones_tab = jnp.ones((CHUNK, D), jnp.float32)

    x_pad = jnp.concatenate(
        [x, jnp.zeros((N_PAD - N_NODES, D), jnp.float32)], axis=0)

    psc = _sc_count(ones_tab, dst4, zrows)
    cnt = psc[0, :, 0:1] + psc[1, :, 0:1]
    inv = 1.0 / jnp.maximum(cnt, 1.0)

    psum1 = _sc_agg(x_pad, src4, dst4, zrows, ones_tab)
    z1 = _tc_layer(psum1, inv, W1)
    psum2 = _sc_agg(z1, src4, dst4, zrows, ones_tab)
    z2 = _tc_layer(psum2, inv, W2)
    psum3 = _sc_agg(z2, src4, dst4, zrows, ones_tab)
    out = _tc_final(x_pad, z1, z2, psum3, inv,
                    W3, lin1_w, lin1_b, ln_g, ln_b, lin2_w, lin2_b)
    return out[:N_NODES]

# --- scband reference (transcript-rebuilt; emitter-appended) ---
"""Pipeline reference for scband-sign-5385888989320 (READ-ONLY COPY).

The authoritative reference and input builder live on the scoring server;
editing this copy changes nothing except your own understanding.
"""

import jax, jax.numpy as jnp
import numpy as np

N_NODES = 10000
N_EDGES = 320000
D_FEAT = 128
HIDDEN = 256
OUT = 64
K = 3


def sage_prop(x, src, dst, W, n):
    # SAGEConv with root_weight=False, bias=False, aggr='mean':
    # out_i = W @ mean_{j in N(i)} x_j, messages flow src -> dst
    msg = x[src]
    summed = jax.ops.segment_sum(msg, dst, num_segments=n)
    cnt = jax.ops.segment_sum(jnp.ones((src.shape[0], 1), dtype=x.dtype), dst, num_segments=n)
    mean = summed / jnp.clip(cnt, 1.0, None)
    return mean @ W.T


def layer_norm(h, g, b, eps=1e-5):
    mu = jnp.mean(h, axis=-1, keepdims=True)
    var = jnp.mean((h - mu) ** 2, axis=-1, keepdims=True)
    return (h - mu) / jnp.sqrt(var + eps) * g + b


def setup_inputs(seed: int = 0) -> dict:
    key = jax.random.key(seed)
    ks = jax.random.split(key, 12)
    x = jax.random.normal(ks[0], (N_NODES, D_FEAT), dtype=jnp.float32)
    edge_index = jax.random.randint(ks[1], (2, N_EDGES), 0, N_NODES, dtype=jnp.int64)
    s = 1.0 / np.sqrt(D_FEAT)
    W1 = jax.random.uniform(ks[2], (D_FEAT, D_FEAT), minval=-s, maxval=s, dtype=jnp.float32)
    W2 = jax.random.uniform(ks[3], (D_FEAT, D_FEAT), minval=-s, maxval=s, dtype=jnp.float32)
    W3 = jax.random.uniform(ks[4], (D_FEAT, D_FEAT), minval=-s, maxval=s, dtype=jnp.float32)
    s1 = 1.0 / np.sqrt((K + 1) * D_FEAT)
    lin1_w = jax.random.uniform(ks[5], (HIDDEN, (K + 1) * D_FEAT), minval=-s1, maxval=s1, dtype=jnp.float32)
    lin1_b = jax.random.uniform(ks[6], (HIDDEN,), minval=-s1, maxval=s1, dtype=jnp.float32)
    ln_g = jnp.ones((HIDDEN,), dtype=jnp.float32)
    ln_b = jnp.zeros((HIDDEN,), dtype=jnp.float32)
    s2 = 1.0 / np.sqrt(HIDDEN)
    lin2_w = jax.random.uniform(ks[7], (OUT, HIDDEN), minval=-s2, maxval=s2, dtype=jnp.float32)
    lin2_b = jax.random.uniform(ks[8], (OUT,), minval=-s2, maxval=s2, dtype=jnp.float32)
    return {"x": x, "edge_index": edge_index, "W1": W1, "W2": W2, "W3": W3,
            "lin1_w": lin1_w, "lin1_b": lin1_b, "ln_g": ln_g, "ln_b": ln_b,
            "lin2_w": lin2_w, "lin2_b": lin2_b}


def reference(x, edge_index, W1, W2, W3, lin1_w, lin1_b, ln_g, ln_b, lin2_w, lin2_b):
    src = edge_index[0]
    dst = edge_index[1]
    n = x.shape[0]
    zs = [x]
    curr = x
    for W in (W1, W2, W3):
        curr = sage_prop(curr, src, dst, W, n)
        zs.append(curr)
    h = jnp.concatenate(zs, axis=1)
    h = h @ lin1_w.T + lin1_b
    h = layer_norm(h, ln_g, ln_b)
    h = jax.nn.relu(h)
    # dropout p=0.0 -> identity
    out = h @ lin2_w.T + lin2_b
    return out

if __name__ == "__main__":
    import jax
    _d = setup_inputs()
    print(jax.jit(kernel)(*tuple(_d.values())))

</pallas_src>

<mosaic_0001>
#map = affine_map<(d0, d1) -> (0, 0)>
#map1 = affine_map<(d0, d1) -> (0, 0, 0, 0)>
#map2 = affine_map<(d0, d1) -> (0, 0, 0)>
module attributes {stable_mosaic.version = 14 : i64} {
  func.func @body(%arg0: i32, %arg1: i32, %arg2: memref<10240x128xf32, #tpu.memory_space<hbm>>, %arg3: memref<32x5x20x100xi32, #tpu.memory_space<hbm>>, %arg4: memref<32x5x20x100xi32, #tpu.memory_space<hbm>>, %arg5: memref<10240x128xf32, #tpu.memory_space<hbm>>, %arg6: memref<100x128xf32, #tpu.memory_space<hbm>>, %arg7: memref<2x10240x128xf32, #tpu.memory_space<hbm>>, %arg8: memref<10240x128xf32, #tpu.memory_space<vmem_shared>>, %arg9: memref<20x100xi32, #tpu.memory_space<vmem>>, %arg10: memref<20x100xi32, #tpu.memory_space<vmem>>, %arg11: memref<100x128xf32, #tpu.memory_space<vmem>>, %arg12: memref<100x128xf32, #tpu.memory_space<vmem>>, %arg13: memref<!tpu.dma_semaphore, #tpu.memory_space<semaphore_mem>>, %arg14: memref<!tpu.dma_semaphore, #tpu.memory_space<semaphore_mem>>, %arg15: memref<!tpu.dma_semaphore, #tpu.memory_space<semaphore_mem>>, %arg16: memref<!tpu.dma_semaphore, #tpu.memory_space<semaphore_mem>>) attributes {dimension_semantics = [#tpu.dimension_semantics<core_parallel>, #tpu.dimension_semantics<subcore_parallel>], iteration_bounds = array<i64: 2, 16>, scalar_prefetch = 0 : i64, scratch_operands = 9 : i64, tpu.core_type = #tpu.core_type<sc_vector_subcore>, window_params = [{transform_indices = #map}, {transform_indices = #map1}, {transform_indices = #map1}, {transform_indices = #map}, {transform_indices = #map}, {transform_indices = #map2}]} {
    %mul3A = arith.constant 16 : i32
    %mul3A_0 = arith.muli %arg0, %mul3A : i32
    %add3A = arith.addi %mul3A_0, %arg1 : i32
    %mul3A_1 = arith.constant 640 : i32
    %mul3A_2 = arith.muli %arg1, %mul3A_1 : i32
    "tpu.region"() ({
      %run_scoped3A = tpu.sem_alloc : memref<!tpu.dma_semaphore, #tpu.memory_space<semaphore_mem>>
      %dma_start3A = arith.constant 0 : i32
      %dma_start3A_9 = tpu.memref_slice %arg8[%mul3A_2, %dma_start3A] : memref<10240x128xf32, #tpu.memory_space<vmem_shared>> -> memref<640x128xf32, #tpu.memory_space<vmem_shared>>
      %dma_start3A_10 = arith.constant 0 : i32
      %dma_start3A_11 = tpu.memref_slice %arg5[%mul3A_2, %dma_start3A_10] : memref<10240x128xf32, #tpu.memory_space<hbm>> -> memref<640x128xf32, #tpu.memory_space<hbm>>
      tpu.enqueue_dma source(%dma_start3A_11 : memref<640x128xf32, #tpu.memory_space<hbm>>) target(%dma_start3A_9 : memref<640x128xf32, #tpu.memory_space<vmem_shared>>) target_semaphore(%run_scoped3A : memref<!tpu.dma_semaphore, #tpu.memory_space<semaphore_mem>>)
      %dma_wait3A = arith.constant 0 : i32
      %dma_wait3A_12 = tpu.memref_slice %arg8[%mul3A_2, %dma_wait3A] : memref<10240x128xf32, #tpu.memory_space<vmem_shared>> -> memref<640x128xf32, #tpu.memory_space<vmem_shared>>
      %dma_wait3A_13 = arith.constant 0 : i32
      %dma_wait3A_14 = tpu.memref_slice %arg5[%mul3A_2, %dma_wait3A_13] : memref<10240x128xf32, #tpu.memory_space<hbm>> -> memref<640x128xf32, #tpu.memory_space<hbm>>
      tpu.wait_dma2 semaphore(%run_scoped3A : memref<!tpu.dma_semaphore, #tpu.memory_space<semaphore_mem>>) src(%dma_wait3A_14 : memref<640x128xf32, #tpu.memory_space<hbm>>) dst(%dma_wait3A_12 : memref<640x128xf32, #tpu.memory_space<vmem_shared>>)
      tpu.yield
    }) : () -> ()
    %barrier3A = arith.constant 0 : index
    tpu.barrier barrier_id(%barrier3A)
    %scan3A = arith.constant 0 : i32
    %scan3A_3 = arith.constant 0 : i32
    %scan3A_4 = arith.constant 5 : i32
    %scan3A_5 = arith.addi %scan3A_3, %scan3A_4 : i32
    %scan3A_6 = arith.constant 1 : i32
    scf.for %scan3A_9 = %scan3A_3 to %scan3A_5 step %scan3A_6  : i32 {
      "tpu.region"() ({
        %run_scoped3A = tpu.sem_alloc : memref<!tpu.dma_semaphore, #tpu.memory_space<semaphore_mem>>
        %dma_start3A_291 = arith.constant 0 : i32
        %dma_start3A_292 = arith.constant 0 : i32
        %dma_start3A_293 = tpu.memref_slice %arg3[%add3A, %scan3A_9, %dma_start3A_291, %dma_start3A_292] : memref<32x5x20x100xi32, #tpu.memory_space<hbm>> -> memref<1x1x20x100xi32, #tpu.memory_space<hbm>>
        %dma_start3A_294 = tpu.memref_squeeze %dma_start3A_293 : memref<1x1x20x100xi32, #tpu.memory_space<hbm>> -> memref<20x100xi32, #tpu.memory_space<hbm>>
        %dma_start3A_295 = arith.constant 0 : i32
        %dma_start3A_296 = arith.constant 0 : i32
        %dma_start3A_297 = tpu.memref_slice %arg3[%add3A, %scan3A_9, %dma_start3A_295, %dma_start3A_296] : memref<32x5x20x100xi32, #tpu.memory_space<hbm>> -> memref<1x1x20x100xi32, #tpu.memory_space<hbm>>
        %dma_start3A_298 = tpu.memref_squeeze %dma_start3A_297 : memref<1x1x20x100xi32, #tpu.memory_space<hbm>> -> memref<20x100xi32, #tpu.memory_space<hbm>>
        tpu.enqueue_dma source(%dma_start3A_298 : memref<20x100xi32, #tpu.memory_space<hbm>>) target(%arg9 : memref<20x100xi32, #tpu.memory_space<vmem>>) target_semaphore(%run_scoped3A : memref<!tpu.dma_semaphore, #tpu.memory_space<semaphore_mem>>)
        %dma_wait3A = arith.constant 0 : i32
        %dma_wait3A_299 = arith.constant 0 : i32
        %dma_wait3A_300 = tpu.memref_slice %arg3[%add3A, %scan3A_9, %dma_wait3A, %dma_wait3A_299] : memref<32x5x20x100xi32, #tpu.memory_space<hbm>> -> memref<1x1x20x100xi32, #tpu.memory_space<hbm>>
        %dma_wait3A_301 = tpu.memref_squeeze %dma_wait3A_300 : memref<1x1x20x100xi32, #tpu.memory_space<hbm>> -> memref<20x100xi32, #tpu.memory_space<hbm>>
        %dma_wait3A_302 = arith.constant 0 : i32
        %dma_wait3A_303 = arith.constant 0 : i32
        %dma_wait3A_304 = tpu.memref_slice %arg3[%add3A, %scan3A_9, %dma_wait3A_302, %dma_wait3A_303] : memref<32x5x20x100xi32, #tpu.memory_space<hbm>> -> memref<1x1x20x100xi32, #tpu.memory_space<hbm>>
        %dma_wait3A_305 = tpu.memref_squeeze %dma_wait3A_304 : memref<1x1x20x100xi32, #tpu.memory_space<hbm>> -> memref<20x100xi32, #tpu.memory_space<hbm>>
        tpu.wait_dma2 semaphore(%run_scoped3A : memref<!tpu.dma_semaphore, #tpu.memory_space<semaphore_mem>>) src(%dma_wait3A_305 : memref<20x100xi32, #tpu.memory_space<hbm>>) dst(%arg9 : memref<20x100xi32, #tpu.memory_space<vmem>>)
        tpu.yield
      }) : () -> ()
      %gt3A = arith.constant 0 : i32
      %gt3A_10 = arith.cmpi sgt, %scan3A_9, %gt3A : i32
      %convert_element_type3A = arith.extui %gt3A_10 : i1 to i32
      %cond3A = arith.constant 0 : i32
      %cond3A_11 = arith.cmpi ne, %convert_element_type3A, %cond3A : i32
      scf.if %cond3A_11 {
        tpu.wait_dma2 semaphore(%arg15 : memref<!tpu.dma_semaphore, #tpu.memory_space<semaphore_mem>>) src(%arg6 : memref<100x128xf32, #tpu.memory_space<hbm>>) dst(%arg11 : memref<100x128xf32, #tpu.memory_space<vmem>>)
        tpu.wait_dma2 semaphore(%arg16 : memref<!tpu.dma_semaphore, #tpu.memory_space<semaphore_mem>>) src(%arg6 : memref<100x128xf32, #tpu.memory_space<hbm>>) dst(%arg12 : memref<100x128xf32, #tpu.memory_space<vmem>>)
      } else {
      }
      "tpu.region"() ({
        %run_scoped3A = tpu.sem_alloc : memref<!tpu.dma_semaphore, #tpu.memory_space<semaphore_mem>>
        %dma_start3A_291 = arith.constant 0 : i32
        %dma_start3A_292 = arith.constant 0 : i32
        %dma_start3A_293 = tpu.memref_slice %arg4[%add3A, %scan3A_9, %dma_start3A_291, %dma_start3A_292] : memref<32x5x20x100xi32, #tpu.memory_space<hbm>> -> memref<1x1x20x100xi32, #tpu.memory_space<hbm>>
        %dma_start3A_294 = tpu.memref_squeeze %dma_start3A_293 : memref<1x1x20x100xi32, #tpu.memory_space<hbm>> -> memref<20x100xi32, #tpu.memory_space<hbm>>
        %dma_start3A_295 = arith.constant 0 : i32
        %dma_start3A_296 = arith.constant 0 : i32
        %dma_start3A_297 = tpu.memref_slice %arg4[%add3A, %scan3A_9, %dma_start3A_295, %dma_start3A_296] : memref<32x5x20x100xi32, #tpu.memory_space<hbm>> -> memref<1x1x20x100xi32, #tpu.memory_space<hbm>>
        %dma_start3A_298 = tpu.memref_squeeze %dma_start3A_297 : memref<1x1x20x100xi32, #tpu.memory_space<hbm>> -> memref<20x100xi32, #tpu.memory_space<hbm>>
        tpu.enqueue_dma source(%dma_start3A_298 : memref<20x100xi32, #tpu.memory_space<hbm>>) target(%arg10 : memref<20x100xi32, #tpu.memory_space<vmem>>) target_semaphore(%run_scoped3A : memref<!tpu.dma_semaphore, #tpu.memory_space<semaphore_mem>>)
        %dma_wait3A = arith.constant 0 : i32
        %dma_wait3A_299 = arith.constant 0 : i32
        %dma_wait3A_300 = tpu.memref_slice %arg4[%add3A, %scan3A_9, %dma_wait3A, %dma_wait3A_299] : memref<32x5x20x100xi32, #tpu.memory_space<hbm>> -> memref<1x1x20x100xi32, #tpu.memory_space<hbm>>
        %dma_wait3A_301 = tpu.memref_squeeze %dma_wait3A_300 : memref<1x1x20x100xi32, #tpu.memory_space<hbm>> -> memref<20x100xi32, #tpu.memory_space<hbm>>
        %dma_wait3A_302 = arith.constant 0 : i32
        %dma_wait3A_303 = arith.constant 0 : i32
        %dma_wait3A_304 = tpu.memref_slice %arg4[%add3A, %scan3A_9, %dma_wait3A_302, %dma_wait3A_303] : memref<32x5x20x100xi32, #tpu.memory_space<hbm>> -> memref<1x1x20x100xi32, #tpu.memory_space<hbm>>
        %dma_wait3A_305 = tpu.memref_squeeze %dma_wait3A_304 : memref<1x1x20x100xi32, #tpu.memory_space<hbm>> -> memref<20x100xi32, #tpu.memory_space<hbm>>
        tpu.wait_dma2 semaphore(%run_scoped3A : memref<!tpu.dma_semaphore, #tpu.memory_space<semaphore_mem>>) src(%dma_wait3A_305 : memref<20x100xi32, #tpu.memory_space<hbm>>) dst(%arg10 : memref<20x100xi32, #tpu.memory_space<vmem>>)
        tpu.yield
      }) : () -> ()
      %dma_start3A = arith.constant 0 : i32
      %dma_start3A_12 = arith.constant 0 : i32
      %dma_start3A_13 = tpu.memref_slice %arg9[%dma_start3A, %dma_start3A_12] : memref<20x100xi32, #tpu.memory_space<vmem>> -> memref<1x100xi32, #tpu.memory_space<vmem>>
      %dma_start3A_14 = tpu.memref_squeeze %dma_start3A_13 : memref<1x100xi32, #tpu.memory_space<vmem>> -> memref<100xi32, #tpu.memory_space<vmem>>
      %dma_start3A_15 = arith.constant 0 : i32
      %dma_start3A_16 = arith.constant 0 : i32
      %dma_start3A_17 = tpu.memref_slice %arg2[%dma_start3A_15, %dma_start3A_16] : memref<10240x128xf32, #tpu.memory_space<hbm>> -> memref<10240x128xf32, #tpu.memory_space<hbm>>
      tpu.enqueue_indirect_dma source(%dma_start3A_17 : memref<10240x128xf32, #tpu.memory_space<hbm>>) target(%arg11 : memref<100x128xf32, #tpu.memory_space<vmem>>) offsets(%dma_start3A_14 : memref<100xi32, #tpu.memory_space<vmem>>) semaphore(%arg13 : memref<!tpu.dma_semaphore, #tpu.memory_space<semaphore_mem>>)
      %dma_start3A_18 = arith.constant 1 : i32
      %dma_start3A_19 = arith.constant 0 : i32
      %dma_start3A_20 = tpu.memref_slice %arg9[%dma_start3A_18, %dma_start3A_19] : memref<20x100xi32, #tpu.memory_space<vmem>> -> memref<1x100xi32, #tpu.memory_space<vmem>>
      %dma_start3A_21 = tpu.memref_squeeze %dma_start3A_20 : memref<1x100xi32, #tpu.memory_space<vmem>> -> memref<100xi32, #tpu.memory_space<vmem>>
      %dma_start3A_22 = arith.constant 0 : i32
      %dma_start3A_23 = arith.constant 0 : i32
      %dma_start3A_24 = tpu.memref_slice %arg2[%dma_start3A_22, %dma_start3A_23] : memref<10240x128xf32, #tpu.memory_space<hbm>> -> memref<10240x128xf32, #tpu.memory_space<hbm>>
      tpu.enqueue_indirect_dma source(%dma_start3A_24 : memref<10240x128xf32, #tpu.memory_space<hbm>>) target(%arg12 : memref<100x128xf32, #tpu.memory_space<vmem>>) offsets(%dma_start3A_21 : memref<100xi32, #tpu.memory_space<vmem>>) semaphore(%arg14 : memref<!tpu.dma_semaphore, #tpu.memory_space<semaphore_mem>>)
      tpu.wait_dma2 semaphore(%arg13 : memref<!tpu.dma_semaphore, #tpu.memory_space<semaphore_mem>>) src(%arg6 : memref<100x128xf32, #tpu.memory_space<hbm>>) dst(%arg11 : memref<100x128xf32, #tpu.memory_space<vmem>>)
      %dma_start3A_25 = arith.constant 0 : i32
      %dma_start3A_26 = arith.constant 0 : i32
      %dma_start3A_27 = tpu.memref_slice %arg10[%dma_start3A_25, %dma_start3A_26] : memref<20x100xi32, #tpu.memory_space<vmem>> -> memref<1x100xi32, #tpu.memory_space<vmem>>
      %dma_start3A_28 = tpu.memref_squeeze %dma_start3A_27 : memref<1x100xi32, #tpu.memory_space<vmem>> -> memref<100xi32, #tpu.memory_space<vmem>>
      %dma_start3A_29 = arith.constant 0 : i32
      %dma_start3A_30 = arith.constant 0 : i32
      %dma_start3A_31 = tpu.memref_slice %arg8[%dma_start3A_29, %dma_start3A_30] : memref<10240x128xf32, #tpu.memory_space<vmem_shared>> -> memref<10240x128xf32, #tpu.memory_space<vmem_shared>>
      tpu.enqueue_indirect_dma source(%arg11 : memref<100x128xf32, #tpu.memory_space<vmem>>) target(%dma_start3A_31 : memref<10240x128xf32, #tpu.memory_space<vmem_shared>>) offsets(%dma_start3A_28 : memref<100xi32, #tpu.memory_space<vmem>>) semaphore(%arg15 : memref<!tpu.dma_semaphore, #tpu.memory_space<semaphore_mem>>) {add = true}
      tpu.wait_dma2 semaphore(%arg15 : memref<!tpu.dma_semaphore, #tpu.memory_space<semaphore_mem>>) src(%arg6 : memref<100x128xf32, #tpu.memory_space<hbm>>) dst(%arg11 : memref<100x128xf32, #tpu.memory_space<vmem>>)
      %dma_start3A_32 = arith.constant 2 : i32
      %dma_start3A_33 = arith.constant 0 : i32
      %dma_start3A_34 = tpu.memref_slice %arg9[%dma_start3A_32, %dma_start3A_33] : memref<20x100xi32, #tpu.memory_space<vmem>> -> memref<1x100xi32, #tpu.memory_space<vmem>>
      %dma_start3A_35 = tpu.memref_squeeze %dma_start3A_34 : memref<1x100xi32, #tpu.memory_space<vmem>> -> memref<100xi32, #tpu.memory_space<vmem>>
      %dma_start3A_36 = arith.constant 0 : i32
      %dma_start3A_37 = arith.constant 0 : i32
      %dma_start3A_38 = tpu.memref_slice %arg2[%dma_start3A_36, %dma_start3A_37] : memref<10240x128xf32, #tpu.memory_space<hbm>> -> memref<10240x128xf32, #tpu.memory_space<hbm>>
      tpu.enqueue_indirect_dma source(%dma_start3A_38 : memref<10240x128xf32, #tpu.memory_space<hbm>>) target(%arg11 : memref<100x128xf32, #tpu.memory_space<vmem>>) offsets(%dma_start3A_35 : memref<100xi32, #tpu.memory_space<vmem>>) semaphore(%arg13 : memref<!tpu.dma_semaphore, #tpu.memory_space<semaphore_mem>>)
      tpu.wait_dma2 semaphore(%arg14 : memref<!tpu.dma_semaphore, #tpu.memory_space<semaphore_mem>>) src(%arg6 : memref<100x128xf32, #tpu.memory_space<hbm>>) dst(%arg12 : memref<100x128xf32, #tpu.memory_space<vmem>>)
      %dma_start3A_39 = arith.constant 1 : i32
      %dma_start3A_40 = arith.constant 0 : i32
      %dma_start3A_41 = tpu.memref_slice %arg10[%dma_start3A_39, %dma_start3A_40] : memref<20x100xi32, #tpu.memory_space<vmem>> -> memref<1x100xi32, #tpu.memory_space<vmem>>
      %dma_start3A_42 = tpu.memref_squeeze %dma_start3A_41 : memref<1x100xi32, #tpu.memory_space<vmem>> -> memref<100xi32, #tpu.memory_space<vmem>>
      %dma_start3A_43 = arith.constant 0 : i32
      %dma_start3A_44 = arith.constant 0 : i32
      %dma_start3A_45 = tpu.memref_slice %arg8[%dma_start3A_43, %dma_start3A_44] : memref<10240x128xf32, #tpu.memory_space<vmem_shared>> -> memref<10240x128xf32, #tpu.memory_space<vmem_shared>>
      tpu.enqueue_indirect_dma source(%arg12 : memref<100x128xf32, #tpu.memory_space<vmem>>) target(%dma_start3A_45 : memref<10240x128xf32, #tpu.memory_space<vmem_shared>>) offsets(%dma_start3A_42 : memref<100xi32, #tpu.memory_space<vmem>>) semaphore(%arg16 : memref<!tpu.dma_semaphore, #tpu.memory_space<semaphore_mem>>) {add = true}
      tpu.wait_dma2 semaphore(%arg16 : memref<!tpu.dma_semaphore, #tpu.memory_space<semaphore_mem>>) src(%arg6 : memref<100x128xf32, #tpu.memory_space<hbm>>) dst(%arg12 : memref<100x128xf32, #tpu.memory_space<vmem>>)
      %dma_start3A_46 = arith.constant 3 : i32
      %dma_start3A_47 = arith.constant 0 : i32
      %dma_start3A_48 = tpu.memref_slice %arg9[%dma_start3A_46, %dma_start3A_47] : memref<20x100xi32, #tpu.memory_space<vmem>> -> memref<1x100xi32, #tpu.memory_space<vmem>>
      %dma_start3A_49 = tpu.memref_squeeze %dma_start3A_48 : memref<1x100xi32, #tpu.memory_space<vmem>> -> memref<100xi32, #tpu.memory_space<vmem>>
      %dma_start3A_50 = arith.constant 0 : i32
      %dma_start3A_51 = arith.constant 0 : i32
      %dma_start3A_52 = tpu.memref_slice %arg2[%dma_start3A_50, %dma_start3A_51] : memref<10240x128xf32, #tpu.memory_space<hbm>> -> memref<10240x128xf32, #tpu.memory_space<hbm>>
      tpu.enqueue_indirect_dma source(%dma_start3A_52 : memref<10240x128xf32, #tpu.memory_space<hbm>>) target(%arg12 : memref<100x128xf32, #tpu.memory_space<vmem>>) offsets(%dma_start3A_49 : memref<100xi32, #tpu.memory_space<vmem>>) semaphore(%arg14 : memref<!tpu.dma_semaphore, #tpu.memory_space<semaphore_mem>>)
      tpu.wait_dma2 semaphore(%arg13 : memref<!tpu.dma_semaphore, #tpu.memory_space<semaphore_mem>>) src(%arg6 : memref<100x128xf32, #tpu.memory_space<hbm>>) dst(%arg11 : memref<100x128xf32, #tpu.memory_space<vmem>>)
      %dma_start3A_53 = arith.constant 2 : i32
      %dma_start3A_54 = arith.constant 0 : i32
      %dma_start3A_55 = tpu.memref_slice %arg10[%dma_start3A_53, %dma_start3A_54] : memref<20x100xi32, #tpu.memory_space<vmem>> -> memref<1x100xi32, #tpu.memory_space<vmem>>
      %dma_start3A_56 = tpu.memref_squeeze %dma_start3A_55 : memref<1x100xi32, #tpu.memory_space<vmem>> -> memref<100xi32, #tpu.memory_space<vmem>>
      %dma_start3A_57 = arith.constant 0 : i32
      %dma_start3A_58 = arith.constant 0 : i32
      %dma_start3A_59 = tpu.memref_slice %arg8[%dma_start3A_57, %dma_start3A_58] : memref<10240x128xf32, #tpu.memory_space<vmem_shared>> -> memref<10240x128xf32, #tpu.memory_space<vmem_shared>>
      tpu.enqueue_indirect_dma source(%arg11 : memref<100x128xf32, #tpu.memory_space<vmem>>) target(%dma_start3A_59 : memref<10240x128xf32, #tpu.memory_space<vmem_shared>>) offsets(%dma_start3A_56 : memref<100xi32, #tpu.memory_space<vmem>>) semaphore(%arg15 : memref<!tpu.dma_semaphore, #tpu.memory_space<semaphore_mem>>) {add = true}
      tpu.wait_dma2 semaphore(%arg15 : memref<!tpu.dma_semaphore, #tpu.memory_space<semaphore_mem>>) src(%arg6 : memref<100x128xf32, #tpu.memory_space<hbm>>) dst(%arg11 : memref<100x128xf32, #tpu.memory_space<vmem>>)
      %dma_start3A_60 = arith.constant 4 : i32
      %dma_start3A_61 = arith.constant 0 : i32
      %dma_start3A_62 = tpu.memref_slice %arg9[%dma_start3A_60, %dma_start3A_61] : memref<20x100xi32, #tpu.memory_space<vmem>> -> memref<1x100xi32, #tpu.memory_space<vmem>>
      %dma_start3A_63 = tpu.memref_squeeze %dma_start3A_62 : memref<1x100xi32, #tpu.memory_space<vmem>> -> memref<100xi32, #tpu.memory_space<vmem>>
      %dma_start3A_64 = arith.constant 0 : i32
      %dma_start3A_65 = arith.constant 0 : i32
      %dma_start3A_66 = tpu.memref_slice %arg2[%dma_start3A_64, %dma_start3A_65] : memref<10240x128xf32, #tpu.memory_space<hbm>> -> memref<10240x128xf32, #tpu.memory_space<hbm>>
      tpu.enqueue_indirect_dma source(%dma_start3A_66 : memref<10240x128xf32, #tpu.memory_space<hbm>>) target(%arg11 : memref<100x128xf32, #tpu.memory_space<vmem>>) offsets(%dma_start3A_63 : memref<100xi32, #tpu.memory_space<vmem>>) semaphore(%arg13 : memref<!tpu.dma_semaphore, #tpu.memory_space<semaphore_mem>>)
      tpu.wait_dma2 semaphore(%arg14 : memref<!tpu.dma_semaphore, #tpu.memory_space<semaphore_mem>>) src(%arg6 : memref<100x128xf32, #tpu.memory_space<hbm>>) dst(%arg12 : memref<100x128xf32, #tpu.memory_space<vmem>>)
      %dma_start3A_67 = arith.constant 3 : i32
      %dma_start3A_68 = arith.constant 0 : i32
      %dma_start3A_69 = tpu.memref_slice %arg10[%dma_start3A_67, %dma_start3A_68] : memref<20x100xi32, #tpu.memory_space<vmem>> -> memref<1x100xi32, #tpu.memory_space<vmem>>
      %dma_start3A_70 = tpu.memref_squeeze %dma_start3A_69 : memref<1x100xi32, #tpu.memory_space<vmem>> -> memref<100xi32, #tpu.memory_space<vmem>>
      %dma_start3A_71 = arith.constant 0 : i32
      %dma_start3A_72 = arith.constant 0 : i32
      %dma_start3A_73 = tpu.memref_slice %arg8[%dma_start3A_71, %dma_start3A_72] : memref<10240x128xf32, #tpu.memory_space<vmem_shared>> -> memref<10240x128xf32, #tpu.memory_space<vmem_shared>>
      tpu.enqueue_indirect_dma source(%arg12 : memref<100x128xf32, #tpu.memory_space<vmem>>) target(%dma_start3A_73 : memref<10240x128xf32, #tpu.memory_space<vmem_shared>>) offsets(%dma_start3A_70 : memref<100xi32, #tpu.memory_space<vmem>>) semaphore(%arg16 : memref<!tpu.dma_semaphore, #tpu.memory_space<semaphore_mem>>) {add = true}
      tpu.wait_dma2 semaphore(%arg16 : memref<!tpu.dma_semaphore, #tpu.memory_space<semaphore_mem>>) src(%arg6 : memref<100x128xf32, #tpu.memory_space<hbm>>) dst(%arg12 : memref<100x128xf32, #tpu.memory_space<vmem>>)
      %dma_start3A_74 = arith.constant 5 : i32
      %dma_start3A_75 = arith.constant 0 : i32
      %dma_start3A_76 = tpu.memref_slice %arg9[%dma_start3A_74, %dma_start3A_75] : memref<20x100xi32, #tpu.memory_space<vmem>> -> memref<1x100xi32, #tpu.memory_space<vmem>>
      %dma_start3A_77 = tpu.memref_squeeze %dma_start3A_76 : memref<1x100xi32, #tpu.memory_space<vmem>> -> memref<100xi32, #tpu.memory_space<vmem>>
      %dma_start3A_78 = arith.constant 0 : i32
      %dma_start3A_79 = arith.constant 0 : i32
      %dma_start3A_80 = tpu.memref_slice %arg2[%dma_start3A_78, %dma_start3A_79] : memref<10240x128xf32, #tpu.memory_space<hbm>> -> memref<10240x128xf32, #tpu.memory_space<hbm>>
      tpu.enqueue_indirect_dma source(%dma_start3A_80 : memref<10240x128xf32, #tpu.memory_space<hbm>>) target(%arg12 : memref<100x128xf32, #tpu.memory_space<vmem>>) offsets(%dma_start3A_77 : memref<100xi32, #tpu.memory_space<vmem>>) semaphore(%arg14 : memref<!tpu.dma_semaphore, #tpu.memory_space<semaphore_mem>>)
      tpu.wait_dma2 semaphore(%arg13 : memref<!tpu.dma_semaphore, #tpu.memory_space<semaphore_mem>>) src(%arg6 : memref<100x128xf32, #tpu.memory_space<hbm>>) dst(%arg11 : memref<100x128xf32, #tpu.memory_space<vmem>>)
      %dma_start3A_81 = arith.constant 4 : i32
      %dma_start3A_82 = arith.constant 0 : i32
      %dma_start3A_83 = tpu.memref_slice %arg10[%dma_start3A_81, %dma_start3A_82] : memref<20x100xi32, #tpu.memory_space<vmem>> -> memref<1x100xi32, #tpu.memory_space<vmem>>
      %dma_start3A_84 = tpu.memref_squeeze %dma_start3A_83 : memref<1x100xi32, #tpu.memory_space<vmem>> -> memref<100xi32, #tpu.memory_space<vmem>>
      %dma_start3A_85 = arith.constant 0 : i32
      %dma_start3A_86 = arith.constant 0 : i32
      %dma_start3A_87 = tpu.memref_slice %arg8[%dma_start3A_85, %dma_start3A_86] : memref<10240x128xf32, #tpu.memory_space<vmem_shared>> -> memref<10240x128xf32, #tpu.memory_space<vmem_shared>>
      tpu.enqueue_indirect_dma source(%arg11 : memref<100x128xf32, #tpu.memory_space<vmem>>) target(%dma_start3A_87 : memref<10240x128xf32, #tpu.memory_space<vmem_shared>>) offsets(%dma_start3A_84 : memref<100xi32, #tpu.memory_space<vmem>>) semaphore(%arg15 : memref<!tpu.dma_semaphore, #tpu.memory_space<semaphore_mem>>) {add = true}
      tpu.wait_dma2 semaphore(%arg15 : memref<!tpu.dma_semaphore, #tpu.memory_space<semaphore_mem>>) src(%arg6 : memref<100x128xf32, #tpu.memory_space<hbm>>) dst(%arg11 : memref<100x128xf32, #tpu.memory_space<vmem>>)
      %dma_start3A_88 = arith.constant 6 : i32
      %dma_start3A_89 = arith.constant 0 : i32
      %dma_start3A_90 = tpu.memref_slice %arg9[%dma_start3A_88, %dma_start3A_89] : memref<20x100xi32, #tpu.memory_space<vmem>> -> memref<1x100xi32, #tpu.memory_space<vmem>>
      %dma_start3A_91 = tpu.memref_squeeze %dma_start3A_90 : memref<1x100xi32, #tpu.memory_space<vmem>> -> memref<100xi32, #tpu.memory_space<vmem>>
      %dma_start3A_92 = arith.constant 0 : i32
      %dma_start3A_93 = arith.constant 0 : i32
      %dma_start3A_94 = tpu.memref_slice %arg2[%dma_start3A_92, %dma_start3A_93] : memref<10240x128xf32, #tpu.memory_space<hbm>> -> memref<10240x128xf32, #tpu.memory_space<hbm>>
      tpu.enqueue_indirect_dma source(%dma_start3A_94 : memref<10240x128xf32, #tpu.memory_space<hbm>>) target(%arg11 : memref<100x128xf32, #tpu.memory_space<vmem>>) offsets(%dma_start3A_91 : memref<100xi32, #tpu.memory_space<vmem>>) semaphore(%arg13 : memref<!tpu.dma_semaphore, #tpu.memory_space<semaphore_mem>>)
      tpu.wait_dma2 semaphore(%arg14 : memref<!tpu.dma_semaphore, #tpu.memory_space<semaphore_mem>>) src(%arg6 : memref<100x128xf32, #tpu.memory_space<hbm>>) dst(%arg12 : memref<100x128xf32, #tpu.memory_space<vmem>>)
      %dma_start3A_95 = arith.constant 5 : i32
      %dma_start3A_96 = arith.constant 0 : i32
      %dma_start3A_97 = tpu.memref_slice %arg10[%dma_start3A_95, %dma_start3A_96] : memref<20x100xi32, #tpu.memory_space<vmem>> -> memref<1x100xi32, #tpu.memory_space<vmem>>
      %dma_start3A_98 = tpu.memref_squeeze %dma_start3A_97 : memref<1x100xi32, #tpu.memory_space<vmem>> -> memref<100xi32, #tpu.memory_space<vmem>>
      %dma_start3A_99 = arith.constant 0 : i32
      %dma_start3A_100 = arith.constant 0 : i32
      %dma_start3A_101 = tpu.memref_slice %arg8[%dma_start3A_99, %dma_start3A_100] : memref<10240x128xf32, #tpu.memory_space<vmem_shared>> -> memref<10240x128xf32, #tpu.memory_space<vmem_shared>>
      tpu.enqueue_indirect_dma source(%arg12 : memref<100x128xf32, #tpu.memory_space<vmem>>) target(%dma_start3A_101 : memref<10240x128xf32, #tpu.memory_space<vmem_shared>>) offsets(%dma_start3A_98 : memref<100xi32, #tpu.memory_space<vmem>>) semaphore(%arg16 : memref<!tpu.dma_semaphore, #tpu.memory_space<semaphore_mem>>) {add = true}
      tpu.wait_dma2 semaphore(%arg16 : memref<!tpu.dma_semaphore, #tpu.memory_space<semaphore_mem>>) src(%arg6 : memref<100x128xf32, #tpu.memory_space<hbm>>) dst(%arg12 : memref<100x128xf32, #tpu.memory_space<vmem>>)
      %dma_start3A_102 = arith.constant 7 : i32
      %dma_start3A_103 = arith.constant 0 : i32
      %dma_start3A_104 = tpu.memref_slice %arg9[%dma_start3A_102, %dma_start3A_103] : memref<20x100xi32, #tpu.memory_space<vmem>> -> memref<1x100xi32, #tpu.memory_space<vmem>>
      %dma_start3A_105 = tpu.memref_squeeze %dma_start3A_104 : memref<1x100xi32, #tpu.memory_space<vmem>> -> memref<100xi32, #tpu.memory_space<vmem>>
      %dma_start3A_106 = arith.constant 0 : i32
      %dma_start3A_107 = arith.constant 0 : i32
      %dma_start3A_108 = tpu.memref_slice %arg2[%dma_start3A_106, %dma_start3A_107] : memref<10240x128xf32, #tpu.memory_space<hbm>> -> memref<10240x128xf32, #tpu.memory_space<hbm>>
      tpu.enqueue_indirect_dma source(%dma_start3A_108 : memref<10240x128xf32, #tpu.memory_space<hbm>>) target(%arg12 : memref<100x128xf32, #tpu.memory_space<vmem>>) offsets(%dma_start3A_105 : memref<100xi32, #tpu.memory_space<vmem>>) semaphore(%arg14 : memref<!tpu.dma_semaphore, #tpu.memory_space<semaphore_mem>>)
      tpu.wait_dma2 semaphore(%arg13 : memref<!tpu.dma_semaphore, #tpu.memory_space<semaphore_mem>>) src(%arg6 : memref<100x128xf32, #tpu.memory_space<hbm>>) dst(%arg11 : memref<100x128xf32, #tpu.memory_space<vmem>>)
      %dma_start3A_109 = arith.constant 6 : i32
      %dma_start3A_110 = arith.constant 0 : i32
      %dma_start3A_111 = tpu.memref_slice %arg10[%dma_start3A_109, %dma_start3A_110] : memref<20x100xi32, #tpu.memory_space<vmem>> -> memref<1x100xi32, #tpu.memory_space<vmem>>
      %dma_start3A_112 = tpu.memref_squeeze %dma_start3A_111 : memref<1x100xi32, #tpu.memory_space<vmem>> -> memref<100xi32, #tpu.memory_space<vmem>>
      %dma_start3A_113 = arith.constant 0 : i32
      %dma_start3A_114 = arith.constant 0 : i32
      %dma_start3A_115 = tpu.memref_slice %arg8[%dma_start3A_113, %dma_start3A_114] : memref<10240x128xf32, #tpu.memory_space<vmem_shared>> -> memref<10240x128xf32, #tpu.memory_space<vmem_shared>>
      tpu.enqueue_indirect_dma source(%arg11 : memref<100x128xf32, #tpu.memory_space<vmem>>) target(%dma_start3A_115 : memref<10240x128xf32, #tpu.memory_space<vmem_shared>>) offsets(%dma_start3A_112 : memref<100xi32, #tpu.memory_space<vmem>>) semaphore(%arg15 : memref<!tpu.dma_semaphore, #tpu.memory_space<semaphore_mem>>) {add = true}
      tpu.wait_dma2 semaphore(%arg15 : memref<!tpu.dma_semaphore, #tpu.memory_space<semaphore_mem>>) src(%arg6 : memref<100x128xf32, #tpu.memory_space<hbm>>) dst(%arg11 : memref<100x128xf32, #tpu.memory_space<vmem>>)
      %dma_start3A_116 = arith.constant 8 : i32
      %dma_start3A_117 = arith.constant 0 : i32
      %dma_start3A_118 = tpu.memref_slice %arg9[%dma_start3A_116, %dma_start3A_117] : memref<20x100xi32, #tpu.memory_space<vmem>> -> memref<1x100xi32, #tpu.memory_space<vmem>>
      %dma_start3A_119 = tpu.memref_squeeze %dma_start3A_118 : memref<1x100xi32, #tpu.memory_space<vmem>> -> memref<100xi32, #tpu.memory_space<vmem>>
      %dma_start3A_120 = arith.constant 0 : i32
      %dma_start3A_121 = arith.constant 0 : i32
      %dma_start3A_122 = tpu.memref_slice %arg2[%dma_start3A_120, %dma_start3A_121] : memref<10240x128xf32, #tpu.memory_space<hbm>> -> memref<10240x128xf32, #tpu.memory_space<hbm>>
      tpu.enqueue_indirect_dma source(%dma_start3A_122 : memref<10240x128xf32, #tpu.memory_space<hbm>>) target(%arg11 : memref<100x128xf32, #tpu.memory_space<vmem>>) offsets(%dma_start3A_119 : memref<100xi32, #tpu.memory_space<vmem>>) semaphore(%arg13 : memref<!tpu.dma_semaphore, #tpu.memory_space<semaphore_mem>>)
      tpu.wait_dma2 semaphore(%arg14 : memref<!tpu.dma_semaphore, #tpu.memory_space<semaphore_mem>>) src(%arg6 : memref<100x128xf32, #tpu.memory_space<hbm>>) dst(%arg12 : memref<100x128xf32, #tpu.memory_space<vmem>>)
      %dma_start3A_123 = arith.constant 7 : i32
      %dma_start3A_124 = arith.constant 0 : i32
      %dma_start3A_125 = tpu.memref_slice %arg10[%dma_start3A_123, %dma_start3A_124] : memref<20x100xi32, #tpu.memory_space<vmem>> -> memref<1x100xi32, #tpu.memory_space<vmem>>
      %dma_start3A_126 = tpu.memref_squeeze %dma_start3A_125 : memref<1x100xi32, #tpu.memory_space<vmem>> -> memref<100xi32, #tpu.memory_space<vmem>>
      %dma_start3A_127 = arith.constant 0 : i32
      %dma_start3A_128 = arith.constant 0 : i32
      %dma_start3A_129 = tpu.memref_slice %arg8[%dma_start3A_127, %dma_start3A_128] : memref<10240x128xf32, #tpu.memory_space<vmem_shared>> -> memref<10240x128xf32, #tpu.memory_space<vmem_shared>>
      tpu.enqueue_indirect_dma source(%arg12 : memref<100x128xf32, #tpu.memory_space<vmem>>) target(%dma_start3A_129 : memref<10240x128xf32, #tpu.memory_space<vmem_shared>>) offsets(%dma_start3A_126 : memref<100xi32, #tpu.memory_space<vmem>>) semaphore(%arg16 : memref<!tpu.dma_semaphore, #tpu.memory_space<semaphore_mem>>) {add = true}
      tpu.wait_dma2 semaphore(%arg16 : memref<!tpu.dma_semaphore, #tpu.memory_space<semaphore_mem>>) src(%arg6 : memref<100x128xf32, #tpu.memory_space<hbm>>) dst(%arg12 : memref<100x128xf32, #tpu.memory_space<vmem>>)
      %dma_start3A_130 = arith.constant 9 : i32
      %dma_start3A_131 = arith.constant 0 : i32
      %dma_start3A_132 = tpu.memref_slice %arg9[%dma_start3A_130, %dma_start3A_131] : memref<20x100xi32, #tpu.memory_space<vmem>> -> memref<1x100xi32, #tpu.memory_space<vmem>>
      %dma_start3A_133 = tpu.memref_squeeze %dma_start3A_132 : memref<1x100xi32, #tpu.memory_space<vmem>> -> memref<100xi32, #tpu.memory_space<vmem>>
      %dma_start3A_134 = arith.constant 0 : i32
      %dma_start3A_135 = arith.constant 0 : i32
      %dma_start3A_136 = tpu.memref_slice %arg2[%dma_start3A_134, %dma_start3A_135] : memref<10240x128xf32, #tpu.memory_space<hbm>> -> memref<10240x128xf32, #tpu.memory_space<hbm>>
      tpu.enqueue_indirect_dma source(%dma_start3A_136 : memref<10240x128xf32, #tpu.memory_space<hbm>>) target(%arg12 : memref<100x128xf32, #tpu.memory_space<vmem>>) offsets(%dma_start3A_133 : memref<100xi32, #tpu.memory_space<vmem>>) semaphore(%arg14 : memref<!tpu.dma_semaphore, #tpu.memory_space<semaphore_mem>>)
      tpu.wait_dma2 semaphore(%arg13 : memref<!tpu.dma_semaphore, #tpu.memory_space<semaphore_mem>>) src(%arg6 : memref<100x128xf32, #tpu.memory_space<hbm>>) dst(%arg11 : memref<100x128xf32, #tpu.memory_space<vmem>>)
      %dma_start3A_137 = arith.constant 8 : i32
      %dma_start3A_138 = arith.constant 0 : i32
      %dma_start3A_139 = tpu.memref_slice %arg10[%dma_start3A_137, %dma_start3A_138] : memref<20x100xi32, #tpu.memory_space<vmem>> -> memref<1x100xi32, #tpu.memory_space<vmem>>
      %dma_start3A_140 = tpu.memref_squeeze %dma_start3A_139 : memref<1x100xi32, #tpu.memory_space<vmem>> -> memref<100xi32, #tpu.memory_space<vmem>>
      %dma_start3A_141 = arith.constant 0 : i32
      %dma_start3A_142 = arith.constant 0 : i32
      %dma_start3A_143 = tpu.memref_slice %arg8[%dma_start3A_141, %dma_start3A_142] : memref<10240x128xf32, #tpu.memory_space<vmem_shared>> -> memref<10240x128xf32, #tpu.memory_space<vmem_shared>>
      tpu.enqueue_indirect_dma source(%arg11 : memref<100x128xf32, #tpu.memory_space<vmem>>) target(%dma_start3A_143 : memref<10240x128xf32, #tpu.memory_space<vmem_shared>>) offsets(%dma_start3A_140 : memref<100xi32, #tpu.memory_space<vmem>>) semaphore(%arg15 : memref<!tpu.dma_semaphore, #tpu.memory_space<semaphore_mem>>) {add = true}
      tpu.wait_dma2 semaphore(%arg15 : memref<!tpu.dma_semaphore, #tpu.memory_space<semaphore_mem>>) src(%arg6 : memref<100x128xf32, #tpu.memory_space<hbm>>) dst(%arg11 : memref<100x128xf32, #tpu.memory_space<vmem>>)
      %dma_start3A_144 = arith.constant 10 : i32
      %dma_start3A_145 = arith.constant 0 : i32
      %dma_start3A_146 = tpu.memref_slice %arg9[%dma_start3A_144, %dma_start3A_145] : memref<20x100xi32, #tpu.memory_space<vmem>> -> memref<1x100xi32, #tpu.memory_space<vmem>>
      %dma_start3A_147 = tpu.memref_squeeze %dma_start3A_146 : memref<1x100xi32, #tpu.memory_space<vmem>> -> memref<100xi32, #tpu.memory_space<vmem>>
      %dma_start3A_148 = arith.constant 0 : i32
      %dma_start3A_149 = arith.constant 0 : i32
      %dma_start3A_150 = tpu.memref_slice %arg2[%dma_start3A_148, %dma_start3A_149] : memref<10240x128xf32, #tpu.memory_space<hbm>> -> memref<10240x128xf32, #tpu.memory_space<hbm>>
      tpu.enqueue_indirect_dma source(%dma_start3A_150 : memref<10240x128xf32, #tpu.memory_space<hbm>>) target(%arg11 : memref<100x128xf32, #tpu.memory_space<vmem>>) offsets(%dma_start3A_147 : memref<100xi32, #tpu.memory_space<vmem>>) semaphore(%arg13 : memref<!tpu.dma_semaphore, #tpu.memory_space<semaphore_mem>>)
      tpu.wait_dma2 semaphore(%arg14 : memref<!tpu.dma_semaphore, #tpu.memory_space<semaphore_mem>>) src(%arg6 : memref<100x128xf32, #tpu.memory_space<hbm>>) dst(%arg12 : memref<100x128xf32, #tpu.memory_space<vmem>>)
      %dma_start3A_151 = arith.constant 9 : i32
      %dma_start3A_152 = arith.constant 0 : i32
      %dma_start3A_153 = tpu.memref_slice %arg10[%dma_start3A_151, %dma_start3A_152] : memref<20x100xi32, #tpu.memory_space<vmem>> -> memref<1x100xi32, #tpu.memory_space<vmem>>
      %dma_start3A_154 = tpu.memref_squeeze %dma_start3A_153 : memref<1x100xi32, #tpu.memory_space<vmem>> -> memref<100xi32, #tpu.memory_space<vmem>>
      %dma_start3A_155 = arith.constant 0 : i32
      %dma_start3A_156 = arith.constant 0 : i32
      %dma_start3A_157 = tpu.memref_slice %arg8[%dma_start3A_155, %dma_start3A_156] : memref<10240x128xf32, #tpu.memory_space<vmem_shared>> -> memref<10240x128xf32, #tpu.memory_space<vmem_shared>>
      tpu.enqueue_indirect_dma source(%arg12 : memref<100x128xf32, #tpu.memory_space<vmem>>) target(%dma_start3A_157 : memref<10240x128xf32, #tpu.memory_space<vmem_shared>>) offsets(%dma_start3A_154 : memref<100xi32, #tpu.memory_space<vmem>>) semaphore(%arg16 : memref<!tpu.dma_semaphore, #tpu.memory_space<semaphore_mem>>) {add = true}
      tpu.wait_dma2 semaphore(%arg16 : memref<!tpu.dma_semaphore, #tpu.memory_space<semaphore_mem>>) src(%arg6 : memref<100x128xf32, #tpu.memory_space<hbm>>) dst(%arg12 : memref<100x128xf32, #tpu.memory_space<vmem>>)
      %dma_start3A_158 = arith.constant 11 : i32
      %dma_start3A_159 = arith.constant 0 : i32
      %dma_start3A_160 = tpu.memref_slice %arg9[%dma_start3A_158, %dma_start3A_159] : memref<20x100xi32, #tpu.memory_space<vmem>> -> memref<1x100xi32, #tpu.memory_space<vmem>>
      %dma_start3A_161 = tpu.memref_squeeze %dma_start3A_160 : memref<1x100xi32, #tpu.memory_space<vmem>> -> memref<100xi32, #tpu.memory_space<vmem>>
      %dma_start3A_162 = arith.constant 0 : i32
      %dma_start3A_163 = arith.constant 0 : i32
      %dma_start3A_164 = tpu.memref_slice %arg2[%dma_start3A_162, %dma_start3A_163] : memref<10240x128xf32, #tpu.memory_space<hbm>> -> memref<10240x128xf32, #tpu.memory_space<hbm>>
      tpu.enqueue_indirect_dma source(%dma_start3A_164 : memref<10240x128xf32, #tpu.memory_space<hbm>>) target(%arg12 : memref<100x128xf32, #tpu.memory_space<vmem>>) offsets(%dma_start3A_161 : memref<100xi32, #tpu.memory_space<vmem>>) semaphore(%arg14 : memref<!tpu.dma_semaphore, #tpu.memory_space<semaphore_mem>>)
      tpu.wait_dma2 semaphore(%arg13 : memref<!tpu.dma_semaphore, #tpu.memory_space<semaphore_mem>>) src(%arg6 : memref<100x128xf32, #tpu.memory_space<hbm>>) dst(%arg11 : memref<100x128xf32, #tpu.memory_space<vmem>>)
      %dma_start3A_165 = arith.constant 10 : i32
      %dma_start3A_166 = arith.constant 0 : i32
      %dma_start3A_167 = tpu.memref_slice %arg10[%dma_start3A_165, %dma_start3A_166] : memref<20x100xi32, #tpu.memory_space<vmem>> -> memref<1x100xi32, #tpu.memory_space<vmem>>
      %dma_start3A_168 = tpu.memref_squeeze %dma_start3A_167 : memref<1x100xi32, #tpu.memory_space<vmem>> -> memref<100xi32, #tpu.memory_space<vmem>>
      %dma_start3A_169 = arith.constant 0 : i32
      %dma_start3A_170 = arith.constant 0 : i32
      %dma_start3A_171 = tpu.memref_slice %arg8[%dma_start3A_169, %dma_start3A_170] : memref<10240x128xf32, #tpu.memory_space<vmem_shared>> -> memref<10240x128xf32, #tpu.memory_space<vmem_shared>>
      tpu.enqueue_indirect_dma source(%arg11 : memref<100x128xf32, #tpu.memory_space<vmem>>) target(%dma_start3A_171 : memref<10240x128xf32, #tpu.memory_space<vmem_shared>>) offsets(%dma_start3A_168 : memref<100xi32, #tpu.memory_space<vmem>>) semaphore(%arg15 : memref<!tpu.dma_semaphore, #tpu.memory_space<semaphore_mem>>) {add = true}
      tpu.wait_dma2 semaphore(%arg15 : memref<!tpu.dma_semaphore, #tpu.memory_space<semaphore_mem>>) src(%arg6 : memref<100x128xf32, #tpu.memory_space<hbm>>) dst(%arg11 : memref<100x128xf32, #tpu.memory_space<vmem>>)
      %dma_start3A_172 = arith.constant 12 : i32
      %dma_start3A_173 = arith.constant 0 : i32
      %dma_start3A_174 = tpu.memref_slice %arg9[%dma_start3A_172, %dma_start3A_173] : memref<20x100xi32, #tpu.memory_space<vmem>> -> memref<1x100xi32, #tpu.memory_space<vmem>>
      %dma_start3A_175 = tpu.memref_squeeze %dma_start3A_174 : memref<1x100xi32, #tpu.memory_space<vmem>> -> memref<100xi32, #tpu.memory_space<vmem>>
      %dma_start3A_176 = arith.constant 0 : i32
      %dma_start3A_177 = arith.constant 0 : i32
      %dma_start3A_178 = tpu.memref_slice %arg2[%dma_start3A_176, %dma_start3A_177] : memref<10240x128xf32, #tpu.memory_space<hbm>> -> memref<10240x128xf32, #tpu.memory_space<hbm>>
      tpu.enqueue_indirect_dma source(%dma_start3A_178 : memref<10240x128xf32, #tpu.memory_space<hbm>>) target(%arg11 : memref<100x128xf32, #tpu.memory_space<vmem>>) offsets(%dma_start3A_175 : memref<100xi32, #tpu.memory_space<vmem>>) semaphore(%arg13 : memref<!tpu.dma_semaphore, #tpu.memory_space<semaphore_mem>>)
      tpu.wait_dma2 semaphore(%arg14 : memref<!tpu.dma_semaphore, #tpu.memory_space<semaphore_mem>>) src(%arg6 : memref<100x128xf32, #tpu.memory_space<hbm>>) dst(%arg12 : memref<100x128xf32, #tpu.memory_space<vmem>>)
      %dma_start3A_179 = arith.constant 11 : i32
      %dma_start3A_180 = arith.constant 0 : i32
      %dma_start3A_181 = tpu.memref_slice %arg10[%dma_start3A_179, %dma_start3A_180] : memref<20x100xi32, #tpu.memory_space<vmem>> -> memref<1x100xi32, #tpu.memory_space<vmem>>
      %dma_start3A_182 = tpu.memref_squeeze %dma_start3A_181 : memref<1x100xi32, #tpu.memory_space<vmem>> -> memref<100xi32, #tpu.memory_space<vmem>>
      %dma_start3A_183 = arith.constant 0 : i32
      %dma_start3A_184 = arith.constant 0 : i32
      %dma_start3A_185 = tpu.memref_slice %arg8[%dma_start3A_183, %dma_start3A_184] : memref<10240x128xf32, #tpu.memory_space<vmem_shared>> -> memref<10240x128xf32, #tpu.memory_space<vmem_shared>>
      tpu.enqueue_indirect_dma source(%arg12 : memref<100x128xf32, #tpu.memory_space<vmem>>) target(%dma_start3A_185 : memref<10240x128xf32, #tpu.memory_space<vmem_shared>>) offsets(%dma_start3A_182 : memref<100xi32, #tpu.memory_space<vmem>>) semaphore(%arg16 : memref<!tpu.dma_semaphore, #tpu.memory_space<semaphore_mem>>) {add = true}
      tpu.wait_dma2 semaphore(%arg16 : memref<!tpu.dma_semaphore, #tpu.memory_space<semaphore_mem>>) src(%arg6 : memref<100x128xf32, #tpu.memory_space<hbm>>) dst(%arg12 : memref<100x128xf32, #tpu.memory_space<vmem>>)
      %dma_start3A_186 = arith.constant 13 : i32
      %dma_start3A_187 = arith.constant 0 : i32
      %dma_start3A_188 = tpu.memref_slice %arg9[%dma_start3A_186, %dma_start3A_187] : memref<20x100xi32, #tpu.memory_space<vmem>> -> memref<1x100xi32, #tpu.memory_space<vmem>>
      %dma_start3A_189 = tpu.memref_squeeze %dma_start3A_188 : memref<1x100xi32, #tpu.memory_space<vmem>> -> memref<100xi32, #tpu.memory_space<vmem>>
      %dma_start3A_190 = arith.constant 0 : i32
      %dma_start3A_191 = arith.constant 0 : i32
      %dma_start3A_192 = tpu.memref_slice %arg2[%dma_start3A_190, %dma_start3A_191] : memref<10240x128xf32, #tpu.memory_space<hbm>> -> memref<10240x128xf32, #tpu.memory_space<hbm>>
      tpu.enqueue_indirect_dma source(%dma_start3A_192 : memref<10240x128xf32, #tpu.memory_space<hbm>>) target(%arg12 : memref<100x128xf32, #tpu.memory_space<vmem>>) offsets(%dma_start3A_189 : memref<100xi32, #tpu.memory_space<vmem>>) semaphore(%arg14 : memref<!tpu.dma_semaphore, #tpu.memory_space<semaphore_mem>>)
      tpu.wait_dma2 semaphore(%arg13 : memref<!tpu.dma_semaphore, #tpu.memory_space<semaphore_mem>>) src(%arg6 : memref<100x128xf32, #tpu.memory_space<hbm>>) dst(%arg11 : memref<100x128xf32, #tpu.memory_space<vmem>>)
      %dma_start3A_193 = arith.constant 12 : i32
      %dma_start3A_194 = arith.constant 0 : i32
      %dma_start3A_195 = tpu.memref_slice %arg10[%dma_start3A_193, %dma_start3A_194] : memref<20x100xi32, #tpu.memory_space<vmem>> -> memref<1x100xi32, #tpu.memory_space<vmem>>
      %dma_start3A_196 = tpu.memref_squeeze %dma_start3A_195 : memref<1x100xi32, #tpu.memory_space<vmem>> -> memref<100xi32, #tpu.memory_space<vmem>>
      %dma_start3A_197 = arith.constant 0 : i32
      %dma_start3A_198 = arith.constant 0 : i32
      %dma_start3A_199 = tpu.memref_slice %arg8[%dma_start3A_197, %dma_start3A_198] : memref<10240x128xf32, #tpu.memory_space<vmem_shared>> -> memref<10240x128xf32, #tpu.memory_space<vmem_shared>>
      tpu.enqueue_indirect_dma source(%arg11 : memref<100x128xf32, #tpu.memory_space<vmem>>) target(%dma_start3A_199 : memref<10240x128xf32, #tpu.memory_space<vmem_shared>>) offsets(%dma_start3A_196 : memref<100xi32, #tpu.memory_space<vmem>>) semaphore(%arg15 : memref<!tpu.dma_semaphore, #tpu.memory_space<semaphore_mem>>) {add = true}
      tpu.wait_dma2 semaphore(%arg15 : memref<!tpu.dma_semaphore, #tpu.memory_space<semaphore_mem>>) src(%arg6 : memref<100x128xf32, #tpu.memory_space<hbm>>) dst(%arg11 : memref<100x128xf32, #tpu.memory_space<vmem>>)
      %dma_start3A_200 = arith.constant 14 : i32
      %dma_start3A_201 = arith.constant 0 : i32
      %dma_start3A_202 = tpu.memref_slice %arg9[%dma_start3A_200, %dma_start3A_201] : memref<20x100xi32, #tpu.memory_space<vmem>> -> memref<1x100xi32, #tpu.memory_space<vmem>>
      %dma_start3A_203 = tpu.memref_squeeze %dma_start3A_202 : memref<1x100xi32, #tpu.memory_space<vmem>> -> memref<100xi32, #tpu.memory_space<vmem>>
      %dma_start3A_204 = arith.constant 0 : i32
      %dma_start3A_205 = arith.constant 0 : i32
      %dma_start3A_206 = tpu.memref_slice %arg2[%dma_start3A_204, %dma_start3A_205] : memref<10240x128xf32, #tpu.memory_space<hbm>> -> memref<10240x128xf32, #tpu.memory_space<hbm>>
      tpu.enqueue_indirect_dma source(%dma_start3A_206 : memref<10240x128xf32, #tpu.memory_space<hbm>>) target(%arg11 : memref<100x128xf32, #tpu.memory_space<vmem>>) offsets(%dma_start3A_203 : memref<100xi32, #tpu.memory_space<vmem>>) semaphore(%arg13 : memref<!tpu.dma_semaphore, #tpu.memory_space<semaphore_mem>>)
      tpu.wait_dma2 semaphore(%arg14 : memref<!tpu.dma_semaphore, #tpu.memory_space<semaphore_mem>>) src(%arg6 : memref<100x128xf32, #tpu.memory_space<hbm>>) dst(%arg12 : memref<100x128xf32, #tpu.memory_space<vmem>>)
      %dma_start3A_207 = arith.constant 13 : i32
      %dma_start3A_208 = arith.constant 0 : i32
      %dma_start3A_209 = tpu.memref_slice %arg10[%dma_start3A_207, %dma_start3A_208] : memref<20x100xi32, #tpu.memory_space<vmem>> -> memref<1x100xi32, #tpu.memory_space<vmem>>
      %dma_start3A_210 = tpu.memref_squeeze %dma_start3A_209 : memref<1x100xi32, #tpu.memory_space<vmem>> -> memref<100xi32, #tpu.memory_space<vmem>>
      %dma_start3A_211 = arith.constant 0 : i32
      %dma_start3A_212 = arith.constant 0 : i32
      %dma_start3A_213 = tpu.memref_slice %arg8[%dma_start3A_211, %dma_start3A_212] : memref<10240x128xf32, #tpu.memory_space<vmem_shared>> -> memref<10240x128xf32, #tpu.memory_space<vmem_shared>>
      tpu.enqueue_indirect_dma source(%arg12 : memref<100x128xf32, #tpu.memory_space<vmem>>) target(%dma_start3A_213 : memref<10240x128xf32, #tpu.memory_space<vmem_shared>>) offsets(%dma_start3A_210 : memref<100xi32, #tpu.memory_space<vmem>>) semaphore(%arg16 : memref<!tpu.dma_semaphore, #tpu.memory_space<semaphore_mem>>) {add = true}
      tpu.wait_dma2 semaphore(%arg16 : memref<!tpu.dma_semaphore, #tpu.memory_space<semaphore_mem>>) src(%arg6 : memref<100x128xf32, #tpu.memory_space<hbm>>) dst(%arg12 : memref<100x128xf32, #tpu.memory_space<vmem>>)
      %dma_start3A_214 = arith.constant 15 : i32
      %dma_start3A_215 = arith.constant 0 : i32
      %dma_start3A_216 = tpu.memref_slice %arg9[%dma_start3A_214, %dma_start3A_215] : memref<20x100xi32, #tpu.memory_space<vmem>> -> memref<1x100xi32, #tpu.memory_space<vmem>>
      %dma_start3A_217 = tpu.memref_squeeze %dma_start3A_216 : memref<1x100xi32, #tpu.memory_space<vmem>> -> memref<100xi32, #tpu.memory_space<vmem>>
      %dma_start3A_218 = arith.constant 0 : i32
      %dma_start3A_219 = arith.constant 0 : i32
      %dma_start3A_220 = tpu.memref_slice %arg2[%dma_start3A_218, %dma_start3A_219] : memref<10240x128xf32, #tpu.memory_space<hbm>> -> memref<10240x128xf32, #tpu.memory_space<hbm>>
      tpu.enqueue_indirect_dma source(%dma_start3A_220 : memref<10240x128xf32, #tpu.memory_space<hbm>>) target(%arg12 : memref<100x128xf32, #tpu.memory_space<vmem>>) offsets(%dma_start3A_217 : memref<100xi32, #tpu.memory_space<vmem>>) semaphore(%arg14 : memref<!tpu.dma_semaphore, #tpu.memory_space<semaphore_mem>>)
      tpu.wait_dma2 semaphore(%arg13 : memref<!tpu.dma_semaphore, #tpu.memory_space<semaphore_mem>>) src(%arg6 : memref<100x128xf32, #tpu.memory_space<hbm>>) dst(%arg11 : memref<100x128xf32, #tpu.memory_space<vmem>>)
      %dma_start3A_221 = arith.constant 14 : i32
      %dma_start3A_222 = arith.constant 0 : i32
      %dma_start3A_223 = tpu.memref_slice %arg10[%dma_start3A_221, %dma_start3A_222] : memref<20x100xi32, #tpu.memory_space<vmem>> -> memref<1x100xi32, #tpu.memory_space<vmem>>
      %dma_start3A_224 = tpu.memref_squeeze %dma_start3A_223 : memref<1x100xi32, #tpu.memory_space<vmem>> -> memref<100xi32, #tpu.memory_space<vmem>>
      %dma_start3A_225 = arith.constant 0 : i32
      %dma_start3A_226 = arith.constant 0 : i32
      %dma_start3A_227 = tpu.memref_slice %arg8[%dma_start3A_225, %dma_start3A_226] : memref<10240x128xf32, #tpu.memory_space<vmem_shared>> -> memref<10240x128xf32, #tpu.memory_space<vmem_shared>>
      tpu.enqueue_indirect_dma source(%arg11 : memref<100x128xf32, #tpu.memory_space<vmem>>) target(%dma_start3A_227 : memref<10240x128xf32, #tpu.memory_space<vmem_shared>>) offsets(%dma_start3A_224 : memref<100xi32, #tpu.memory_space<vmem>>) semaphore(%arg15 : memref<!tpu.dma_semaphore, #tpu.memory_space<semaphore_mem>>) {add = true}
      tpu.wait_dma2 semaphore(%arg15 : memref<!tpu.dma_semaphore, #tpu.memory_space<semaphore_mem>>) src(%arg6 : memref<100x128xf32, #tpu.memory_space<hbm>>) dst(%arg11 : memref<100x128xf32, #tpu.memory_space<vmem>>)
      %dma_start3A_228 = arith.constant 16 : i32
      %dma_start3A_229 = arith.constant 0 : i32
      %dma_start3A_230 = tpu.memref_slice %arg9[%dma_start3A_228, %dma_start3A_229] : memref<20x100xi32, #tpu.memory_space<vmem>> -> memref<1x100xi32, #tpu.memory_space<vmem>>
      %dma_start3A_231 = tpu.memref_squeeze %dma_start3A_230 : memref<1x100xi32, #tpu.memory_space<vmem>> -> memref<100xi32, #tpu.memory_space<vmem>>
      %dma_start3A_232 = arith.constant 0 : i32
      %dma_start3A_233 = arith.constant 0 : i32
      %dma_start3A_234 = tpu.memref_slice %arg2[%dma_start3A_232, %dma_start3A_233] : memref<10240x128xf32, #tpu.memory_space<hbm>> -> memref<10240x128xf32, #tpu.memory_space<hbm>>
      tpu.enqueue_indirect_dma source(%dma_start3A_234 : memref<10240x128xf32, #tpu.memory_space<hbm>>) target(%arg11 : memref<100x128xf32, #tpu.memory_space<vmem>>) offsets(%dma_start3A_231 : memref<100xi32, #tpu.memory_space<vmem>>) semaphore(%arg13 : memref<!tpu.dma_semaphore, #tpu.memory_space<semaphore_mem>>)
      tpu.wait_dma2 semaphore(%arg14 : memref<!tpu.dma_semaphore, #tpu.memory_space<semaphore_mem>>) src(%arg6 : memref<100x128xf32, #tpu.memory_space<hbm>>) dst(%arg12 : memref<100x128xf32, #tpu.memory_space<vmem>>)
      %dma_start3A_235 = arith.constant 15 : i32
      %dma_start3A_236 = arith.constant 0 : i32
      %dma_start3A_237 = tpu.memref_slice %arg10[%dma_start3A_235, %dma_start3A_236] : memref<20x100xi32, #tpu.memory_space<vmem>> -> memref<1x100xi32, #tpu.memory_space<vmem>>
      %dma_start3A_238 = tpu.memref_squeeze %dma_start3A_237 : memref<1x100xi32, #tpu.memory_space<vmem>> -> memref<100xi32, #tpu.memory_space<vmem>>
      %dma_start3A_239 = arith.constant 0 : i32
      %dma_start3A_240 = arith.constant 0 : i32
      %dma_start3A_241 = tpu.memref_slice %arg8[%dma_start3A_239, %dma_start3A_240] : memref<10240x128xf32, #tpu.memory_space<vmem_shared>> -> memref<10240x128xf32, #tpu.memory_space<vmem_shared>>
      tpu.enqueue_indirect_dma source(%arg12 : memref<100x128xf32, #tpu.memory_space<vmem>>) target(%dma_start3A_241 : memref<10240x128xf32, #tpu.memory_space<vmem_shared>>) offsets(%dma_start3A_238 : memref<100xi32, #tpu.memory_space<vmem>>) semaphore(%arg16 : memref<!tpu.dma_semaphore, #tpu.memory_space<semaphore_mem>>) {add = true}
      tpu.wait_dma2 semaphore(%arg16 : memref<!tpu.dma_semaphore, #tpu.memory_space<semaphore_mem>>) src(%arg6 : memref<100x128xf32, #tpu.memory_space<hbm>>) dst(%arg12 : memref<100x128xf32, #tpu.memory_space<vmem>>)
      %dma_start3A_242 = arith.constant 17 : i32
      %dma_start3A_243 = arith.constant 0 : i32
      %dma_start3A_244 = tpu.memref_slice %arg9[%dma_start3A_242, %dma_start3A_243] : memref<20x100xi32, #tpu.memory_space<vmem>> -> memref<1x100xi32, #tpu.memory_space<vmem>>
      %dma_start3A_245 = tpu.memref_squeeze %dma_start3A_244 : memref<1x100xi32, #tpu.memory_space<vmem>> -> memref<100xi32, #tpu.memory_space<vmem>>
      %dma_start3A_246 = arith.constant 0 : i32
      %dma_start3A_247 = arith.constant 0 : i32
      %dma_start3A_248 = tpu.memref_slice %arg2[%dma_start3A_246, %dma_start3A_247] : memref<10240x128xf32, #tpu.memory_space<hbm>> -> memref<10240x128xf32, #tpu.memory_space<hbm>>
      tpu.enqueue_indirect_dma source(%dma_start3A_248 : memref<10240x128xf32, #tpu.memory_space<hbm>>) target(%arg12 : memref<100x128xf32, #tpu.memory_space<vmem>>) offsets(%dma_start3A_245 : memref<100xi32, #tpu.memory_space<vmem>>) semaphore(%arg14 : memref<!tpu.dma_semaphore, #tpu.memory_space<semaphore_mem>>)
      tpu.wait_dma2 semaphore(%arg13 : memref<!tpu.dma_semaphore, #tpu.memory_space<semaphore_mem>>) src(%arg6 : memref<100x128xf32, #tpu.memory_space<hbm>>) dst(%arg11 : memref<100x128xf32, #tpu.memory_space<vmem>>)
      %dma_start3A_249 = arith.constant 16 : i32
      %dma_start3A_250 = arith.constant 0 : i32
      %dma_start3A_251 = tpu.memref_slice %arg10[%dma_start3A_249, %dma_start3A_250] : memref<20x100xi32, #tpu.memory_space<vmem>> -> memref<1x100xi32, #tpu.memory_space<vmem>>
      %dma_start3A_252 = tpu.memref_squeeze %dma_start3A_251 : memref<1x100xi32, #tpu.memory_space<vmem>> -> memref<100xi32, #tpu.memory_space<vmem>>
      %dma_start3A_253 = arith.constant 0 : i32
      %dma_start3A_254 = arith.constant 0 : i32
      %dma_start3A_255 = tpu.memref_slice %arg8[%dma_start3A_253, %dma_start3A_254] : memref<10240x128xf32, #tpu.memory_space<vmem_shared>> -> memref<10240x128xf32, #tpu.memory_space<vmem_shared>>
      tpu.enqueue_indirect_dma source(%arg11 : memref<100x128xf32, #tpu.memory_space<vmem>>) target(%dma_start3A_255 : memref<10240x128xf32, #tpu.memory_space<vmem_shared>>) offsets(%dma_start3A_252 : memref<100xi32, #tpu.memory_space<vmem>>) semaphore(%arg15 : memref<!tpu.dma_semaphore, #tpu.memory_space<semaphore_mem>>) {add = true}
      tpu.wait_dma2 semaphore(%arg15 : memref<!tpu.dma_semaphore, #tpu.memory_space<semaphore_mem>>) src(%arg6 : memref<100x128xf32, #tpu.memory_space<hbm>>) dst(%arg11 : memref<100x128xf32, #tpu.memory_space<vmem>>)
      %dma_start3A_256 = arith.constant 18 : i32
      %dma_start3A_257 = arith.constant 0 : i32
      %dma_start3A_258 = tpu.memref_slice %arg9[%dma_start3A_256, %dma_start3A_257] : memref<20x100xi32, #tpu.memory_space<vmem>> -> memref<1x100xi32, #tpu.memory_space<vmem>>
      %dma_start3A_259 = tpu.memref_squeeze %dma_start3A_258 : memref<1x100xi32, #tpu.memory_space<vmem>> -> memref<100xi32, #tpu.memory_space<vmem>>
      %dma_start3A_260 = arith.constant 0 : i32
      %dma_start3A_261 = arith.constant 0 : i32
      %dma_start3A_262 = tpu.memref_slice %arg2[%dma_start3A_260, %dma_start3A_261] : memref<10240x128xf32, #tpu.memory_space<hbm>> -> memref<10240x128xf32, #tpu.memory_space<hbm>>
      tpu.enqueue_indirect_dma source(%dma_start3A_262 : memref<10240x128xf32, #tpu.memory_space<hbm>>) target(%arg11 : memref<100x128xf32, #tpu.memory_space<vmem>>) offsets(%dma_start3A_259 : memref<100xi32, #tpu.memory_space<vmem>>) semaphore(%arg13 : memref<!tpu.dma_semaphore, #tpu.memory_space<semaphore_mem>>)
      tpu.wait_dma2 semaphore(%arg14 : memref<!tpu.dma_semaphore, #tpu.memory_space<semaphore_mem>>) src(%arg6 : memref<100x128xf32, #tpu.memory_space<hbm>>) dst(%arg12 : memref<100x128xf32, #tpu.memory_space<vmem>>)
      %dma_start3A_263 = arith.constant 17 : i32
      %dma_start3A_264 = arith.constant 0 : i32
      %dma_start3A_265 = tpu.memref_slice %arg10[%dma_start3A_263, %dma_start3A_264] : memref<20x100xi32, #tpu.memory_space<vmem>> -> memref<1x100xi32, #tpu.memory_space<vmem>>
      %dma_start3A_266 = tpu.memref_squeeze %dma_start3A_265 : memref<1x100xi32, #tpu.memory_space<vmem>> -> memref<100xi32, #tpu.memory_space<vmem>>
      %dma_start3A_267 = arith.constant 0 : i32
      %dma_start3A_268 = arith.constant 0 : i32
      %dma_start3A_269 = tpu.memref_slice %arg8[%dma_start3A_267, %dma_start3A_268] : memref<10240x128xf32, #tpu.memory_space<vmem_shared>> -> memref<10240x128xf32, #tpu.memory_space<vmem_shared>>
      tpu.enqueue_indirect_dma source(%arg12 : memref<100x128xf32, #tpu.memory_space<vmem>>) target(%dma_start3A_269 : memref<10240x128xf32, #tpu.memory_space<vmem_shared>>) offsets(%dma_start3A_266 : memref<100xi32, #tpu.memory_space<vmem>>) semaphore(%arg16 : memref<!tpu.dma_semaphore, #tpu.memory_space<semaphore_mem>>) {add = true}
      tpu.wait_dma2 semaphore(%arg16 : memref<!tpu.dma_semaphore, #tpu.memory_space<semaphore_mem>>) src(%arg6 : memref<100x128xf32, #tpu.memory_space<hbm>>) dst(%arg12 : memref<100x128xf32, #tpu.memory_space<vmem>>)
      %dma_start3A_270 = arith.constant 19 : i32
      %dma_start3A_271 = arith.constant 0 : i32
      %dma_start3A_272 = tpu.memref_slice %arg9[%dma_start3A_270, %dma_start3A_271] : memref<20x100xi32, #tpu.memory_space<vmem>> -> memref<1x100xi32, #tpu.memory_space<vmem>>
      %dma_start3A_273 = tpu.memref_squeeze %dma_start3A_272 : memref<1x100xi32, #tpu.memory_space<vmem>> -> memref<100xi32, #tpu.memory_space<vmem>>
      %dma_start3A_274 = arith.constant 0 : i32
      %dma_start3A_275 = arith.constant 0 : i32
      %dma_start3A_276 = tpu.memref_slice %arg2[%dma_start3A_274, %dma_start3A_275] : memref<10240x128xf32, #tpu.memory_space<hbm>> -> memref<10240x128xf32, #tpu.memory_space<hbm>>
      tpu.enqueue_indirect_dma source(%dma_start3A_276 : memref<10240x128xf32, #tpu.memory_space<hbm>>) target(%arg12 : memref<100x128xf32, #tpu.memory_space<vmem>>) offsets(%dma_start3A_273 : memref<100xi32, #tpu.memory_space<vmem>>) semaphore(%arg14 : memref<!tpu.dma_semaphore, #tpu.memory_space<semaphore_mem>>)
      tpu.wait_dma2 semaphore(%arg13 : memref<!tpu.dma_semaphore, #tpu.memory_space<semaphore_mem>>) src(%arg6 : memref<100x128xf32, #tpu.memory_space<hbm>>) dst(%arg11 : memref<100x128xf32, #tpu.memory_space<vmem>>)
      %dma_start3A_277 = arith.constant 18 : i32
      %dma_start3A_278 = arith.constant 0 : i32
      %dma_start3A_279 = tpu.memref_slice %arg10[%dma_start3A_277, %dma_start3A_278] : memref<20x100xi32, #tpu.memory_space<vmem>> -> memref<1x100xi32, #tpu.memory_space<vmem>>
      %dma_start3A_280 = tpu.memref_squeeze %dma_start3A_279 : memref<1x100xi32, #tpu.memory_space<vmem>> -> memref<100xi32, #tpu.memory_space<vmem>>
      %dma_start3A_281 = arith.constant 0 : i32
      %dma_start3A_282 = arith.constant 0 : i32
      %dma_start3A_283 = tpu.memref_slice %arg8[%dma_start3A_281, %dma_start3A_282] : memref<10240x128xf32, #tpu.memory_space<vmem_shared>> -> memref<10240x128xf32, #tpu.memory_space<vmem_shared>>
      tpu.enqueue_indirect_dma source(%arg11 : memref<100x128xf32, #tpu.memory_space<vmem>>) target(%dma_start3A_283 : memref<10240x128xf32, #tpu.memory_space<vmem_shared>>) offsets(%dma_start3A_280 : memref<100xi32, #tpu.memory_space<vmem>>) semaphore(%arg15 : memref<!tpu.dma_semaphore, #tpu.memory_space<semaphore_mem>>) {add = true}
      tpu.wait_dma2 semaphore(%arg14 : memref<!tpu.dma_semaphore, #tpu.memory_space<semaphore_mem>>) src(%arg6 : memref<100x128xf32, #tpu.memory_space<hbm>>) dst(%arg12 : memref<100x128xf32, #tpu.memory_space<vmem>>)
      %dma_start3A_284 = arith.constant 19 : i32
      %dma_start3A_285 = arith.constant 0 : i32
      %dma_start3A_286 = tpu.memref_slice %arg10[%dma_start3A_284, %dma_start3A_285] : memref<20x100xi32, #tpu.memory_space<vmem>> -> memref<1x100xi32, #tpu.memory_space<vmem>>
      %dma_start3A_287 = tpu.memref_squeeze %dma_start3A_286 : memref<1x100xi32, #tpu.memory_space<vmem>> -> memref<100xi32, #tpu.memory_space<vmem>>
      %dma_start3A_288 = arith.constant 0 : i32
      %dma_start3A_289 = arith.constant 0 : i32
      %dma_start3A_290 = tpu.memref_slice %arg8[%dma_start3A_288, %dma_start3A_289] : memref<10240x128xf32, #tpu.memory_space<vmem_shared>> -> memref<10240x128xf32, #tpu.memory_space<vmem_shared>>
      tpu.enqueue_indirect_dma source(%arg12 : memref<100x128xf32, #tpu.memory_space<vmem>>) target(%dma_start3A_290 : memref<10240x128xf32, #tpu.memory_space<vmem_shared>>) offsets(%dma_start3A_287 : memref<100xi32, #tpu.memory_space<vmem>>) semaphore(%arg16 : memref<!tpu.dma_semaphore, #tpu.memory_space<semaphore_mem>>) {add = true}
    }
    %scan3A_7 = arith.constant 5 : i32
    tpu.wait_dma2 semaphore(%arg15 : memref<!tpu.dma_semaphore, #tpu.memory_space<semaphore_mem>>) src(%arg6 : memref<100x128xf32, #tpu.memory_space<hbm>>) dst(%arg11 : memref<100x128xf32, #tpu.memory_space<vmem>>)
    tpu.wait_dma2 semaphore(%arg16 : memref<!tpu.dma_semaphore, #tpu.memory_space<semaphore_mem>>) src(%arg6 : memref<100x128xf32, #tpu.memory_space<hbm>>) dst(%arg12 : memref<100x128xf32, #tpu.memory_space<vmem>>)
    %barrier3A_8 = arith.constant 0 : index
    tpu.barrier barrier_id(%barrier3A_8)
    "tpu.region"() ({
      %run_scoped3A = tpu.sem_alloc : memref<!tpu.dma_semaphore, #tpu.memory_space<semaphore_mem>>
      %dma_start3A = arith.constant 0 : i32
      %dma_start3A_9 = tpu.memref_slice %arg7[%arg0, %mul3A_2, %dma_start3A] : memref<2x10240x128xf32, #tpu.memory_space<hbm>> -> memref<1x640x128xf32, #tpu.memory_space<hbm>>
      %dma_start3A_10 = tpu.memref_squeeze %dma_start3A_9 : memref<1x640x128xf32, #tpu.memory_space<hbm>> -> memref<640x128xf32, #tpu.memory_space<hbm>>
      %dma_start3A_11 = arith.constant 0 : i32
      %dma_start3A_12 = tpu.memref_slice %arg8[%mul3A_2, %dma_start3A_11] : memref<10240x128xf32, #tpu.memory_space<vmem_shared>> -> memref<640x128xf32, #tpu.memory_space<vmem_shared>>
      tpu.enqueue_dma source(%dma_start3A_12 : memref<640x128xf32, #tpu.memory_space<vmem_shared>>) target(%dma_start3A_10 : memref<640x128xf32, #tpu.memory_space<hbm>>) target_semaphore(%run_scoped3A : memref<!tpu.dma_semaphore, #tpu.memory_space<semaphore_mem>>)
      %dma_wait3A = arith.constant 0 : i32
      %dma_wait3A_13 = tpu.memref_slice %arg7[%arg0, %mul3A_2, %dma_wait3A] : memref<2x10240x128xf32, #tpu.memory_space<hbm>> -> memref<1x640x128xf32, #tpu.memory_space<hbm>>
      %dma_wait3A_14 = tpu.memref_squeeze %dma_wait3A_13 : memref<1x640x128xf32, #tpu.memory_space<hbm>> -> memref<640x128xf32, #tpu.memory_space<hbm>>
      %dma_wait3A_15 = arith.constant 0 : i32
      %dma_wait3A_16 = tpu.memref_slice %arg8[%mul3A_2, %dma_wait3A_15] : memref<10240x128xf32, #tpu.memory_space<vmem_shared>> -> memref<640x128xf32, #tpu.memory_space<vmem_shared>>
      tpu.wait_dma2 semaphore(%run_scoped3A : memref<!tpu.dma_semaphore, #tpu.memory_space<semaphore_mem>>) src(%dma_wait3A_16 : memref<640x128xf32, #tpu.memory_space<vmem_shared>>) dst(%dma_wait3A_14 : memref<640x128xf32, #tpu.memory_space<hbm>>)
      tpu.yield
    }) : () -> ()
    return
  }
}

#map = affine_map<(d0, d1) -> (0, 0)>
#map1 = affine_map<(d0, d1) -> (0, 0, 0, 0)>
#map2 = affine_map<(d0, d1) -> (0, 0, 0)>
module attributes {stable_mosaic.version = 14 : i64} {
  func.func @body(%arg0: i32, %arg1: i32, %arg2: memref<100x128xf32, #tpu.memory_space<hbm>>, %arg3: memref<32x5x20x100xi32, #tpu.memory_space<hbm>>, %arg4: memref<10240x128xf32, #tpu.memory_space<hbm>>, %arg5: memref<2x10240x128xf32, #tpu.memory_space<hbm>>, %arg6: memref<10240x128xf32, #tpu.memory_space<vmem_shared>>, %arg7: memref<20x100xi32, #tpu.memory_space<vmem>>, %arg8: memref<100x128xf32, #tpu.memory_space<vmem>>, %arg9: memref<!tpu.dma_semaphore, #tpu.memory_space<semaphore_mem>>) attributes {dimension_semantics = [#tpu.dimension_semantics<core_parallel>, #tpu.dimension_semantics<subcore_parallel>], iteration_bounds = array<i64: 2, 16>, scalar_prefetch = 0 : i64, scratch_operands = 4 : i64, tpu.core_type = #tpu.core_type<sc_vector_subcore>, window_params = [{transform_indices = #map}, {transform_indices = #map1}, {transform_indices = #map}, {transform_indices = #map2}]} {
    %mul3A = arith.constant 16 : i32
    %mul3A_0 = arith.muli %arg0, %mul3A : i32
    %add3A = arith.addi %mul3A_0, %arg1 : i32
    %mul3A_1 = arith.constant 640 : i32
    %mul3A_2 = arith.muli %arg1, %mul3A_1 : i32
    "tpu.region"() ({
      %run_scoped3A = tpu.sem_alloc : memref<!tpu.dma_semaphore, #tpu.memory_space<semaphore_mem>>
      %dma_start3A = arith.constant 0 : i32
      %dma_start3A_9 = tpu.memref_slice %arg6[%mul3A_2, %dma_start3A] : memref<10240x128xf32, #tpu.memory_space<vmem_shared>> -> memref<640x128xf32, #tpu.memory_space<vmem_shared>>
      %dma_start3A_10 = arith.constant 0 : i32
      %dma_start3A_11 = tpu.memref_slice %arg4[%mul3A_2, %dma_start3A_10] : memref<10240x128xf32, #tpu.memory_space<hbm>> -> memref<640x128xf32, #tpu.memory_space<hbm>>
      tpu.enqueue_dma source(%dma_start3A_11 : memref<640x128xf32, #tpu.memory_space<hbm>>) target(%dma_start3A_9 : memref<640x128xf32, #tpu.memory_space<vmem_shared>>) target_semaphore(%run_scoped3A : memref<!tpu.dma_semaphore, #tpu.memory_space<semaphore_mem>>)
      %dma_wait3A = arith.constant 0 : i32
      %dma_wait3A_12 = tpu.memref_slice %arg6[%mul3A_2, %dma_wait3A] : memref<10240x128xf32, #tpu.memory_space<vmem_shared>> -> memref<640x128xf32, #tpu.memory_space<vmem_shared>>
      %dma_wait3A_13 = arith.constant 0 : i32
      %dma_wait3A_14 = tpu.memref_slice %arg4[%mul3A_2, %dma_wait3A_13] : memref<10240x128xf32, #tpu.memory_space<hbm>> -> memref<640x128xf32, #tpu.memory_space<hbm>>
      tpu.wait_dma2 semaphore(%run_scoped3A : memref<!tpu.dma_semaphore, #tpu.memory_space<semaphore_mem>>) src(%dma_wait3A_14 : memref<640x128xf32, #tpu.memory_space<hbm>>) dst(%dma_wait3A_12 : memref<640x128xf32, #tpu.memory_space<vmem_shared>>)
      tpu.yield
    }) : () -> ()
    "tpu.region"() ({
      %run_scoped3A = tpu.sem_alloc : memref<!tpu.dma_semaphore, #tpu.memory_space<semaphore_mem>>
      tpu.enqueue_dma source(%arg2 : memref<100x128xf32, #tpu.memory_space<hbm>>) target(%arg8 : memref<100x128xf32, #tpu.memory_space<vmem>>) target_semaphore(%run_scoped3A : memref<!tpu.dma_semaphore, #tpu.memory_space<semaphore_mem>>)
      tpu.wait_dma2 semaphore(%run_scoped3A : memref<!tpu.dma_semaphore, #tpu.memory_space<semaphore_mem>>) src(%arg2 : memref<100x128xf32, #tpu.memory_space<hbm>>) dst(%arg8 : memref<100x128xf32, #tpu.memory_space<vmem>>)
      tpu.yield
    }) : () -> ()
    %barrier3A = arith.constant 0 : index
    tpu.barrier barrier_id(%barrier3A)
    %scan3A = arith.constant 0 : i32
    %scan3A_3 = arith.constant 0 : i32
    %scan3A_4 = arith.constant 5 : i32
    %scan3A_5 = arith.addi %scan3A_3, %scan3A_4 : i32
    %scan3A_6 = arith.constant 1 : i32
    scf.for %scan3A_9 = %scan3A_3 to %scan3A_5 step %scan3A_6  : i32 {
      "tpu.region"() ({
        %run_scoped3A = tpu.sem_alloc : memref<!tpu.dma_semaphore, #tpu.memory_space<semaphore_mem>>
        %dma_start3A_288 = arith.constant 0 : i32
        %dma_start3A_289 = arith.constant 0 : i32
        %dma_start3A_290 = tpu.memref_slice %arg3[%add3A, %scan3A_9, %dma_start3A_288, %dma_start3A_289] : memref<32x5x20x100xi32, #tpu.memory_space<hbm>> -> memref<1x1x20x100xi32, #tpu.memory_space<hbm>>
        %dma_start3A_291 = tpu.memref_squeeze %dma_start3A_290 : memref<1x1x20x100xi32, #tpu.memory_space<hbm>> -> memref<20x100xi32, #tpu.memory_space<hbm>>
        %dma_start3A_292 = arith.constant 0 : i32
        %dma_start3A_293 = arith.constant 0 : i32
        %dma_start3A_294 = tpu.memref_slice %arg3[%add3A, %scan3A_9, %dma_start3A_292, %dma_start3A_293] : memref<32x5x20x100xi32, #tpu.memory_space<hbm>> -> memref<1x1x20x100xi32, #tpu.memory_space<hbm>>
        %dma_start3A_295 = tpu.memref_squeeze %dma_start3A_294 : memref<1x1x20x100xi32, #tpu.memory_space<hbm>> -> memref<20x100xi32, #tpu.memory_space<hbm>>
        tpu.enqueue_dma source(%dma_start3A_295 : memref<20x100xi32, #tpu.memory_space<hbm>>) target(%arg7 : memref<20x100xi32, #tpu.memory_space<vmem>>) target_semaphore(%run_scoped3A : memref<!tpu.dma_semaphore, #tpu.memory_space<semaphore_mem>>)
        %dma_wait3A_296 = arith.constant 0 : i32
        %dma_wait3A_297 = arith.constant 0 : i32
        %dma_wait3A_298 = tpu.memref_slice %arg3[%add3A, %scan3A_9, %dma_wait3A_296, %dma_wait3A_297] : memref<32x5x20x100xi32, #tpu.memory_space<hbm>> -> memref<1x1x20x100xi32, #tpu.memory_space<hbm>>
        %dma_wait3A_299 = tpu.memref_squeeze %dma_wait3A_298 : memref<1x1x20x100xi32, #tpu.memory_space<hbm>> -> memref<20x100xi32, #tpu.memory_space<hbm>>
        %dma_wait3A_300 = arith.constant 0 : i32
        %dma_wait3A_301 = arith.constant 0 : i32
        %dma_wait3A_302 = tpu.memref_slice %arg3[%add3A, %scan3A_9, %dma_wait3A_300, %dma_wait3A_301] : memref<32x5x20x100xi32, #tpu.memory_space<hbm>> -> memref<1x1x20x100xi32, #tpu.memory_space<hbm>>
        %dma_wait3A_303 = tpu.memref_squeeze %dma_wait3A_302 : memref<1x1x20x100xi32, #tpu.memory_space<hbm>> -> memref<20x100xi32, #tpu.memory_space<hbm>>
        tpu.wait_dma2 semaphore(%run_scoped3A : memref<!tpu.dma_semaphore, #tpu.memory_space<semaphore_mem>>) src(%dma_wait3A_303 : memref<20x100xi32, #tpu.memory_space<hbm>>) dst(%arg7 : memref<20x100xi32, #tpu.memory_space<vmem>>)
        tpu.yield
      }) : () -> ()
      %dma_start3A = arith.constant 0 : i32
      %dma_start3A_10 = arith.constant 0 : i32
      %dma_start3A_11 = tpu.memref_slice %arg7[%dma_start3A, %dma_start3A_10] : memref<20x100xi32, #tpu.memory_space<vmem>> -> memref<1x100xi32, #tpu.memory_space<vmem>>
      %dma_start3A_12 = tpu.memref_squeeze %dma_start3A_11 : memref<1x100xi32, #tpu.memory_space<vmem>> -> memref<100xi32, #tpu.memory_space<vmem>>
      %dma_start3A_13 = arith.constant 0 : i32
      %dma_start3A_14 = arith.constant 0 : i32
      %dma_start3A_15 = tpu.memref_slice %arg6[%dma_start3A_13, %dma_start3A_14] : memref<10240x128xf32, #tpu.memory_space<vmem_shared>> -> memref<10240x128xf32, #tpu.memory_space<vmem_shared>>
      tpu.enqueue_indirect_dma source(%arg8 : memref<100x128xf32, #tpu.memory_space<vmem>>) target(%dma_start3A_15 : memref<10240x128xf32, #tpu.memory_space<vmem_shared>>) offsets(%dma_start3A_12 : memref<100xi32, #tpu.memory_space<vmem>>) semaphore(%arg9 : memref<!tpu.dma_semaphore, #tpu.memory_space<semaphore_mem>>) {add = true}
      %dma_start3A_16 = arith.constant 1 : i32
      %dma_start3A_17 = arith.constant 0 : i32
      %dma_start3A_18 = tpu.memref_slice %arg7[%dma_start3A_16, %dma_start3A_17] : memref<20x100xi32, #tpu.memory_space<vmem>> -> memref<1x100xi32, #tpu.memory_space<vmem>>
      %dma_start3A_19 = tpu.memref_squeeze %dma_start3A_18 : memref<1x100xi32, #tpu.memory_space<vmem>> -> memref<100xi32, #tpu.memory_space<vmem>>
      %dma_start3A_20 = arith.constant 0 : i32
      %dma_start3A_21 = arith.constant 0 : i32
      %dma_start3A_22 = tpu.memref_slice %arg6[%dma_start3A_20, %dma_start3A_21] : memref<10240x128xf32, #tpu.memory_space<vmem_shared>> -> memref<10240x128xf32, #tpu.memory_space<vmem_shared>>
      tpu.enqueue_indirect_dma source(%arg8 : memref<100x128xf32, #tpu.memory_space<vmem>>) target(%dma_start3A_22 : memref<10240x128xf32, #tpu.memory_space<vmem_shared>>) offsets(%dma_start3A_19 : memref<100xi32, #tpu.memory_space<vmem>>) semaphore(%arg9 : memref<!tpu.dma_semaphore, #tpu.memory_space<semaphore_mem>>) {add = true}
      %dma_start3A_23 = arith.constant 2 : i32
      %dma_start3A_24 = arith.constant 0 : i32
      %dma_start3A_25 = tpu.memref_slice %arg7[%dma_start3A_23, %dma_start3A_24] : memref<20x100xi32, #tpu.memory_space<vmem>> -> memref<1x100xi32, #tpu.memory_space<vmem>>
      %dma_start3A_26 = tpu.memref_squeeze %dma_start3A_25 : memref<1x100xi32, #tpu.memory_space<vmem>> -> memref<100xi32, #tpu.memory_space<vmem>>
      %dma_start3A_27 = arith.constant 0 : i32
      %dma_start3A_28 = arith.constant 0 : i32
      %dma_start3A_29 = tpu.memref_slice %arg6[%dma_start3A_27, %dma_start3A_28] : memref<10240x128xf32, #tpu.memory_space<vmem_shared>> -> memref<10240x128xf32, #tpu.memory_space<vmem_shared>>
      tpu.enqueue_indirect_dma source(%arg8 : memref<100x128xf32, #tpu.memory_space<vmem>>) target(%dma_start3A_29 : memref<10240x128xf32, #tpu.memory_space<vmem_shared>>) offsets(%dma_start3A_26 : memref<100xi32, #tpu.memory_space<vmem>>) semaphore(%arg9 : memref<!tpu.dma_semaphore, #tpu.memory_space<semaphore_mem>>) {add = true}
      %dma_start3A_30 = arith.constant 3 : i32
      %dma_start3A_31 = arith.constant 0 : i32
      %dma_start3A_32 = tpu.memref_slice %arg7[%dma_start3A_30, %dma_start3A_31] : memref<20x100xi32, #tpu.memory_space<vmem>> -> memref<1x100xi32, #tpu.memory_space<vmem>>
      %dma_start3A_33 = tpu.memref_squeeze %dma_start3A_32 : memref<1x100xi32, #tpu.memory_space<vmem>> -> memref<100xi32, #tpu.memory_space<vmem>>
      %dma_start3A_34 = arith.constant 0 : i32
      %dma_start3A_35 = arith.constant 0 : i32
      %dma_start3A_36 = tpu.memref_slice %arg6[%dma_start3A_34, %dma_start3A_35] : memref<10240x128xf32, #tpu.memory_space<vmem_shared>> -> memref<10240x128xf32, #tpu.memory_space<vmem_shared>>
      tpu.enqueue_indirect_dma source(%arg8 : memref<100x128xf32, #tpu.memory_space<vmem>>) target(%dma_start3A_36 : memref<10240x128xf32, #tpu.memory_space<vmem_shared>>) offsets(%dma_start3A_33 : memref<100xi32, #tpu.memory_space<vmem>>) semaphore(%arg9 : memref<!tpu.dma_semaphore, #tpu.memory_space<semaphore_mem>>) {add = true}
      %dma_start3A_37 = arith.constant 4 : i32
      %dma_start3A_38 = arith.constant 0 : i32
      %dma_start3A_39 = tpu.memref_slice %arg7[%dma_start3A_37, %dma_start3A_38] : memref<20x100xi32, #tpu.memory_space<vmem>> -> memref<1x100xi32, #tpu.memory_space<vmem>>
      %dma_start3A_40 = tpu.memref_squeeze %dma_start3A_39 : memref<1x100xi32, #tpu.memory_space<vmem>> -> memref<100xi32, #tpu.memory_space<vmem>>
      %dma_start3A_41 = arith.constant 0 : i32
      %dma_start3A_42 = arith.constant 0 : i32
      %dma_start3A_43 = tpu.memref_slice %arg6[%dma_start3A_41, %dma_start3A_42] : memref<10240x128xf32, #tpu.memory_space<vmem_shared>> -> memref<10240x128xf32, #tpu.memory_space<vmem_shared>>
      tpu.enqueue_indirect_dma source(%arg8 : memref<100x128xf32, #tpu.memory_space<vmem>>) target(%dma_start3A_43 : memref<10240x128xf32, #tpu.memory_space<vmem_shared>>) offsets(%dma_start3A_40 : memref<100xi32, #tpu.memory_space<vmem>>) semaphore(%arg9 : memref<!tpu.dma_semaphore, #tpu.memory_space<semaphore_mem>>) {add = true}
      %dma_start3A_44 = arith.constant 5 : i32
      %dma_start3A_45 = arith.constant 0 : i32
      %dma_start3A_46 = tpu.memref_slice %arg7[%dma_start3A_44, %dma_start3A_45] : memref<20x100xi32, #tpu.memory_space<vmem>> -> memref<1x100xi32, #tpu.memory_space<vmem>>
      %dma_start3A_47 = tpu.memref_squeeze %dma_start3A_46 : memref<1x100xi32, #tpu.memory_space<vmem>> -> memref<100xi32, #tpu.memory_space<vmem>>
      %dma_start3A_48 = arith.constant 0 : i32
      %dma_start3A_49 = arith.constant 0 : i32
      %dma_start3A_50 = tpu.memref_slice %arg6[%dma_start3A_48, %dma_start3A_49] : memref<10240x128xf32, #tpu.memory_space<vmem_shared>> -> memref<10240x128xf32, #tpu.memory_space<vmem_shared>>
      tpu.enqueue_indirect_dma source(%arg8 : memref<100x128xf32, #tpu.memory_space<vmem>>) target(%dma_start3A_50 : memref<10240x128xf32, #tpu.memory_space<vmem_shared>>) offsets(%dma_start3A_47 : memref<100xi32, #tpu.memory_space<vmem>>) semaphore(%arg9 : memref<!tpu.dma_semaphore, #tpu.memory_space<semaphore_mem>>) {add = true}
      %dma_start3A_51 = arith.constant 6 : i32
      %dma_start3A_52 = arith.constant 0 : i32
      %dma_start3A_53 = tpu.memref_slice %arg7[%dma_start3A_51, %dma_start3A_52] : memref<20x100xi32, #tpu.memory_space<vmem>> -> memref<1x100xi32, #tpu.memory_space<vmem>>
      %dma_start3A_54 = tpu.memref_squeeze %dma_start3A_53 : memref<1x100xi32, #tpu.memory_space<vmem>> -> memref<100xi32, #tpu.memory_space<vmem>>
      %dma_start3A_55 = arith.constant 0 : i32
      %dma_start3A_56 = arith.constant 0 : i32
      %dma_start3A_57 = tpu.memref_slice %arg6[%dma_start3A_55, %dma_start3A_56] : memref<10240x128xf32, #tpu.memory_space<vmem_shared>> -> memref<10240x128xf32, #tpu.memory_space<vmem_shared>>
      tpu.enqueue_indirect_dma source(%arg8 : memref<100x128xf32, #tpu.memory_space<vmem>>) target(%dma_start3A_57 : memref<10240x128xf32, #tpu.memory_space<vmem_shared>>) offsets(%dma_start3A_54 : memref<100xi32, #tpu.memory_space<vmem>>) semaphore(%arg9 : memref<!tpu.dma_semaphore, #tpu.memory_space<semaphore_mem>>) {add = true}
      %dma_start3A_58 = arith.constant 7 : i32
      %dma_start3A_59 = arith.constant 0 : i32
      %dma_start3A_60 = tpu.memref_slice %arg7[%dma_start3A_58, %dma_start3A_59] : memref<20x100xi32, #tpu.memory_space<vmem>> -> memref<1x100xi32, #tpu.memory_space<vmem>>
      %dma_start3A_61 = tpu.memref_squeeze %dma_start3A_60 : memref<1x100xi32, #tpu.memory_space<vmem>> -> memref<100xi32, #tpu.memory_space<vmem>>
      %dma_start3A_62 = arith.constant 0 : i32
      %dma_start3A_63 = arith.constant 0 : i32
      %dma_start3A_64 = tpu.memref_slice %arg6[%dma_start3A_62, %dma_start3A_63] : memref<10240x128xf32, #tpu.memory_space<vmem_shared>> -> memref<10240x128xf32, #tpu.memory_space<vmem_shared>>
      tpu.enqueue_indirect_dma source(%arg8 : memref<100x128xf32, #tpu.memory_space<vmem>>) target(%dma_start3A_64 : memref<10240x128xf32, #tpu.memory_space<vmem_shared>>) offsets(%dma_start3A_61 : memref<100xi32, #tpu.memory_space<vmem>>) semaphore(%arg9 : memref<!tpu.dma_semaphore, #tpu.memory_space<semaphore_mem>>) {add = true}
      %dma_start3A_65 = arith.constant 8 : i32
      %dma_start3A_66 = arith.constant 0 : i32
      %dma_start3A_67 = tpu.memref_slice %arg7[%dma_start3A_65, %dma_start3A_66] : memref<20x100xi32, #tpu.memory_space<vmem>> -> memref<1x100xi32, #tpu.memory_space<vmem>>
      %dma_start3A_68 = tpu.memref_squeeze %dma_start3A_67 : memref<1x100xi32, #tpu.memory_space<vmem>> -> memref<100xi32, #tpu.memory_space<vmem>>
      %dma_start3A_69 = arith.constant 0 : i32
      %dma_start3A_70 = arith.constant 0 : i32
      %dma_start3A_71 = tpu.memref_slice %arg6[%dma_start3A_69, %dma_start3A_70] : memref<10240x128xf32, #tpu.memory_space<vmem_shared>> -> memref<10240x128xf32, #tpu.memory_space<vmem_shared>>
      tpu.enqueue_indirect_dma source(%arg8 : memref<100x128xf32, #tpu.memory_space<vmem>>) target(%dma_start3A_71 : memref<10240x128xf32, #tpu.memory_space<vmem_shared>>) offsets(%dma_start3A_68 : memref<100xi32, #tpu.memory_space<vmem>>) semaphore(%arg9 : memref<!tpu.dma_semaphore, #tpu.memory_space<semaphore_mem>>) {add = true}
      %dma_start3A_72 = arith.constant 9 : i32
      %dma_start3A_73 = arith.constant 0 : i32
      %dma_start3A_74 = tpu.memref_slice %arg7[%dma_start3A_72, %dma_start3A_73] : memref<20x100xi32, #tpu.memory_space<vmem>> -> memref<1x100xi32, #tpu.memory_space<vmem>>
      %dma_start3A_75 = tpu.memref_squeeze %dma_start3A_74 : memref<1x100xi32, #tpu.memory_space<vmem>> -> memref<100xi32, #tpu.memory_space<vmem>>
      %dma_start3A_76 = arith.constant 0 : i32
      %dma_start3A_77 = arith.constant 0 : i32
      %dma_start3A_78 = tpu.memref_slice %arg6[%dma_start3A_76, %dma_start3A_77] : memref<10240x128xf32, #tpu.memory_space<vmem_shared>> -> memref<10240x128xf32, #tpu.memory_space<vmem_shared>>
      tpu.enqueue_indirect_dma source(%arg8 : memref<100x128xf32, #tpu.memory_space<vmem>>) target(%dma_start3A_78 : memref<10240x128xf32, #tpu.memory_space<vmem_shared>>) offsets(%dma_start3A_75 : memref<100xi32, #tpu.memory_space<vmem>>) semaphore(%arg9 : memref<!tpu.dma_semaphore, #tpu.memory_space<semaphore_mem>>) {add = true}
      %dma_start3A_79 = arith.constant 10 : i32
      %dma_start3A_80 = arith.constant 0 : i32
      %dma_start3A_81 = tpu.memref_slice %arg7[%dma_start3A_79, %dma_start3A_80] : memref<20x100xi32, #tpu.memory_space<vmem>> -> memref<1x100xi32, #tpu.memory_space<vmem>>
      %dma_start3A_82 = tpu.memref_squeeze %dma_start3A_81 : memref<1x100xi32, #tpu.memory_space<vmem>> -> memref<100xi32, #tpu.memory_space<vmem>>
      %dma_start3A_83 = arith.constant 0 : i32
      %dma_start3A_84 = arith.constant 0 : i32
      %dma_start3A_85 = tpu.memref_slice %arg6[%dma_start3A_83, %dma_start3A_84] : memref<10240x128xf32, #tpu.memory_space<vmem_shared>> -> memref<10240x128xf32, #tpu.memory_space<vmem_shared>>
      tpu.enqueue_indirect_dma source(%arg8 : memref<100x128xf32, #tpu.memory_space<vmem>>) target(%dma_start3A_85 : memref<10240x128xf32, #tpu.memory_space<vmem_shared>>) offsets(%dma_start3A_82 : memref<100xi32, #tpu.memory_space<vmem>>) semaphore(%arg9 : memref<!tpu.dma_semaphore, #tpu.memory_space<semaphore_mem>>) {add = true}
      %dma_start3A_86 = arith.constant 11 : i32
      %dma_start3A_87 = arith.constant 0 : i32
      %dma_start3A_88 = tpu.memref_slice %arg7[%dma_start3A_86, %dma_start3A_87] : memref<20x100xi32, #tpu.memory_space<vmem>> -> memref<1x100xi32, #tpu.memory_space<vmem>>
      %dma_start3A_89 = tpu.memref_squeeze %dma_start3A_88 : memref<1x100xi32, #tpu.memory_space<vmem>> -> memref<100xi32, #tpu.memory_space<vmem>>
      %dma_start3A_90 = arith.constant 0 : i32
      %dma_start3A_91 = arith.constant 0 : i32
      %dma_start3A_92 = tpu.memref_slice %arg6[%dma_start3A_90, %dma_start3A_91] : memref<10240x128xf32, #tpu.memory_space<vmem_shared>> -> memref<10240x128xf32, #tpu.memory_space<vmem_shared>>
      tpu.enqueue_indirect_dma source(%arg8 : memref<100x128xf32, #tpu.memory_space<vmem>>) target(%dma_start3A_92 : memref<10240x128xf32, #tpu.memory_space<vmem_shared>>) offsets(%dma_start3A_89 : memref<100xi32, #tpu.memory_space<vmem>>) semaphore(%arg9 : memref<!tpu.dma_semaphore, #tpu.memory_space<semaphore_mem>>) {add = true}
      %dma_start3A_93 = arith.constant 12 : i32
      %dma_start3A_94 = arith.constant 0 : i32
      %dma_start3A_95 = tpu.memref_slice %arg7[%dma_start3A_93, %dma_start3A_94] : memref<20x100xi32, #tpu.memory_space<vmem>> -> memref<1x100xi32, #tpu.memory_space<vmem>>
      %dma_start3A_96 = tpu.memref_squeeze %dma_start3A_95 : memref<1x100xi32, #tpu.memory_space<vmem>> -> memref<100xi32, #tpu.memory_space<vmem>>
      %dma_start3A_97 = arith.constant 0 : i32
      %dma_start3A_98 = arith.constant 0 : i32
      %dma_start3A_99 = tpu.memref_slice %arg6[%dma_start3A_97, %dma_start3A_98] : memref<10240x128xf32, #tpu.memory_space<vmem_shared>> -> memref<10240x128xf32, #tpu.memory_space<vmem_shared>>
      tpu.enqueue_indirect_dma source(%arg8 : memref<100x128xf32, #tpu.memory_space<vmem>>) target(%dma_start3A_99 : memref<10240x128xf32, #tpu.memory_space<vmem_shared>>) offsets(%dma_start3A_96 : memref<100xi32, #tpu.memory_space<vmem>>) semaphore(%arg9 : memref<!tpu.dma_semaphore, #tpu.memory_space<semaphore_mem>>) {add = true}
      %dma_start3A_100 = arith.constant 13 : i32
      %dma_start3A_101 = arith.constant 0 : i32
      %dma_start3A_102 = tpu.memref_slice %arg7[%dma_start3A_100, %dma_start3A_101] : memref<20x100xi32, #tpu.memory_space<vmem>> -> memref<1x100xi32, #tpu.memory_space<vmem>>
      %dma_start3A_103 = tpu.memref_squeeze %dma_start3A_102 : memref<1x100xi32, #tpu.memory_space<vmem>> -> memref<100xi32, #tpu.memory_space<vmem>>
      %dma_start3A_104 = arith.constant 0 : i32
      %dma_start3A_105 = arith.constant 0 : i32
      %dma_start3A_106 = tpu.memref_slice %arg6[%dma_start3A_104, %dma_start3A_105] : memref<10240x128xf32, #tpu.memory_space<vmem_shared>> -> memref<10240x128xf32, #tpu.memory_space<vmem_shared>>
      tpu.enqueue_indirect_dma source(%arg8 : memref<100x128xf32, #tpu.memory_space<vmem>>) target(%dma_start3A_106 : memref<10240x128xf32, #tpu.memory_space<vmem_shared>>) offsets(%dma_start3A_103 : memref<100xi32, #tpu.memory_space<vmem>>) semaphore(%arg9 : memref<!tpu.dma_semaphore, #tpu.memory_space<semaphore_mem>>) {add = true}
      %dma_start3A_107 = arith.constant 14 : i32
      %dma_start3A_108 = arith.constant 0 : i32
      %dma_start3A_109 = tpu.memref_slice %arg7[%dma_start3A_107, %dma_start3A_108] : memref<20x100xi32, #tpu.memory_space<vmem>> -> memref<1x100xi32, #tpu.memory_space<vmem>>
      %dma_start3A_110 = tpu.memref_squeeze %dma_start3A_109 : memref<1x100xi32, #tpu.memory_space<vmem>> -> memref<100xi32, #tpu.memory_space<vmem>>
      %dma_start3A_111 = arith.constant 0 : i32
      %dma_start3A_112 = arith.constant 0 : i32
      %dma_start3A_113 = tpu.memref_slice %arg6[%dma_start3A_111, %dma_start3A_112] : memref<10240x128xf32, #tpu.memory_space<vmem_shared>> -> memref<10240x128xf32, #tpu.memory_space<vmem_shared>>
      tpu.enqueue_indirect_dma source(%arg8 : memref<100x128xf32, #tpu.memory_space<vmem>>) target(%dma_start3A_113 : memref<10240x128xf32, #tpu.memory_space<vmem_shared>>) offsets(%dma_start3A_110 : memref<100xi32, #tpu.memory_space<vmem>>) semaphore(%arg9 : memref<!tpu.dma_semaphore, #tpu.memory_space<semaphore_mem>>) {add = true}
      %dma_start3A_114 = arith.constant 15 : i32
      %dma_start3A_115 = arith.constant 0 : i32
      %dma_start3A_116 = tpu.memref_slice %arg7[%dma_start3A_114, %dma_start3A_115] : memref<20x100xi32, #tpu.memory_space<vmem>> -> memref<1x100xi32, #tpu.memory_space<vmem>>
      %dma_start3A_117 = tpu.memref_squeeze %dma_start3A_116 : memref<1x100xi32, #tpu.memory_space<vmem>> -> memref<100xi32, #tpu.memory_space<vmem>>
      %dma_start3A_118 = arith.constant 0 : i32
      %dma_start3A_119 = arith.constant 0 : i32
      %dma_start3A_120 = tpu.memref_slice %arg6[%dma_start3A_118, %dma_start3A_119] : memref<10240x128xf32, #tpu.memory_space<vmem_shared>> -> memref<10240x128xf32, #tpu.memory_space<vmem_shared>>
      tpu.enqueue_indirect_dma source(%arg8 : memref<100x128xf32, #tpu.memory_space<vmem>>) target(%dma_start3A_120 : memref<10240x128xf32, #tpu.memory_space<vmem_shared>>) offsets(%dma_start3A_117 : memref<100xi32, #tpu.memory_space<vmem>>) semaphore(%arg9 : memref<!tpu.dma_semaphore, #tpu.memory_space<semaphore_mem>>) {add = true}
      %dma_start3A_121 = arith.constant 16 : i32
      %dma_start3A_122 = arith.constant 0 : i32
      %dma_start3A_123 = tpu.memref_slice %arg7[%dma_start3A_121, %dma_start3A_122] : memref<20x100xi32, #tpu.memory_space<vmem>> -> memref<1x100xi32, #tpu.memory_space<vmem>>
      %dma_start3A_124 = tpu.memref_squeeze %dma_start3A_123 : memref<1x100xi32, #tpu.memory_space<vmem>> -> memref<100xi32, #tpu.memory_space<vmem>>
      %dma_start3A_125 = arith.constant 0 : i32
      %dma_start3A_126 = arith.constant 0 : i32
      %dma_start3A_127 = tpu.memref_slice %arg6[%dma_start3A_125, %dma_start3A_126] : memref<10240x128xf32, #tpu.memory_space<vmem_shared>> -> memref<10240x128xf32, #tpu.memory_space<vmem_shared>>
      tpu.enqueue_indirect_dma source(%arg8 : memref<100x128xf32, #tpu.memory_space<vmem>>) target(%dma_start3A_127 : memref<10240x128xf32, #tpu.memory_space<vmem_shared>>) offsets(%dma_start3A_124 : memref<100xi32, #tpu.memory_space<vmem>>) semaphore(%arg9 : memref<!tpu.dma_semaphore, #tpu.memory_space<semaphore_mem>>) {add = true}
      %dma_start3A_128 = arith.constant 17 : i32
      %dma_start3A_129 = arith.constant 0 : i32
      %dma_start3A_130 = tpu.memref_slice %arg7[%dma_start3A_128, %dma_start3A_129] : memref<20x100xi32, #tpu.memory_space<vmem>> -> memref<1x100xi32, #tpu.memory_space<vmem>>
      %dma_start3A_131 = tpu.memref_squeeze %dma_start3A_130 : memref<1x100xi32, #tpu.memory_space<vmem>> -> memref<100xi32, #tpu.memory_space<vmem>>
      %dma_start3A_132 = arith.constant 0 : i32
      %dma_start3A_133 = arith.constant 0 : i32
      %dma_start3A_134 = tpu.memref_slice %arg6[%dma_start3A_132, %dma_start3A_133] : memref<10240x128xf32, #tpu.memory_space<vmem_shared>> -> memref<10240x128xf32, #tpu.memory_space<vmem_shared>>
      tpu.enqueue_indirect_dma source(%arg8 : memref<100x128xf32, #tpu.memory_space<vmem>>) target(%dma_start3A_134 : memref<10240x128xf32, #tpu.memory_space<vmem_shared>>) offsets(%dma_start3A_131 : memref<100xi32, #tpu.memory_space<vmem>>) semaphore(%arg9 : memref<!tpu.dma_semaphore, #tpu.memory_space<semaphore_mem>>) {add = true}
      %dma_start3A_135 = arith.constant 18 : i32
      %dma_start3A_136 = arith.constant 0 : i32
      %dma_start3A_137 = tpu.memref_slice %arg7[%dma_start3A_135, %dma_start3A_136] : memref<20x100xi32, #tpu.memory_space<vmem>> -> memref<1x100xi32, #tpu.memory_space<vmem>>
      %dma_start3A_138 = tpu.memref_squeeze %dma_start3A_137 : memref<1x100xi32, #tpu.memory_space<vmem>> -> memref<100xi32, #tpu.memory_space<vmem>>
      %dma_start3A_139 = arith.constant 0 : i32
      %dma_start3A_140 = arith.constant 0 : i32
      %dma_start3A_141 = tpu.memref_slice %arg6[%dma_start3A_139, %dma_start3A_140] : memref<10240x128xf32, #tpu.memory_space<vmem_shared>> -> memref<10240x128xf32, #tpu.memory_space<vmem_shared>>
      tpu.enqueue_indirect_dma source(%arg8 : memref<100x128xf32, #tpu.memory_space<vmem>>) target(%dma_start3A_141 : memref<10240x128xf32, #tpu.memory_space<vmem_shared>>) offsets(%dma_start3A_138 : memref<100xi32, #tpu.memory_space<vmem>>) semaphore(%arg9 : memref<!tpu.dma_semaphore, #tpu.memory_space<semaphore_mem>>) {add = true}
      %dma_start3A_142 = arith.constant 19 : i32
      %dma_start3A_143 = arith.constant 0 : i32
      %dma_start3A_144 = tpu.memref_slice %arg7[%dma_start3A_142, %dma_start3A_143] : memref<20x100xi32, #tpu.memory_space<vmem>> -> memref<1x100xi32, #tpu.memory_space<vmem>>
      %dma_start3A_145 = tpu.memref_squeeze %dma_start3A_144 : memref<1x100xi32, #tpu.memory_space<vmem>> -> memref<100xi32, #tpu.memory_space<vmem>>
      %dma_start3A_146 = arith.constant 0 : i32
      %dma_start3A_147 = arith.constant 0 : i32
      %dma_start3A_148 = tpu.memref_slice %arg6[%dma_start3A_146, %dma_start3A_147] : memref<10240x128xf32, #tpu.memory_space<vmem_shared>> -> memref<10240x128xf32, #tpu.memory_space<vmem_shared>>
      tpu.enqueue_indirect_dma source(%arg8 : memref<100x128xf32, #tpu.memory_space<vmem>>) target(%dma_start3A_148 : memref<10240x128xf32, #tpu.memory_space<vmem_shared>>) offsets(%dma_start3A_145 : memref<100xi32, #tpu.memory_space<vmem>>) semaphore(%arg9 : memref<!tpu.dma_semaphore, #tpu.memory_space<semaphore_mem>>) {add = true}
      %dma_wait3A = arith.constant 0 : i32
      %dma_wait3A_149 = arith.constant 0 : i32
      %dma_wait3A_150 = tpu.memref_slice %arg7[%dma_wait3A, %dma_wait3A_149] : memref<20x100xi32, #tpu.memory_space<vmem>> -> memref<1x100xi32, #tpu.memory_space<vmem>>
      %dma_wait3A_151 = tpu.memref_squeeze %dma_wait3A_150 : memref<1x100xi32, #tpu.memory_space<vmem>> -> memref<100xi32, #tpu.memory_space<vmem>>
      %dma_wait3A_152 = arith.constant 0 : i32
      %dma_wait3A_153 = arith.constant 0 : i32
      %dma_wait3A_154 = tpu.memref_slice %arg6[%dma_wait3A_152, %dma_wait3A_153] : memref<10240x128xf32, #tpu.memory_space<vmem_shared>> -> memref<10240x128xf32, #tpu.memory_space<vmem_shared>>
      tpu.wait_indirect_dma semaphore(%arg9 : memref<!tpu.dma_semaphore, #tpu.memory_space<semaphore_mem>>) src(%arg8 : memref<100x128xf32, #tpu.memory_space<vmem>>) dst(%dma_wait3A_154 : memref<10240x128xf32, #tpu.memory_space<vmem_shared>>)
      %dma_wait3A_155 = arith.constant 1 : i32
      %dma_wait3A_156 = arith.constant 0 : i32
      %dma_wait3A_157 = tpu.memref_slice %arg7[%dma_wait3A_155, %dma_wait3A_156] : memref<20x100xi32, #tpu.memory_space<vmem>> -> memref<1x100xi32, #tpu.memory_space<vmem>>
      %dma_wait3A_158 = tpu.memref_squeeze %dma_wait3A_157 : memref<1x100xi32, #tpu.memory_space<vmem>> -> memref<100xi32, #tpu.memory_space<vmem>>
      %dma_wait3A_159 = arith.constant 0 : i32
      %dma_wait3A_160 = arith.constant 0 : i32
      %dma_wait3A_161 = tpu.memref_slice %arg6[%dma_wait3A_159, %dma_wait3A_160] : memref<10240x128xf32, #tpu.memory_space<vmem_shared>> -> memref<10240x128xf32, #tpu.memory_space<vmem_shared>>
      tpu.wait_indirect_dma semaphore(%arg9 : memref<!tpu.dma_semaphore, #tpu.memory_space<semaphore_mem>>) src(%arg8 : memref<100x128xf32, #tpu.memory_space<vmem>>) dst(%dma_wait3A_161 : memref<10240x128xf32, #tpu.memory_space<vmem_shared>>)
      %dma_wait3A_162 = arith.constant 2 : i32
      %dma_wait3A_163 = arith.constant 0 : i32
      %dma_wait3A_164 = tpu.memref_slice %arg7[%dma_wait3A_162, %dma_wait3A_163] : memref<20x100xi32, #tpu.memory_space<vmem>> -> memref<1x100xi32, #tpu.memory_space<vmem>>
      %dma_wait3A_165 = tpu.memref_squeeze %dma_wait3A_164 : memref<1x100xi32, #tpu.memory_space<vmem>> -> memref<100xi32, #tpu.memory_space<vmem>>
      %dma_wait3A_166 = arith.constant 0 : i32
      %dma_wait3A_167 = arith.constant 0 : i32
      %dma_wait3A_168 = tpu.memref_slice %arg6[%dma_wait3A_166, %dma_wait3A_167] : memref<10240x128xf32, #tpu.memory_space<vmem_shared>> -> memref<10240x128xf32, #tpu.memory_space<vmem_shared>>
      tpu.wait_indirect_dma semaphore(%arg9 : memref<!tpu.dma_semaphore, #tpu.memory_space<semaphore_mem>>) src(%arg8 : memref<100x128xf32, #tpu.memory_space<vmem>>) dst(%dma_wait3A_168 : memref<10240x128xf32, #tpu.memory_space<vmem_shared>>)
      %dma_wait3A_169 = arith.constant 3 : i32
      %dma_wait3A_170 = arith.constant 0 : i32
      %dma_wait3A_171 = tpu.memref_slice %arg7[%dma_wait3A_169, %dma_wait3A_170] : memref<20x100xi32, #tpu.memory_space<vmem>> -> memref<1x100xi32, #tpu.memory_space<vmem>>
      %dma_wait3A_172 = tpu.memref_squeeze %dma_wait3A_171 : memref<1x100xi32, #tpu.memory_space<vmem>> -> memref<100xi32, #tpu.memory_space<vmem>>
      %dma_wait3A_173 = arith.constant 0 : i32
      %dma_wait3A_174 = arith.constant 0 : i32
      %dma_wait3A_175 = tpu.memref_slice %arg6[%dma_wait3A_173, %dma_wait3A_174] : memref<10240x128xf32, #tpu.memory_space<vmem_shared>> -> memref<10240x128xf32, #tpu.memory_space<vmem_shared>>
      tpu.wait_indirect_dma semaphore(%arg9 : memref<!tpu.dma_semaphore, #tpu.memory_space<semaphore_mem>>) src(%arg8 : memref<100x128xf32, #tpu.memory_space<vmem>>) dst(%dma_wait3A_175 : memref<10240x128xf32, #tpu.memory_space<vmem_shared>>)
      %dma_wait3A_176 = arith.constant 4 : i32
      %dma_wait3A_177 = arith.constant 0 : i32
      %dma_wait3A_178 = tpu.memref_slice %arg7[%dma_wait3A_176, %dma_wait3A_177] : memref<20x100xi32, #tpu.memory_space<vmem>> -> memref<1x100xi32, #tpu.memory_space<vmem>>
      %dma_wait3A_179 = tpu.memref_squeeze %dma_wait3A_178 : memref<1x100xi32, #tpu.memory_space<vmem>> -> memref<100xi32, #tpu.memory_space<vmem>>
      %dma_wait3A_180 = arith.constant 0 : i32
      %dma_wait3A_181 = arith.constant 0 : i32
      %dma_wait3A_182 = tpu.memref_slice %arg6[%dma_wait3A_180, %dma_wait3A_181] : memref<10240x128xf32, #tpu.memory_space<vmem_shared>> -> memref<10240x128xf32, #tpu.memory_space<vmem_shared>>
      tpu.wait_indirect_dma semaphore(%arg9 : memref<!tpu.dma_semaphore, #tpu.memory_space<semaphore_mem>>) src(%arg8 : memref<100x128xf32, #tpu.memory_space<vmem>>) dst(%dma_wait3A_182 : memref<10240x128xf32, #tpu.memory_space<vmem_shared>>)
      %dma_wait3A_183 = arith.constant 5 : i32
      %dma_wait3A_184 = arith.constant 0 : i32
      %dma_wait3A_185 = tpu.memref_slice %arg7[%dma_wait3A_183, %dma_wait3A_184] : memref<20x100xi32, #tpu.memory_space<vmem>> -> memref<1x100xi32, #tpu.memory_space<vmem>>
      %dma_wait3A_186 = tpu.memref_squeeze %dma_wait3A_185 : memref<1x100xi32, #tpu.memory_space<vmem>> -> memref<100xi32, #tpu.memory_space<vmem>>
      %dma_wait3A_187 = arith.constant 0 : i32
      %dma_wait3A_188 = arith.constant 0 : i32
      %dma_wait3A_189 = tpu.memref_slice %arg6[%dma_wait3A_187, %dma_wait3A_188] : memref<10240x128xf32, #tpu.memory_space<vmem_shared>> -> memref<10240x128xf32, #tpu.memory_space<vmem_shared>>
      tpu.wait_indirect_dma semaphore(%arg9 : memref<!tpu.dma_semaphore, #tpu.memory_space<semaphore_mem>>) src(%arg8 : memref<100x128xf32, #tpu.memory_space<vmem>>) dst(%dma_wait3A_189 : memref<10240x128xf32, #tpu.memory_space<vmem_shared>>)
      %dma_wait3A_190 = arith.constant 6 : i32
      %dma_wait3A_191 = arith.constant 0 : i32
      %dma_wait3A_192 = tpu.memref_slice %arg7[%dma_wait3A_190, %dma_wait3A_191] : memref<20x100xi32, #tpu.memory_space<vmem>> -> memref<1x100xi32, #tpu.memory_space<vmem>>
      %dma_wait3A_193 = tpu.memref_squeeze %dma_wait3A_192 : memref<1x100xi32, #tpu.memory_space<vmem>> -> memref<100xi32, #tpu.memory_space<vmem>>
      %dma_wait3A_194 = arith.constant 0 : i32
      %dma_wait3A_195 = arith.constant 0 : i32
      %dma_wait3A_196 = tpu.memref_slice %arg6[%dma_wait3A_194, %dma_wait3A_195] : memref<10240x128xf32, #tpu.memory_space<vmem_shared>> -> memref<10240x128xf32, #tpu.memory_space<vmem_shared>>
      tpu.wait_indirect_dma semaphore(%arg9 : memref<!tpu.dma_semaphore, #tpu.memory_space<semaphore_mem>>) src(%arg8 : memref<100x128xf32, #tpu.memory_space<vmem>>) dst(%dma_wait3A_196 : memref<10240x128xf32, #tpu.memory_space<vmem_shared>>)
      %dma_wait3A_197 = arith.constant 7 : i32
      %dma_wait3A_198 = arith.constant 0 : i32
      %dma_wait3A_199 = tpu.memref_slice %arg7[%dma_wait3A_197, %dma_wait3A_198] : memref<20x100xi32, #tpu.memory_space<vmem>> -> memref<1x100xi32, #tpu.memory_space<vmem>>
      %dma_wait3A_200 = tpu.memref_squeeze %dma_wait3A_199 : memref<1x100xi32, #tpu.memory_space<vmem>> -> memref<100xi32, #tpu.memory_space<vmem>>
      %dma_wait3A_201 = arith.constant 0 : i32
      %dma_wait3A_202 = arith.constant 0 : i32
      %dma_wait3A_203 = tpu.memref_slice %arg6[%dma_wait3A_201, %dma_wait3A_202] : memref<10240x128xf32, #tpu.memory_space<vmem_shared>> -> memref<10240x128xf32, #tpu.memory_space<vmem_shared>>
      tpu.wait_indirect_dma semaphore(%arg9 : memref<!tpu.dma_semaphore, #tpu.memory_space<semaphore_mem>>) src(%arg8 : memref<100x128xf32, #tpu.memory_space<vmem>>) dst(%dma_wait3A_203 : memref<10240x128xf32, #tpu.memory_space<vmem_shared>>)
      %dma_wait3A_204 = arith.constant 8 : i32
      %dma_wait3A_205 = arith.constant 0 : i32
      %dma_wait3A_206 = tpu.memref_slice %arg7[%dma_wait3A_204, %dma_wait3A_205] : memref<20x100xi32, #tpu.memory_space<vmem>> -> memref<1x100xi32, #tpu.memory_space<vmem>>
      %dma_wait3A_207 = tpu.memref_squeeze %dma_wait3A_206 : memref<1x100xi32, #tpu.memory_space<vmem>> -> memref<100xi32, #tpu.memory_space<vmem>>
      %dma_wait3A_208 = arith.constant 0 : i32
      %dma_wait3A_209 = arith.constant 0 : i32
      %dma_wait3A_210 = tpu.memref_slice %arg6[%dma_wait3A_208, %dma_wait3A_209] : memref<10240x128xf32, #tpu.memory_space<vmem_shared>> -> memref<10240x128xf32, #tpu.memory_space<vmem_shared>>
      tpu.wait_indirect_dma semaphore(%arg9 : memref<!tpu.dma_semaphore, #tpu.memory_space<semaphore_mem>>) src(%arg8 : memref<100x128xf32, #tpu.memory_space<vmem>>) dst(%dma_wait3A_210 : memref<10240x128xf32, #tpu.memory_space<vmem_shared>>)
      %dma_wait3A_211 = arith.constant 9 : i32
      %dma_wait3A_212 = arith.constant 0 : i32
      %dma_wait3A_213 = tpu.memref_slice %arg7[%dma_wait3A_211, %dma_wait3A_212] : memref<20x100xi32, #tpu.memory_space<vmem>> -> memref<1x100xi32, #tpu.memory_space<vmem>>
      %dma_wait3A_214 = tpu.memref_squeeze %dma_wait3A_213 : memref<1x100xi32, #tpu.memory_space<vmem>> -> memref<100xi32, #tpu.memory_space<vmem>>
      %dma_wait3A_215 = arith.constant 0 : i32
      %dma_wait3A_216 = arith.constant 0 : i32
      %dma_wait3A_217 = tpu.memref_slice %arg6[%dma_wait3A_215, %dma_wait3A_216] : memref<10240x128xf32, #tpu.memory_space<vmem_shared>> -> memref<10240x128xf32, #tpu.memory_space<vmem_shared>>
      tpu.wait_indirect_dma semaphore(%arg9 : memref<!tpu.dma_semaphore, #tpu.memory_space<semaphore_mem>>) src(%arg8 : memref<100x128xf32, #tpu.memory_space<vmem>>) dst(%dma_wait3A_217 : memref<10240x128xf32, #tpu.memory_space<vmem_shared>>)
      %dma_wait3A_218 = arith.constant 10 : i32
      %dma_wait3A_219 = arith.constant 0 : i32
      %dma_wait3A_220 = tpu.memref_slice %arg7[%dma_wait3A_218, %dma_wait3A_219] : memref<20x100xi32, #tpu.memory_space<vmem>> -> memref<1x100xi32, #tpu.memory_space<vmem>>
      %dma_wait3A_221 = tpu.memref_squeeze %dma_wait3A_220 : memref<1x100xi32, #tpu.memory_space<vmem>> -> memref<100xi32, #tpu.memory_space<vmem>>
      %dma_wait3A_222 = arith.constant 0 : i32
      %dma_wait3A_223 = arith.constant 0 : i32
      %dma_wait3A_224 = tpu.memref_slice %arg6[%dma_wait3A_222, %dma_wait3A_223] : memref<10240x128xf32, #tpu.memory_space<vmem_shared>> -> memref<10240x128xf32, #tpu.memory_space<vmem_shared>>
      tpu.wait_indirect_dma semaphore(%arg9 : memref<!tpu.dma_semaphore, #tpu.memory_space<semaphore_mem>>) src(%arg8 : memref<100x128xf32, #tpu.memory_space<vmem>>) dst(%dma_wait3A_224 : memref<10240x128xf32, #tpu.memory_space<vmem_shared>>)
      %dma_wait3A_225 = arith.constant 11 : i32
      %dma_wait3A_226 = arith.constant 0 : i32
      %dma_wait3A_227 = tpu.memref_slice %arg7[%dma_wait3A_225, %dma_wait3A_226] : memref<20x100xi32, #tpu.memory_space<vmem>> -> memref<1x100xi32, #tpu.memory_space<vmem>>
      %dma_wait3A_228 = tpu.memref_squeeze %dma_wait3A_227 : memref<1x100xi32, #tpu.memory_space<vmem>> -> memref<100xi32, #tpu.memory_space<vmem>>
      %dma_wait3A_229 = arith.constant 0 : i32
      %dma_wait3A_230 = arith.constant 0 : i32
      %dma_wait3A_231 = tpu.memref_slice %arg6[%dma_wait3A_229, %dma_wait3A_230] : memref<10240x128xf32, #tpu.memory_space<vmem_shared>> -> memref<10240x128xf32, #tpu.memory_space<vmem_shared>>
      tpu.wait_indirect_dma semaphore(%arg9 : memref<!tpu.dma_semaphore, #tpu.memory_space<semaphore_mem>>) src(%arg8 : memref<100x128xf32, #tpu.memory_space<vmem>>) dst(%dma_wait3A_231 : memref<10240x128xf32, #tpu.memory_space<vmem_shared>>)
      %dma_wait3A_232 = arith.constant 12 : i32
      %dma_wait3A_233 = arith.constant 0 : i32
      %dma_wait3A_234 = tpu.memref_slice %arg7[%dma_wait3A_232, %dma_wait3A_233] : memref<20x100xi32, #tpu.memory_space<vmem>> -> memref<1x100xi32, #tpu.memory_space<vmem>>
      %dma_wait3A_235 = tpu.memref_squeeze %dma_wait3A_234 : memref<1x100xi32, #tpu.memory_space<vmem>> -> memref<100xi32, #tpu.memory_space<vmem>>
      %dma_wait3A_236 = arith.constant 0 : i32
      %dma_wait3A_237 = arith.constant 0 : i32
      %dma_wait3A_238 = tpu.memref_slice %arg6[%dma_wait3A_236, %dma_wait3A_237] : memref<10240x128xf32, #tpu.memory_space<vmem_shared>> -> memref<10240x128xf32, #tpu.memory_space<vmem_shared>>
      tpu.wait_indirect_dma semaphore(%arg9 : memref<!tpu.dma_semaphore, #tpu.memory_space<semaphore_mem>>) src(%arg8 : memref<100x128xf32, #tpu.memory_space<vmem>>) dst(%dma_wait3A_238 : memref<10240x128xf32, #tpu.memory_space<vmem_shared>>)
      %dma_wait3A_239 = arith.constant 13 : i32
      %dma_wait3A_240 = arith.constant 0 : i32
      %dma_wait3A_241 = tpu.memref_slice %arg7[%dma_wait3A_239, %dma_wait3A_240] : memref<20x100xi32, #tpu.memory_space<vmem>> -> memref<1x100xi32, #tpu.memory_space<vmem>>
      %dma_wait3A_242 = tpu.memref_squeeze %dma_wait3A_241 : memref<1x100xi32, #tpu.memory_space<vmem>> -> memref<100xi32, #tpu.memory_space<vmem>>
      %dma_wait3A_243 = arith.constant 0 : i32
      %dma_wait3A_244 = arith.constant 0 : i32
      %dma_wait3A_245 = tpu.memref_slice %arg6[%dma_wait3A_243, %dma_wait3A_244] : memref<10240x128xf32, #tpu.memory_space<vmem_shared>> -> memref<10240x128xf32, #tpu.memory_space<vmem_shared>>
      tpu.wait_indirect_dma semaphore(%arg9 : memref<!tpu.dma_semaphore, #tpu.memory_space<semaphore_mem>>) src(%arg8 : memref<100x128xf32, #tpu.memory_space<vmem>>) dst(%dma_wait3A_245 : memref<10240x128xf32, #tpu.memory_space<vmem_shared>>)
      %dma_wait3A_246 = arith.constant 14 : i32
      %dma_wait3A_247 = arith.constant 0 : i32
      %dma_wait3A_248 = tpu.memref_slice %arg7[%dma_wait3A_246, %dma_wait3A_247] : memref<20x100xi32, #tpu.memory_space<vmem>> -> memref<1x100xi32, #tpu.memory_space<vmem>>
      %dma_wait3A_249 = tpu.memref_squeeze %dma_wait3A_248 : memref<1x100xi32, #tpu.memory_space<vmem>> -> memref<100xi32, #tpu.memory_space<vmem>>
      %dma_wait3A_250 = arith.constant 0 : i32
      %dma_wait3A_251 = arith.constant 0 : i32
      %dma_wait3A_252 = tpu.memref_slice %arg6[%dma_wait3A_250, %dma_wait3A_251] : memref<10240x128xf32, #tpu.memory_space<vmem_shared>> -> memref<10240x128xf32, #tpu.memory_space<vmem_shared>>
      tpu.wait_indirect_dma semaphore(%arg9 : memref<!tpu.dma_semaphore, #tpu.memory_space<semaphore_mem>>) src(%arg8 : memref<100x128xf32, #tpu.memory_space<vmem>>) dst(%dma_wait3A_252 : memref<10240x128xf32, #tpu.memory_space<vmem_shared>>)
      %dma_wait3A_253 = arith.constant 15 : i32
      %dma_wait3A_254 = arith.constant 0 : i32
      %dma_wait3A_255 = tpu.memref_slice %arg7[%dma_wait3A_253, %dma_wait3A_254] : memref<20x100xi32, #tpu.memory_space<vmem>> -> memref<1x100xi32, #tpu.memory_space<vmem>>
      %dma_wait3A_256 = tpu.memref_squeeze %dma_wait3A_255 : memref<1x100xi32, #tpu.memory_space<vmem>> -> memref<100xi32, #tpu.memory_space<vmem>>
      %dma_wait3A_257 = arith.constant 0 : i32
      %dma_wait3A_258 = arith.constant 0 : i32
      %dma_wait3A_259 = tpu.memref_slice %arg6[%dma_wait3A_257, %dma_wait3A_258] : memref<10240x128xf32, #tpu.memory_space<vmem_shared>> -> memref<10240x128xf32, #tpu.memory_space<vmem_shared>>
      tpu.wait_indirect_dma semaphore(%arg9 : memref<!tpu.dma_semaphore, #tpu.memory_space<semaphore_mem>>) src(%arg8 : memref<100x128xf32, #tpu.memory_space<vmem>>) dst(%dma_wait3A_259 : memref<10240x128xf32, #tpu.memory_space<vmem_shared>>)
      %dma_wait3A_260 = arith.constant 16 : i32
      %dma_wait3A_261 = arith.constant 0 : i32
      %dma_wait3A_262 = tpu.memref_slice %arg7[%dma_wait3A_260, %dma_wait3A_261] : memref<20x100xi32, #tpu.memory_space<vmem>> -> memref<1x100xi32, #tpu.memory_space<vmem>>
      %dma_wait3A_263 = tpu.memref_squeeze %dma_wait3A_262 : memref<1x100xi32, #tpu.memory_space<vmem>> -> memref<100xi32, #tpu.memory_space<vmem>>
      %dma_wait3A_264 = arith.constant 0 : i32
      %dma_wait3A_265 = arith.constant 0 : i32
      %dma_wait3A_266 = tpu.memref_slice %arg6[%dma_wait3A_264, %dma_wait3A_265] : memref<10240x128xf32, #tpu.memory_space<vmem_shared>> -> memref<10240x128xf32, #tpu.memory_space<vmem_shared>>
      tpu.wait_indirect_dma semaphore(%arg9 : memref<!tpu.dma_semaphore, #tpu.memory_space<semaphore_mem>>) src(%arg8 : memref<100x128xf32, #tpu.memory_space<vmem>>) dst(%dma_wait3A_266 : memref<10240x128xf32, #tpu.memory_space<vmem_shared>>)
      %dma_wait3A_267 = arith.constant 17 : i32
      %dma_wait3A_268 = arith.constant 0 : i32
      %dma_wait3A_269 = tpu.memref_slice %arg7[%dma_wait3A_267, %dma_wait3A_268] : memref<20x100xi32, #tpu.memory_space<vmem>> -> memref<1x100xi32, #tpu.memory_space<vmem>>
      %dma_wait3A_270 = tpu.memref_squeeze %dma_wait3A_269 : memref<1x100xi32, #tpu.memory_space<vmem>> -> memref<100xi32, #tpu.memory_space<vmem>>
      %dma_wait3A_271 = arith.constant 0 : i32
      %dma_wait3A_272 = arith.constant 0 : i32
      %dma_wait3A_273 = tpu.memref_slice %arg6[%dma_wait3A_271, %dma_wait3A_272] : memref<10240x128xf32, #tpu.memory_space<vmem_shared>> -> memref<10240x128xf32, #tpu.memory_space<vmem_shared>>
      tpu.wait_indirect_dma semaphore(%arg9 : memref<!tpu.dma_semaphore, #tpu.memory_space<semaphore_mem>>) src(%arg8 : memref<100x128xf32, #tpu.memory_space<vmem>>) dst(%dma_wait3A_273 : memref<10240x128xf32, #tpu.memory_space<vmem_shared>>)
      %dma_wait3A_274 = arith.constant 18 : i32
      %dma_wait3A_275 = arith.constant 0 : i32
      %dma_wait3A_276 = tpu.memref_slice %arg7[%dma_wait3A_274, %dma_wait3A_275] : memref<20x100xi32, #tpu.memory_space<vmem>> -> memref<1x100xi32, #tpu.memory_space<vmem>>
      %dma_wait3A_277 = tpu.memref_squeeze %dma_wait3A_276 : memref<1x100xi32, #tpu.memory_space<vmem>> -> memref<100xi32, #tpu.memory_space<vmem>>
      %dma_wait3A_278 = arith.constant 0 : i32
      %dma_wait3A_279 = arith.constant 0 : i32
      %dma_wait3A_280 = tpu.memref_slice %arg6[%dma_wait3A_278, %dma_wait3A_279] : memref<10240x128xf32, #tpu.memory_space<vmem_shared>> -> memref<10240x128xf32, #tpu.memory_space<vmem_shared>>
      tpu.wait_indirect_dma semaphore(%arg9 : memref<!tpu.dma_semaphore, #tpu.memory_space<semaphore_mem>>) src(%arg8 : memref<100x128xf32, #tpu.memory_space<vmem>>) dst(%dma_wait3A_280 : memref<10240x128xf32, #tpu.memory_space<vmem_shared>>)
      %dma_wait3A_281 = arith.constant 19 : i32
      %dma_wait3A_282 = arith.constant 0 : i32
      %dma_wait3A_283 = tpu.memref_slice %arg7[%dma_wait3A_281, %dma_wait3A_282] : memref<20x100xi32, #tpu.memory_space<vmem>> -> memref<1x100xi32, #tpu.memory_space<vmem>>
      %dma_wait3A_284 = tpu.memref_squeeze %dma_wait3A_283 : memref<1x100xi32, #tpu.memory_space<vmem>> -> memref<100xi32, #tpu.memory_space<vmem>>
      %dma_wait3A_285 = arith.constant 0 : i32
      %dma_wait3A_286 = arith.constant 0 : i32
      %dma_wait3A_287 = tpu.memref_slice %arg6[%dma_wait3A_285, %dma_wait3A_286] : memref<10240x128xf32, #tpu.memory_space<vmem_shared>> -> memref<10240x128xf32, #tpu.memory_space<vmem_shared>>
      tpu.wait_indirect_dma semaphore(%arg9 : memref<!tpu.dma_semaphore, #tpu.memory_space<semaphore_mem>>) src(%arg8 : memref<100x128xf32, #tpu.memory_space<vmem>>) dst(%dma_wait3A_287 : memref<10240x128xf32, #tpu.memory_space<vmem_shared>>)
    }
    %scan3A_7 = arith.constant 5 : i32
    %barrier3A_8 = arith.constant 0 : index
    tpu.barrier barrier_id(%barrier3A_8)
    "tpu.region"() ({
      %run_scoped3A = tpu.sem_alloc : memref<!tpu.dma_semaphore, #tpu.memory_space<semaphore_mem>>
      %dma_start3A = arith.constant 0 : i32
      %dma_start3A_9 = tpu.memref_slice %arg5[%arg0, %mul3A_2, %dma_start3A] : memref<2x10240x128xf32, #tpu.memory_space<hbm>> -> memref<1x640x128xf32, #tpu.memory_space<hbm>>
      %dma_start3A_10 = tpu.memref_squeeze %dma_start3A_9 : memref<1x640x128xf32, #tpu.memory_space<hbm>> -> memref<640x128xf32, #tpu.memory_space<hbm>>
      %dma_start3A_11 = arith.constant 0 : i32
      %dma_start3A_12 = tpu.memref_slice %arg6[%mul3A_2, %dma_start3A_11] : memref<10240x128xf32, #tpu.memory_space<vmem_shared>> -> memref<640x128xf32, #tpu.memory_space<vmem_shared>>
      tpu.enqueue_dma source(%dma_start3A_12 : memref<640x128xf32, #tpu.memory_space<vmem_shared>>) target(%dma_start3A_10 : memref<640x128xf32, #tpu.memory_space<hbm>>) target_semaphore(%run_scoped3A : memref<!tpu.dma_semaphore, #tpu.memory_space<semaphore_mem>>)
      %dma_wait3A = arith.constant 0 : i32
      %dma_wait3A_13 = tpu.memref_slice %arg5[%arg0, %mul3A_2, %dma_wait3A] : memref<2x10240x128xf32, #tpu.memory_space<hbm>> -> memref<1x640x128xf32, #tpu.memory_space<hbm>>
      %dma_wait3A_14 = tpu.memref_squeeze %dma_wait3A_13 : memref<1x640x128xf32, #tpu.memory_space<hbm>> -> memref<640x128xf32, #tpu.memory_space<hbm>>
      %dma_wait3A_15 = arith.constant 0 : i32
      %dma_wait3A_16 = tpu.memref_slice %arg6[%mul3A_2, %dma_wait3A_15] : memref<10240x128xf32, #tpu.memory_space<vmem_shared>> -> memref<640x128xf32, #tpu.memory_space<vmem_shared>>
      tpu.wait_dma2 semaphore(%run_scoped3A : memref<!tpu.dma_semaphore, #tpu.memory_space<semaphore_mem>>) src(%dma_wait3A_16 : memref<640x128xf32, #tpu.memory_space<vmem_shared>>) dst(%dma_wait3A_14 : memref<640x128xf32, #tpu.memory_space<hbm>>)
      tpu.yield
    }) : () -> ()
    return
  }
}

#map = affine_map<(d0, d1) -> (0, 0)>
#map1 = affine_map<(d0, d1) -> (0, 0, 0, 0)>
#map2 = affine_map<(d0, d1) -> (0, 0, 0)>
module attributes {stable_mosaic.version = 14 : i64} {
  func.func @body(%arg0: i32, %arg1: i32, %arg2: memref<10240x128xf32, #tpu.memory_space<hbm>>, %arg3: memref<32x5x20x100xi32, #tpu.memory_space<hbm>>, %arg4: memref<32x5x20x100xi32, #tpu.memory_space<hbm>>, %arg5: memref<10240x128xf32, #tpu.memory_space<hbm>>, %arg6: memref<100x128xf32, #tpu.memory_space<hbm>>, %arg7: memref<2x10240x128xf32, #tpu.memory_space<hbm>>, %arg8: memref<10240x128xf32, #tpu.memory_space<vmem_shared>>, %arg9: memref<20x100xi32, #tpu.memory_space<vmem>>, %arg10: memref<20x100xi32, #tpu.memory_space<vmem>>, %arg11: memref<100x128xf32, #tpu.memory_space<vmem>>, %arg12: memref<100x128xf32, #tpu.memory_space<vmem>>, %arg13: memref<!tpu.dma_semaphore, #tpu.memory_space<semaphore_mem>>, %arg14: memref<!tpu.dma_semaphore, #tpu.memory_space<semaphore_mem>>, %arg15: memref<!tpu.dma_semaphore, #tpu.memory_space<semaphore_mem>>, %arg16: memref<!tpu.dma_semaphore, #tpu.memory_space<semaphore_mem>>) attributes {dimension_semantics = [#tpu.dimension_semantics<core_parallel>, #tpu.dimension_semantics<subcore_parallel>], iteration_bounds = array<i64: 2, 16>, scalar_prefetch = 0 : i64, scratch_operands = 9 : i64, tpu.core_type = #tpu.core_type<sc_vector_subcore>, window_params = [{transform_indices = #map}, {transform_indices = #map1}, {transform_indices = #map1}, {transform_indices = #map}, {transform_indices = #map}, {transform_indices = #map2}]} {
    %mul3A = arith.constant 16 : i32
    %mul3A_0 = arith.muli %arg0, %mul3A : i32
    %add3A = arith.addi %mul3A_0, %arg1 : i32
    %mul3A_1 = arith.constant 640 : i32
    %mul3A_2 = arith.muli %arg1, %mul3A_1 : i32
    "tpu.region"() ({
      %run_scoped3A = tpu.sem_alloc : memref<!tpu.dma_semaphore, #tpu.memory_space<semaphore_mem>>
      %dma_start3A = arith.constant 0 : i32
      %dma_start3A_9 = tpu.memref_slice %arg8[%mul3A_2, %dma_start3A] : memref<10240x128xf32, #tpu.memory_space<vmem_shared>> -> memref<640x128xf32, #tpu.memory_space<vmem_shared>>
      %dma_start3A_10 = arith.constant 0 : i32
      %dma_start3A_11 = tpu.memref_slice %arg5[%mul3A_2, %dma_start3A_10] : memref<10240x128xf32, #tpu.memory_space<hbm>> -> memref<640x128xf32, #tpu.memory_space<hbm>>
      tpu.enqueue_dma source(%dma_start3A_11 : memref<640x128xf32, #tpu.memory_space<hbm>>) target(%dma_start3A_9 : memref<640x128xf32, #tpu.memory_space<vmem_shared>>) target_semaphore(%run_scoped3A : memref<!tpu.dma_semaphore, #tpu.memory_space<semaphore_mem>>)
      %dma_wait3A = arith.constant 0 : i32
      %dma_wait3A_12 = tpu.memref_slice %arg8[%mul3A_2, %dma_wait3A] : memref<10240x128xf32, #tpu.memory_space<vmem_shared>> -> memref<640x128xf32, #tpu.memory_space<vmem_shared>>
      %dma_wait3A_13 = arith.constant 0 : i32
      %dma_wait3A_14 = tpu.memref_slice %arg5[%mul3A_2, %dma_wait3A_13] : memref<10240x128xf32, #tpu.memory_space<hbm>> -> memref<640x128xf32, #tpu.memory_space<hbm>>
      tpu.wait_dma2 semaphore(%run_scoped3A : memref<!tpu.dma_semaphore, #tpu.memory_space<semaphore_mem>>) src(%dma_wait3A_14 : memref<640x128xf32, #tpu.memory_space<hbm>>) dst(%dma_wait3A_12 : memref<640x128xf32, #tpu.memory_space<vmem_shared>>)
      tpu.yield
    }) : () -> ()
    %barrier3A = arith.constant 0 : index
    tpu.barrier barrier_id(%barrier3A)
    %scan3A = arith.constant 0 : i32
    %scan3A_3 = arith.constant 0 : i32
    %scan3A_4 = arith.constant 5 : i32
    %scan3A_5 = arith.addi %scan3A_3, %scan3A_4 : i32
    %scan3A_6 = arith.constant 1 : i32
    scf.for %scan3A_9 = %scan3A_3 to %scan3A_5 step %scan3A_6  : i32 {
      "tpu.region"() ({
        %run_scoped3A = tpu.sem_alloc : memref<!tpu.dma_semaphore, #tpu.memory_space<semaphore_mem>>
        %dma_start3A_291 = arith.constant 0 : i32
        %dma_start3A_292 = arith.constant 0 : i32
        %dma_start3A_293 = tpu.memref_slice %arg3[%add3A, %scan3A_9, %dma_start3A_291, %dma_start3A_292] : memref<32x5x20x100xi32, #tpu.memory_space<hbm>> -> memref<1x1x20x100xi32, #tpu.memory_space<hbm>>
        %dma_start3A_294 = tpu.memref_squeeze %dma_start3A_293 : memref<1x1x20x100xi32, #tpu.memory_space<hbm>> -> memref<20x100xi32, #tpu.memory_space<hbm>>
        %dma_start3A_295 = arith.constant 0 : i32
        %dma_start3A_296 = arith.constant 0 : i32
        %dma_start3A_297 = tpu.memref_slice %arg3[%add3A, %scan3A_9, %dma_start3A_295, %dma_start3A_296] : memref<32x5x20x100xi32, #tpu.memory_space<hbm>> -> memref<1x1x20x100xi32, #tpu.memory_space<hbm>>
        %dma_start3A_298 = tpu.memref_squeeze %dma_start3A_297 : memref<1x1x20x100xi32, #tpu.memory_space<hbm>> -> memref<20x100xi32, #tpu.memory_space<hbm>>
        tpu.enqueue_dma source(%dma_start3A_298 : memref<20x100xi32, #tpu.memory_space<hbm>>) target(%arg9 : memref<20x100xi32, #tpu.memory_space<vmem>>) target_semaphore(%run_scoped3A : memref<!tpu.dma_semaphore, #tpu.memory_space<semaphore_mem>>)
        %dma_wait3A = arith.constant 0 : i32
        %dma_wait3A_299 = arith.constant 0 : i32
        %dma_wait3A_300 = tpu.memref_slice %arg3[%add3A, %scan3A_9, %dma_wait3A, %dma_wait3A_299] : memref<32x5x20x100xi32, #tpu.memory_space<hbm>> -> memref<1x1x20x100xi32, #tpu.memory_space<hbm>>
        %dma_wait3A_301 = tpu.memref_squeeze %dma_wait3A_300 : memref<1x1x20x100xi32, #tpu.memory_space<hbm>> -> memref<20x100xi32, #tpu.memory_space<hbm>>
        %dma_wait3A_302 = arith.constant 0 : i32
        %dma_wait3A_303 = arith.constant 0 : i32
        %dma_wait3A_304 = tpu.memref_slice %arg3[%add3A, %scan3A_9, %dma_wait3A_302, %dma_wait3A_303] : memref<32x5x20x100xi32, #tpu.memory_space<hbm>> -> memref<1x1x20x100xi32, #tpu.memory_space<hbm>>
        %dma_wait3A_305 = tpu.memref_squeeze %dma_wait3A_304 : memref<1x1x20x100xi32, #tpu.memory_space<hbm>> -> memref<20x100xi32, #tpu.memory_space<hbm>>
        tpu.wait_dma2 semaphore(%run_scoped3A : memref<!tpu.dma_semaphore, #tpu.memory_space<semaphore_mem>>) src(%dma_wait3A_305 : memref<20x100xi32, #tpu.memory_space<hbm>>) dst(%arg9 : memref<20x100xi32, #tpu.memory_space<vmem>>)
        tpu.yield
      }) : () -> ()
      %gt3A = arith.constant 0 : i32
      %gt3A_10 = arith.cmpi sgt, %scan3A_9, %gt3A : i32
      %convert_element_type3A = arith.extui %gt3A_10 : i1 to i32
      %cond3A = arith.constant 0 : i32
      %cond3A_11 = arith.cmpi ne, %convert_element_type3A, %cond3A : i32
      scf.if %cond3A_11 {
        tpu.wait_dma2 semaphore(%arg15 : memref<!tpu.dma_semaphore, #tpu.memory_space<semaphore_mem>>) src(%arg6 : memref<100x128xf32, #tpu.memory_space<hbm>>) dst(%arg11 : memref<100x128xf32, #tpu.memory_space<vmem>>)
        tpu.wait_dma2 semaphore(%arg16 : memref<!tpu.dma_semaphore, #tpu.memory_space<semaphore_mem>>) src(%arg6 : memref<100x128xf32, #tpu.memory_space<hbm>>) dst(%arg12 : memref<100x128xf32, #tpu.memory_space<vmem>>)
      } else {
      }
      "tpu.region"() ({
        %run_scoped3A = tpu.sem_alloc : memref<!tpu.dma_semaphore, #tpu.memory_space<semaphore_mem>>
        %dma_start3A_291 = arith.constant 0 : i32
        %dma_start3A_292 = arith.constant 0 : i32
        %dma_start3A_293 = tpu.memref_slice %arg4[%add3A, %scan3A_9, %dma_start3A_291, %dma_start3A_292] : memref<32x5x20x100xi32, #tpu.memory_space<hbm>> -> memref<1x1x20x100xi32, #tpu.memory_space<hbm>>
        %dma_start3A_294 = tpu.memref_squeeze %dma_start3A_293 : memref<1x1x20x100xi32, #tpu.memory_space<hbm>> -> memref<20x100xi32, #tpu.memory_space<hbm>>
        %dma_start3A_295 = arith.constant 0 : i32
        %dma_start3A_296 = arith.constant 0 : i32
        %dma_start3A_297 = tpu.memref_slice %arg4[%add3A, %scan3A_9, %dma_start3A_295, %dma_start3A_296] : memref<32x5x20x100xi32, #tpu.memory_space<hbm>> -> memref<1x1x20x100xi32, #tpu.memory_space<hbm>>
        %dma_start3A_298 = tpu.memref_squeeze %dma_start3A_297 : memref<1x1x20x100xi32, #tpu.memory_space<hbm>> -> memref<20x100xi32, #tpu.memory_space<hbm>>
        tpu.enqueue_dma source(%dma_start3A_298 : memref<20x100xi32, #tpu.memory_space<hbm>>) target(%arg10 : memref<20x100xi32, #tpu.memory_space<vmem>>) target_semaphore(%run_scoped3A : memref<!tpu.dma_semaphore, #tpu.memory_space<semaphore_mem>>)
        %dma_wait3A = arith.constant 0 : i32
        %dma_wait3A_299 = arith.constant 0 : i32
        %dma_wait3A_300 = tpu.memref_slice %arg4[%add3A, %scan3A_9, %dma_wait3A, %dma_wait3A_299] : memref<32x5x20x100xi32, #tpu.memory_space<hbm>> -> memref<1x1x20x100xi32, #tpu.memory_space<hbm>>
        %dma_wait3A_301 = tpu.memref_squeeze %dma_wait3A_300 : memref<1x1x20x100xi32, #tpu.memory_space<hbm>> -> memref<20x100xi32, #tpu.memory_space<hbm>>
        %dma_wait3A_302 = arith.constant 0 : i32
        %dma_wait3A_303 = arith.constant 0 : i32
        %dma_wait3A_304 = tpu.memref_slice %arg4[%add3A, %scan3A_9, %dma_wait3A_302, %dma_wait3A_303] : memref<32x5x20x100xi32, #tpu.memory_space<hbm>> -> memref<1x1x20x100xi32, #tpu.memory_space<hbm>>
        %dma_wait3A_305 = tpu.memref_squeeze %dma_wait3A_304 : memref<1x1x20x100xi32, #tpu.memory_space<hbm>> -> memref<20x100xi32, #tpu.memory_space<hbm>>
        tpu.wait_dma2 semaphore(%run_scoped3A : memref<!tpu.dma_semaphore, #tpu.memory_space<semaphore_mem>>) src(%dma_wait3A_305 : memref<20x100xi32, #tpu.memory_space<hbm>>) dst(%arg10 : memref<20x100xi32, #tpu.memory_space<vmem>>)
        tpu.yield
      }) : () -> ()
      %dma_start3A = arith.constant 0 : i32
      %dma_start3A_12 = arith.constant 0 : i32
      %dma_start3A_13 = tpu.memref_slice %arg9[%dma_start3A, %dma_start3A_12] : memref<20x100xi32, #tpu.memory_space<vmem>> -> memref<1x100xi32, #tpu.memory_space<vmem>>
      %dma_start3A_14 = tpu.memref_squeeze %dma_start3A_13 : memref<1x100xi32, #tpu.memory_space<vmem>> -> memref<100xi32, #tpu.memory_space<vmem>>
      %dma_start3A_15 = arith.constant 0 : i32
      %dma_start3A_16 = arith.constant 0 : i32
      %dma_start3A_17 = tpu.memref_slice %arg2[%dma_start3A_15, %dma_start3A_16] : memref<10240x128xf32, #tpu.memory_space<hbm>> -> memref<10240x128xf32, #tpu.memory_space<hbm>>
      tpu.enqueue_indirect_dma source(%dma_start3A_17 : memref<10240x128xf32, #tpu.memory_space<hbm>>) target(%arg11 : memref<100x128xf32, #tpu.memory_space<vmem>>) offsets(%dma_start3A_14 : memref<100xi32, #tpu.memory_space<vmem>>) semaphore(%arg13 : memref<!tpu.dma_semaphore, #tpu.memory_space<semaphore_mem>>)
      %dma_start3A_18 = arith.constant 1 : i32
      %dma_start3A_19 = arith.constant 0 : i32
      %dma_start3A_20 = tpu.memref_slice %arg9[%dma_start3A_18, %dma_start3A_19] : memref<20x100xi32, #tpu.memory_space<vmem>> -> memref<1x100xi32, #tpu.memory_space<vmem>>
      %dma_start3A_21 = tpu.memref_squeeze %dma_start3A_20 : memref<1x100xi32, #tpu.memory_space<vmem>> -> memref<100xi32, #tpu.memory_space<vmem>>
      %dma_start3A_22 = arith.constant 0 : i32
      %dma_start3A_23 = arith.constant 0 : i32
      %dma_start3A_24 = tpu.memref_slice %arg2[%dma_start3A_22, %dma_start3A_23] : memref<10240x128xf32, #tpu.memory_space<hbm>> -> memref<10240x128xf32, #tpu.memory_space<hbm>>
      tpu.enqueue_indirect_dma source(%dma_start3A_24 : memref<10240x128xf32, #tpu.memory_space<hbm>>) target(%arg12 : memref<100x128xf32, #tpu.memory_space<vmem>>) offsets(%dma_start3A_21 : memref<100xi32, #tpu.memory_space<vmem>>) semaphore(%arg14 : memref<!tpu.dma_semaphore, #tpu.memory_space<semaphore_mem>>)
      tpu.wait_dma2 semaphore(%arg13 : memref<!tpu.dma_semaphore, #tpu.memory_space<semaphore_mem>>) src(%arg6 : memref<100x128xf32, #tpu.memory_space<hbm>>) dst(%arg11 : memref<100x128xf32, #tpu.memory_space<vmem>>)
      %dma_start3A_25 = arith.constant 0 : i32
      %dma_start3A_26 = arith.constant 0 : i32
      %dma_start3A_27 = tpu.memref_slice %arg10[%dma_start3A_25, %dma_start3A_26] : memref<20x100xi32, #tpu.memory_space<vmem>> -> memref<1x100xi32, #tpu.memory_space<vmem>>
      %dma_start3A_28 = tpu.memref_squeeze %dma_start3A_27 : memref<1x100xi32, #tpu.memory_space<vmem>> -> memref<100xi32, #tpu.memory_space<vmem>>
      %dma_start3A_29 = arith.constant 0 : i32
      %dma_start3A_30 = arith.constant 0 : i32
      %dma_start3A_31 = tpu.memref_slice %arg8[%dma_start3A_29, %dma_start3A_30] : memref<10240x128xf32, #tpu.memory_space<vmem_shared>> -> memref<10240x128xf32, #tpu.memory_space<vmem_shared>>
      tpu.enqueue_indirect_dma source(%arg11 : memref<100x128xf32, #tpu.memory_space<vmem>>) target(%dma_start3A_31 : memref<10240x128xf32, #tpu.memory_space<vmem_shared>>) offsets(%dma_start3A_28 : memref<100xi32, #tpu.memory_space<vmem>>) semaphore(%arg15 : memref<!tpu.dma_semaphore, #tpu.memory_space<semaphore_mem>>) {add = true}
      tpu.wait_dma2 semaphore(%arg15 : memref<!tpu.dma_semaphore, #tpu.memory_space<semaphore_mem>>) src(%arg6 : memref<100x128xf32, #tpu.memory_space<hbm>>) dst(%arg11 : memref<100x128xf32, #tpu.memory_space<vmem>>)
      %dma_start3A_32 = arith.constant 2 : i32
      %dma_start3A_33 = arith.constant 0 : i32
      %dma_start3A_34 = tpu.memref_slice %arg9[%dma_start3A_32, %dma_start3A_33] : memref<20x100xi32, #tpu.memory_space<vmem>> -> memref<1x100xi32, #tpu.memory_space<vmem>>
      %dma_start3A_35 = tpu.memref_squeeze %dma_start3A_34 : memref<1x100xi32, #tpu.memory_space<vmem>> -> memref<100xi32, #tpu.memory_space<vmem>>
      %dma_start3A_36 = arith.constant 0 : i32
      %dma_start3A_37 = arith.constant 0 : i32
      %dma_start3A_38 = tpu.memref_slice %arg2[%dma_start3A_36, %dma_start3A_37] : memref<10240x128xf32, #tpu.memory_space<hbm>> -> memref<10240x128xf32, #tpu.memory_space<hbm>>
      tpu.enqueue_indirect_dma source(%dma_start3A_38 : memref<10240x128xf32, #tpu.memory_space<hbm>>) target(%arg11 : memref<100x128xf32, #tpu.memory_space<vmem>>) offsets(%dma_start3A_35 : memref<100xi32, #tpu.memory_space<vmem>>) semaphore(%arg13 : memref<!tpu.dma_semaphore, #tpu.memory_space<semaphore_mem>>)
      tpu.wait_dma2 semaphore(%arg14 : memref<!tpu.dma_semaphore, #tpu.memory_space<semaphore_mem>>) src(%arg6 : memref<100x128xf32, #tpu.memory_space<hbm>>) dst(%arg12 : memref<100x128xf32, #tpu.memory_space<vmem>>)
      %dma_start3A_39 = arith.constant 1 : i32
      %dma_start3A_40 = arith.constant 0 : i32
      %dma_start3A_41 = tpu.memref_slice %arg10[%dma_start3A_39, %dma_start3A_40] : memref<20x100xi32, #tpu.memory_space<vmem>> -> memref<1x100xi32, #tpu.memory_space<vmem>>
      %dma_start3A_42 = tpu.memref_squeeze %dma_start3A_41 : memref<1x100xi32, #tpu.memory_space<vmem>> -> memref<100xi32, #tpu.memory_space<vmem>>
      %dma_start3A_43 = arith.constant 0 : i32
      %dma_start3A_44 = arith.constant 0 : i32
      %dma_start3A_45 = tpu.memref_slice %arg8[%dma_start3A_43, %dma_start3A_44] : memref<10240x128xf32, #tpu.memory_space<vmem_shared>> -> memref<10240x128xf32, #tpu.memory_space<vmem_shared>>
      tpu.enqueue_indirect_dma source(%arg12 : memref<100x128xf32, #tpu.memory_space<vmem>>) target(%dma_start3A_45 : memref<10240x128xf32, #tpu.memory_space<vmem_shared>>) offsets(%dma_start3A_42 : memref<100xi32, #tpu.memory_space<vmem>>) semaphore(%arg16 : memref<!tpu.dma_semaphore, #tpu.memory_space<semaphore_mem>>) {add = true}
      tpu.wait_dma2 semaphore(%arg16 : memref<!tpu.dma_semaphore, #tpu.memory_space<semaphore_mem>>) src(%arg6 : memref<100x128xf32, #tpu.memory_space<hbm>>) dst(%arg12 : memref<100x128xf32, #tpu.memory_space<vmem>>)
      %dma_start3A_46 = arith.constant 3 : i32
      %dma_start3A_47 = arith.constant 0 : i32
      %dma_start3A_48 = tpu.memref_slice %arg9[%dma_start3A_46, %dma_start3A_47] : memref<20x100xi32, #tpu.memory_space<vmem>> -> memref<1x100xi32, #tpu.memory_space<vmem>>
      %dma_start3A_49 = tpu.memref_squeeze %dma_start3A_48 : memref<1x100xi32, #tpu.memory_space<vmem>> -> memref<100xi32, #tpu.memory_space<vmem>>
      %dma_start3A_50 = arith.constant 0 : i32
      %dma_start3A_51 = arith.constant 0 : i32
      %dma_start3A_52 = tpu.memref_slice %arg2[%dma_start3A_50, %dma_start3A_51] : memref<10240x128xf32, #tpu.memory_space<hbm>> -> memref<10240x128xf32, #tpu.memory_space<hbm>>
      tpu.enqueue_indirect_dma source(%dma_start3A_52 : memref<10240x128xf32, #tpu.memory_space<hbm>>) target(%arg12 : memref<100x128xf32, #tpu.memory_space<vmem>>) offsets(%dma_start3A_49 : memref<100xi32, #tpu.memory_space<vmem>>) semaphore(%arg14 : memref<!tpu.dma_semaphore, #tpu.memory_space<semaphore_mem>>)
      tpu.wait_dma2 semaphore(%arg13 : memref<!tpu.dma_semaphore, #tpu.memory_space<semaphore_mem>>) src(%arg6 : memref<100x128xf32, #tpu.memory_space<hbm>>) dst(%arg11 : memref<100x128xf32, #tpu.memory_space<vmem>>)
      %dma_start3A_53 = arith.constant 2 : i32
      %dma_start3A_54 = arith.constant 0 : i32
      %dma_start3A_55 = tpu.memref_slice %arg10[%dma_start3A_53, %dma_start3A_54] : memref<20x100xi32, #tpu.memory_space<vmem>> -> memref<1x100xi32, #tpu.memory_space<vmem>>
      %dma_start3A_56 = tpu.memref_squeeze %dma_start3A_55 : memref<1x100xi32, #tpu.memory_space<vmem>> -> memref<100xi32, #tpu.memory_space<vmem>>
      %dma_start3A_57 = arith.constant 0 : i32
      %dma_start3A_58 = arith.constant 0 : i32
      %dma_start3A_59 = tpu.memref_slice %arg8[%dma_start3A_57, %dma_start3A_58] : memref<10240x128xf32, #tpu.memory_space<vmem_shared>> -> memref<10240x128xf32, #tpu.memory_space<vmem_shared>>
      tpu.enqueue_indirect_dma source(%arg11 : memref<100x128xf32, #tpu.memory_space<vmem>>) target(%dma_start3A_59 : memref<10240x128xf32, #tpu.memory_space<vmem_shared>>) offsets(%dma_start3A_56 : memref<100xi32, #tpu.memory_space<vmem>>) semaphore(%arg15 : memref<!tpu.dma_semaphore, #tpu.memory_space<semaphore_mem>>) {add = true}
      tpu.wait_dma2 semaphore(%arg15 : memref<!tpu.dma_semaphore, #tpu.memory_space<semaphore_mem>>) src(%arg6 : memref<100x128xf32, #tpu.memory_space<hbm>>) dst(%arg11 : memref<100x128xf32, #tpu.memory_space<vmem>>)
      %dma_start3A_60 = arith.constant 4 : i32
      %dma_start3A_61 = arith.constant 0 : i32
      %dma_start3A_62 = tpu.memref_slice %arg9[%dma_start3A_60, %dma_start3A_61] : memref<20x100xi32, #tpu.memory_space<vmem>> -> memref<1x100xi32, #tpu.memory_space<vmem>>
      %dma_start3A_63 = tpu.memref_squeeze %dma_start3A_62 : memref<1x100xi32, #tpu.memory_space<vmem>> -> memref<100xi32, #tpu.memory_space<vmem>>
      %dma_start3A_64 = arith.constant 0 : i32
      %dma_start3A_65 = arith.constant 0 : i32
      %dma_start3A_66 = tpu.memref_slice %arg2[%dma_start3A_64, %dma_start3A_65] : memref<10240x128xf32, #tpu.memory_space<hbm>> -> memref<10240x128xf32, #tpu.memory_space<hbm>>
      tpu.enqueue_indirect_dma source(%dma_start3A_66 : memref<10240x128xf32, #tpu.memory_space<hbm>>) target(%arg11 : memref<100x128xf32, #tpu.memory_space<vmem>>) offsets(%dma_start3A_63 : memref<100xi32, #tpu.memory_space<vmem>>) semaphore(%arg13 : memref<!tpu.dma_semaphore, #tpu.memory_space<semaphore_mem>>)
      tpu.wait_dma2 semaphore(%arg14 : memref<!tpu.dma_semaphore, #tpu.memory_space<semaphore_mem>>) src(%arg6 : memref<100x128xf32, #tpu.memory_space<hbm>>) dst(%arg12 : memref<100x128xf32, #tpu.memory_space<vmem>>)
      %dma_start3A_67 = arith.constant 3 : i32
      %dma_start3A_68 = arith.constant 0 : i32
      %dma_start3A_69 = tpu.memref_slice %arg10[%dma_start3A_67, %dma_start3A_68] : memref<20x100xi32, #tpu.memory_space<vmem>> -> memref<1x100xi32, #tpu.memory_space<vmem>>
      %dma_start3A_70 = tpu.memref_squeeze %dma_start3A_69 : memref<1x100xi32, #tpu.memory_space<vmem>> -> memref<100xi32, #tpu.memory_space<vmem>>
      %dma_start3A_71 = arith.constant 0 : i32
      %dma_start3A_72 = arith.constant 0 : i32
      %dma_start3A_73 = tpu.memref_slice %arg8[%dma_start3A_71, %dma_start3A_72] : memref<10240x128xf32, #tpu.memory_space<vmem_shared>> -> memref<10240x128xf32, #tpu.memory_space<vmem_shared>>
      tpu.enqueue_indirect_dma source(%arg12 : memref<100x128xf32, #tpu.memory_space<vmem>>) target(%dma_start3A_73 : memref<10240x128xf32, #tpu.memory_space<vmem_shared>>) offsets(%dma_start3A_70 : memref<100xi32, #tpu.memory_space<vmem>>) semaphore(%arg16 : memref<!tpu.dma_semaphore, #tpu.memory_space<semaphore_mem>>) {add = true}
      tpu.wait_dma2 semaphore(%arg16 : memref<!tpu.dma_semaphore, #tpu.memory_space<semaphore_mem>>) src(%arg6 : memref<100x128xf32, #tpu.memory_space<hbm>>) dst(%arg12 : memref<100x128xf32, #tpu.memory_space<vmem>>)
      %dma_start3A_74 = arith.constant 5 : i32
      %dma_start3A_75 = arith.constant 0 : i32
      %dma_start3A_76 = tpu.memref_slice %arg9[%dma_start3A_74, %dma_start3A_75] : memref<20x100xi32, #tpu.memory_space<vmem>> -> memref<1x100xi32, #tpu.memory_space<vmem>>
      %dma_start3A_77 = tpu.memref_squeeze %dma_start3A_76 : memref<1x100xi32, #tpu.memory_space<vmem>> -> memref<100xi32, #tpu.memory_space<vmem>>
      %dma_start3A_78 = arith.constant 0 : i32
      %dma_start3A_79 = arith.constant 0 : i32
      %dma_start3A_80 = tpu.memref_slice %arg2[%dma_start3A_78, %dma_start3A_79] : memref<10240x128xf32, #tpu.memory_space<hbm>> -> memref<10240x128xf32, #tpu.memory_space<hbm>>
      tpu.enqueue_indirect_dma source(%dma_start3A_80 : memref<10240x128xf32, #tpu.memory_space<hbm>>) target(%arg12 : memref<100x128xf32, #tpu.memory_space<vmem>>) offsets(%dma_start3A_77 : memref<100xi32, #tpu.memory_space<vmem>>) semaphore(%arg14 : memref<!tpu.dma_semaphore, #tpu.memory_space<semaphore_mem>>)
      tpu.wait_dma2 semaphore(%arg13 : memref<!tpu.dma_semaphore, #tpu.memory_space<semaphore_mem>>) src(%arg6 : memref<100x128xf32, #tpu.memory_space<hbm>>) dst(%arg11 : memref<100x128xf32, #tpu.memory_space<vmem>>)
      %dma_start3A_81 = arith.constant 4 : i32
      %dma_start3A_82 = arith.constant 0 : i32
      %dma_start3A_83 = tpu.memref_slice %arg10[%dma_start3A_81, %dma_start3A_82] : memref<20x100xi32, #tpu.memory_space<vmem>> -> memref<1x100xi32, #tpu.memory_space<vmem>>
      %dma_start3A_84 = tpu.memref_squeeze %dma_start3A_83 : memref<1x100xi32, #tpu.memory_space<vmem>> -> memref<100xi32, #tpu.memory_space<vmem>>
      %dma_start3A_85 = arith.constant 0 : i32
      %dma_start3A_86 = arith.constant 0 : i32
      %dma_start3A_87 = tpu.memref_slice %arg8[%dma_start3A_85, %dma_start3A_86] : memref<10240x128xf32, #tpu.memory_space<vmem_shared>> -> memref<10240x128xf32, #tpu.memory_space<vmem_shared>>
      tpu.enqueue_indirect_dma source(%arg11 : memref<100x128xf32, #tpu.memory_space<vmem>>) target(%dma_start3A_87 : memref<10240x128xf32, #tpu.memory_space<vmem_shared>>) offsets(%dma_start3A_84 : memref<100xi32, #tpu.memory_space<vmem>>) semaphore(%arg15 : memref<!tpu.dma_semaphore, #tpu.memory_space<semaphore_mem>>) {add = true}
      tpu.wait_dma2 semaphore(%arg15 : memref<!tpu.dma_semaphore, #tpu.memory_space<semaphore_mem>>) src(%arg6 : memref<100x128xf32, #tpu.memory_space<hbm>>) dst(%arg11 : memref<100x128xf32, #tpu.memory_space<vmem>>)
      %dma_start3A_88 = arith.constant 6 : i32
      %dma_start3A_89 = arith.constant 0 : i32
      %dma_start3A_90 = tpu.memref_slice %arg9[%dma_start3A_88, %dma_start3A_89] : memref<20x100xi32, #tpu.memory_space<vmem>> -> memref<1x100xi32, #tpu.memory_space<vmem>>
      %dma_start3A_91 = tpu.memref_squeeze %dma_start3A_90 : memref<1x100xi32, #tpu.memory_space<vmem>> -> memref<100xi32, #tpu.memory_space<vmem>>
      %dma_start3A_92 = arith.constant 0 : i32
      %dma_start3A_93 = arith.constant 0 : i32
      %dma_start3A_94 = tpu.memref_slice %arg2[%dma_start3A_92, %dma_start3A_93] : memref<10240x128xf32, #tpu.memory_space<hbm>> -> memref<10240x128xf32, #tpu.memory_space<hbm>>
      tpu.enqueue_indirect_dma source(%dma_start3A_94 : memref<10240x128xf32, #tpu.memory_space<hbm>>) target(%arg11 : memref<100x128xf32, #tpu.memory_space<vmem>>) offsets(%dma_start3A_91 : memref<100xi32, #tpu.memory_space<vmem>>) semaphore(%arg13 : memref<!tpu.dma_semaphore, #tpu.memory_space<semaphore_mem>>)
      tpu.wait_dma2 semaphore(%arg14 : memref<!tpu.dma_semaphore, #tpu.memory_space<semaphore_mem>>) src(%arg6 : memref<100x128xf32, #tpu.memory_space<hbm>>) dst(%arg12 : memref<100x128xf32, #tpu.memory_space<vmem>>)
      %dma_start3A_95 = arith.constant 5 : i32
      %dma_start3A_96 = arith.constant 0 : i32
      %dma_start3A_97 = tpu.memref_slice %arg10[%dma_start3A_95, %dma_start3A_96] : memref<20x100xi32, #tpu.memory_space<vmem>> -> memref<1x100xi32, #tpu.memory_space<vmem>>
      %dma_start3A_98 = tpu.memref_squeeze %dma_start3A_97 : memref<1x100xi32, #tpu.memory_space<vmem>> -> memref<100xi32, #tpu.memory_space<vmem>>
      %dma_start3A_99 = arith.constant 0 : i32
      %dma_start3A_100 = arith.constant 0 : i32
      %dma_start3A_101 = tpu.memref_slice %arg8[%dma_start3A_99, %dma_start3A_100] : memref<10240x128xf32, #tpu.memory_space<vmem_shared>> -> memref<10240x128xf32, #tpu.memory_space<vmem_shared>>
      tpu.enqueue_indirect_dma source(%arg12 : memref<100x128xf32, #tpu.memory_space<vmem>>) target(%dma_start3A_101 : memref<10240x128xf32, #tpu.memory_space<vmem_shared>>) offsets(%dma_start3A_98 : memref<100xi32, #tpu.memory_space<vmem>>) semaphore(%arg16 : memref<!tpu.dma_semaphore, #tpu.memory_space<semaphore_mem>>) {add = true}
      tpu.wait_dma2 semaphore(%arg16 : memref<!tpu.dma_semaphore, #tpu.memory_space<semaphore_mem>>) src(%arg6 : memref<100x128xf32, #tpu.memory_space<hbm>>) dst(%arg12 : memref<100x128xf32, #tpu.memory_space<vmem>>)
      %dma_start3A_102 = arith.constant 7 : i32
      %dma_start3A_103 = arith.constant 0 : i32
      %dma_start3A_104 = tpu.memref_slice %arg9[%dma_start3A_102, %dma_start3A_103] : memref<20x100xi32, #tpu.memory_space<vmem>> -> memref<1x100xi32, #tpu.memory_space<vmem>>
      %dma_start3A_105 = tpu.memref_squeeze %dma_start3A_104 : memref<1x100xi32, #tpu.memory_space<vmem>> -> memref<100xi32, #tpu.memory_space<vmem>>
      %dma_start3A_106 = arith.constant 0 : i32
      %dma_start3A_107 = arith.constant 0 : i32
      %dma_start3A_108 = tpu.memref_slice %arg2[%dma_start3A_106, %dma_start3A_107] : memref<10240x128xf32, #tpu.memory_space<hbm>> -> memref<10240x128xf32, #tpu.memory_space<hbm>>
      tpu.enqueue_indirect_dma source(%dma_start3A_108 : memref<10240x128xf32, #tpu.memory_space<hbm>>) target(%arg12 : memref<100x128xf32, #tpu.memory_space<vmem>>) offsets(%dma_start3A_105 : memref<100xi32, #tpu.memory_space<vmem>>) semaphore(%arg14 : memref<!tpu.dma_semaphore, #tpu.memory_space<semaphore_mem>>)
      tpu.wait_dma2 semaphore(%arg13 : memref<!tpu.dma_semaphore, #tpu.memory_space<semaphore_mem>>) src(%arg6 : memref<100x128xf32, #tpu.memory_space<hbm>>) dst(%arg11 : memref<100x128xf32, #tpu.memory_space<vmem>>)
      %dma_start3A_109 = arith.constant 6 : i32
      %dma_start3A_110 = arith.constant 0 : i32
      %dma_start3A_111 = tpu.memref_slice %arg10[%dma_start3A_109, %dma_start3A_110] : memref<20x100xi32, #tpu.memory_space<vmem>> -> memref<1x100xi32, #tpu.memory_space<vmem>>
      %dma_start3A_112 = tpu.memref_squeeze %dma_start3A_111 : memref<1x100xi32, #tpu.memory_space<vmem>> -> memref<100xi32, #tpu.memory_space<vmem>>
      %dma_start3A_113 = arith.constant 0 : i32
      %dma_start3A_114 = arith.constant 0 : i32
      %dma_start3A_115 = tpu.memref_slice %arg8[%dma_start3A_113, %dma_start3A_114] : memref<10240x128xf32, #tpu.memory_space<vmem_shared>> -> memref<10240x128xf32, #tpu.memory_space<vmem_shared>>
      tpu.enqueue_indirect_dma source(%arg11 : memref<100x128xf32, #tpu.memory_space<vmem>>) target(%dma_start3A_115 : memref<10240x128xf32, #tpu.memory_space<vmem_shared>>) offsets(%dma_start3A_112 : memref<100xi32, #tpu.memory_space<vmem>>) semaphore(%arg15 : memref<!tpu.dma_semaphore, #tpu.memory_space<semaphore_mem>>) {add = true}
      tpu.wait_dma2 semaphore(%arg15 : memref<!tpu.dma_semaphore, #tpu.memory_space<semaphore_mem>>) src(%arg6 : memref<100x128xf32, #tpu.memory_space<hbm>>) dst(%arg11 : memref<100x128xf32, #tpu.memory_space<vmem>>)
      %dma_start3A_116 = arith.constant 8 : i32
      %dma_start3A_117 = arith.constant 0 : i32
      %dma_start3A_118 = tpu.memref_slice %arg9[%dma_start3A_116, %dma_start3A_117] : memref<20x100xi32, #tpu.memory_space<vmem>> -> memref<1x100xi32, #tpu.memory_space<vmem>>
      %dma_start3A_119 = tpu.memref_squeeze %dma_start3A_118 : memref<1x100xi32, #tpu.memory_space<vmem>> -> memref<100xi32, #tpu.memory_space<vmem>>
      %dma_start3A_120 = arith.constant 0 : i32
      %dma_start3A_121 = arith.constant 0 : i32
      %dma_start3A_122 = tpu.memref_slice %arg2[%dma_start3A_120, %dma_start3A_121] : memref<10240x128xf32, #tpu.memory_space<hbm>> -> memref<10240x128xf32, #tpu.memory_space<hbm>>
      tpu.enqueue_indirect_dma source(%dma_start3A_122 : memref<10240x128xf32, #tpu.memory_space<hbm>>) target(%arg11 : memref<100x128xf32, #tpu.memory_space<vmem>>) offsets(%dma_start3A_119 : memref<100xi32, #tpu.memory_space<vmem>>) semaphore(%arg13 : memref<!tpu.dma_semaphore, #tpu.memory_space<semaphore_mem>>)
      tpu.wait_dma2 semaphore(%arg14 : memref<!tpu.dma_semaphore, #tpu.memory_space<semaphore_mem>>) src(%arg6 : memref<100x128xf32, #tpu.memory_space<hbm>>) dst(%arg12 : memref<100x128xf32, #tpu.memory_space<vmem>>)
      %dma_start3A_123 = arith.constant 7 : i32
      %dma_start3A_124 = arith.constant 0 : i32
      %dma_start3A_125 = tpu.memref_slice %arg10[%dma_start3A_123, %dma_start3A_124] : memref<20x100xi32, #tpu.memory_space<vmem>> -> memref<1x100xi32, #tpu.memory_space<vmem>>
      %dma_start3A_126 = tpu.memref_squeeze %dma_start3A_125 : memref<1x100xi32, #tpu.memory_space<vmem>> -> memref<100xi32, #tpu.memory_space<vmem>>
      %dma_start3A_127 = arith.constant 0 : i32
      %dma_start3A_128 = arith.constant 0 : i32
      %dma_start3A_129 = tpu.memref_slice %arg8[%dma_start3A_127, %dma_start3A_128] : memref<10240x128xf32, #tpu.memory_space<vmem_shared>> -> memref<10240x128xf32, #tpu.memory_space<vmem_shared>>
      tpu.enqueue_indirect_dma source(%arg12 : memref<100x128xf32, #tpu.memory_space<vmem>>) target(%dma_start3A_129 : memref<10240x128xf32, #tpu.memory_space<vmem_shared>>) offsets(%dma_start3A_126 : memref<100xi32, #tpu.memory_space<vmem>>) semaphore(%arg16 : memref<!tpu.dma_semaphore, #tpu.memory_space<semaphore_mem>>) {add = true}
      tpu.wait_dma2 semaphore(%arg16 : memref<!tpu.dma_semaphore, #tpu.memory_space<semaphore_mem>>) src(%arg6 : memref<100x128xf32, #tpu.memory_space<hbm>>) dst(%arg12 : memref<100x128xf32, #tpu.memory_space<vmem>>)
      %dma_start3A_130 = arith.constant 9 : i32
      %dma_start3A_131 = arith.constant 0 : i32
      %dma_start3A_132 = tpu.memref_slice %arg9[%dma_start3A_130, %dma_start3A_131] : memref<20x100xi32, #tpu.memory_space<vmem>> -> memref<1x100xi32, #tpu.memory_space<vmem>>
      %dma_start3A_133 = tpu.memref_squeeze %dma_start3A_132 : memref<1x100xi32, #tpu.memory_space<vmem>> -> memref<100xi32, #tpu.memory_space<vmem>>
      %dma_start3A_134 = arith.constant 0 : i32
      %dma_start3A_135 = arith.constant 0 : i32
      %dma_start3A_136 = tpu.memref_slice %arg2[%dma_start3A_134, %dma_start3A_135] : memref<10240x128xf32, #tpu.memory_space<hbm>> -> memref<10240x128xf32, #tpu.memory_space<hbm>>
      tpu.enqueue_indirect_dma source(%dma_start3A_136 : memref<10240x128xf32, #tpu.memory_space<hbm>>) target(%arg12 : memref<100x128xf32, #tpu.memory_space<vmem>>) offsets(%dma_start3A_133 : memref<100xi32, #tpu.memory_space<vmem>>) semaphore(%arg14 : memref<!tpu.dma_semaphore, #tpu.memory_space<semaphore_mem>>)
      tpu.wait_dma2 semaphore(%arg13 : memref<!tpu.dma_semaphore, #tpu.memory_space<semaphore_mem>>) src(%arg6 : memref<100x128xf32, #tpu.memory_space<hbm>>) dst(%arg11 : memref<100x128xf32, #tpu.memory_space<vmem>>)
      %dma_start3A_137 = arith.constant 8 : i32
      %dma_start3A_138 = arith.constant 0 : i32
      %dma_start3A_139 = tpu.memref_slice %arg10[%dma_start3A_137, %dma_start3A_138] : memref<20x100xi32, #tpu.memory_space<vmem>> -> memref<1x100xi32, #tpu.memory_space<vmem>>
      %dma_start3A_140 = tpu.memref_squeeze %dma_start3A_139 : memref<1x100xi32, #tpu.memory_space<vmem>> -> memref<100xi32, #tpu.memory_space<vmem>>
      %dma_start3A_141 = arith.constant 0 : i32
      %dma_start3A_142 = arith.constant 0 : i32
      %dma_start3A_143 = tpu.memref_slice %arg8[%dma_start3A_141, %dma_start3A_142] : memref<10240x128xf32, #tpu.memory_space<vmem_shared>> -> memref<10240x128xf32, #tpu.memory_space<vmem_shared>>
      tpu.enqueue_indirect_dma source(%arg11 : memref<100x128xf32, #tpu.memory_space<vmem>>) target(%dma_start3A_143 : memref<10240x128xf32, #tpu.memory_space<vmem_shared>>) offsets(%dma_start3A_140 : memref<100xi32, #tpu.memory_space<vmem>>) semaphore(%arg15 : memref<!tpu.dma_semaphore, #tpu.memory_space<semaphore_mem>>) {add = true}
      tpu.wait_dma2 semaphore(%arg15 : memref<!tpu.dma_semaphore, #tpu.memory_space<semaphore_mem>>) src(%arg6 : memref<100x128xf32, #tpu.memory_space<hbm>>) dst(%arg11 : memref<100x128xf32, #tpu.memory_space<vmem>>)
      %dma_start3A_144 = arith.constant 10 : i32
      %dma_start3A_145 = arith.constant 0 : i32
      %dma_start3A_146 = tpu.memref_slice %arg9[%dma_start3A_144, %dma_start3A_145] : memref<20x100xi32, #tpu.memory_space<vmem>> -> memref<1x100xi32, #tpu.memory_space<vmem>>
      %dma_start3A_147 = tpu.memref_squeeze %dma_start3A_146 : memref<1x100xi32, #tpu.memory_space<vmem>> -> memref<100xi32, #tpu.memory_space<vmem>>
      %dma_start3A_148 = arith.constant 0 : i32
      %dma_start3A_149 = arith.constant 0 : i32
      %dma_start3A_150 = tpu.memref_slice %arg2[%dma_start3A_148, %dma_start3A_149] : memref<10240x128xf32, #tpu.memory_space<hbm>> -> memref<10240x128xf32, #tpu.memory_space<hbm>>
      tpu.enqueue_indirect_dma source(%dma_start3A_150 : memref<10240x128xf32, #tpu.memory_space<hbm>>) target(%arg11 : memref<100x128xf32, #tpu.memory_space<vmem>>) offsets(%dma_start3A_147 : memref<100xi32, #tpu.memory_space<vmem>>) semaphore(%arg13 : memref<!tpu.dma_semaphore, #tpu.memory_space<semaphore_mem>>)
      tpu.wait_dma2 semaphore(%arg14 : memref<!tpu.dma_semaphore, #tpu.memory_space<semaphore_mem>>) src(%arg6 : memref<100x128xf32, #tpu.memory_space<hbm>>) dst(%arg12 : memref<100x128xf32, #tpu.memory_space<vmem>>)
      %dma_start3A_151 = arith.constant 9 : i32
      %dma_start3A_152 = arith.constant 0 : i32
      %dma_start3A_153 = tpu.memref_slice %arg10[%dma_start3A_151, %dma_start3A_152] : memref<20x100xi32, #tpu.memory_space<vmem>> -> memref<1x100xi32, #tpu.memory_space<vmem>>
      %dma_start3A_154 = tpu.memref_squeeze %dma_start3A_153 : memref<1x100xi32, #tpu.memory_space<vmem>> -> memref<100xi32, #tpu.memory_space<vmem>>
      %dma_start3A_155 = arith.constant 0 : i32
      %dma_start3A_156 = arith.constant 0 : i32
      %dma_start3A_157 = tpu.memref_slice %arg8[%dma_start3A_155, %dma_start3A_156] : memref<10240x128xf32, #tpu.memory_space<vmem_shared>> -> memref<10240x128xf32, #tpu.memory_space<vmem_shared>>
      tpu.enqueue_indirect_dma source(%arg12 : memref<100x128xf32, #tpu.memory_space<vmem>>) target(%dma_start3A_157 : memref<10240x128xf32, #tpu.memory_space<vmem_shared>>) offsets(%dma_start3A_154 : memref<100xi32, #tpu.memory_space<vmem>>) semaphore(%arg16 : memref<!tpu.dma_semaphore, #tpu.memory_space<semaphore_mem>>) {add = true}
      tpu.wait_dma2 semaphore(%arg16 : memref<!tpu.dma_semaphore, #tpu.memory_space<semaphore_mem>>) src(%arg6 : memref<100x128xf32, #tpu.memory_space<hbm>>) dst(%arg12 : memref<100x128xf32, #tpu.memory_space<vmem>>)
      %dma_start3A_158 = arith.constant 11 : i32
      %dma_start3A_159 = arith.constant 0 : i32
      %dma_start3A_160 = tpu.memref_slice %arg9[%dma_start3A_158, %dma_start3A_159] : memref<20x100xi32, #tpu.memory_space<vmem>> -> memref<1x100xi32, #tpu.memory_space<vmem>>
      %dma_start3A_161 = tpu.memref_squeeze %dma_start3A_160 : memref<1x100xi32, #tpu.memory_space<vmem>> -> memref<100xi32, #tpu.memory_space<vmem>>
      %dma_start3A_162 = arith.constant 0 : i32
      %dma_start3A_163 = arith.constant 0 : i32
      %dma_start3A_164 = tpu.memref_slice %arg2[%dma_start3A_162, %dma_start3A_163] : memref<10240x128xf32, #tpu.memory_space<hbm>> -> memref<10240x128xf32, #tpu.memory_space<hbm>>
      tpu.enqueue_indirect_dma source(%dma_start3A_164 : memref<10240x128xf32, #tpu.memory_space<hbm>>) target(%arg12 : memref<100x128xf32, #tpu.memory_space<vmem>>) offsets(%dma_start3A_161 : memref<100xi32, #tpu.memory_space<vmem>>) semaphore(%arg14 : memref<!tpu.dma_semaphore, #tpu.memory_space<semaphore_mem>>)
      tpu.wait_dma2 semaphore(%arg13 : memref<!tpu.dma_semaphore, #tpu.memory_space<semaphore_mem>>) src(%arg6 : memref<100x128xf32, #tpu.memory_space<hbm>>) dst(%arg11 : memref<100x128xf32, #tpu.memory_space<vmem>>)
      %dma_start3A_165 = arith.constant 10 : i32
      %dma_start3A_166 = arith.constant 0 : i32
      %dma_start3A_167 = tpu.memref_slice %arg10[%dma_start3A_165, %dma_start3A_166] : memref<20x100xi32, #tpu.memory_space<vmem>> -> memref<1x100xi32, #tpu.memory_space<vmem>>
      %dma_start3A_168 = tpu.memref_squeeze %dma_start3A_167 : memref<1x100xi32, #tpu.memory_space<vmem>> -> memref<100xi32, #tpu.memory_space<vmem>>
      %dma_start3A_169 = arith.constant 0 : i32
      %dma_start3A_170 = arith.constant 0 : i32
      %dma_start3A_171 = tpu.memref_slice %arg8[%dma_start3A_169, %dma_start3A_170] : memref<10240x128xf32, #tpu.memory_space<vmem_shared>> -> memref<10240x128xf32, #tpu.memory_space<vmem_shared>>
      tpu.enqueue_indirect_dma source(%arg11 : memref<100x128xf32, #tpu.memory_space<vmem>>) target(%dma_start3A_171 : memref<10240x128xf32, #tpu.memory_space<vmem_shared>>) offsets(%dma_start3A_168 : memref<100xi32, #tpu.memory_space<vmem>>) semaphore(%arg15 : memref<!tpu.dma_semaphore, #tpu.memory_space<semaphore_mem>>) {add = true}
      tpu.wait_dma2 semaphore(%arg15 : memref<!tpu.dma_semaphore, #tpu.memory_space<semaphore_mem>>) src(%arg6 : memref<100x128xf32, #tpu.memory_space<hbm>>) dst(%arg11 : memref<100x128xf32, #tpu.memory_space<vmem>>)
      %dma_start3A_172 = arith.constant 12 : i32
      %dma_start3A_173 = arith.constant 0 : i32
      %dma_start3A_174 = tpu.memref_slice %arg9[%dma_start3A_172, %dma_start3A_173] : memref<20x100xi32, #tpu.memory_space<vmem>> -> memref<1x100xi32, #tpu.memory_space<vmem>>
      %dma_start3A_175 = tpu.memref_squeeze %dma_start3A_174 : memref<1x100xi32, #tpu.memory_space<vmem>> -> memref<100xi32, #tpu.memory_space<vmem>>
      %dma_start3A_176 = arith.constant 0 : i32
      %dma_start3A_177 = arith.constant 0 : i32
      %dma_start3A_178 = tpu.memref_slice %arg2[%dma_start3A_176, %dma_start3A_177] : memref<10240x128xf32, #tpu.memory_space<hbm>> -> memref<10240x128xf32, #tpu.memory_space<hbm>>
      tpu.enqueue_indirect_dma source(%dma_start3A_178 : memref<10240x128xf32, #tpu.memory_space<hbm>>) target(%arg11 : memref<100x128xf32, #tpu.memory_space<vmem>>) offsets(%dma_start3A_175 : memref<100xi32, #tpu.memory_space<vmem>>) semaphore(%arg13 : memref<!tpu.dma_semaphore, #tpu.memory_space<semaphore_mem>>)
      tpu.wait_dma2 semaphore(%arg14 : memref<!tpu.dma_semaphore, #tpu.memory_space<semaphore_mem>>) src(%arg6 : memref<100x128xf32, #tpu.memory_space<hbm>>) dst(%arg12 : memref<100x128xf32, #tpu.memory_space<vmem>>)
      %dma_start3A_179 = arith.constant 11 : i32
      %dma_start3A_180 = arith.constant 0 : i32
      %dma_start3A_181 = tpu.memref_slice %arg10[%dma_start3A_179, %dma_start3A_180] : memref<20x100xi32, #tpu.memory_space<vmem>> -> memref<1x100xi32, #tpu.memory_space<vmem>>
      %dma_start3A_182 = tpu.memref_squeeze %dma_start3A_181 : memref<1x100xi32, #tpu.memory_space<vmem>> -> memref<100xi32, #tpu.memory_space<vmem>>
      %dma_start3A_183 = arith.constant 0 : i32
      %dma_start3A_184 = arith.constant 0 : i32
      %dma_start3A_185 = tpu.memref_slice %arg8[%dma_start3A_183, %dma_start3A_184] : memref<10240x128xf32, #tpu.memory_space<vmem_shared>> -> memref<10240x128xf32, #tpu.memory_space<vmem_shared>>
      tpu.enqueue_indirect_dma source(%arg12 : memref<100x128xf32, #tpu.memory_space<vmem>>) target(%dma_start3A_185 : memref<10240x128xf32, #tpu.memory_space<vmem_shared>>) offsets(%dma_start3A_182 : memref<100xi32, #tpu.memory_space<vmem>>) semaphore(%arg16 : memref<!tpu.dma_semaphore, #tpu.memory_space<semaphore_mem>>) {add = true}
      tpu.wait_dma2 semaphore(%arg16 : memref<!tpu.dma_semaphore, #tpu.memory_space<semaphore_mem>>) src(%arg6 : memref<100x128xf32, #tpu.memory_space<hbm>>) dst(%arg12 : memref<100x128xf32, #tpu.memory_space<vmem>>)
      %dma_start3A_186 = arith.constant 13 : i32
      %dma_start3A_187 = arith.constant 0 : i32
      %dma_start3A_188 = tpu.memref_slice %arg9[%dma_start3A_186, %dma_start3A_187] : memref<20x100xi32, #tpu.memory_space<vmem>> -> memref<1x100xi32, #tpu.memory_space<vmem>>
      %dma_start3A_189 = tpu.memref_squeeze %dma_start3A_188 : memref<1x100xi32, #tpu.memory_space<vmem>> -> memref<100xi32, #tpu.memory_space<vmem>>
      %dma_start3A_190 = arith.constant 0 : i32
      %dma_start3A_191 = arith.constant 0 : i32
      %dma_start3A_192 = tpu.memref_slice %arg2[%dma_start3A_190, %dma_start3A_191] : memref<10240x128xf32, #tpu.memory_space<hbm>> -> memref<10240x128xf32, #tpu.memory_space<hbm>>
      tpu.enqueue_indirect_dma source(%dma_start3A_192 : memref<10240x128xf32, #tpu.memory_space<hbm>>) target(%arg12 : memref<100x128xf32, #tpu.memory_space<vmem>>) offsets(%dma_start3A_189 : memref<100xi32, #tpu.memory_space<vmem>>) semaphore(%arg14 : memref<!tpu.dma_semaphore, #tpu.memory_space<semaphore_mem>>)
      tpu.wait_dma2 semaphore(%arg13 : memref<!tpu.dma_semaphore, #tpu.memory_space<semaphore_mem>>) src(%arg6 : memref<100x128xf32, #tpu.memory_space<hbm>>) dst(%arg11 : memref<100x128xf32, #tpu.memory_space<vmem>>)
      %dma_start3A_193 = arith.constant 12 : i32
      %dma_start3A_194 = arith.constant 0 : i32
      %dma_start3A_195 = tpu.memref_slice %arg10[%dma_start3A_193, %dma_start3A_194] : memref<20x100xi32, #tpu.memory_space<vmem>> -> memref<1x100xi32, #tpu.memory_space<vmem>>
      %dma_start3A_196 = tpu.memref_squeeze %dma_start3A_195 : memref<1x100xi32, #tpu.memory_space<vmem>> -> memref<100xi32, #tpu.memory_space<vmem>>
      %dma_start3A_197 = arith.constant 0 : i32
      %dma_start3A_198 = arith.constant 0 : i32
      %dma_start3A_199 = tpu.memref_slice %arg8[%dma_start3A_197, %dma_start3A_198] : memref<10240x128xf32, #tpu.memory_space<vmem_shared>> -> memref<10240x128xf32, #tpu.memory_space<vmem_shared>>
      tpu.enqueue_indirect_dma source(%arg11 : memref<100x128xf32, #tpu.memory_space<vmem>>) target(%dma_start3A_199 : memref<10240x128xf32, #tpu.memory_space<vmem_shared>>) offsets(%dma_start3A_196 : memref<100xi32, #tpu.memory_space<vmem>>) semaphore(%arg15 : memref<!tpu.dma_semaphore, #tpu.memory_space<semaphore_mem>>) {add = true}
      tpu.wait_dma2 semaphore(%arg15 : memref<!tpu.dma_semaphore, #tpu.memory_space<semaphore_mem>>) src(%arg6 : memref<100x128xf32, #tpu.memory_space<hbm>>) dst(%arg11 : memref<100x128xf32, #tpu.memory_space<vmem>>)
      %dma_start3A_200 = arith.constant 14 : i32
      %dma_start3A_201 = arith.constant 0 : i32
      %dma_start3A_202 = tpu.memref_slice %arg9[%dma_start3A_200, %dma_start3A_201] : memref<20x100xi32, #tpu.memory_space<vmem>> -> memref<1x100xi32, #tpu.memory_space<vmem>>
      %dma_start3A_203 = tpu.memref_squeeze %dma_start3A_202 : memref<1x100xi32, #tpu.memory_space<vmem>> -> memref<100xi32, #tpu.memory_space<vmem>>
      %dma_start3A_204 = arith.constant 0 : i32
      %dma_start3A_205 = arith.constant 0 : i32
      %dma_start3A_206 = tpu.memref_slice %arg2[%dma_start3A_204, %dma_start3A_205] : memref<10240x128xf32, #tpu.memory_space<hbm>> -> memref<10240x128xf32, #tpu.memory_space<hbm>>
      tpu.enqueue_indirect_dma source(%dma_start3A_206 : memref<10240x128xf32, #tpu.memory_space<hbm>>) target(%arg11 : memref<100x128xf32, #tpu.memory_space<vmem>>) offsets(%dma_start3A_203 : memref<100xi32, #tpu.memory_space<vmem>>) semaphore(%arg13 : memref<!tpu.dma_semaphore, #tpu.memory_space<semaphore_mem>>)
      tpu.wait_dma2 semaphore(%arg14 : memref<!tpu.dma_semaphore, #tpu.memory_space<semaphore_mem>>) src(%arg6 : memref<100x128xf32, #tpu.memory_space<hbm>>) dst(%arg12 : memref<100x128xf32, #tpu.memory_space<vmem>>)
      %dma_start3A_207 = arith.constant 13 : i32
      %dma_start3A_208 = arith.constant 0 : i32
      %dma_start3A_209 = tpu.memref_slice %arg10[%dma_start3A_207, %dma_start3A_208] : memref<20x100xi32, #tpu.memory_space<vmem>> -> memref<1x100xi32, #tpu.memory_space<vmem>>
      %dma_start3A_210 = tpu.memref_squeeze %dma_start3A_209 : memref<1x100xi32, #tpu.memory_space<vmem>> -> memref<100xi32, #tpu.memory_space<vmem>>
      %dma_start3A_211 = arith.constant 0 : i32
      %dma_start3A_212 = arith.constant 0 : i32
      %dma_start3A_213 = tpu.memref_slice %arg8[%dma_start3A_211, %dma_start3A_212] : memref<10240x128xf32, #tpu.memory_space<vmem_shared>> -> memref<10240x128xf32, #tpu.memory_space<vmem_shared>>
      tpu.enqueue_indirect_dma source(%arg12 : memref<100x128xf32, #tpu.memory_space<vmem>>) target(%dma_start3A_213 : memref<10240x128xf32, #tpu.memory_space<vmem_shared>>) offsets(%dma_start3A_210 : memref<100xi32, #tpu.memory_space<vmem>>) semaphore(%arg16 : memref<!tpu.dma_semaphore, #tpu.memory_space<semaphore_mem>>) {add = true}
      tpu.wait_dma2 semaphore(%arg16 : memref<!tpu.dma_semaphore, #tpu.memory_space<semaphore_mem>>) src(%arg6 : memref<100x128xf32, #tpu.memory_space<hbm>>) dst(%arg12 : memref<100x128xf32, #tpu.memory_space<vmem>>)
      %dma_start3A_214 = arith.constant 15 : i32
      %dma_start3A_215 = arith.constant 0 : i32
      %dma_start3A_216 = tpu.memref_slice %arg9[%dma_start3A_214, %dma_start3A_215] : memref<20x100xi32, #tpu.memory_space<vmem>> -> memref<1x100xi32, #tpu.memory_space<vmem>>
      %dma_start3A_217 = tpu.memref_squeeze %dma_start3A_216 : memref<1x100xi32, #tpu.memory_space<vmem>> -> memref<100xi32, #tpu.memory_space<vmem>>
      %dma_start3A_218 = arith.constant 0 : i32
      %dma_start3A_219 = arith.constant 0 : i32
      %dma_start3A_220 = tpu.memref_slice %arg2[%dma_start3A_218, %dma_start3A_219] : memref<10240x128xf32, #tpu.memory_space<hbm>> -> memref<10240x128xf32, #tpu.memory_space<hbm>>
      tpu.enqueue_indirect_dma source(%dma_start3A_220 : memref<10240x128xf32, #tpu.memory_space<hbm>>) target(%arg12 : memref<100x128xf32, #tpu.memory_space<vmem>>) offsets(%dma_start3A_217 : memref<100xi32, #tpu.memory_space<vmem>>) semaphore(%arg14 : memref<!tpu.dma_semaphore, #tpu.memory_space<semaphore_mem>>)
      tpu.wait_dma2 semaphore(%arg13 : memref<!tpu.dma_semaphore, #tpu.memory_space<semaphore_mem>>) src(%arg6 : memref<100x128xf32, #tpu.memory_space<hbm>>) dst(%arg11 : memref<100x128xf32, #tpu.memory_space<vmem>>)
      %dma_start3A_221 = arith.constant 14 : i32
      %dma_start3A_222 = arith.constant 0 : i32
      %dma_start3A_223 = tpu.memref_slice %arg10[%dma_start3A_221, %dma_start3A_222] : memref<20x100xi32, #tpu.memory_space<vmem>> -> memref<1x100xi32, #tpu.memory_space<vmem>>
      %dma_start3A_224 = tpu.memref_squeeze %dma_start3A_223 : memref<1x100xi32, #tpu.memory_space<vmem>> -> memref<100xi32, #tpu.memory_space<vmem>>
      %dma_start3A_225 = arith.constant 0 : i32
      %dma_start3A_226 = arith.constant 0 : i32
      %dma_start3A_227 = tpu.memref_slice %arg8[%dma_start3A_225, %dma_start3A_226] : memref<10240x128xf32, #tpu.memory_space<vmem_shared>> -> memref<10240x128xf32, #tpu.memory_space<vmem_shared>>
      tpu.enqueue_indirect_dma source(%arg11 : memref<100x128xf32, #tpu.memory_space<vmem>>) target(%dma_start3A_227 : memref<10240x128xf32, #tpu.memory_space<vmem_shared>>) offsets(%dma_start3A_224 : memref<100xi32, #tpu.memory_space<vmem>>) semaphore(%arg15 : memref<!tpu.dma_semaphore, #tpu.memory_space<semaphore_mem>>) {add = true}
      tpu.wait_dma2 semaphore(%arg15 : memref<!tpu.dma_semaphore, #tpu.memory_space<semaphore_mem>>) src(%arg6 : memref<100x128xf32, #tpu.memory_space<hbm>>) dst(%arg11 : memref<100x128xf32, #tpu.memory_space<vmem>>)
      %dma_start3A_228 = arith.constant 16 : i32
      %dma_start3A_229 = arith.constant 0 : i32
      %dma_start3A_230 = tpu.memref_slice %arg9[%dma_start3A_228, %dma_start3A_229] : memref<20x100xi32, #tpu.memory_space<vmem>> -> memref<1x100xi32, #tpu.memory_space<vmem>>
      %dma_start3A_231 = tpu.memref_squeeze %dma_start3A_230 : memref<1x100xi32, #tpu.memory_space<vmem>> -> memref<100xi32, #tpu.memory_space<vmem>>
      %dma_start3A_232 = arith.constant 0 : i32
      %dma_start3A_233 = arith.constant 0 : i32
      %dma_start3A_234 = tpu.memref_slice %arg2[%dma_start3A_232, %dma_start3A_233] : memref<10240x128xf32, #tpu.memory_space<hbm>> -> memref<10240x128xf32, #tpu.memory_space<hbm>>
      tpu.enqueue_indirect_dma source(%dma_start3A_234 : memref<10240x128xf32, #tpu.memory_space<hbm>>) target(%arg11 : memref<100x128xf32, #tpu.memory_space<vmem>>) offsets(%dma_start3A_231 : memref<100xi32, #tpu.memory_space<vmem>>) semaphore(%arg13 : memref<!tpu.dma_semaphore, #tpu.memory_space<semaphore_mem>>)
      tpu.wait_dma2 semaphore(%arg14 : memref<!tpu.dma_semaphore, #tpu.memory_space<semaphore_mem>>) src(%arg6 : memref<100x128xf32, #tpu.memory_space<hbm>>) dst(%arg12 : memref<100x128xf32, #tpu.memory_space<vmem>>)
      %dma_start3A_235 = arith.constant 15 : i32
      %dma_start3A_236 = arith.constant 0 : i32
      %dma_start3A_237 = tpu.memref_slice %arg10[%dma_start3A_235, %dma_start3A_236] : memref<20x100xi32, #tpu.memory_space<vmem>> -> memref<1x100xi32, #tpu.memory_space<vmem>>
      %dma_start3A_238 = tpu.memref_squeeze %dma_start3A_237 : memref<1x100xi32, #tpu.memory_space<vmem>> -> memref<100xi32, #tpu.memory_space<vmem>>
      %dma_start3A_239 = arith.constant 0 : i32
      %dma_start3A_240 = arith.constant 0 : i32
      %dma_start3A_241 = tpu.memref_slice %arg8[%dma_start3A_239, %dma_start3A_240] : memref<10240x128xf32, #tpu.memory_space<vmem_shared>> -> memref<10240x128xf32, #tpu.memory_space<vmem_shared>>
      tpu.enqueue_indirect_dma source(%arg12 : memref<100x128xf32, #tpu.memory_space<vmem>>) target(%dma_start3A_241 : memref<10240x128xf32, #tpu.memory_space<vmem_shared>>) offsets(%dma_start3A_238 : memref<100xi32, #tpu.memory_space<vmem>>) semaphore(%arg16 : memref<!tpu.dma_semaphore, #tpu.memory_space<semaphore_mem>>) {add = true}
      tpu.wait_dma2 semaphore(%arg16 : memref<!tpu.dma_semaphore, #tpu.memory_space<semaphore_mem>>) src(%arg6 : memref<100x128xf32, #tpu.memory_space<hbm>>) dst(%arg12 : memref<100x128xf32, #tpu.memory_space<vmem>>)
      %dma_start3A_242 = arith.constant 17 : i32
      %dma_start3A_243 = arith.constant 0 : i32
      %dma_start3A_244 = tpu.memref_slice %arg9[%dma_start3A_242, %dma_start3A_243] : memref<20x100xi32, #tpu.memory_space<vmem>> -> memref<1x100xi32, #tpu.memory_space<vmem>>
      %dma_start3A_245 = tpu.memref_squeeze %dma_start3A_244 : memref<1x100xi32, #tpu.memory_space<vmem>> -> memref<100xi32, #tpu.memory_space<vmem>>
      %dma_start3A_246 = arith.constant 0 : i32
      %dma_start3A_247 = arith.constant 0 : i32
      %dma_start3A_248 = tpu.memref_slice %arg2[%dma_start3A_246, %dma_start3A_247] : memref<10240x128xf32, #tpu.memory_space<hbm>> -> memref<10240x128xf32, #tpu.memory_space<hbm>>
      tpu.enqueue_indirect_dma source(%dma_start3A_248 : memref<10240x128xf32, #tpu.memory_space<hbm>>) target(%arg12 : memref<100x128xf32, #tpu.memory_space<vmem>>) offsets(%dma_start3A_245 : memref<100xi32, #tpu.memory_space<vmem>>) semaphore(%arg14 : memref<!tpu.dma_semaphore, #tpu.memory_space<semaphore_mem>>)
      tpu.wait_dma2 semaphore(%arg13 : memref<!tpu.dma_semaphore, #tpu.memory_space<semaphore_mem>>) src(%arg6 : memref<100x128xf32, #tpu.memory_space<hbm>>) dst(%arg11 : memref<100x128xf32, #tpu.memory_space<vmem>>)
      %dma_start3A_249 = arith.constant 16 : i32
      %dma_start3A_250 = arith.constant 0 : i32
      %dma_start3A_251 = tpu.memref_slice %arg10[%dma_start3A_249, %dma_start3A_250] : memref<20x100xi32, #tpu.memory_space<vmem>> -> memref<1x100xi32, #tpu.memory_space<vmem>>
      %dma_start3A_252 = tpu.memref_squeeze %dma_start3A_251 : memref<1x100xi32, #tpu.memory_space<vmem>> -> memref<100xi32, #tpu.memory_space<vmem>>
      %dma_start3A_253 = arith.constant 0 : i32
      %dma_start3A_254 = arith.constant 0 : i32
      %dma_start3A_255 = tpu.memref_slice %arg8[%dma_start3A_253, %dma_start3A_254] : memref<10240x128xf32, #tpu.memory_space<vmem_shared>> -> memref<10240x128xf32, #tpu.memory_space<vmem_shared>>
      tpu.enqueue_indirect_dma source(%arg11 : memref<100x128xf32, #tpu.memory_space<vmem>>) target(%dma_start3A_255 : memref<10240x128xf32, #tpu.memory_space<vmem_shared>>) offsets(%dma_start3A_252 : memref<100xi32, #tpu.memory_space<vmem>>) semaphore(%arg15 : memref<!tpu.dma_semaphore, #tpu.memory_space<semaphore_mem>>) {add = true}
      tpu.wait_dma2 semaphore(%arg15 : memref<!tpu.dma_semaphore, #tpu.memory_space<semaphore_mem>>) src(%arg6 : memref<100x128xf32, #tpu.memory_space<hbm>>) dst(%arg11 : memref<100x128xf32, #tpu.memory_space<vmem>>)
      %dma_start3A_256 = arith.constant 18 : i32
      %dma_start3A_257 = arith.constant 0 : i32
      %dma_start3A_258 = tpu.memref_slice %arg9[%dma_start3A_256, %dma_start3A_257] : memref<20x100xi32, #tpu.memory_space<vmem>> -> memref<1x100xi32, #tpu.memory_space<vmem>>
      %dma_start3A_259 = tpu.memref_squeeze %dma_start3A_258 : memref<1x100xi32, #tpu.memory_space<vmem>> -> memref<100xi32, #tpu.memory_space<vmem>>
      %dma_start3A_260 = arith.constant 0 : i32
      %dma_start3A_261 = arith.constant 0 : i32
      %dma_start3A_262 = tpu.memref_slice %arg2[%dma_start3A_260, %dma_start3A_261] : memref<10240x128xf32, #tpu.memory_space<hbm>> -> memref<10240x128xf32, #tpu.memory_space<hbm>>
      tpu.enqueue_indirect_dma source(%dma_start3A_262 : memref<10240x128xf32, #tpu.memory_space<hbm>>) target(%arg11 : memref<100x128xf32, #tpu.memory_space<vmem>>) offsets(%dma_start3A_259 : memref<100xi32, #tpu.memory_space<vmem>>) semaphore(%arg13 : memref<!tpu.dma_semaphore, #tpu.memory_space<semaphore_mem>>)
      tpu.wait_dma2 semaphore(%arg14 : memref<!tpu.dma_semaphore, #tpu.memory_space<semaphore_mem>>) src(%arg6 : memref<100x128xf32, #tpu.memory_space<hbm>>) dst(%arg12 : memref<100x128xf32, #tpu.memory_space<vmem>>)
      %dma_start3A_263 = arith.constant 17 : i32
      %dma_start3A_264 = arith.constant 0 : i32
      %dma_start3A_265 = tpu.memref_slice %arg10[%dma_start3A_263, %dma_start3A_264] : memref<20x100xi32, #tpu.memory_space<vmem>> -> memref<1x100xi32, #tpu.memory_space<vmem>>
      %dma_start3A_266 = tpu.memref_squeeze %dma_start3A_265 : memref<1x100xi32, #tpu.memory_space<vmem>> -> memref<100xi32, #tpu.memory_space<vmem>>
      %dma_start3A_267 = arith.constant 0 : i32
      %dma_start3A_268 = arith.constant 0 : i32
      %dma_start3A_269 = tpu.memref_slice %arg8[%dma_start3A_267, %dma_start3A_268] : memref<10240x128xf32, #tpu.memory_space<vmem_shared>> -> memref<10240x128xf32, #tpu.memory_space<vmem_shared>>
      tpu.enqueue_indirect_dma source(%arg12 : memref<100x128xf32, #tpu.memory_space<vmem>>) target(%dma_start3A_269 : memref<10240x128xf32, #tpu.memory_space<vmem_shared>>) offsets(%dma_start3A_266 : memref<100xi32, #tpu.memory_space<vmem>>) semaphore(%arg16 : memref<!tpu.dma_semaphore, #tpu.memory_space<semaphore_mem>>) {add = true}
      tpu.wait_dma2 semaphore(%arg16 : memref<!tpu.dma_semaphore, #tpu.memory_space<semaphore_mem>>) src(%arg6 : memref<100x128xf32, #tpu.memory_space<hbm>>) dst(%arg12 : memref<100x128xf32, #tpu.memory_space<vmem>>)
      %dma_start3A_270 = arith.constant 19 : i32
      %dma_start3A_271 = arith.constant 0 : i32
      %dma_start3A_272 = tpu.memref_slice %arg9[%dma_start3A_270, %dma_start3A_271] : memref<20x100xi32, #tpu.memory_space<vmem>> -> memref<1x100xi32, #tpu.memory_space<vmem>>
      %dma_start3A_273 = tpu.memref_squeeze %dma_start3A_272 : memref<1x100xi32, #tpu.memory_space<vmem>> -> memref<100xi32, #tpu.memory_space<vmem>>
      %dma_start3A_274 = arith.constant 0 : i32
      %dma_start3A_275 = arith.constant 0 : i32
      %dma_start3A_276 = tpu.memref_slice %arg2[%dma_start3A_274, %dma_start3A_275] : memref<10240x128xf32, #tpu.memory_space<hbm>> -> memref<10240x128xf32, #tpu.memory_space<hbm>>
      tpu.enqueue_indirect_dma source(%dma_start3A_276 : memref<10240x128xf32, #tpu.memory_space<hbm>>) target(%arg12 : memref<100x128xf32, #tpu.memory_space<vmem>>) offsets(%dma_start3A_273 : memref<100xi32, #tpu.memory_space<vmem>>) semaphore(%arg14 : memref<!tpu.dma_semaphore, #tpu.memory_space<semaphore_mem>>)
      tpu.wait_dma2 semaphore(%arg13 : memref<!tpu.dma_semaphore, #tpu.memory_space<semaphore_mem>>) src(%arg6 : memref<100x128xf32, #tpu.memory_space<hbm>>) dst(%arg11 : memref<100x128xf32, #tpu.memory_space<vmem>>)
      %dma_start3A_277 = arith.constant 18 : i32
      %dma_start3A_278 = arith.constant 0 : i32
      %dma_start3A_279 = tpu.memref_slice %arg10[%dma_start3A_277, %dma_start3A_278] : memref<20x100xi32, #tpu.memory_space<vmem>> -> memref<1x100xi32, #tpu.memory_space<vmem>>
      %dma_start3A_280 = tpu.memref_squeeze %dma_start3A_279 : memref<1x100xi32, #tpu.memory_space<vmem>> -> memref<100xi32, #tpu.memory_space<vmem>>
      %dma_start3A_281 = arith.constant 0 : i32
      %dma_start3A_282 = arith.constant 0 : i32
      %dma_start3A_283 = tpu.memref_slice %arg8[%dma_start3A_281, %dma_start3A_282] : memref<10240x128xf32, #tpu.memory_space<vmem_shared>> -> memref<10240x128xf32, #tpu.memory_space<vmem_shared>>
      tpu.enqueue_indirect_dma source(%arg11 : memref<100x128xf32, #tpu.memory_space<vmem>>) target(%dma_start3A_283 : memref<10240x128xf32, #tpu.memory_space<vmem_shared>>) offsets(%dma_start3A_280 : memref<100xi32, #tpu.memory_space<vmem>>) semaphore(%arg15 : memref<!tpu.dma_semaphore, #tpu.memory_space<semaphore_mem>>) {add = true}
      tpu.wait_dma2 semaphore(%arg14 : memref<!tpu.dma_semaphore, #tpu.memory_space<semaphore_mem>>) src(%arg6 : memref<100x128xf32, #tpu.memory_space<hbm>>) dst(%arg12 : memref<100x128xf32, #tpu.memory_space<vmem>>)
      %dma_start3A_284 = arith.constant 19 : i32
      %dma_start3A_285 = arith.constant 0 : i32
      %dma_start3A_286 = tpu.memref_slice %arg10[%dma_start3A_284, %dma_start3A_285] : memref<20x100xi32, #tpu.memory_space<vmem>> -> memref<1x100xi32, #tpu.memory_space<vmem>>
      %dma_start3A_287 = tpu.memref_squeeze %dma_start3A_286 : memref<1x100xi32, #tpu.memory_space<vmem>> -> memref<100xi32, #tpu.memory_space<vmem>>
      %dma_start3A_288 = arith.constant 0 : i32
      %dma_start3A_289 = arith.constant 0 : i32
      %dma_start3A_290 = tpu.memref_slice %arg8[%dma_start3A_288, %dma_start3A_289] : memref<10240x128xf32, #tpu.memory_space<vmem_shared>> -> memref<10240x128xf32, #tpu.memory_space<vmem_shared>>
      tpu.enqueue_indirect_dma source(%arg12 : memref<100x128xf32, #tpu.memory_space<vmem>>) target(%dma_start3A_290 : memref<10240x128xf32, #tpu.memory_space<vmem_shared>>) offsets(%dma_start3A_287 : memref<100xi32, #tpu.memory_space<vmem>>) semaphore(%arg16 : memref<!tpu.dma_semaphore, #tpu.memory_space<semaphore_mem>>) {add = true}
    }
    %scan3A_7 = arith.constant 5 : i32
    tpu.wait_dma2 semaphore(%arg15 : memref<!tpu.dma_semaphore, #tpu.memory_space<semaphore_mem>>) src(%arg6 : memref<100x128xf32, #tpu.memory_space<hbm>>) dst(%arg11 : memref<100x128xf32, #tpu.memory_space<vmem>>)
    tpu.wait_dma2 semaphore(%arg16 : memref<!tpu.dma_semaphore, #tpu.memory_space<semaphore_mem>>) src(%arg6 : memref<100x128xf32, #tpu.memory_space<hbm>>) dst(%arg12 : memref<100x128xf32, #tpu.memory_space<vmem>>)
    %barrier3A_8 = arith.constant 0 : index
    tpu.barrier barrier_id(%barrier3A_8)
    "tpu.region"() ({
      %run_scoped3A = tpu.sem_alloc : memref<!tpu.dma_semaphore, #tpu.memory_space<semaphore_mem>>
      %dma_start3A = arith.constant 0 : i32
      %dma_start3A_9 = tpu.memref_slice %arg7[%arg0, %mul3A_2, %dma_start3A] : memref<2x10240x128xf32, #tpu.memory_space<hbm>> -> memref<1x640x128xf32, #tpu.memory_space<hbm>>
      %dma_start3A_10 = tpu.memref_squeeze %dma_start3A_9 : memref<1x640x128xf32, #tpu.memory_space<hbm>> -> memref<640x128xf32, #tpu.memory_space<hbm>>
      %dma_start3A_11 = arith.constant 0 : i32
      %dma_start3A_12 = tpu.memref_slice %arg8[%mul3A_2, %dma_start3A_11] : memref<10240x128xf32, #tpu.memory_space<vmem_shared>> -> memref<640x128xf32, #tpu.memory_space<vmem_shared>>
      tpu.enqueue_dma source(%dma_start3A_12 : memref<640x128xf32, #tpu.memory_space<vmem_shared>>) target(%dma_start3A_10 : memref<640x128xf32, #tpu.memory_space<hbm>>) target_semaphore(%run_scoped3A : memref<!tpu.dma_semaphore, #tpu.memory_space<semaphore_mem>>)
      %dma_wait3A = arith.constant 0 : i32
      %dma_wait3A_13 = tpu.memref_slice %arg7[%arg0, %mul3A_2, %dma_wait3A] : memref<2x10240x128xf32, #tpu.memory_space<hbm>> -> memref<1x640x128xf32, #tpu.memory_space<hbm>>
      %dma_wait3A_14 = tpu.memref_squeeze %dma_wait3A_13 : memref<1x640x128xf32, #tpu.memory_space<hbm>> -> memref<640x128xf32, #tpu.memory_space<hbm>>
      %dma_wait3A_15 = arith.constant 0 : i32
      %dma_wait3A_16 = tpu.memref_slice %arg8[%mul3A_2, %dma_wait3A_15] : memref<10240x128xf32, #tpu.memory_space<vmem_shared>> -> memref<640x128xf32, #tpu.memory_space<vmem_shared>>
      tpu.wait_dma2 semaphore(%run_scoped3A : memref<!tpu.dma_semaphore, #tpu.memory_space<semaphore_mem>>) src(%dma_wait3A_16 : memref<640x128xf32, #tpu.memory_space<vmem_shared>>) dst(%dma_wait3A_14 : memref<640x128xf32, #tpu.memory_space<hbm>>)
      tpu.yield
    }) : () -> ()
    return
  }
}

#map = affine_map<(d0, d1) -> (0, 0)>
#map1 = affine_map<(d0, d1) -> (0, 0, 0, 0)>
#map2 = affine_map<(d0, d1) -> (0, 0, 0)>
module attributes {stable_mosaic.version = 14 : i64} {
  func.func @body(%arg0: i32, %arg1: i32, %arg2: memref<10240x128xf32, #tpu.memory_space<hbm>>, %arg3: memref<32x5x20x100xi32, #tpu.memory_space<hbm>>, %arg4: memref<32x5x20x100xi32, #tpu.memory_space<hbm>>, %arg5: memref<10240x128xf32, #tpu.memory_space<hbm>>, %arg6: memref<100x128xf32, #tpu.memory_space<hbm>>, %arg7: memref<2x10240x128xf32, #tpu.memory_space<hbm>>, %arg8: memref<10240x128xf32, #tpu.memory_space<vmem_shared>>, %arg9: memref<20x100xi32, #tpu.memory_space<vmem>>, %arg10: memref<20x100xi32, #tpu.memory_space<vmem>>, %arg11: memref<100x128xf32, #tpu.memory_space<vmem>>, %arg12: memref<100x128xf32, #tpu.memory_space<vmem>>, %arg13: memref<!tpu.dma_semaphore, #tpu.memory_space<semaphore_mem>>, %arg14: memref<!tpu.dma_semaphore, #tpu.memory_space<semaphore_mem>>, %arg15: memref<!tpu.dma_semaphore, #tpu.memory_space<semaphore_mem>>, %arg16: memref<!tpu.dma_semaphore, #tpu.memory_space<semaphore_mem>>) attributes {dimension_semantics = [#tpu.dimension_semantics<core_parallel>, #tpu.dimension_semantics<subcore_parallel>], iteration_bounds = array<i64: 2, 16>, scalar_prefetch = 0 : i64, scratch_operands = 9 : i64, tpu.core_type = #tpu.core_type<sc_vector_subcore>, window_params = [{transform_indices = #map}, {transform_indices = #map1}, {transform_indices = #map1}, {transform_indices = #map}, {transform_indices = #map}, {transform_indices = #map2}]} {
    %mul3A = arith.constant 16 : i32
    %mul3A_0 = arith.muli %arg0, %mul3A : i32
    %add3A = arith.addi %mul3A_0, %arg1 : i32
    %mul3A_1 = arith.constant 640 : i32
    %mul3A_2 = arith.muli %arg1, %mul3A_1 : i32
    "tpu.region"() ({
      %run_scoped3A = tpu.sem_alloc : memref<!tpu.dma_semaphore, #tpu.memory_space<semaphore_mem>>
      %dma_start3A = arith.constant 0 : i32
      %dma_start3A_9 = tpu.memref_slice %arg8[%mul3A_2, %dma_start3A] : memref<10240x128xf32, #tpu.memory_space<vmem_shared>> -> memref<640x128xf32, #tpu.memory_space<vmem_shared>>
      %dma_start3A_10 = arith.constant 0 : i32
      %dma_start3A_11 = tpu.memref_slice %arg5[%mul3A_2, %dma_start3A_10] : memref<10240x128xf32, #tpu.memory_space<hbm>> -> memref<640x128xf32, #tpu.memory_space<hbm>>
      tpu.enqueue_dma source(%dma_start3A_11 : memref<640x128xf32, #tpu.memory_space<hbm>>) target(%dma_start3A_9 : memref<640x128xf32, #tpu.memory_space<vmem_shared>>) target_semaphore(%run_scoped3A : memref<!tpu.dma_semaphore, #tpu.memory_space<semaphore_mem>>)
      %dma_wait3A = arith.constant 0 : i32
      %dma_wait3A_12 = tpu.memref_slice %arg8[%mul3A_2, %dma_wait3A] : memref<10240x128xf32, #tpu.memory_space<vmem_shared>> -> memref<640x128xf32, #tpu.memory_space<vmem_shared>>
      %dma_wait3A_13 = arith.constant 0 : i32
      %dma_wait3A_14 = tpu.memref_slice %arg5[%mul3A_2, %dma_wait3A_13] : memref<10240x128xf32, #tpu.memory_space<hbm>> -> memref<640x128xf32, #tpu.memory_space<hbm>>
      tpu.wait_dma2 semaphore(%run_scoped3A : memref<!tpu.dma_semaphore, #tpu.memory_space<semaphore_mem>>) src(%dma_wait3A_14 : memref<640x128xf32, #tpu.memory_space<hbm>>) dst(%dma_wait3A_12 : memref<640x128xf32, #tpu.memory_space<vmem_shared>>)
      tpu.yield
    }) : () -> ()
    %barrier3A = arith.constant 0 : index
    tpu.barrier barrier_id(%barrier3A)
    %scan3A = arith.constant 0 : i32
    %scan3A_3 = arith.constant 0 : i32
    %scan3A_4 = arith.constant 5 : i32
    %scan3A_5 = arith.addi %scan3A_3, %scan3A_4 : i32
    %scan3A_6 = arith.constant 1 : i32
    scf.for %scan3A_9 = %scan3A_3 to %scan3A_5 step %scan3A_6  : i32 {
      "tpu.region"() ({
        %run_scoped3A = tpu.sem_alloc : memref<!tpu.dma_semaphore, #tpu.memory_space<semaphore_mem>>
        %dma_start3A_291 = arith.constant 0 : i32
        %dma_start3A_292 = arith.constant 0 : i32
        %dma_start3A_293 = tpu.memref_slice %arg3[%add3A, %scan3A_9, %dma_start3A_291, %dma_start3A_292] : memref<32x5x20x100xi32, #tpu.memory_space<hbm>> -> memref<1x1x20x100xi32, #tpu.memory_space<hbm>>
        %dma_start3A_294 = tpu.memref_squeeze %dma_start3A_293 : memref<1x1x20x100xi32, #tpu.memory_space<hbm>> -> memref<20x100xi32, #tpu.memory_space<hbm>>
        %dma_start3A_295 = arith.constant 0 : i32
        %dma_start3A_296 = arith.constant 0 : i32
        %dma_start3A_297 = tpu.memref_slice %arg3[%add3A, %scan3A_9, %dma_start3A_295, %dma_start3A_296] : memref<32x5x20x100xi32, #tpu.memory_space<hbm>> -> memref<1x1x20x100xi32, #tpu.memory_space<hbm>>
        %dma_start3A_298 = tpu.memref_squeeze %dma_start3A_297 : memref<1x1x20x100xi32, #tpu.memory_space<hbm>> -> memref<20x100xi32, #tpu.memory_space<hbm>>
        tpu.enqueue_dma source(%dma_start3A_298 : memref<20x100xi32, #tpu.memory_space<hbm>>) target(%arg9 : memref<20x100xi32, #tpu.memory_space<vmem>>) target_semaphore(%run_scoped3A : memref<!tpu.dma_semaphore, #tpu.memory_space<semaphore_mem>>)
        %dma_wait3A = arith.constant 0 : i32
        %dma_wait3A_299 = arith.constant 0 : i32
        %dma_wait3A_300 = tpu.memref_slice %arg3[%add3A, %scan3A_9, %dma_wait3A, %dma_wait3A_299] : memref<32x5x20x100xi32, #tpu.memory_space<hbm>> -> memref<1x1x20x100xi32, #tpu.memory_space<hbm>>
        %dma_wait3A_301 = tpu.memref_squeeze %dma_wait3A_300 : memref<1x1x20x100xi32, #tpu.memory_space<hbm>> -> memref<20x100xi32, #tpu.memory_space<hbm>>
        %dma_wait3A_302 = arith.constant 0 : i32
        %dma_wait3A_303 = arith.constant 0 : i32
        %dma_wait3A_304 = tpu.memref_slice %arg3[%add3A, %scan3A_9, %dma_wait3A_302, %dma_wait3A_303] : memref<32x5x20x100xi32, #tpu.memory_space<hbm>> -> memref<1x1x20x100xi32, #tpu.memory_space<hbm>>
        %dma_wait3A_305 = tpu.memref_squeeze %dma_wait3A_304 : memref<1x1x20x100xi32, #tpu.memory_space<hbm>> -> memref<20x100xi32, #tpu.memory_space<hbm>>
        tpu.wait_dma2 semaphore(%run_scoped3A : memref<!tpu.dma_semaphore, #tpu.memory_space<semaphore_mem>>) src(%dma_wait3A_305 : memref<20x100xi32, #tpu.memory_space<hbm>>) dst(%arg9 : memref<20x100xi32, #tpu.memory_space<vmem>>)
        tpu.yield
      }) : () -> ()
      %gt3A = arith.constant 0 : i32
      %gt3A_10 = arith.cmpi sgt, %scan3A_9, %gt3A : i32
      %convert_element_type3A = arith.extui %gt3A_10 : i1 to i32
      %cond3A = arith.constant 0 : i32
      %cond3A_11 = arith.cmpi ne, %convert_element_type3A, %cond3A : i32
      scf.if %cond3A_11 {
        tpu.wait_dma2 semaphore(%arg15 : memref<!tpu.dma_semaphore, #tpu.memory_space<semaphore_mem>>) src(%arg6 : memref<100x128xf32, #tpu.memory_space<hbm>>) dst(%arg11 : memref<100x128xf32, #tpu.memory_space<vmem>>)
        tpu.wait_dma2 semaphore(%arg16 : memref<!tpu.dma_semaphore, #tpu.memory_space<semaphore_mem>>) src(%arg6 : memref<100x128xf32, #tpu.memory_space<hbm>>) dst(%arg12 : memref<100x128xf32, #tpu.memory_space<vmem>>)
      } else {
      }
      "tpu.region"() ({
        %run_scoped3A = tpu.sem_alloc : memref<!tpu.dma_semaphore, #tpu.memory_space<semaphore_mem>>
        %dma_start3A_291 = arith.constant 0 : i32
        %dma_start3A_292 = arith.constant 0 : i32
        %dma_start3A_293 = tpu.memref_slice %arg4[%add3A, %scan3A_9, %dma_start3A_291, %dma_start3A_292] : memref<32x5x20x100xi32, #tpu.memory_space<hbm>> -> memref<1x1x20x100xi32, #tpu.memory_space<hbm>>
        %dma_start3A_294 = tpu.memref_squeeze %dma_start3A_293 : memref<1x1x20x100xi32, #tpu.memory_space<hbm>> -> memref<20x100xi32, #tpu.memory_space<hbm>>
        %dma_start3A_295 = arith.constant 0 : i32
        %dma_start3A_296 = arith.constant 0 : i32
        %dma_start3A_297 = tpu.memref_slice %arg4[%add3A, %scan3A_9, %dma_start3A_295, %dma_start3A_296] : memref<32x5x20x100xi32, #tpu.memory_space<hbm>> -> memref<1x1x20x100xi32, #tpu.memory_space<hbm>>
        %dma_start3A_298 = tpu.memref_squeeze %dma_start3A_297 : memref<1x1x20x100xi32, #tpu.memory_space<hbm>> -> memref<20x100xi32, #tpu.memory_space<hbm>>
        tpu.enqueue_dma source(%dma_start3A_298 : memref<20x100xi32, #tpu.memory_space<hbm>>) target(%arg10 : memref<20x100xi32, #tpu.memory_space<vmem>>) target_semaphore(%run_scoped3A : memref<!tpu.dma_semaphore, #tpu.memory_space<semaphore_mem>>)
        %dma_wait3A = arith.constant 0 : i32
        %dma_wait3A_299 = arith.constant 0 : i32
        %dma_wait3A_300 = tpu.memref_slice %arg4[%add3A, %scan3A_9, %dma_wait3A, %dma_wait3A_299] : memref<32x5x20x100xi32, #tpu.memory_space<hbm>> -> memref<1x1x20x100xi32, #tpu.memory_space<hbm>>
        %dma_wait3A_301 = tpu.memref_squeeze %dma_wait3A_300 : memref<1x1x20x100xi32, #tpu.memory_space<hbm>> -> memref<20x100xi32, #tpu.memory_space<hbm>>
        %dma_wait3A_302 = arith.constant 0 : i32
        %dma_wait3A_303 = arith.constant 0 : i32
        %dma_wait3A_304 = tpu.memref_slice %arg4[%add3A, %scan3A_9, %dma_wait3A_302, %dma_wait3A_303] : memref<32x5x20x100xi32, #tpu.memory_space<hbm>> -> memref<1x1x20x100xi32, #tpu.memory_space<hbm>>
        %dma_wait3A_305 = tpu.memref_squeeze %dma_wait3A_304 : memref<1x1x20x100xi32, #tpu.memory_space<hbm>> -> memref<20x100xi32, #tpu.memory_space<hbm>>
        tpu.wait_dma2 semaphore(%run_scoped3A : memref<!tpu.dma_semaphore, #tpu.memory_space<semaphore_mem>>) src(%dma_wait3A_305 : memref<20x100xi32, #tpu.memory_space<hbm>>) dst(%arg10 : memref<20x100xi32, #tpu.memory_space<vmem>>)
        tpu.yield
      }) : () -> ()
      %dma_start3A = arith.constant 0 : i32
      %dma_start3A_12 = arith.constant 0 : i32
      %dma_start3A_13 = tpu.memref_slice %arg9[%dma_start3A, %dma_start3A_12] : memref<20x100xi32, #tpu.memory_space<vmem>> -> memref<1x100xi32, #tpu.memory_space<vmem>>
      %dma_start3A_14 = tpu.memref_squeeze %dma_start3A_13 : memref<1x100xi32, #tpu.memory_space<vmem>> -> memref<100xi32, #tpu.memory_space<vmem>>
      %dma_start3A_15 = arith.constant 0 : i32
      %dma_start3A_16 = arith.constant 0 : i32
      %dma_start3A_17 = tpu.memref_slice %arg2[%dma_start3A_15, %dma_start3A_16] : memref<10240x128xf32, #tpu.memory_space<hbm>> -> memref<10240x128xf32, #tpu.memory_space<hbm>>
      tpu.enqueue_indirect_dma source(%dma_start3A_17 : memref<10240x128xf32, #tpu.memory_space<hbm>>) target(%arg11 : memref<100x128xf32, #tpu.memory_space<vmem>>) offsets(%dma_start3A_14 : memref<100xi32, #tpu.memory_space<vmem>>) semaphore(%arg13 : memref<!tpu.dma_semaphore, #tpu.memory_space<semaphore_mem>>)
      %dma_start3A_18 = arith.constant 1 : i32
      %dma_start3A_19 = arith.constant 0 : i32
      %dma_start3A_20 = tpu.memref_slice %arg9[%dma_start3A_18, %dma_start3A_19] : memref<20x100xi32, #tpu.memory_space<vmem>> -> memref<1x100xi32, #tpu.memory_space<vmem>>
      %dma_start3A_21 = tpu.memref_squeeze %dma_start3A_20 : memref<1x100xi32, #tpu.memory_space<vmem>> -> memref<100xi32, #tpu.memory_space<vmem>>
      %dma_start3A_22 = arith.constant 0 : i32
      %dma_start3A_23 = arith.constant 0 : i32
      %dma_start3A_24 = tpu.memref_slice %arg2[%dma_start3A_22, %dma_start3A_23] : memref<10240x128xf32, #tpu.memory_space<hbm>> -> memref<10240x128xf32, #tpu.memory_space<hbm>>
      tpu.enqueue_indirect_dma source(%dma_start3A_24 : memref<10240x128xf32, #tpu.memory_space<hbm>>) target(%arg12 : memref<100x128xf32, #tpu.memory_space<vmem>>) offsets(%dma_start3A_21 : memref<100xi32, #tpu.memory_space<vmem>>) semaphore(%arg14 : memref<!tpu.dma_semaphore, #tpu.memory_space<semaphore_mem>>)
      tpu.wait_dma2 semaphore(%arg13 : memref<!tpu.dma_semaphore, #tpu.memory_space<semaphore_mem>>) src(%arg6 : memref<100x128xf32, #tpu.memory_space<hbm>>) dst(%arg11 : memref<100x128xf32, #tpu.memory_space<vmem>>)
      %dma_start3A_25 = arith.constant 0 : i32
      %dma_start3A_26 = arith.constant 0 : i32
      %dma_start3A_27 = tpu.memref_slice %arg10[%dma_start3A_25, %dma_start3A_26] : memref<20x100xi32, #tpu.memory_space<vmem>> -> memref<1x100xi32, #tpu.memory_space<vmem>>
      %dma_start3A_28 = tpu.memref_squeeze %dma_start3A_27 : memref<1x100xi32, #tpu.memory_space<vmem>> -> memref<100xi32, #tpu.memory_space<vmem>>
      %dma_start3A_29 = arith.constant 0 : i32
      %dma_start3A_30 = arith.constant 0 : i32
      %dma_start3A_31 = tpu.memref_slice %arg8[%dma_start3A_29, %dma_start3A_30] : memref<10240x128xf32, #tpu.memory_space<vmem_shared>> -> memref<10240x128xf32, #tpu.memory_space<vmem_shared>>
      tpu.enqueue_indirect_dma source(%arg11 : memref<100x128xf32, #tpu.memory_space<vmem>>) target(%dma_start3A_31 : memref<10240x128xf32, #tpu.memory_space<vmem_shared>>) offsets(%dma_start3A_28 : memref<100xi32, #tpu.memory_space<vmem>>) semaphore(%arg15 : memref<!tpu.dma_semaphore, #tpu.memory_space<semaphore_mem>>) {add = true}
      tpu.wait_dma2 semaphore(%arg15 : memref<!tpu.dma_semaphore, #tpu.memory_space<semaphore_mem>>) src(%arg6 : memref<100x128xf32, #tpu.memory_space<hbm>>) dst(%arg11 : memref<100x128xf32, #tpu.memory_space<vmem>>)
      %dma_start3A_32 = arith.constant 2 : i32
      %dma_start3A_33 = arith.constant 0 : i32
      %dma_start3A_34 = tpu.memref_slice %arg9[%dma_start3A_32, %dma_start3A_33] : memref<20x100xi32, #tpu.memory_space<vmem>> -> memref<1x100xi32, #tpu.memory_space<vmem>>
      %dma_start3A_35 = tpu.memref_squeeze %dma_start3A_34 : memref<1x100xi32, #tpu.memory_space<vmem>> -> memref<100xi32, #tpu.memory_space<vmem>>
      %dma_start3A_36 = arith.constant 0 : i32
      %dma_start3A_37 = arith.constant 0 : i32
      %dma_start3A_38 = tpu.memref_slice %arg2[%dma_start3A_36, %dma_start3A_37] : memref<10240x128xf32, #tpu.memory_space<hbm>> -> memref<10240x128xf32, #tpu.memory_space<hbm>>
      tpu.enqueue_indirect_dma source(%dma_start3A_38 : memref<10240x128xf32, #tpu.memory_space<hbm>>) target(%arg11 : memref<100x128xf32, #tpu.memory_space<vmem>>) offsets(%dma_start3A_35 : memref<100xi32, #tpu.memory_space<vmem>>) semaphore(%arg13 : memref<!tpu.dma_semaphore, #tpu.memory_space<semaphore_mem>>)
      tpu.wait_dma2 semaphore(%arg14 : memref<!tpu.dma_semaphore, #tpu.memory_space<semaphore_mem>>) src(%arg6 : memref<100x128xf32, #tpu.memory_space<hbm>>) dst(%arg12 : memref<100x128xf32, #tpu.memory_space<vmem>>)
      %dma_start3A_39 = arith.constant 1 : i32
      %dma_start3A_40 = arith.constant 0 : i32
      %dma_start3A_41 = tpu.memref_slice %arg10[%dma_start3A_39, %dma_start3A_40] : memref<20x100xi32, #tpu.memory_space<vmem>> -> memref<1x100xi32, #tpu.memory_space<vmem>>
      %dma_start3A_42 = tpu.memref_squeeze %dma_start3A_41 : memref<1x100xi32, #tpu.memory_space<vmem>> -> memref<100xi32, #tpu.memory_space<vmem>>
      %dma_start3A_43 = arith.constant 0 : i32
      %dma_start3A_44 = arith.constant 0 : i32
      %dma_start3A_45 = tpu.memref_slice %arg8[%dma_start3A_43, %dma_start3A_44] : memref<10240x128xf32, #tpu.memory_space<vmem_shared>> -> memref<10240x128xf32, #tpu.memory_space<vmem_shared>>
      tpu.enqueue_indirect_dma source(%arg12 : memref<100x128xf32, #tpu.memory_space<vmem>>) target(%dma_start3A_45 : memref<10240x128xf32, #tpu.memory_space<vmem_shared>>) offsets(%dma_start3A_42 : memref<100xi32, #tpu.memory_space<vmem>>) semaphore(%arg16 : memref<!tpu.dma_semaphore, #tpu.memory_space<semaphore_mem>>) {add = true}
      tpu.wait_dma2 semaphore(%arg16 : memref<!tpu.dma_semaphore, #tpu.memory_space<semaphore_mem>>) src(%arg6 : memref<100x128xf32, #tpu.memory_space<hbm>>) dst(%arg12 : memref<100x128xf32, #tpu.memory_space<vmem>>)
      %dma_start3A_46 = arith.constant 3 : i32
      %dma_start3A_47 = arith.constant 0 : i32
      %dma_start3A_48 = tpu.memref_slice %arg9[%dma_start3A_46, %dma_start3A_47] : memref<20x100xi32, #tpu.memory_space<vmem>> -> memref<1x100xi32, #tpu.memory_space<vmem>>
      %dma_start3A_49 = tpu.memref_squeeze %dma_start3A_48 : memref<1x100xi32, #tpu.memory_space<vmem>> -> memref<100xi32, #tpu.memory_space<vmem>>
      %dma_start3A_50 = arith.constant 0 : i32
      %dma_start3A_51 = arith.constant 0 : i32
      %dma_start3A_52 = tpu.memref_slice %arg2[%dma_start3A_50, %dma_start3A_51] : memref<10240x128xf32, #tpu.memory_space<hbm>> -> memref<10240x128xf32, #tpu.memory_space<hbm>>
      tpu.enqueue_indirect_dma source(%dma_start3A_52 : memref<10240x128xf32, #tpu.memory_space<hbm>>) target(%arg12 : memref<100x128xf32, #tpu.memory_space<vmem>>) offsets(%dma_start3A_49 : memref<100xi32, #tpu.memory_space<vmem>>) semaphore(%arg14 : memref<!tpu.dma_semaphore, #tpu.memory_space<semaphore_mem>>)
      tpu.wait_dma2 semaphore(%arg13 : memref<!tpu.dma_semaphore, #tpu.memory_space<semaphore_mem>>) src(%arg6 : memref<100x128xf32, #tpu.memory_space<hbm>>) dst(%arg11 : memref<100x128xf32, #tpu.memory_space<vmem>>)
      %dma_start3A_53 = arith.constant 2 : i32
      %dma_start3A_54 = arith.constant 0 : i32
      %dma_start3A_55 = tpu.memref_slice %arg10[%dma_start3A_53, %dma_start3A_54] : memref<20x100xi32, #tpu.memory_space<vmem>> -> memref<1x100xi32, #tpu.memory_space<vmem>>
      %dma_start3A_56 = tpu.memref_squeeze %dma_start3A_55 : memref<1x100xi32, #tpu.memory_space<vmem>> -> memref<100xi32, #tpu.memory_space<vmem>>
      %dma_start3A_57 = arith.constant 0 : i32
      %dma_start3A_58 = arith.constant 0 : i32
      %dma_start3A_59 = tpu.memref_slice %arg8[%dma_start3A_57, %dma_start3A_58] : memref<10240x128xf32, #tpu.memory_space<vmem_shared>> -> memref<10240x128xf32, #tpu.memory_space<vmem_shared>>
      tpu.enqueue_indirect_dma source(%arg11 : memref<100x128xf32, #tpu.memory_space<vmem>>) target(%dma_start3A_59 : memref<10240x128xf32, #tpu.memory_space<vmem_shared>>) offsets(%dma_start3A_56 : memref<100xi32, #tpu.memory_space<vmem>>) semaphore(%arg15 : memref<!tpu.dma_semaphore, #tpu.memory_space<semaphore_mem>>) {add = true}
      tpu.wait_dma2 semaphore(%arg15 : memref<!tpu.dma_semaphore, #tpu.memory_space<semaphore_mem>>) src(%arg6 : memref<100x128xf32, #tpu.memory_space<hbm>>) dst(%arg11 : memref<100x128xf32, #tpu.memory_space<vmem>>)
      %dma_start3A_60 = arith.constant 4 : i32
      %dma_start3A_61 = arith.constant 0 : i32
      %dma_start3A_62 = tpu.memref_slice %arg9[%dma_start3A_60, %dma_start3A_61] : memref<20x100xi32, #tpu.memory_space<vmem>> -> memref<1x100xi32, #tpu.memory_space<vmem>>
      %dma_start3A_63 = tpu.memref_squeeze %dma_start3A_62 : memref<1x100xi32, #tpu.memory_space<vmem>> -> memref<100xi32, #tpu.memory_space<vmem>>
      %dma_start3A_64 = arith.constant 0 : i32
      %dma_start3A_65 = arith.constant 0 : i32
      %dma_start3A_66 = tpu.memref_slice %arg2[%dma_start3A_64, %dma_start3A_65] : memref<10240x128xf32, #tpu.memory_space<hbm>> -> memref<10240x128xf32, #tpu.memory_space<hbm>>
      tpu.enqueue_indirect_dma source(%dma_start3A_66 : memref<10240x128xf32, #tpu.memory_space<hbm>>) target(%arg11 : memref<100x128xf32, #tpu.memory_space<vmem>>) offsets(%dma_start3A_63 : memref<100xi32, #tpu.memory_space<vmem>>) semaphore(%arg13 : memref<!tpu.dma_semaphore, #tpu.memory_space<semaphore_mem>>)
      tpu.wait_dma2 semaphore(%arg14 : memref<!tpu.dma_semaphore, #tpu.memory_space<semaphore_mem>>) src(%arg6 : memref<100x128xf32, #tpu.memory_space<hbm>>) dst(%arg12 : memref<100x128xf32, #tpu.memory_space<vmem>>)
      %dma_start3A_67 = arith.constant 3 : i32
      %dma_start3A_68 = arith.constant 0 : i32
      %dma_start3A_69 = tpu.memref_slice %arg10[%dma_start3A_67, %dma_start3A_68] : memref<20x100xi32, #tpu.memory_space<vmem>> -> memref<1x100xi32, #tpu.memory_space<vmem>>
      %dma_start3A_70 = tpu.memref_squeeze %dma_start3A_69 : memref<1x100xi32, #tpu.memory_space<vmem>> -> memref<100xi32, #tpu.memory_space<vmem>>
      %dma_start3A_71 = arith.constant 0 : i32
      %dma_start3A_72 = arith.constant 0 : i32
      %dma_start3A_73 = tpu.memref_slice %arg8[%dma_start3A_71, %dma_start3A_72] : memref<10240x128xf32, #tpu.memory_space<vmem_shared>> -> memref<10240x128xf32, #tpu.memory_space<vmem_shared>>
      tpu.enqueue_indirect_dma source(%arg12 : memref<100x128xf32, #tpu.memory_space<vmem>>) target(%dma_start3A_73 : memref<10240x128xf32, #tpu.memory_space<vmem_shared>>) offsets(%dma_start3A_70 : memref<100xi32, #tpu.memory_space<vmem>>) semaphore(%arg16 : memref<!tpu.dma_semaphore, #tpu.memory_space<semaphore_mem>>) {add = true}
      tpu.wait_dma2 semaphore(%arg16 : memref<!tpu.dma_semaphore, #tpu.memory_space<semaphore_mem>>) src(%arg6 : memref<100x128xf32, #tpu.memory_space<hbm>>) dst(%arg12 : memref<100x128xf32, #tpu.memory_space<vmem>>)
      %dma_start3A_74 = arith.constant 5 : i32
      %dma_start3A_75 = arith.constant 0 : i32
      %dma_start3A_76 = tpu.memref_slice %arg9[%dma_start3A_74, %dma_start3A_75] : memref<20x100xi32, #tpu.memory_space<vmem>> -> memref<1x100xi32, #tpu.memory_space<vmem>>
      %dma_start3A_77 = tpu.memref_squeeze %dma_start3A_76 : memref<1x100xi32, #tpu.memory_space<vmem>> -> memref<100xi32, #tpu.memory_space<vmem>>
      %dma_start3A_78 = arith.constant 0 : i32
      %dma_start3A_79 = arith.constant 0 : i32
      %dma_start3A_80 = tpu.memref_slice %arg2[%dma_start3A_78, %dma_start3A_79] : memref<10240x128xf32, #tpu.memory_space<hbm>> -> memref<10240x128xf32, #tpu.memory_space<hbm>>
      tpu.enqueue_indirect_dma source(%dma_start3A_80 : memref<10240x128xf32, #tpu.memory_space<hbm>>) target(%arg12 : memref<100x128xf32, #tpu.memory_space<vmem>>) offsets(%dma_start3A_77 : memref<100xi32, #tpu.memory_space<vmem>>) semaphore(%arg14 : memref<!tpu.dma_semaphore, #tpu.memory_space<semaphore_mem>>)
      tpu.wait_dma2 semaphore(%arg13 : memref<!tpu.dma_semaphore, #tpu.memory_space<semaphore_mem>>) src(%arg6 : memref<100x128xf32, #tpu.memory_space<hbm>>) dst(%arg11 : memref<100x128xf32, #tpu.memory_space<vmem>>)
      %dma_start3A_81 = arith.constant 4 : i32
      %dma_start3A_82 = arith.constant 0 : i32
      %dma_start3A_83 = tpu.memref_slice %arg10[%dma_start3A_81, %dma_start3A_82] : memref<20x100xi32, #tpu.memory_space<vmem>> -> memref<1x100xi32, #tpu.memory_space<vmem>>
      %dma_start3A_84 = tpu.memref_squeeze %dma_start3A_83 : memref<1x100xi32, #tpu.memory_space<vmem>> -> memref<100xi32, #tpu.memory_space<vmem>>
      %dma_start3A_85 = arith.constant 0 : i32
      %dma_start3A_86 = arith.constant 0 : i32
      %dma_start3A_87 = tpu.memref_slice %arg8[%dma_start3A_85, %dma_start3A_86] : memref<10240x128xf32, #tpu.memory_space<vmem_shared>> -> memref<10240x128xf32, #tpu.memory_space<vmem_shared>>
      tpu.enqueue_indirect_dma source(%arg11 : memref<100x128xf32, #tpu.memory_space<vmem>>) target(%dma_start3A_87 : memref<10240x128xf32, #tpu.memory_space<vmem_shared>>) offsets(%dma_start3A_84 : memref<100xi32, #tpu.memory_space<vmem>>) semaphore(%arg15 : memref<!tpu.dma_semaphore, #tpu.memory_space<semaphore_mem>>) {add = true}
      tpu.wait_dma2 semaphore(%arg15 : memref<!tpu.dma_semaphore, #tpu.memory_space<semaphore_mem>>) src(%arg6 : memref<100x128xf32, #tpu.memory_space<hbm>>) dst(%arg11 : memref<100x128xf32, #tpu.memory_space<vmem>>)
      %dma_start3A_88 = arith.constant 6 : i32
      %dma_start3A_89 = arith.constant 0 : i32
      %dma_start3A_90 = tpu.memref_slice %arg9[%dma_start3A_88, %dma_start3A_89] : memref<20x100xi32, #tpu.memory_space<vmem>> -> memref<1x100xi32, #tpu.memory_space<vmem>>
      %dma_start3A_91 = tpu.memref_squeeze %dma_start3A_90 : memref<1x100xi32, #tpu.memory_space<vmem>> -> memref<100xi32, #tpu.memory_space<vmem>>
      %dma_start3A_92 = arith.constant 0 : i32
      %dma_start3A_93 = arith.constant 0 : i32
      %dma_start3A_94 = tpu.memref_slice %arg2[%dma_start3A_92, %dma_start3A_93] : memref<10240x128xf32, #tpu.memory_space<hbm>> -> memref<10240x128xf32, #tpu.memory_space<hbm>>
      tpu.enqueue_indirect_dma source(%dma_start3A_94 : memref<10240x128xf32, #tpu.memory_space<hbm>>) target(%arg11 : memref<100x128xf32, #tpu.memory_space<vmem>>) offsets(%dma_start3A_91 : memref<100xi32, #tpu.memory_space<vmem>>) semaphore(%arg13 : memref<!tpu.dma_semaphore, #tpu.memory_space<semaphore_mem>>)
      tpu.wait_dma2 semaphore(%arg14 : memref<!tpu.dma_semaphore, #tpu.memory_space<semaphore_mem>>) src(%arg6 : memref<100x128xf32, #tpu.memory_space<hbm>>) dst(%arg12 : memref<100x128xf32, #tpu.memory_space<vmem>>)
      %dma_start3A_95 = arith.constant 5 : i32
      %dma_start3A_96 = arith.constant 0 : i32
      %dma_start3A_97 = tpu.memref_slice %arg10[%dma_start3A_95, %dma_start3A_96] : memref<20x100xi32, #tpu.memory_space<vmem>> -> memref<1x100xi32, #tpu.memory_space<vmem>>
      %dma_start3A_98 = tpu.memref_squeeze %dma_start3A_97 : memref<1x100xi32, #tpu.memory_space<vmem>> -> memref<100xi32, #tpu.memory_space<vmem>>
      %dma_start3A_99 = arith.constant 0 : i32
      %dma_start3A_100 = arith.constant 0 : i32
      %dma_start3A_101 = tpu.memref_slice %arg8[%dma_start3A_99, %dma_start3A_100] : memref<10240x128xf32, #tpu.memory_space<vmem_shared>> -> memref<10240x128xf32, #tpu.memory_space<vmem_shared>>
      tpu.enqueue_indirect_dma source(%arg12 : memref<100x128xf32, #tpu.memory_space<vmem>>) target(%dma_start3A_101 : memref<10240x128xf32, #tpu.memory_space<vmem_shared>>) offsets(%dma_start3A_98 : memref<100xi32, #tpu.memory_space<vmem>>) semaphore(%arg16 : memref<!tpu.dma_semaphore, #tpu.memory_space<semaphore_mem>>) {add = true}
      tpu.wait_dma2 semaphore(%arg16 : memref<!tpu.dma_semaphore, #tpu.memory_space<semaphore_mem>>) src(%arg6 : memref<100x128xf32, #tpu.memory_space<hbm>>) dst(%arg12 : memref<100x128xf32, #tpu.memory_space<vmem>>)
      %dma_start3A_102 = arith.constant 7 : i32
      %dma_start3A_103 = arith.constant 0 : i32
      %dma_start3A_104 = tpu.memref_slice %arg9[%dma_start3A_102, %dma_start3A_103] : memref<20x100xi32, #tpu.memory_space<vmem>> -> memref<1x100xi32, #tpu.memory_space<vmem>>
      %dma_start3A_105 = tpu.memref_squeeze %dma_start3A_104 : memref<1x100xi32, #tpu.memory_space<vmem>> -> memref<100xi32, #tpu.memory_space<vmem>>
      %dma_start3A_106 = arith.constant 0 : i32
      %dma_start3A_107 = arith.constant 0 : i32
      %dma_start3A_108 = tpu.memref_slice %arg2[%dma_start3A_106, %dma_start3A_107] : memref<10240x128xf32, #tpu.memory_space<hbm>> -> memref<10240x128xf32, #tpu.memory_space<hbm>>
      tpu.enqueue_indirect_dma source(%dma_start3A_108 : memref<10240x128xf32, #tpu.memory_space<hbm>>) target(%arg12 : memref<100x128xf32, #tpu.memory_space<vmem>>) offsets(%dma_start3A_105 : memref<100xi32, #tpu.memory_space<vmem>>) semaphore(%arg14 : memref<!tpu.dma_semaphore, #tpu.memory_space<semaphore_mem>>)
      tpu.wait_dma2 semaphore(%arg13 : memref<!tpu.dma_semaphore, #tpu.memory_space<semaphore_mem>>) src(%arg6 : memref<100x128xf32, #tpu.memory_space<hbm>>) dst(%arg11 : memref<100x128xf32, #tpu.memory_space<vmem>>)
      %dma_start3A_109 = arith.constant 6 : i32
      %dma_start3A_110 = arith.constant 0 : i32
      %dma_start3A_111 = tpu.memref_slice %arg10[%dma_start3A_109, %dma_start3A_110] : memref<20x100xi32, #tpu.memory_space<vmem>> -> memref<1x100xi32, #tpu.memory_space<vmem>>
      %dma_start3A_112 = tpu.memref_squeeze %dma_start3A_111 : memref<1x100xi32, #tpu.memory_space<vmem>> -> memref<100xi32, #tpu.memory_space<vmem>>
      %dma_start3A_113 = arith.constant 0 : i32
      %dma_start3A_114 = arith.constant 0 : i32
      %dma_start3A_115 = tpu.memref_slice %arg8[%dma_start3A_113, %dma_start3A_114] : memref<10240x128xf32, #tpu.memory_space<vmem_shared>> -> memref<10240x128xf32, #tpu.memory_space<vmem_shared>>
      tpu.enqueue_indirect_dma source(%arg11 : memref<100x128xf32, #tpu.memory_space<vmem>>) target(%dma_start3A_115 : memref<10240x128xf32, #tpu.memory_space<vmem_shared>>) offsets(%dma_start3A_112 : memref<100xi32, #tpu.memory_space<vmem>>) semaphore(%arg15 : memref<!tpu.dma_semaphore, #tpu.memory_space<semaphore_mem>>) {add = true}
      tpu.wait_dma2 semaphore(%arg15 : memref<!tpu.dma_semaphore, #tpu.memory_space<semaphore_mem>>) src(%arg6 : memref<100x128xf32, #tpu.memory_space<hbm>>) dst(%arg11 : memref<100x128xf32, #tpu.memory_space<vmem>>)
      %dma_start3A_116 = arith.constant 8 : i32
      %dma_start3A_117 = arith.constant 0 : i32
      %dma_start3A_118 = tpu.memref_slice %arg9[%dma_start3A_116, %dma_start3A_117] : memref<20x100xi32, #tpu.memory_space<vmem>> -> memref<1x100xi32, #tpu.memory_space<vmem>>
      %dma_start3A_119 = tpu.memref_squeeze %dma_start3A_118 : memref<1x100xi32, #tpu.memory_space<vmem>> -> memref<100xi32, #tpu.memory_space<vmem>>
      %dma_start3A_120 = arith.constant 0 : i32
      %dma_start3A_121 = arith.constant 0 : i32
      %dma_start3A_122 = tpu.memref_slice %arg2[%dma_start3A_120, %dma_start3A_121] : memref<10240x128xf32, #tpu.memory_space<hbm>> -> memref<10240x128xf32, #tpu.memory_space<hbm>>
      tpu.enqueue_indirect_dma source(%dma_start3A_122 : memref<10240x128xf32, #tpu.memory_space<hbm>>) target(%arg11 : memref<100x128xf32, #tpu.memory_space<vmem>>) offsets(%dma_start3A_119 : memref<100xi32, #tpu.memory_space<vmem>>) semaphore(%arg13 : memref<!tpu.dma_semaphore, #tpu.memory_space<semaphore_mem>>)
      tpu.wait_dma2 semaphore(%arg14 : memref<!tpu.dma_semaphore, #tpu.memory_space<semaphore_mem>>) src(%arg6 : memref<100x128xf32, #tpu.memory_space<hbm>>) dst(%arg12 : memref<100x128xf32, #tpu.memory_space<vmem>>)
      %dma_start3A_123 = arith.constant 7 : i32
      %dma_start3A_124 = arith.constant 0 : i32
      %dma_start3A_125 = tpu.memref_slice %arg10[%dma_start3A_123, %dma_start3A_124] : memref<20x100xi32, #tpu.memory_space<vmem>> -> memref<1x100xi32, #tpu.memory_space<vmem>>
      %dma_start3A_126 = tpu.memref_squeeze %dma_start3A_125 : memref<1x100xi32, #tpu.memory_space<vmem>> -> memref<100xi32, #tpu.memory_space<vmem>>
      %dma_start3A_127 = arith.constant 0 : i32
      %dma_start3A_128 = arith.constant 0 : i32
      %dma_start3A_129 = tpu.memref_slice %arg8[%dma_start3A_127, %dma_start3A_128] : memref<10240x128xf32, #tpu.memory_space<vmem_shared>> -> memref<10240x128xf32, #tpu.memory_space<vmem_shared>>
      tpu.enqueue_indirect_dma source(%arg12 : memref<100x128xf32, #tpu.memory_space<vmem>>) target(%dma_start3A_129 : memref<10240x128xf32, #tpu.memory_space<vmem_shared>>) offsets(%dma_start3A_126 : memref<100xi32, #tpu.memory_space<vmem>>) semaphore(%arg16 : memref<!tpu.dma_semaphore, #tpu.memory_space<semaphore_mem>>) {add = true}
      tpu.wait_dma2 semaphore(%arg16 : memref<!tpu.dma_semaphore, #tpu.memory_space<semaphore_mem>>) src(%arg6 : memref<100x128xf32, #tpu.memory_space<hbm>>) dst(%arg12 : memref<100x128xf32, #tpu.memory_space<vmem>>)
      %dma_start3A_130 = arith.constant 9 : i32
      %dma_start3A_131 = arith.constant 0 : i32
      %dma_start3A_132 = tpu.memref_slice %arg9[%dma_start3A_130, %dma_start3A_131] : memref<20x100xi32, #tpu.memory_space<vmem>> -> memref<1x100xi32, #tpu.memory_space<vmem>>
      %dma_start3A_133 = tpu.memref_squeeze %dma_start3A_132 : memref<1x100xi32, #tpu.memory_space<vmem>> -> memref<100xi32, #tpu.memory_space<vmem>>
      %dma_start3A_134 = arith.constant 0 : i32
      %dma_start3A_135 = arith.constant 0 : i32
      %dma_start3A_136 = tpu.memref_slice %arg2[%dma_start3A_134, %dma_start3A_135] : memref<10240x128xf32, #tpu.memory_space<hbm>> -> memref<10240x128xf32, #tpu.memory_space<hbm>>
      tpu.enqueue_indirect_dma source(%dma_start3A_136 : memref<10240x128xf32, #tpu.memory_space<hbm>>) target(%arg12 : memref<100x128xf32, #tpu.memory_space<vmem>>) offsets(%dma_start3A_133 : memref<100xi32, #tpu.memory_space<vmem>>) semaphore(%arg14 : memref<!tpu.dma_semaphore, #tpu.memory_space<semaphore_mem>>)
      tpu.wait_dma2 semaphore(%arg13 : memref<!tpu.dma_semaphore, #tpu.memory_space<semaphore_mem>>) src(%arg6 : memref<100x128xf32, #tpu.memory_space<hbm>>) dst(%arg11 : memref<100x128xf32, #tpu.memory_space<vmem>>)
      %dma_start3A_137 = arith.constant 8 : i32
      %dma_start3A_138 = arith.constant 0 : i32
      %dma_start3A_139 = tpu.memref_slice %arg10[%dma_start3A_137, %dma_start3A_138] : memref<20x100xi32, #tpu.memory_space<vmem>> -> memref<1x100xi32, #tpu.memory_space<vmem>>
      %dma_start3A_140 = tpu.memref_squeeze %dma_start3A_139 : memref<1x100xi32, #tpu.memory_space<vmem>> -> memref<100xi32, #tpu.memory_space<vmem>>
      %dma_start3A_141 = arith.constant 0 : i32
      %dma_start3A_142 = arith.constant 0 : i32
      %dma_start3A_143 = tpu.memref_slice %arg8[%dma_start3A_141, %dma_start3A_142] : memref<10240x128xf32, #tpu.memory_space<vmem_shared>> -> memref<10240x128xf32, #tpu.memory_space<vmem_shared>>
      tpu.enqueue_indirect_dma source(%arg11 : memref<100x128xf32, #tpu.memory_space<vmem>>) target(%dma_start3A_143 : memref<10240x128xf32, #tpu.memory_space<vmem_shared>>) offsets(%dma_start3A_140 : memref<100xi32, #tpu.memory_space<vmem>>) semaphore(%arg15 : memref<!tpu.dma_semaphore, #tpu.memory_space<semaphore_mem>>) {add = true}
      tpu.wait_dma2 semaphore(%arg15 : memref<!tpu.dma_semaphore, #tpu.memory_space<semaphore_mem>>) src(%arg6 : memref<100x128xf32, #tpu.memory_space<hbm>>) dst(%arg11 : memref<100x128xf32, #tpu.memory_space<vmem>>)
      %dma_start3A_144 = arith.constant 10 : i32
      %dma_start3A_145 = arith.constant 0 : i32
      %dma_start3A_146 = tpu.memref_slice %arg9[%dma_start3A_144, %dma_start3A_145] : memref<20x100xi32, #tpu.memory_space<vmem>> -> memref<1x100xi32, #tpu.memory_space<vmem>>
      %dma_start3A_147 = tpu.memref_squeeze %dma_start3A_146 : memref<1x100xi32, #tpu.memory_space<vmem>> -> memref<100xi32, #tpu.memory_space<vmem>>
      %dma_start3A_148 = arith.constant 0 : i32
      %dma_start3A_149 = arith.constant 0 : i32
      %dma_start3A_150 = tpu.memref_slice %arg2[%dma_start3A_148, %dma_start3A_149] : memref<10240x128xf32, #tpu.memory_space<hbm>> -> memref<10240x128xf32, #tpu.memory_space<hbm>>
      tpu.enqueue_indirect_dma source(%dma_start3A_150 : memref<10240x128xf32, #tpu.memory_space<hbm>>) target(%arg11 : memref<100x128xf32, #tpu.memory_space<vmem>>) offsets(%dma_start3A_147 : memref<100xi32, #tpu.memory_space<vmem>>) semaphore(%arg13 : memref<!tpu.dma_semaphore, #tpu.memory_space<semaphore_mem>>)
      tpu.wait_dma2 semaphore(%arg14 : memref<!tpu.dma_semaphore, #tpu.memory_space<semaphore_mem>>) src(%arg6 : memref<100x128xf32, #tpu.memory_space<hbm>>) dst(%arg12 : memref<100x128xf32, #tpu.memory_space<vmem>>)
      %dma_start3A_151 = arith.constant 9 : i32
      %dma_start3A_152 = arith.constant 0 : i32
      %dma_start3A_153 = tpu.memref_slice %arg10[%dma_start3A_151, %dma_start3A_152] : memref<20x100xi32, #tpu.memory_space<vmem>> -> memref<1x100xi32, #tpu.memory_space<vmem>>
      %dma_start3A_154 = tpu.memref_squeeze %dma_start3A_153 : memref<1x100xi32, #tpu.memory_space<vmem>> -> memref<100xi32, #tpu.memory_space<vmem>>
      %dma_start3A_155 = arith.constant 0 : i32
      %dma_start3A_156 = arith.constant 0 : i32
      %dma_start3A_157 = tpu.memref_slice %arg8[%dma_start3A_155, %dma_start3A_156] : memref<10240x128xf32, #tpu.memory_space<vmem_shared>> -> memref<10240x128xf32, #tpu.memory_space<vmem_shared>>
      tpu.enqueue_indirect_dma source(%arg12 : memref<100x128xf32, #tpu.memory_space<vmem>>) target(%dma_start3A_157 : memref<10240x128xf32, #tpu.memory_space<vmem_shared>>) offsets(%dma_start3A_154 : memref<100xi32, #tpu.memory_space<vmem>>) semaphore(%arg16 : memref<!tpu.dma_semaphore, #tpu.memory_space<semaphore_mem>>) {add = true}
      tpu.wait_dma2 semaphore(%arg16 : memref<!tpu.dma_semaphore, #tpu.memory_space<semaphore_mem>>) src(%arg6 : memref<100x128xf32, #tpu.memory_space<hbm>>) dst(%arg12 : memref<100x128xf32, #tpu.memory_space<vmem>>)
      %dma_start3A_158 = arith.constant 11 : i32
      %dma_start3A_159 = arith.constant 0 : i32
      %dma_start3A_160 = tpu.memref_slice %arg9[%dma_start3A_158, %dma_start3A_159] : memref<20x100xi32, #tpu.memory_space<vmem>> -> memref<1x100xi32, #tpu.memory_space<vmem>>
      %dma_start3A_161 = tpu.memref_squeeze %dma_start3A_160 : memref<1x100xi32, #tpu.memory_space<vmem>> -> memref<100xi32, #tpu.memory_space<vmem>>
      %dma_start3A_162 = arith.constant 0 : i32
      %dma_start3A_163 = arith.constant 0 : i32
      %dma_start3A_164 = tpu.memref_slice %arg2[%dma_start3A_162, %dma_start3A_163] : memref<10240x128xf32, #tpu.memory_space<hbm>> -> memref<10240x128xf32, #tpu.memory_space<hbm>>
      tpu.enqueue_indirect_dma source(%dma_start3A_164 : memref<10240x128xf32, #tpu.memory_space<hbm>>) target(%arg12 : memref<100x128xf32, #tpu.memory_space<vmem>>) offsets(%dma_start3A_161 : memref<100xi32, #tpu.memory_space<vmem>>) semaphore(%arg14 : memref<!tpu.dma_semaphore, #tpu.memory_space<semaphore_mem>>)
      tpu.wait_dma2 semaphore(%arg13 : memref<!tpu.dma_semaphore, #tpu.memory_space<semaphore_mem>>) src(%arg6 : memref<100x128xf32, #tpu.memory_space<hbm>>) dst(%arg11 : memref<100x128xf32, #tpu.memory_space<vmem>>)
      %dma_start3A_165 = arith.constant 10 : i32
      %dma_start3A_166 = arith.constant 0 : i32
      %dma_start3A_167 = tpu.memref_slice %arg10[%dma_start3A_165, %dma_start3A_166] : memref<20x100xi32, #tpu.memory_space<vmem>> -> memref<1x100xi32, #tpu.memory_space<vmem>>
      %dma_start3A_168 = tpu.memref_squeeze %dma_start3A_167 : memref<1x100xi32, #tpu.memory_space<vmem>> -> memref<100xi32, #tpu.memory_space<vmem>>
      %dma_start3A_169 = arith.constant 0 : i32
      %dma_start3A_170 = arith.constant 0 : i32
      %dma_start3A_171 = tpu.memref_slice %arg8[%dma_start3A_169, %dma_start3A_170] : memref<10240x128xf32, #tpu.memory_space<vmem_shared>> -> memref<10240x128xf32, #tpu.memory_space<vmem_shared>>
      tpu.enqueue_indirect_dma source(%arg11 : memref<100x128xf32, #tpu.memory_space<vmem>>) target(%dma_start3A_171 : memref<10240x128xf32, #tpu.memory_space<vmem_shared>>) offsets(%dma_start3A_168 : memref<100xi32, #tpu.memory_space<vmem>>) semaphore(%arg15 : memref<!tpu.dma_semaphore, #tpu.memory_space<semaphore_mem>>) {add = true}
      tpu.wait_dma2 semaphore(%arg15 : memref<!tpu.dma_semaphore, #tpu.memory_space<semaphore_mem>>) src(%arg6 : memref<100x128xf32, #tpu.memory_space<hbm>>) dst(%arg11 : memref<100x128xf32, #tpu.memory_space<vmem>>)
      %dma_start3A_172 = arith.constant 12 : i32
      %dma_start3A_173 = arith.constant 0 : i32
      %dma_start3A_174 = tpu.memref_slice %arg9[%dma_start3A_172, %dma_start3A_173] : memref<20x100xi32, #tpu.memory_space<vmem>> -> memref<1x100xi32, #tpu.memory_space<vmem>>
      %dma_start3A_175 = tpu.memref_squeeze %dma_start3A_174 : memref<1x100xi32, #tpu.memory_space<vmem>> -> memref<100xi32, #tpu.memory_space<vmem>>
      %dma_start3A_176 = arith.constant 0 : i32
      %dma_start3A_177 = arith.constant 0 : i32
      %dma_start3A_178 = tpu.memref_slice %arg2[%dma_start3A_176, %dma_start3A_177] : memref<10240x128xf32, #tpu.memory_space<hbm>> -> memref<10240x128xf32, #tpu.memory_space<hbm>>
      tpu.enqueue_indirect_dma source(%dma_start3A_178 : memref<10240x128xf32, #tpu.memory_space<hbm>>) target(%arg11 : memref<100x128xf32, #tpu.memory_space<vmem>>) offsets(%dma_start3A_175 : memref<100xi32, #tpu.memory_space<vmem>>) semaphore(%arg13 : memref<!tpu.dma_semaphore, #tpu.memory_space<semaphore_mem>>)
      tpu.wait_dma2 semaphore(%arg14 : memref<!tpu.dma_semaphore, #tpu.memory_space<semaphore_mem>>) src(%arg6 : memref<100x128xf32, #tpu.memory_space<hbm>>) dst(%arg12 : memref<100x128xf32, #tpu.memory_space<vmem>>)
      %dma_start3A_179 = arith.constant 11 : i32
      %dma_start3A_180 = arith.constant 0 : i32
      %dma_start3A_181 = tpu.memref_slice %arg10[%dma_start3A_179, %dma_start3A_180] : memref<20x100xi32, #tpu.memory_space<vmem>> -> memref<1x100xi32, #tpu.memory_space<vmem>>
      %dma_start3A_182 = tpu.memref_squeeze %dma_start3A_181 : memref<1x100xi32, #tpu.memory_space<vmem>> -> memref<100xi32, #tpu.memory_space<vmem>>
      %dma_start3A_183 = arith.constant 0 : i32
      %dma_start3A_184 = arith.constant 0 : i32
      %dma_start3A_185 = tpu.memref_slice %arg8[%dma_start3A_183, %dma_start3A_184] : memref<10240x128xf32, #tpu.memory_space<vmem_shared>> -> memref<10240x128xf32, #tpu.memory_space<vmem_shared>>
      tpu.enqueue_indirect_dma source(%arg12 : memref<100x128xf32, #tpu.memory_space<vmem>>) target(%dma_start3A_185 : memref<10240x128xf32, #tpu.memory_space<vmem_shared>>) offsets(%dma_start3A_182 : memref<100xi32, #tpu.memory_space<vmem>>) semaphore(%arg16 : memref<!tpu.dma_semaphore, #tpu.memory_space<semaphore_mem>>) {add = true}
      tpu.wait_dma2 semaphore(%arg16 : memref<!tpu.dma_semaphore, #tpu.memory_space<semaphore_mem>>) src(%arg6 : memref<100x128xf32, #tpu.memory_space<hbm>>) dst(%arg12 : memref<100x128xf32, #tpu.memory_space<vmem>>)
      %dma_start3A_186 = arith.constant 13 : i32
      %dma_start3A_187 = arith.constant 0 : i32
      %dma_start3A_188 = tpu.memref_slice %arg9[%dma_start3A_186, %dma_start3A_187] : memref<20x100xi32, #tpu.memory_space<vmem>> -> memref<1x100xi32, #tpu.memory_space<vmem>>
      %dma_start3A_189 = tpu.memref_squeeze %dma_start3A_188 : memref<1x100xi32, #tpu.memory_space<vmem>> -> memref<100xi32, #tpu.memory_space<vmem>>
      %dma_start3A_190 = arith.constant 0 : i32
      %dma_start3A_191 = arith.constant 0 : i32
      %dma_start3A_192 = tpu.memref_slice %arg2[%dma_start3A_190, %dma_start3A_191] : memref<10240x128xf32, #tpu.memory_space<hbm>> -> memref<10240x128xf32, #tpu.memory_space<hbm>>
      tpu.enqueue_indirect_dma source(%dma_start3A_192 : memref<10240x128xf32, #tpu.memory_space<hbm>>) target(%arg12 : memref<100x128xf32, #tpu.memory_space<vmem>>) offsets(%dma_start3A_189 : memref<100xi32, #tpu.memory_space<vmem>>) semaphore(%arg14 : memref<!tpu.dma_semaphore, #tpu.memory_space<semaphore_mem>>)
      tpu.wait_dma2 semaphore(%arg13 : memref<!tpu.dma_semaphore, #tpu.memory_space<semaphore_mem>>) src(%arg6 : memref<100x128xf32, #tpu.memory_space<hbm>>) dst(%arg11 : memref<100x128xf32, #tpu.memory_space<vmem>>)
      %dma_start3A_193 = arith.constant 12 : i32
      %dma_start3A_194 = arith.constant 0 : i32
      %dma_start3A_195 = tpu.memref_slice %arg10[%dma_start3A_193, %dma_start3A_194] : memref<20x100xi32, #tpu.memory_space<vmem>> -> memref<1x100xi32, #tpu.memory_space<vmem>>
      %dma_start3A_196 = tpu.memref_squeeze %dma_start3A_195 : memref<1x100xi32, #tpu.memory_space<vmem>> -> memref<100xi32, #tpu.memory_space<vmem>>
      %dma_start3A_197 = arith.constant 0 : i32
      %dma_start3A_198 = arith.constant 0 : i32
      %dma_start3A_199 = tpu.memref_slice %arg8[%dma_start3A_197, %dma_start3A_198] : memref<10240x128xf32, #tpu.memory_space<vmem_shared>> -> memref<10240x128xf32, #tpu.memory_space<vmem_shared>>
      tpu.enqueue_indirect_dma source(%arg11 : memref<100x128xf32, #tpu.memory_space<vmem>>) target(%dma_start3A_199 : memref<10240x128xf32, #tpu.memory_space<vmem_shared>>) offsets(%dma_start3A_196 : memref<100xi32, #tpu.memory_space<vmem>>) semaphore(%arg15 : memref<!tpu.dma_semaphore, #tpu.memory_space<semaphore_mem>>) {add = true}
      tpu.wait_dma2 semaphore(%arg15 : memref<!tpu.dma_semaphore, #tpu.memory_space<semaphore_mem>>) src(%arg6 : memref<100x128xf32, #tpu.memory_space<hbm>>) dst(%arg11 : memref<100x128xf32, #tpu.memory_space<vmem>>)
      %dma_start3A_200 = arith.constant 14 : i32
      %dma_start3A_201 = arith.constant 0 : i32
      %dma_start3A_202 = tpu.memref_slice %arg9[%dma_start3A_200, %dma_start3A_201] : memref<20x100xi32, #tpu.memory_space<vmem>> -> memref<1x100xi32, #tpu.memory_space<vmem>>
      %dma_start3A_203 = tpu.memref_squeeze %dma_start3A_202 : memref<1x100xi32, #tpu.memory_space<vmem>> -> memref<100xi32, #tpu.memory_space<vmem>>
      %dma_start3A_204 = arith.constant 0 : i32
      %dma_start3A_205 = arith.constant 0 : i32
      %dma_start3A_206 = tpu.memref_slice %arg2[%dma_start3A_204, %dma_start3A_205] : memref<10240x128xf32, #tpu.memory_space<hbm>> -> memref<10240x128xf32, #tpu.memory_space<hbm>>
      tpu.enqueue_indirect_dma source(%dma_start3A_206 : memref<10240x128xf32, #tpu.memory_space<hbm>>) target(%arg11 : memref<100x128xf32, #tpu.memory_space<vmem>>) offsets(%dma_start3A_203 : memref<100xi32, #tpu.memory_space<vmem>>) semaphore(%arg13 : memref<!tpu.dma_semaphore, #tpu.memory_space<semaphore_mem>>)
      tpu.wait_dma2 semaphore(%arg14 : memref<!tpu.dma_semaphore, #tpu.memory_space<semaphore_mem>>) src(%arg6 : memref<100x128xf32, #tpu.memory_space<hbm>>) dst(%arg12 : memref<100x128xf32, #tpu.memory_space<vmem>>)
      %dma_start3A_207 = arith.constant 13 : i32
      %dma_start3A_208 = arith.constant 0 : i32
      %dma_start3A_209 = tpu.memref_slice %arg10[%dma_start3A_207, %dma_start3A_208] : memref<20x100xi32, #tpu.memory_space<vmem>> -> memref<1x100xi32, #tpu.memory_space<vmem>>
      %dma_start3A_210 = tpu.memref_squeeze %dma_start3A_209 : memref<1x100xi32, #tpu.memory_space<vmem>> -> memref<100xi32, #tpu.memory_space<vmem>>
      %dma_start3A_211 = arith.constant 0 : i32
      %dma_start3A_212 = arith.constant 0 : i32
      %dma_start3A_213 = tpu.memref_slice %arg8[%dma_start3A_211, %dma_start3A_212] : memref<10240x128xf32, #tpu.memory_space<vmem_shared>> -> memref<10240x128xf32, #tpu.memory_space<vmem_shared>>
      tpu.enqueue_indirect_dma source(%arg12 : memref<100x128xf32, #tpu.memory_space<vmem>>) target(%dma_start3A_213 : memref<10240x128xf32, #tpu.memory_space<vmem_shared>>) offsets(%dma_start3A_210 : memref<100xi32, #tpu.memory_space<vmem>>) semaphore(%arg16 : memref<!tpu.dma_semaphore, #tpu.memory_space<semaphore_mem>>) {add = true}
      tpu.wait_dma2 semaphore(%arg16 : memref<!tpu.dma_semaphore, #tpu.memory_space<semaphore_mem>>) src(%arg6 : memref<100x128xf32, #tpu.memory_space<hbm>>) dst(%arg12 : memref<100x128xf32, #tpu.memory_space<vmem>>)
      %dma_start3A_214 = arith.constant 15 : i32
      %dma_start3A_215 = arith.constant 0 : i32
      %dma_start3A_216 = tpu.memref_slice %arg9[%dma_start3A_214, %dma_start3A_215] : memref<20x100xi32, #tpu.memory_space<vmem>> -> memref<1x100xi32, #tpu.memory_space<vmem>>
      %dma_start3A_217 = tpu.memref_squeeze %dma_start3A_216 : memref<1x100xi32, #tpu.memory_space<vmem>> -> memref<100xi32, #tpu.memory_space<vmem>>
      %dma_start3A_218 = arith.constant 0 : i32
      %dma_start3A_219 = arith.constant 0 : i32
      %dma_start3A_220 = tpu.memref_slice %arg2[%dma_start3A_218, %dma_start3A_219] : memref<10240x128xf32, #tpu.memory_space<hbm>> -> memref<10240x128xf32, #tpu.memory_space<hbm>>
      tpu.enqueue_indirect_dma source(%dma_start3A_220 : memref<10240x128xf32, #tpu.memory_space<hbm>>) target(%arg12 : memref<100x128xf32, #tpu.memory_space<vmem>>) offsets(%dma_start3A_217 : memref<100xi32, #tpu.memory_space<vmem>>) semaphore(%arg14 : memref<!tpu.dma_semaphore, #tpu.memory_space<semaphore_mem>>)
      tpu.wait_dma2 semaphore(%arg13 : memref<!tpu.dma_semaphore, #tpu.memory_space<semaphore_mem>>) src(%arg6 : memref<100x128xf32, #tpu.memory_space<hbm>>) dst(%arg11 : memref<100x128xf32, #tpu.memory_space<vmem>>)
      %dma_start3A_221 = arith.constant 14 : i32
      %dma_start3A_222 = arith.constant 0 : i32
      %dma_start3A_223 = tpu.memref_slice %arg10[%dma_start3A_221, %dma_start3A_222] : memref<20x100xi32, #tpu.memory_space<vmem>> -> memref<1x100xi32, #tpu.memory_space<vmem>>
      %dma_start3A_224 = tpu.memref_squeeze %dma_start3A_223 : memref<1x100xi32, #tpu.memory_space<vmem>> -> memref<100xi32, #tpu.memory_space<vmem>>
      %dma_start3A_225 = arith.constant 0 : i32
      %dma_start3A_226 = arith.constant 0 : i32
      %dma_start3A_227 = tpu.memref_slice %arg8[%dma_start3A_225, %dma_start3A_226] : memref<10240x128xf32, #tpu.memory_space<vmem_shared>> -> memref<10240x128xf32, #tpu.memory_space<vmem_shared>>
      tpu.enqueue_indirect_dma source(%arg11 : memref<100x128xf32, #tpu.memory_space<vmem>>) target(%dma_start3A_227 : memref<10240x128xf32, #tpu.memory_space<vmem_shared>>) offsets(%dma_start3A_224 : memref<100xi32, #tpu.memory_space<vmem>>) semaphore(%arg15 : memref<!tpu.dma_semaphore, #tpu.memory_space<semaphore_mem>>) {add = true}
      tpu.wait_dma2 semaphore(%arg15 : memref<!tpu.dma_semaphore, #tpu.memory_space<semaphore_mem>>) src(%arg6 : memref<100x128xf32, #tpu.memory_space<hbm>>) dst(%arg11 : memref<100x128xf32, #tpu.memory_space<vmem>>)
      %dma_start3A_228 = arith.constant 16 : i32
      %dma_start3A_229 = arith.constant 0 : i32
      %dma_start3A_230 = tpu.memref_slice %arg9[%dma_start3A_228, %dma_start3A_229] : memref<20x100xi32, #tpu.memory_space<vmem>> -> memref<1x100xi32, #tpu.memory_space<vmem>>
      %dma_start3A_231 = tpu.memref_squeeze %dma_start3A_230 : memref<1x100xi32, #tpu.memory_space<vmem>> -> memref<100xi32, #tpu.memory_space<vmem>>
      %dma_start3A_232 = arith.constant 0 : i32
      %dma_start3A_233 = arith.constant 0 : i32
      %dma_start3A_234 = tpu.memref_slice %arg2[%dma_start3A_232, %dma_start3A_233] : memref<10240x128xf32, #tpu.memory_space<hbm>> -> memref<10240x128xf32, #tpu.memory_space<hbm>>
      tpu.enqueue_indirect_dma source(%dma_start3A_234 : memref<10240x128xf32, #tpu.memory_space<hbm>>) target(%arg11 : memref<100x128xf32, #tpu.memory_space<vmem>>) offsets(%dma_start3A_231 : memref<100xi32, #tpu.memory_space<vmem>>) semaphore(%arg13 : memref<!tpu.dma_semaphore, #tpu.memory_space<semaphore_mem>>)
      tpu.wait_dma2 semaphore(%arg14 : memref<!tpu.dma_semaphore, #tpu.memory_space<semaphore_mem>>) src(%arg6 : memref<100x128xf32, #tpu.memory_space<hbm>>) dst(%arg12 : memref<100x128xf32, #tpu.memory_space<vmem>>)
      %dma_start3A_235 = arith.constant 15 : i32
      %dma_start3A_236 = arith.constant 0 : i32
      %dma_start3A_237 = tpu.memref_slice %arg10[%dma_start3A_235, %dma_start3A_236] : memref<20x100xi32, #tpu.memory_space<vmem>> -> memref<1x100xi32, #tpu.memory_space<vmem>>
      %dma_start3A_238 = tpu.memref_squeeze %dma_start3A_237 : memref<1x100xi32, #tpu.memory_space<vmem>> -> memref<100xi32, #tpu.memory_space<vmem>>
      %dma_start3A_239 = arith.constant 0 : i32
      %dma_start3A_240 = arith.constant 0 : i32
      %dma_start3A_241 = tpu.memref_slice %arg8[%dma_start3A_239, %dma_start3A_240] : memref<10240x128xf32, #tpu.memory_space<vmem_shared>> -> memref<10240x128xf32, #tpu.memory_space<vmem_shared>>
      tpu.enqueue_indirect_dma source(%arg12 : memref<100x128xf32, #tpu.memory_space<vmem>>) target(%dma_start3A_241 : memref<10240x128xf32, #tpu.memory_space<vmem_shared>>) offsets(%dma_start3A_238 : memref<100xi32, #tpu.memory_space<vmem>>) semaphore(%arg16 : memref<!tpu.dma_semaphore, #tpu.memory_space<semaphore_mem>>) {add = true}
      tpu.wait_dma2 semaphore(%arg16 : memref<!tpu.dma_semaphore, #tpu.memory_space<semaphore_mem>>) src(%arg6 : memref<100x128xf32, #tpu.memory_space<hbm>>) dst(%arg12 : memref<100x128xf32, #tpu.memory_space<vmem>>)
      %dma_start3A_242 = arith.constant 17 : i32
      %dma_start3A_243 = arith.constant 0 : i32
      %dma_start3A_244 = tpu.memref_slice %arg9[%dma_start3A_242, %dma_start3A_243] : memref<20x100xi32, #tpu.memory_space<vmem>> -> memref<1x100xi32, #tpu.memory_space<vmem>>
      %dma_start3A_245 = tpu.memref_squeeze %dma_start3A_244 : memref<1x100xi32, #tpu.memory_space<vmem>> -> memref<100xi32, #tpu.memory_space<vmem>>
      %dma_start3A_246 = arith.constant 0 : i32
      %dma_start3A_247 = arith.constant 0 : i32
      %dma_start3A_248 = tpu.memref_slice %arg2[%dma_start3A_246, %dma_start3A_247] : memref<10240x128xf32, #tpu.memory_space<hbm>> -> memref<10240x128xf32, #tpu.memory_space<hbm>>
      tpu.enqueue_indirect_dma source(%dma_start3A_248 : memref<10240x128xf32, #tpu.memory_space<hbm>>) target(%arg12 : memref<100x128xf32, #tpu.memory_space<vmem>>) offsets(%dma_start3A_245 : memref<100xi32, #tpu.memory_space<vmem>>) semaphore(%arg14 : memref<!tpu.dma_semaphore, #tpu.memory_space<semaphore_mem>>)
      tpu.wait_dma2 semaphore(%arg13 : memref<!tpu.dma_semaphore, #tpu.memory_space<semaphore_mem>>) src(%arg6 : memref<100x128xf32, #tpu.memory_space<hbm>>) dst(%arg11 : memref<100x128xf32, #tpu.memory_space<vmem>>)
      %dma_start3A_249 = arith.constant 16 : i32
      %dma_start3A_250 = arith.constant 0 : i32
      %dma_start3A_251 = tpu.memref_slice %arg10[%dma_start3A_249, %dma_start3A_250] : memref<20x100xi32, #tpu.memory_space<vmem>> -> memref<1x100xi32, #tpu.memory_space<vmem>>
      %dma_start3A_252 = tpu.memref_squeeze %dma_start3A_251 : memref<1x100xi32, #tpu.memory_space<vmem>> -> memref<100xi32, #tpu.memory_space<vmem>>
      %dma_start3A_253 = arith.constant 0 : i32
      %dma_start3A_254 = arith.constant 0 : i32
      %dma_start3A_255 = tpu.memref_slice %arg8[%dma_start3A_253, %dma_start3A_254] : memref<10240x128xf32, #tpu.memory_space<vmem_shared>> -> memref<10240x128xf32, #tpu.memory_space<vmem_shared>>
      tpu.enqueue_indirect_dma source(%arg11 : memref<100x128xf32, #tpu.memory_space<vmem>>) target(%dma_start3A_255 : memref<10240x128xf32, #tpu.memory_space<vmem_shared>>) offsets(%dma_start3A_252 : memref<100xi32, #tpu.memory_space<vmem>>) semaphore(%arg15 : memref<!tpu.dma_semaphore, #tpu.memory_space<semaphore_mem>>) {add = true}
      tpu.wait_dma2 semaphore(%arg15 : memref<!tpu.dma_semaphore, #tpu.memory_space<semaphore_mem>>) src(%arg6 : memref<100x128xf32, #tpu.memory_space<hbm>>) dst(%arg11 : memref<100x128xf32, #tpu.memory_space<vmem>>)
      %dma_start3A_256 = arith.constant 18 : i32
      %dma_start3A_257 = arith.constant 0 : i32
      %dma_start3A_258 = tpu.memref_slice %arg9[%dma_start3A_256, %dma_start3A_257] : memref<20x100xi32, #tpu.memory_space<vmem>> -> memref<1x100xi32, #tpu.memory_space<vmem>>
      %dma_start3A_259 = tpu.memref_squeeze %dma_start3A_258 : memref<1x100xi32, #tpu.memory_space<vmem>> -> memref<100xi32, #tpu.memory_space<vmem>>
      %dma_start3A_260 = arith.constant 0 : i32
      %dma_start3A_261 = arith.constant 0 : i32
      %dma_start3A_262 = tpu.memref_slice %arg2[%dma_start3A_260, %dma_start3A_261] : memref<10240x128xf32, #tpu.memory_space<hbm>> -> memref<10240x128xf32, #tpu.memory_space<hbm>>
      tpu.enqueue_indirect_dma source(%dma_start3A_262 : memref<10240x128xf32, #tpu.memory_space<hbm>>) target(%arg11 : memref<100x128xf32, #tpu.memory_space<vmem>>) offsets(%dma_start3A_259 : memref<100xi32, #tpu.memory_space<vmem>>) semaphore(%arg13 : memref<!tpu.dma_semaphore, #tpu.memory_space<semaphore_mem>>)
      tpu.wait_dma2 semaphore(%arg14 : memref<!tpu.dma_semaphore, #tpu.memory_space<semaphore_mem>>) src(%arg6 : memref<100x128xf32, #tpu.memory_space<hbm>>) dst(%arg12 : memref<100x128xf32, #tpu.memory_space<vmem>>)
      %dma_start3A_263 = arith.constant 17 : i32
      %dma_start3A_264 = arith.constant 0 : i32
      %dma_start3A_265 = tpu.memref_slice %arg10[%dma_start3A_263, %dma_start3A_264] : memref<20x100xi32, #tpu.memory_space<vmem>> -> memref<1x100xi32, #tpu.memory_space<vmem>>
      %dma_start3A_266 = tpu.memref_squeeze %dma_start3A_265 : memref<1x100xi32, #tpu.memory_space<vmem>> -> memref<100xi32, #tpu.memory_space<vmem>>
      %dma_start3A_267 = arith.constant 0 : i32
      %dma_start3A_268 = arith.constant 0 : i32
      %dma_start3A_269 = tpu.memref_slice %arg8[%dma_start3A_267, %dma_start3A_268] : memref<10240x128xf32, #tpu.memory_space<vmem_shared>> -> memref<10240x128xf32, #tpu.memory_space<vmem_shared>>
      tpu.enqueue_indirect_dma source(%arg12 : memref<100x128xf32, #tpu.memory_space<vmem>>) target(%dma_start3A_269 : memref<10240x128xf32, #tpu.memory_space<vmem_shared>>) offsets(%dma_start3A_266 : memref<100xi32, #tpu.memory_space<vmem>>) semaphore(%arg16 : memref<!tpu.dma_semaphore, #tpu.memory_space<semaphore_mem>>) {add = true}
      tpu.wait_dma2 semaphore(%arg16 : memref<!tpu.dma_semaphore, #tpu.memory_space<semaphore_mem>>) src(%arg6 : memref<100x128xf32, #tpu.memory_space<hbm>>) dst(%arg12 : memref<100x128xf32, #tpu.memory_space<vmem>>)
      %dma_start3A_270 = arith.constant 19 : i32
      %dma_start3A_271 = arith.constant 0 : i32
      %dma_start3A_272 = tpu.memref_slice %arg9[%dma_start3A_270, %dma_start3A_271] : memref<20x100xi32, #tpu.memory_space<vmem>> -> memref<1x100xi32, #tpu.memory_space<vmem>>
      %dma_start3A_273 = tpu.memref_squeeze %dma_start3A_272 : memref<1x100xi32, #tpu.memory_space<vmem>> -> memref<100xi32, #tpu.memory_space<vmem>>
      %dma_start3A_274 = arith.constant 0 : i32
      %dma_start3A_275 = arith.constant 0 : i32
      %dma_start3A_276 = tpu.memref_slice %arg2[%dma_start3A_274, %dma_start3A_275] : memref<10240x128xf32, #tpu.memory_space<hbm>> -> memref<10240x128xf32, #tpu.memory_space<hbm>>
      tpu.enqueue_indirect_dma source(%dma_start3A_276 : memref<10240x128xf32, #tpu.memory_space<hbm>>) target(%arg12 : memref<100x128xf32, #tpu.memory_space<vmem>>) offsets(%dma_start3A_273 : memref<100xi32, #tpu.memory_space<vmem>>) semaphore(%arg14 : memref<!tpu.dma_semaphore, #tpu.memory_space<semaphore_mem>>)
      tpu.wait_dma2 semaphore(%arg13 : memref<!tpu.dma_semaphore, #tpu.memory_space<semaphore_mem>>) src(%arg6 : memref<100x128xf32, #tpu.memory_space<hbm>>) dst(%arg11 : memref<100x128xf32, #tpu.memory_space<vmem>>)
      %dma_start3A_277 = arith.constant 18 : i32
      %dma_start3A_278 = arith.constant 0 : i32
      %dma_start3A_279 = tpu.memref_slice %arg10[%dma_start3A_277, %dma_start3A_278] : memref<20x100xi32, #tpu.memory_space<vmem>> -> memref<1x100xi32, #tpu.memory_space<vmem>>
      %dma_start3A_280 = tpu.memref_squeeze %dma_start3A_279 : memref<1x100xi32, #tpu.memory_space<vmem>> -> memref<100xi32, #tpu.memory_space<vmem>>
      %dma_start3A_281 = arith.constant 0 : i32
      %dma_start3A_282 = arith.constant 0 : i32
      %dma_start3A_283 = tpu.memref_slice %arg8[%dma_start3A_281, %dma_start3A_282] : memref<10240x128xf32, #tpu.memory_space<vmem_shared>> -> memref<10240x128xf32, #tpu.memory_space<vmem_shared>>
      tpu.enqueue_indirect_dma source(%arg11 : memref<100x128xf32, #tpu.memory_space<vmem>>) target(%dma_start3A_283 : memref<10240x128xf32, #tpu.memory_space<vmem_shared>>) offsets(%dma_start3A_280 : memref<100xi32, #tpu.memory_space<vmem>>) semaphore(%arg15 : memref<!tpu.dma_semaphore, #tpu.memory_space<semaphore_mem>>) {add = true}
      tpu.wait_dma2 semaphore(%arg14 : memref<!tpu.dma_semaphore, #tpu.memory_space<semaphore_mem>>) src(%arg6 : memref<100x128xf32, #tpu.memory_space<hbm>>) dst(%arg12 : memref<100x128xf32, #tpu.memory_space<vmem>>)
      %dma_start3A_284 = arith.constant 19 : i32
      %dma_start3A_285 = arith.constant 0 : i32
      %dma_start3A_286 = tpu.memref_slice %arg10[%dma_start3A_284, %dma_start3A_285] : memref<20x100xi32, #tpu.memory_space<vmem>> -> memref<1x100xi32, #tpu.memory_space<vmem>>
      %dma_start3A_287 = tpu.memref_squeeze %dma_start3A_286 : memref<1x100xi32, #tpu.memory_space<vmem>> -> memref<100xi32, #tpu.memory_space<vmem>>
      %dma_start3A_288 = arith.constant 0 : i32
      %dma_start3A_289 = arith.constant 0 : i32
      %dma_start3A_290 = tpu.memref_slice %arg8[%dma_start3A_288, %dma_start3A_289] : memref<10240x128xf32, #tpu.memory_space<vmem_shared>> -> memref<10240x128xf32, #tpu.memory_space<vmem_shared>>
      tpu.enqueue_indirect_dma source(%arg12 : memref<100x128xf32, #tpu.memory_space<vmem>>) target(%dma_start3A_290 : memref<10240x128xf32, #tpu.memory_space<vmem_shared>>) offsets(%dma_start3A_287 : memref<100xi32, #tpu.memory_space<vmem>>) semaphore(%arg16 : memref<!tpu.dma_semaphore, #tpu.memory_space<semaphore_mem>>) {add = true}
    }
    %scan3A_7 = arith.constant 5 : i32
    tpu.wait_dma2 semaphore(%arg15 : memref<!tpu.dma_semaphore, #tpu.memory_space<semaphore_mem>>) src(%arg6 : memref<100x128xf32, #tpu.memory_space<hbm>>) dst(%arg11 : memref<100x128xf32, #tpu.memory_space<vmem>>)
    tpu.wait_dma2 semaphore(%arg16 : memref<!tpu.dma_semaphore, #tpu.memory_space<semaphore_mem>>) src(%arg6 : memref<100x128xf32, #tpu.memory_space<hbm>>) dst(%arg12 : memref<100x128xf32, #tpu.memory_space<vmem>>)
    %barrier3A_8 = arith.constant 0 : index
    tpu.barrier barrier_id(%barrier3A_8)
    "tpu.region"() ({
      %run_scoped3A = tpu.sem_alloc : memref<!tpu.dma_semaphore, #tpu.memory_space<semaphore_mem>>
      %dma_start3A = arith.constant 0 : i32
      %dma_start3A_9 = tpu.memref_slice %arg7[%arg0, %mul3A_2, %dma_start3A] : memref<2x10240x128xf32, #tpu.memory_space<hbm>> -> memref<1x640x128xf32, #tpu.memory_space<hbm>>
      %dma_start3A_10 = tpu.memref_squeeze %dma_start3A_9 : memref<1x640x128xf32, #tpu.memory_space<hbm>> -> memref<640x128xf32, #tpu.memory_space<hbm>>
      %dma_start3A_11 = arith.constant 0 : i32
      %dma_start3A_12 = tpu.memref_slice %arg8[%mul3A_2, %dma_start3A_11] : memref<10240x128xf32, #tpu.memory_space<vmem_shared>> -> memref<640x128xf32, #tpu.memory_space<vmem_shared>>
      tpu.enqueue_dma source(%dma_start3A_12 : memref<640x128xf32, #tpu.memory_space<vmem_shared>>) target(%dma_start3A_10 : memref<640x128xf32, #tpu.memory_space<hbm>>) target_semaphore(%run_scoped3A : memref<!tpu.dma_semaphore, #tpu.memory_space<semaphore_mem>>)
      %dma_wait3A = arith.constant 0 : i32
      %dma_wait3A_13 = tpu.memref_slice %arg7[%arg0, %mul3A_2, %dma_wait3A] : memref<2x10240x128xf32, #tpu.memory_space<hbm>> -> memref<1x640x128xf32, #tpu.memory_space<hbm>>
      %dma_wait3A_14 = tpu.memref_squeeze %dma_wait3A_13 : memref<1x640x128xf32, #tpu.memory_space<hbm>> -> memref<640x128xf32, #tpu.memory_space<hbm>>
      %dma_wait3A_15 = arith.constant 0 : i32
      %dma_wait3A_16 = tpu.memref_slice %arg8[%mul3A_2, %dma_wait3A_15] : memref<10240x128xf32, #tpu.memory_space<vmem_shared>> -> memref<640x128xf32, #tpu.memory_space<vmem_shared>>
      tpu.wait_dma2 semaphore(%run_scoped3A : memref<!tpu.dma_semaphore, #tpu.memory_space<semaphore_mem>>) src(%dma_wait3A_16 : memref<640x128xf32, #tpu.memory_space<vmem_shared>>) dst(%dma_wait3A_14 : memref<640x128xf32, #tpu.memory_space<hbm>>)
      tpu.yield
    }) : () -> ()
    return
  }
}

module attributes {stable_mosaic.version = 14 : i64} {
  func.func @_tc_layer_body(%arg0: i32, %arg1: memref<1x640x128xf32, #tpu.memory_space<vmem>>, %arg2: memref<1x640x128xf32, #tpu.memory_space<vmem>>, %arg3: memref<640x1xf32, #tpu.memory_space<vmem>>, %arg4: memref<128x128xf32, #tpu.memory_space<vmem>>, %arg5: memref<640x128xf32, #tpu.memory_space<vmem>>) attributes {dimension_semantics = [#tpu.dimension_semantics<arbitrary>], iteration_bounds = array<i64: 16>, scalar_prefetch = 0 : i64, scratch_operands = 0 : i64, tpu.core_type = #tpu.core_type<tc>, window_params = [{transform_indices = @transform_0, window_bounds = array<i64: 1, 640, 128>}, {transform_indices = @transform_1, window_bounds = array<i64: 1, 640, 128>}, {transform_indices = @transform_2, window_bounds = array<i64: 640, 1>}, {pipeline_mode = #tpu.pipeline_mode<synchronous>, transform_indices = @transform_3, window_bounds = array<i64: 128, 128>}, {transform_indices = @transform_4, window_bounds = array<i64: 640, 128>}]} {
    %get3A = arith.constant 0 : index
    %get3A_0 = arith.constant 0 : index
    %get3A_1 = arith.constant 0 : index
    %get3A_2 = vector.load %arg1[%get3A, %get3A_0, %get3A_1] : memref<1x640x128xf32, #tpu.memory_space<vmem>>, vector<1x640x128xf32>
    %get3A_3 = vector.shape_cast %get3A_2 : vector<1x640x128xf32> to vector<640x128xf32>
    %get3A_4 = arith.constant 0 : index
    %get3A_5 = arith.constant 0 : index
    %get3A_6 = arith.constant 0 : index
    %get3A_7 = vector.load %arg2[%get3A_4, %get3A_5, %get3A_6] : memref<1x640x128xf32, #tpu.memory_space<vmem>>, vector<1x640x128xf32>
    %get3A_8 = vector.shape_cast %get3A_7 : vector<1x640x128xf32> to vector<640x128xf32>
    %add3A = arith.addf %get3A_3, %get3A_8 : vector<640x128xf32>
    %get3A_9 = arith.constant 0 : index
    %get3A_10 = arith.constant 0 : index
    %get3A_11 = vector.load %arg3[%get3A_9, %get3A_10] : memref<640x1xf32, #tpu.memory_space<vmem>>, vector<640x1xf32>
    %mul3A = vector.broadcast %get3A_11 : vector<640x1xf32> to vector<640x128xf32>
    %mul3A_12 = arith.mulf %add3A, %mul3A : vector<640x128xf32>
    %get3A_13 = arith.constant 0 : index
    %get3A_14 = arith.constant 0 : index
    %get3A_15 = vector.load %arg4[%get3A_13, %get3A_14] : memref<128x128xf32, #tpu.memory_space<vmem>>, vector<128x128xf32>
    %dot_general3A = arith.constant dense<0.000000e+00> : vector<640x128xf32>
    %dot_general3A_16 = tpu.matmul %mul3A_12, %get3A_15, %dot_general3A {dimension_numbers = #tpu.dot_dimension_numbers<[1], [1], [0], [0], [0, 0, 1, 0], [], []>, transpose_lhs_hint = false} : vector<640x128xf32>, vector<128x128xf32>, vector<640x128xf32> -> vector<640x128xf32>
    %swap3A = arith.constant 0 : index
    %swap3A_17 = arith.constant 0 : index
    %swap3A_18 = vector.load %arg5[%swap3A, %swap3A_17] : memref<640x128xf32, #tpu.memory_space<vmem>>, vector<640x128xf32>
    tpu.vector_store %arg5[%swap3A, %swap3A_17], %dot_general3A_16 {strides = array<i32>} : memref<640x128xf32, #tpu.memory_space<vmem>>, vector<640x128xf32>,
    return
  }
  func.func @transform_0(%arg0: i32) -> (i32, i32, i32) {
    %c0_i32 = arith.constant 0 : i32
    %c0_i32_0 = arith.constant 0 : i32
    %c0_i32_1 = arith.constant 0 : i32
    return %c0_i32, %arg0, %c0_i32_0 : i32, i32, i32
  }
  func.func @transform_1(%arg0: i32) -> (i32, i32, i32) {
    %c1_i32 = arith.constant 1 : i32
    %c0_i32 = arith.constant 0 : i32
    %c0_i32_0 = arith.constant 0 : i32
    return %c1_i32, %arg0, %c0_i32 : i32, i32, i32
  }
  func.func @transform_2(%arg0: i32) -> (i32, i32) {
    %c0_i32 = arith.constant 0 : i32
    %c0_i32_0 = arith.constant 0 : i32
    return %arg0, %c0_i32 : i32, i32
  }
  func.func @transform_3(%arg0: i32) -> (i32, i32) {
    %c0_i32 = arith.constant 0 : i32
    %c0_i32_0 = arith.constant 0 : i32
    %c0_i32_1 = arith.constant 0 : i32
    return %c0_i32, %c0_i32_0 : i32, i32
  }
  func.func @transform_4(%arg0: i32) -> (i32, i32) {
    %c0_i32 = arith.constant 0 : i32
    %c0_i32_0 = arith.constant 0 : i32
    return %arg0, %c0_i32 : i32, i32
  }
}

module attributes {stable_mosaic.version = 14 : i64} {
  func.func @_tc_final_body(%arg0: i32, %arg1: memref<640x128xf32, #tpu.memory_space<vmem>>, %arg2: memref<640x128xf32, #tpu.memory_space<vmem>>, %arg3: memref<640x128xf32, #tpu.memory_space<vmem>>, %arg4: memref<1x640x128xf32, #tpu.memory_space<vmem>>, %arg5: memref<1x640x128xf32, #tpu.memory_space<vmem>>, %arg6: memref<640x1xf32, #tpu.memory_space<vmem>>, %arg7: memref<128x128xf32, #tpu.memory_space<vmem>>, %arg8: memref<256x128xf32, #tpu.memory_space<vmem>>, %arg9: memref<256x128xf32, #tpu.memory_space<vmem>>, %arg10: memref<256x128xf32, #tpu.memory_space<vmem>>, %arg11: memref<256x128xf32, #tpu.memory_space<vmem>>, %arg12: memref<1x256xf32, #tpu.memory_space<vmem>>, %arg13: memref<1x256xf32, #tpu.memory_space<vmem>>, %arg14: memref<1x256xf32, #tpu.memory_space<vmem>>, %arg15: memref<64x256xf32, #tpu.memory_space<vmem>>, %arg16: memref<1x64xf32, #tpu.memory_space<vmem>>, %arg17: memref<640x64xf32, #tpu.memory_space<vmem>>) attributes {dimension_semantics = [#tpu.dimension_semantics<arbitrary>], iteration_bounds = array<i64: 16>, scalar_prefetch = 0 : i64, scratch_operands = 0 : i64, tpu.core_type = #tpu.core_type<tc>, window_params = [{transform_indices = @transform_0, window_bounds = array<i64: 640, 128>}, {transform_indices = @transform_1, window_bounds = array<i64: 640, 128>}, {transform_indices = @transform_2, window_bounds = array<i64: 640, 128>}, {transform_indices = @transform_3, window_bounds = array<i64: 1, 640, 128>}, {transform_indices = @transform_4, window_bounds = array<i64: 1, 640, 128>}, {transform_indices = @transform_5, window_bounds = array<i64: 640, 1>}, {pipeline_mode = #tpu.pipeline_mode<synchronous>, transform_indices = @transform_6, window_bounds = array<i64: 128, 128>}, {pipeline_mode = #tpu.pipeline_mode<synchronous>, transform_indices = @transform_7, window_bounds = array<i64: 256, 128>}, {pipeline_mode = #tpu.pipeline_mode<synchronous>, transform_indices = @transform_8, window_bounds = array<i64: 256, 128>}, {pipeline_mode = #tpu.pipeline_mode<synchronous>, transform_indices = @transform_9, window_bounds = array<i64: 256, 128>}, {pipeline_mode = #tpu.pipeline_mode<synchronous>, transform_indices = @transform_10, window_bounds = array<i64: 256, 128>}, {pipeline_mode = #tpu.pipeline_mode<synchronous>, transform_indices = @transform_11, window_bounds = array<i64: 1, 256>}, {pipeline_mode = #tpu.pipeline_mode<synchronous>, transform_indices = @transform_12, window_bounds = array<i64: 1, 256>}, {pipeline_mode = #tpu.pipeline_mode<synchronous>, transform_indices = @transform_13, window_bounds = array<i64: 1, 256>}, {pipeline_mode = #tpu.pipeline_mode<synchronous>, transform_indices = @transform_14, window_bounds = array<i64: 64, 256>}, {pipeline_mode = #tpu.pipeline_mode<synchronous>, transform_indices = @transform_15, window_bounds = array<i64: 1, 64>}, {transform_indices = @transform_16, window_bounds = array<i64: 640, 64>}]} {
    %get3A = arith.constant 0 : index
    %get3A_0 = arith.constant 0 : index
    %get3A_1 = arith.constant 0 : index
    %get3A_2 = vector.load %arg4[%get3A, %get3A_0, %get3A_1] : memref<1x640x128xf32, #tpu.memory_space<vmem>>, vector<1x640x128xf32>
    %get3A_3 = vector.shape_cast %get3A_2 : vector<1x640x128xf32> to vector<640x128xf32>
    %get3A_4 = arith.constant 0 : index
    %get3A_5 = arith.constant 0 : index
    %get3A_6 = arith.constant 0 : index
    %get3A_7 = vector.load %arg5[%get3A_4, %get3A_5, %get3A_6] : memref<1x640x128xf32, #tpu.memory_space<vmem>>, vector<1x640x128xf32>
    %get3A_8 = vector.shape_cast %get3A_7 : vector<1x640x128xf32> to vector<640x128xf32>
    %add3A = arith.addf %get3A_3, %get3A_8 : vector<640x128xf32>
    %get3A_9 = arith.constant 0 : index
    %get3A_10 = arith.constant 0 : index
    %get3A_11 = vector.load %arg6[%get3A_9, %get3A_10] : memref<640x1xf32, #tpu.memory_space<vmem>>, vector<640x1xf32>
    %mul3A = vector.broadcast %get3A_11 : vector<640x1xf32> to vector<640x128xf32>
    %mul3A_12 = arith.mulf %add3A, %mul3A : vector<640x128xf32>
    %get3A_13 = arith.constant 0 : index
    %get3A_14 = arith.constant 0 : index
    %get3A_15 = vector.load %arg7[%get3A_13, %get3A_14] : memref<128x128xf32, #tpu.memory_space<vmem>>, vector<128x128xf32>
    %dot_general3A = arith.constant dense<0.000000e+00> : vector<640x128xf32>
    %dot_general3A_16 = tpu.matmul %mul3A_12, %get3A_15, %dot_general3A {dimension_numbers = #tpu.dot_dimension_numbers<[1], [1], [0], [0], [0, 0, 1, 0], [], []>, transpose_lhs_hint = false} : vector<640x128xf32>, vector<128x128xf32>, vector<640x128xf32> -> vector<640x128xf32>
    %get3A_17 = arith.constant 0 : index
    %get3A_18 = arith.constant 0 : index
    %get3A_19 = vector.load %arg1[%get3A_17, %get3A_18] : memref<640x128xf32, #tpu.memory_space<vmem>>, vector<640x128xf32>
    %get3A_20 = arith.constant 0 : index
    %get3A_21 = arith.constant 0 : index
    %get3A_22 = vector.load %arg8[%get3A_20, %get3A_21] : memref<256x128xf32, #tpu.memory_space<vmem>>, vector<256x128xf32>
    %dot_general3A_23 = arith.constant dense<0.000000e+00> : vector<640x256xf32>
    %dot_general3A_24 = tpu.matmul %get3A_19, %get3A_22, %dot_general3A_23 {dimension_numbers = #tpu.dot_dimension_numbers<[1], [1], [0], [0], [0, 0, 1, 0], [], []>, transpose_lhs_hint = false} : vector<640x128xf32>, vector<256x128xf32>, vector<640x256xf32> -> vector<640x256xf32>
    %get3A_25 = arith.constant 0 : index
    %get3A_26 = arith.constant 0 : index
    %get3A_27 = vector.load %arg2[%get3A_25, %get3A_26] : memref<640x128xf32, #tpu.memory_space<vmem>>, vector<640x128xf32>
    %get3A_28 = arith.constant 0 : index
    %get3A_29 = arith.constant 0 : index
    %get3A_30 = vector.load %arg9[%get3A_28, %get3A_29] : memref<256x128xf32, #tpu.memory_space<vmem>>, vector<256x128xf32>
    %dot_general3A_31 = arith.constant dense<0.000000e+00> : vector<640x256xf32>
    %dot_general3A_32 = tpu.matmul %get3A_27, %get3A_30, %dot_general3A_31 {dimension_numbers = #tpu.dot_dimension_numbers<[1], [1], [0], [0], [0, 0, 1, 0], [], []>, transpose_lhs_hint = false} : vector<640x128xf32>, vector<256x128xf32>, vector<640x256xf32> -> vector<640x256xf32>
    %add3A_33 = arith.addf %dot_general3A_24, %dot_general3A_32 : vector<640x256xf32>
    %get3A_34 = arith.constant 0 : index
    %get3A_35 = arith.constant 0 : index
    %get3A_36 = vector.load %arg3[%get3A_34, %get3A_35] : memref<640x128xf32, #tpu.memory_space<vmem>>, vector<640x128xf32>
    %get3A_37 = arith.constant 0 : index
    %get3A_38 = arith.constant 0 : index
    %get3A_39 = vector.load %arg10[%get3A_37, %get3A_38] : memref<256x128xf32, #tpu.memory_space<vmem>>, vector<256x128xf32>
    %dot_general3A_40 = arith.constant dense<0.000000e+00> : vector<640x256xf32>
    %dot_general3A_41 = tpu.matmul %get3A_36, %get3A_39, %dot_general3A_40 {dimension_numbers = #tpu.dot_dimension_numbers<[1], [1], [0], [0], [0, 0, 1, 0], [], []>, transpose_lhs_hint = false} : vector<640x128xf32>, vector<256x128xf32>, vector<640x256xf32> -> vector<640x256xf32>
    %add3A_42 = arith.addf %add3A_33, %dot_general3A_41 : vector<640x256xf32>
    %get3A_43 = arith.constant 0 : index
    %get3A_44 = arith.constant 0 : index
    %get3A_45 = vector.load %arg11[%get3A_43, %get3A_44] : memref<256x128xf32, #tpu.memory_space<vmem>>, vector<256x128xf32>
    %dot_general3A_46 = arith.constant dense<0.000000e+00> : vector<640x256xf32>
    %dot_general3A_47 = tpu.matmul %dot_general3A_16, %get3A_45, %dot_general3A_46 {dimension_numbers = #tpu.dot_dimension_numbers<[1], [1], [0], [0], [0, 0, 1, 0], [], []>, transpose_lhs_hint = false} : vector<640x128xf32>, vector<256x128xf32>, vector<640x256xf32> -> vector<640x256xf32>
    %add3A_48 = arith.addf %add3A_42, %dot_general3A_47 : vector<640x256xf32>
    %get3A_49 = arith.constant 0 : index
    %get3A_50 = arith.constant 0 : index
    %get3A_51 = vector.load %arg12[%get3A_49, %get3A_50] : memref<1x256xf32, #tpu.memory_space<vmem>>, vector<1x256xf32>
    %add3A_52 = vector.broadcast %get3A_51 : vector<1x256xf32> to vector<640x256xf32>
    %add3A_53 = arith.addf %add3A_48, %add3A_52 : vector<640x256xf32>
    %reduce_sum3A = arith.constant dense<0.000000e+00> : vector<640xf32>
    %reduce_sum3A_54 = vector.multi_reduction <add>, %add3A_53, %reduce_sum3A [1] : vector<640x256xf32> to vector<640xf32>
    %broadcast_in_dim3A = vector.shape_cast %reduce_sum3A_54 : vector<640xf32> to vector<640x1xf32>
    %div3A = arith.constant 2.560000e+02 : f32
    %div3A_55 = vector.broadcast %div3A : f32 to vector<640x1xf32>
    %div3A_56 = arith.divf %broadcast_in_dim3A, %div3A_55 : vector<640x1xf32>
    %sub3A = vector.broadcast %div3A_56 : vector<640x1xf32> to vector<640x256xf32>
    %sub3A_57 = arith.subf %add3A_53, %sub3A : vector<640x256xf32>
    %integer_pow3A = arith.mulf %sub3A_57, %sub3A_57 : vector<640x256xf32>
    %reduce_sum3A_58 = arith.constant dense<0.000000e+00> : vector<640xf32>
    %reduce_sum3A_59 = vector.multi_reduction <add>, %integer_pow3A, %reduce_sum3A_58 [1] : vector<640x256xf32> to vector<640xf32>
    %broadcast_in_dim3A_60 = vector.shape_cast %reduce_sum3A_59 : vector<640xf32> to vector<640x1xf32>
    %div3A_61 = arith.constant 2.560000e+02 : f32
    %div3A_62 = vector.broadcast %div3A_61 : f32 to vector<640x1xf32>
    %div3A_63 = arith.divf %broadcast_in_dim3A_60, %div3A_62 : vector<640x1xf32>
    %sub3A_64 = vector.broadcast %div3A_56 : vector<640x1xf32> to vector<640x256xf32>
    %sub3A_65 = arith.subf %add3A_53, %sub3A_64 : vector<640x256xf32>
    %add3A_66 = arith.constant 9.99999974E-6 : f32
    %add3A_67 = vector.broadcast %add3A_66 : f32 to vector<640x1xf32>
    %add3A_68 = arith.addf %div3A_63, %add3A_67 : vector<640x1xf32>
    %rsqrt3A = math.rsqrt %add3A_68 : vector<640x1xf32>
    %mul3A_69 = vector.broadcast %rsqrt3A : vector<640x1xf32> to vector<640x256xf32>
    %mul3A_70 = arith.mulf %sub3A_65, %mul3A_69 : vector<640x256xf32>
    %get3A_71 = arith.constant 0 : index
    %get3A_72 = arith.constant 0 : index
    %get3A_73 = vector.load %arg13[%get3A_71, %get3A_72] : memref<1x256xf32, #tpu.memory_space<vmem>>, vector<1x256xf32>
    %mul3A_74 = vector.broadcast %get3A_73 : vector<1x256xf32> to vector<640x256xf32>
    %mul3A_75 = arith.mulf %mul3A_70, %mul3A_74 : vector<640x256xf32>
    %get3A_76 = arith.constant 0 : index
    %get3A_77 = arith.constant 0 : index
    %get3A_78 = vector.load %arg14[%get3A_76, %get3A_77] : memref<1x256xf32, #tpu.memory_space<vmem>>, vector<1x256xf32>
    %add3A_79 = vector.broadcast %get3A_78 : vector<1x256xf32> to vector<640x256xf32>
    %add3A_80 = arith.addf %mul3A_75, %add3A_79 : vector<640x256xf32>
    %max3A = arith.constant 0.000000e+00 : f32
    %max3A_81 = vector.broadcast %max3A : f32 to vector<640x256xf32>
    %max3A_82 = arith.maximumf %add3A_80, %max3A_81 : vector<640x256xf32>
    %get3A_83 = arith.constant 0 : index
    %get3A_84 = arith.constant 0 : index
    %get3A_85 = vector.load %arg15[%get3A_83, %get3A_84] : memref<64x256xf32, #tpu.memory_space<vmem>>, vector<64x256xf32>
    %dot_general3A_86 = arith.constant dense<0.000000e+00> : vector<640x64xf32>
    %dot_general3A_87 = tpu.matmul %max3A_82, %get3A_85, %dot_general3A_86 {dimension_numbers = #tpu.dot_dimension_numbers<[1], [1], [0], [0], [0, 0, 1, 0], [], []>, transpose_lhs_hint = false} : vector<640x256xf32>, vector<64x256xf32>, vector<640x64xf32> -> vector<640x64xf32>
    %get3A_88 = arith.constant 0 : index
    %get3A_89 = arith.constant 0 : index
    %get3A_90 = vector.load %arg16[%get3A_88, %get3A_89] : memref<1x64xf32, #tpu.memory_space<vmem>>, vector<1x64xf32>
    %add3A_91 = vector.broadcast %get3A_90 : vector<1x64xf32> to vector<640x64xf32>
    %add3A_92 = arith.addf %dot_general3A_87, %add3A_91 : vector<640x64xf32>
    %swap3A = arith.constant 0 : index
    %swap3A_93 = arith.constant 0 : index
    %swap3A_94 = vector.load %arg17[%swap3A, %swap3A_93] : memref<640x64xf32, #tpu.memory_space<vmem>>, vector<640x64xf32>
    tpu.vector_store %arg17[%swap3A, %swap3A_93], %add3A_92 {strides = array<i32>} : memref<640x64xf32, #tpu.memory_space<vmem>>, vector<640x64xf32>,
    return
  }
  func.func @transform_0(%arg0: i32) -> (i32, i32) {
    %c0_i32 = arith.constant 0 : i32
    %c0_i32_0 = arith.constant 0 : i32
    return %arg0, %c0_i32 : i32, i32
  }
  func.func @transform_1(%arg0: i32) -> (i32, i32) {
    %c0_i32 = arith.constant 0 : i32
    %c0_i32_0 = arith.constant 0 : i32
    return %arg0, %c0_i32 : i32, i32
  }
  func.func @transform_2(%arg0: i32) -> (i32, i32) {
    %c0_i32 = arith.constant 0 : i32
    %c0_i32_0 = arith.constant 0 : i32
    return %arg0, %c0_i32 : i32, i32
  }
  func.func @transform_3(%arg0: i32) -> (i32, i32, i32) {
    %c0_i32 = arith.constant 0 : i32
    %c0_i32_0 = arith.constant 0 : i32
    %c0_i32_1 = arith.constant 0 : i32
    return %c0_i32, %arg0, %c0_i32_0 : i32, i32, i32
  }
  func.func @transform_4(%arg0: i32) -> (i32, i32, i32) {
    %c1_i32 = arith.constant 1 : i32
    %c0_i32 = arith.constant 0 : i32
    %c0_i32_0 = arith.constant 0 : i32
    return %c1_i32, %arg0, %c0_i32 : i32, i32, i32
  }
  func.func @transform_5(%arg0: i32) -> (i32, i32) {
    %c0_i32 = arith.constant 0 : i32
    %c0_i32_0 = arith.constant 0 : i32
    return %arg0, %c0_i32 : i32, i32
  }
  func.func @transform_6(%arg0: i32) -> (i32, i32) {
    %c0_i32 = arith.constant 0 : i32
    %c0_i32_0 = arith.constant 0 : i32
    %c0_i32_1 = arith.constant 0 : i32
    return %c0_i32, %c0_i32_0 : i32, i32
  }
  func.func @transform_7(%arg0: i32) -> (i32, i32) {
    %c0_i32 = arith.constant 0 : i32
    %c0_i32_0 = arith.constant 0 : i32
    %c0_i32_1 = arith.constant 0 : i32
    return %c0_i32, %c0_i32_0 : i32, i32
  }
  func.func @transform_8(%arg0: i32) -> (i32, i32) {
    %c0_i32 = arith.constant 0 : i32
    %c0_i32_0 = arith.constant 0 : i32
    %c0_i32_1 = arith.constant 0 : i32
    return %c0_i32, %c0_i32_0 : i32, i32
  }
  func.func @transform_9(%arg0: i32) -> (i32, i32) {
    %c0_i32 = arith.constant 0 : i32
    %c0_i32_0 = arith.constant 0 : i32
    %c0_i32_1 = arith.constant 0 : i32
    return %c0_i32, %c0_i32_0 : i32, i32
  }
  func.func @transform_10(%arg0: i32) -> (i32, i32) {
    %c0_i32 = arith.constant 0 : i32
    %c0_i32_0 = arith.constant 0 : i32
    %c0_i32_1 = arith.constant 0 : i32
    return %c0_i32, %c0_i32_0 : i32, i32
  }
  func.func @transform_11(%arg0: i32) -> (i32, i32) {
    %c0_i32 = arith.constant 0 : i32
    %c0_i32_0 = arith.constant 0 : i32
    %c0_i32_1 = arith.constant 0 : i32
    return %c0_i32, %c0_i32_0 : i32, i32
  }
  func.func @transform_12(%arg0: i32) -> (i32, i32) {
    %c0_i32 = arith.constant 0 : i32
    %c0_i32_0 = arith.constant 0 : i32
    %c0_i32_1 = arith.constant 0 : i32
    return %c0_i32, %c0_i32_0 : i32, i32
  }
  func.func @transform_13(%arg0: i32) -> (i32, i32) {
    %c0_i32 = arith.constant 0 : i32
    %c0_i32_0 = arith.constant 0 : i32
    %c0_i32_1 = arith.constant 0 : i32
    return %c0_i32, %c0_i32_0 : i32, i32
  }
  func.func @transform_14(%arg0: i32) -> (i32, i32) {
    %c0_i32 = arith.constant 0 : i32
    %c0_i32_0 = arith.constant 0 : i32
    %c0_i32_1 = arith.constant 0 : i32
    return %c0_i32, %c0_i32_0 : i32, i32
  }
  func.func @transform_15(%arg0: i32) -> (i32, i32) {
    %c0_i32 = arith.constant 0 : i32
    %c0_i32_0 = arith.constant 0 : i32
    %c0_i32_1 = arith.constant 0 : i32
    return %c0_i32, %c0_i32_0 : i32, i32
  }
  func.func @transform_16(%arg0: i32) -> (i32, i32) {
    %c0_i32 = arith.constant 0 : i32
    %c0_i32_0 = arith.constant 0 : i32
    return %arg0, %c0_i32 : i32, i32
  }
}

</mosaic_0001>

<sc_bundles>
// kernel: kernel.12.cloned.1.call-start
scs
__scs_entry_jumppad:
0x0: {  	(pc) =	sbr.rel $0x88, $3  }
0x1: {  	(tag) =	ssettag $0x0;
	lr =	simm.s32 $0x1  }
0x2: {  	[smem:$0x3F96] =	sst lr;
	_ =	strace $0xD0000000  }
0x3: {  	_ = 	snop  }
0x4: {  	_ = 	snop  }
0x5: {  	_ = 	snop  }
0x6: {  	_ = 	snop  }
0x7: {  	_ = 	snop  }
__scs_overlays_trampoline_lowered:
0x8: {  	[smem:$0x3FA5] =	sst s0  }
0x9: {  	[smem:$0x3FA6] =	sst s1  }
0xa: {  	[smem:$0x3FA7] =	sst s2  }
0xb: {  	[smem:$0x3FA8] =	sst s3  }
0xc: {  	[smem:$0x3FA9] =	sst s4  }
0xd: {  	[smem:$0x3FAA] =	sst s5  }
0xe: {  	[smem:$0x3FAB] =	sst s6  }
0xf: {  	[smem:$0x3FAC] =	sst s7  }
0x10: {  	[smem:$0x3FAD] =	sst s8  }
0x11: {  	[smem:$0x3FAE] =	sst s9;
	s0 =	simm.s32 @!p0 $0x0  }
0x12: {  	s1 =	sld [smem:$0x3F94];
	s0 =	simm.s32 @p0 $0x1  }
0x13: {  	[smem:$0x3FAF] =	sst s0;
	s0 =	simm.s32 @!p1 $0x0  }
0x14: {  	s2 =	sld [smem:$0x3F93];
	s0 =	simm.s32 @p1 $0x1  }
0x15: {  	[smem:$0x3FB0] =	sst s0;
	s0 =	simm.s32 @!p2 $0x0  }
0x16: {  	s3 =	sld [smem:$0x3FDB];
	s0 =	simm.s32 @p2 $0x1  }
0x17: {  	s4 =	simm.s32 $0x1BF5;
	[smem:$0x3FB2] =	sst s0  }
0x18: {  	s0 =	sld [smem:$0x3F95];
	_ =	swait.ge [sflag:s4], $0x0  }
0x19: {  	s7 =	sld [smem:$0x3F96]  }
0x1a: {  	s8 =	sadd.s32 $0xFFFFE003, lr  }
0x1b: {  	s9 =	sadd.s32 $0xFFFFFEF7, lr;
	s5 =	simm.s32 $0xFFFFFFFF;
	p2 =	slt.u32 s8, $0xFFFFF086  }
0x1c: {  	p1 =	slt.u32 s9, $0xF7A;
	s5 =	simm.s32 @!p2 $0x0  }
0x1d: {  	s5 =	simm.s32 @p1 $0x1;
	p0 =	seq.s32 s7, s2  }
0x1e: {  	s7 =	smul.u32 @!p0 $0xF7A, s2;
	p2 =	seq.s32 @!p0 s5, $0x0  }
0x1f: {  	s9 =	smul.u32 $0xF7A, s1;
	s8 =	simm.s32 @!p0 $0x1BF5;
	p2 =	por !p2, p0  }
0x20: {  	[sflag:s8] =	ssyncset.s32 @!p0 $0xFFFFF086;
	s6 =	sadd.s32 @!p0 s3, s7;
	s7 =	simm.s32 @!p0 $0x108  }
0x21: {  	s3 =	sadd.s32 s3, s9;
	s6 =	sadd.s32 @!p0 $0x88, s6;
	s7 =	simm.s32 @p2 $0x1082  }
0x22: {  	[simem:s7], [sflag:s8] =	dma.local @!p0 [hbm:s6], $0xF7A  }
0x23: {  	s9 =	sor.u32 $0xD0000000, s2;
	s6 =	simm.s32 $0x108;
	_ =	swait.ge @!p0 [sflag:s8], $0x0  }
0x24: {  	s3 =	sadd.s32 $0x88, s3;
	s6 =	simm.s32 @!p1 $0x1082;
	[sflag:s4] =	ssyncset.s32 $0xFFFFF086  }
0x25: {  	[simem:s6], [sflag:s4] =	dma.local [hbm:s3], $0xF7A  }
0x26: {  	[smem:$0x3F96] =	sst s1;
	(tag) =	ssettag s2;
	_ =	strace s9  }
0x27: {  	s1 =	sld [smem:$0x3FA6]  }
0x28: {  	s2 =	sld [smem:$0x3FA7]  }
0x29: {  	s4 =	sld [smem:$0x3FA9]  }
0x2a: {  	p0 =	seq.s32 s5, $0x0;
	s5 =	sld [smem:$0x3FAA]  }
0x2b: {  	s6 =	sld [smem:$0x3FAB]  }
0x2c: {  	s7 =	sld [smem:$0x3FAC]  }
0x2d: {  	s3 =	simm.s32 $0x108;
	s8 =	sld [smem:$0x3FAD]  }
0x2e: {  	s3 =	simm.s32 @!p0 $0x1082;
	s9 =	sld [smem:$0x3FAE]  }
0x2f: {  	lr =	sadd.s32 s0, s3;
	s0 =	sld [smem:$0x3FA5]  }
0x30: {  	s3 =	sld [smem:$0x3FA8]  }
0x31: {  	[smem:$0x3FB1] =	sst s10  }
0x32: {  	s10 =	sld [smem:$0x3FAF];
	_ =	sdelay $0x3  }
0x33: {  	p0 =	seq.s32 s10, $0x1;
	s10 =	sld [smem:$0x3FB1];
	_ =	sdelay $0x3  }
0x34: {  	[smem:$0x3FB1] =	sst s10  }
0x35: {  	s10 =	sld [smem:$0x3FB0];
	_ =	sdelay $0x3  }
0x36: {  	p1 =	seq.s32 s10, $0x1;
	s10 =	sld [smem:$0x3FB1];
	_ =	sdelay $0x3  }
0x37: {  	[smem:$0x3FB1] =	sst s10  }
0x38: {  	s10 =	sld [smem:$0x3FB2]  }
0x39: {  	_ = 	snop;
	(pc) =	sbr.ind lr, $3  }
0x3a: {  	_ = 	snop  }
0x3b: {  	_ = 	snop  }
0x3c: {  	p2 =	seq.s32 s10, $0x1;
	s10 =	sld [smem:$0x3FB1]  }
0x3d: {  	_ =	shalt  }
0x3e: {  	_ =	shalt  }
0x3f: {  	_ =	shalt  }
0x40: {  	_ =	shalt  }
0x41: {  	_ =	shalt  }
0x42: {  	_ =	shalt  }
0x43: {  	_ =	shalt  }
0x44: {  	_ =	shalt  }
0x45: {  	_ =	shalt  }
0x46: {  	_ =	shalt  }
0x47: {  	_ =	shalt  }
0x48: {  	_ =	shalt  }
0x49: {  	_ =	shalt  }
0x4a: {  	_ =	shalt  }
0x4b: {  	_ =	shalt  }
0x4c: {  	_ =	shalt  }
0x4d: {  	_ =	shalt  }
0x4e: {  	_ =	shalt  }
0x4f: {  	_ =	shalt  }
0x50: {  	_ =	shalt  }
0x51: {  	_ =	shalt  }
0x52: {  	_ =	shalt  }
0x53: {  	_ =	shalt  }
0x54: {  	_ =	shalt  }
0x55: {  	_ =	shalt  }
0x56: {  	_ =	shalt  }
0x57: {  	_ =	shalt  }
0x58: {  	_ =	shalt  }
0x59: {  	_ =	shalt  }
0x5a: {  	_ =	shalt  }
0x5b: {  	_ =	shalt  }
0x5c: {  	_ =	shalt  }
0x5d: {  	_ =	shalt  }
0x5e: {  	_ =	shalt  }
0x5f: {  	_ =	shalt  }
0x60: {  	_ =	shalt  }
0x61: {  	_ =	shalt  }
0x62: {  	_ =	shalt  }
0x63: {  	_ =	shalt  }
0x64: {  	_ =	shalt  }
0x65: {  	_ =	shalt  }
0x66: {  	_ =	shalt  }
0x67: {  	_ =	shalt  }
0x68: {  	_ =	shalt  }
0x69: {  	_ =	shalt  }
0x6a: {  	_ =	shalt  }
0x6b: {  	_ =	shalt  }
0x6c: {  	_ =	shalt  }
0x6d: {  	_ =	shalt  }
0x6e: {  	_ =	shalt  }
0x6f: {  	_ =	shalt  }
0x70: {  	_ =	shalt  }
0x71: {  	_ =	shalt  }
0x72: {  	_ =	shalt  }
0x73: {  	_ =	shalt  }
0x74: {  	_ =	shalt  }
0x75: {  	_ =	shalt  }
0x76: {  	_ =	shalt  }
0x77: {  	_ =	shalt  }
0x78: {  	_ =	shalt  }
0x79: {  	_ =	shalt  }
0x7a: {  	_ =	shalt  }
0x7b: {  	_ =	shalt  }
0x7c: {  	_ =	shalt  }
0x7d: {  	_ =	shalt  }
0x7e: {  	_ =	shalt  }
0x7f: {  	_ =	shalt  }
0x80: {  	_ =	shalt  }
0x81: {  	_ =	shalt  }
0x82: {  	_ =	shalt  }
0x83: {  	_ =	shalt  }
0x84: {  	_ =	shalt  }
0x85: {  	_ =	shalt  }
0x86: {  	_ =	shalt  }
0x87: {  	_ =	shalt  }
.Lfunc_end0:
.L_simem_size_0:
called_computation.1_lowered:
.L_overlay_start_0:
0x88: {  	s2 =	sld [smem:$0x3FD9]  }
0x89: {  	s3 =	sld [smem:$0x3FFE];
	_ =	sdelay $0x1  }
0x8a: {  	s1 =	srdreg.scid  }
0x8b: {  	s0 =	sand.u32 $0x1, s1  }
0x8c: {  	s17 =	sshll.u32 s0, $0xA;
	s2 =	sadd.s32 s3, s2  }
0x8d: {  	s2 =	sadd.s32 s2, s17  }
0x8e: {  	[smem:$0x3FBD] =	sst s2  }
0x8f: {  	_ = 	snop  }
0x90: {  	s18 =	sld [smem:$0x3FD0];
	(tm) =	ssettm $0x1  }
0x91: {  	s19 =	sld [smem:$0x3FFB];
	_ =	sdelay $0x3  }
0x92: {  	_ =	strace s19  }
0x93: {  	s2 =	sld [smem:$0x3FFC];
	_ =	sdelay $0x3  }
0x94: {  	_ =	strace s2  }
0x95: {  	s2 =	sld [smem:$0x3FFD];
	_ =	sdelay $0x3  }
0x96: {  	_ =	strace s2  }
0x97: {  	_ =	strace $0x8FFFFFFF  }
0x98: {  	s20 =	sld [smem:$0x3FDB];
	_ =	sdelay $0x1  }
0x99: {  	s4 =	simm.s32 $_scs_section_size  }
0x9a: {  	s5 =	simm.s32 $_size__tile_overlayer_lowered;
	s6 =	simm.s32 $_tile_overlayer_lowered  }
0x9b: {  	s7 =	simm.s32 $0x1BFF;
	s21 =	sshll.u32 s6, $0x1;
	s4 =	sadd.s32 s4, s20  }
0x9c: {  	s22 =	simm.s32 $0x0;
	s5 =	sshll.u32 s5, $0x1;
	s6 =	sadd.s32 s21, s4  }
0x9d: {  	[timem:s22], [sflag:s7] =	dma.local [hbm:s6], s5  }
0x9e: {  	_ =	swait.ge [sflag:s7], s5  }
0x9f: {  	s5 =	ssub.s32 $0x0, s5;
	[sflag:s7] =	ssyncset.done $0x0  }
0xa0: {  	[sflag:s7] =	ssyncadd.s32 s5;
	_ =	sdelay $0x1  }
0xa1: {  	s23 =	simm.s32 $0x1B8B  }
0xa2: {  	_ =	swait.ge [sflag:s23], $0x1  }
0xa3: {  	[sflag:s23] =	ssyncset.done $0x0  }
0xa4: {  	[sflag:s23] =	ssyncadd.s32 $0xFFFFFFFF  }
0xa5: {  	s5 =	sld [smem:$0x0]  }
0xa6: {  	s6 =	sand.u32 $0xFFFFFFFE, s1  }
0xa7: {  	p0 =	sne.s32 s1, s6  }
0xa8: {  	s6 =	sshll.u32 @p0 s6, $0xE  }
0xa9: {  	s6 =	sadd.s32 @p0 $0x11B8D, s6;
	s7 =	sshll.u32 @p0 s5, $0x11  }
0xaa: {  	s6 =	sor.u32 @p0 s7, s6  }
0xab: {  	[sflag:s6] =	ssyncadd.remote.s32 @p0 $0x1;
	_ =	sdelay $0x1  }
0xac: {  	s6 =	simm.s32 @p0 $0x1B8D  }
0xad: {  	_ =	swait.eq @p0 [sflag:s6], $0x1  }
0xae: {  	[sflag:s6] =	ssyncadd.s32 @p0 $0xFFFFFFFF  }
0xaf: {  	s7 =	sshll.u32 @!p0 s1, $0xE  }
0xb0: {  	s7 =	sor.u32 @!p0 $0x4000, s7;
	s6 =	simm.s32 @!p0 $0x1B8D  }
0xb1: {  	s5 =	sshll.u32 @!p0 s5, $0x11;
	s7 =	sadd.s32 @!p0 $0x11B8D, s7;
	_ =	swait.eq @!p0 [sflag:s6], $0x1  }
0xb2: {  	s5 =	sor.u32 @!p0 s5, s7;
	[sflag:s6] =	ssyncadd.s32 @!p0 $0xFFFFFFFF  }
0xb3: {  	s25 =	simm.s32 $0x1B8E;
	s24 =	sld [smem:$0x3FFE];
	[sflag:s5] =	ssyncadd.remote.s32 @!p0 $0x1  }
0xb4: {  	s26 =	simm.s32 $execute0_lowered;
	[smem:$0x3FD2] =	sst s25  }
0xb5: {  	s6 =	sshll.u32 s26, $0x1;
	_ =	strace $0x80000049;
	[dreg:$0x1] =	wrdreg $0xFFFFFFFF  }
0xb6: {  	s28 =	simm.s32 $_size_execute0_lowered;
	s4 =	sadd.s32 s4, s6;
	[dreg:$0x0] =	wrdreg $0x0  }
0xb7: {  	s6 =	sshll.u32 s28, $0x1;
	[dreg:$0x2] =	wrdreg s4  }
0xb8: {  	[dreg:$0x3] =	wrdreg s6  }
0xb9: {  	[dreg:$0x4] =	wrdreg $0xC0  }
0xba: {  	_ =	task [dreg:s22], $0x5FFFF  }
0xbb: {  	[dreg:$0x1] =	wrdreg $0xFFFFFFFF  }
0xbc: {  	[dreg:$0x0] =	wrdreg $0x60  }
0xbd: {  	[dreg:$0x2] =	wrdreg s24  }
0xbe: {  	[dreg:$0x3] =	wrdreg s18  }
0xbf: {  	[dreg:$0x4] =	wrdreg $0x0  }
0xc0: {  	[dreg:$0x5] =	wrdreg $0xA  }
0xc1: {  	_ =	task.clear_ibuf [dreg:s22], $0x6FFFF;
	_ =	strace $0x90000049  }
0xc2: {  	s29 =	simm.s32 $0xA;
	_ =	strace $0x8000004B  }
0xc3: {  	_ =	swait.ge [sflag:s29], $0x1  }
0xc4: {  	[sflag:s29] =	ssyncadd.s32 $0xFFFFFFFF  }
0xc5: {  	_ =	strace $0x9000004B  }
0xc6: {  	_ =	sfence  }
0xc7: {  	s30 =	sld [smem:$0x0];
	_ =	sdelay $0x2  }
0xc8: {  	s31 =	sshll.u32 s1, $0xD;
	s1 =	sshrl.u32 s1, $0x2  }
0xc9: {  	s4 =	sand.u32 $0x4000, s31;
	s1 =	sadd.s32 s1, s30  }
0xca: {  	s0 =	sor.u32 s4, s0;
	s1 =	sshll.u32 s1, $0x11  }
0xcb: {  	s0 =	sor.u32 s1, s0  }
0xcc: {  	s0 =	sadd.s32 $0x8F2B, s0  }
0xcd: {  	[sflag:s0] =	ssyncadd.remote.s32 $0x1  }
0xce: {  	_ =	sfence.sel $0xFFFF  }
0xcf: {  	[dreg:$0x0] =	wrdreg $0xFFFFFFFF;
	(pc) =	sbr.abs _section_cstart, $3  }
0xd0: {  	[dreg:$0x1] =	wrdreg $0xFFFFFFFF  }
0xd1: {  	_ =	task.clear_ibuf [dreg:s22], $0x2FFFF;
	_ =	strace $0x9FFFFFFF  }
0xd2: {  	(tm) =	ssettm $0x7FFFFFFF  }
0xd3: {  	_ =	shalt  }
tec
execute0_lowered:
.L_overlay_start_1:
0x0: {  	(tag) =	ssettag $0x1  }
0x1: {  	s0 =	srdreg.scid;
	s10 =	stileid.u32  }
0x2: {  	s5 =	rddreg [dreg:$0x0];
	s0 =	sand.u32 $0x1, s0;
	s3 =	smul.u32 $0x3C00, s10  }
0x3: {  	s6 =	rddreg [dreg:$0x1];
	s1 =	smul.u32 $0x3C000, s0  }
0x4: {  	s2 =	rddreg [dreg:$0x2];
	s12 =	simm.s32 $0x14080;
	s14 =	simm.s32 $0x14100  }
0x5: {  	s15 =	simm.s32 $0x14C80;
	s1 =	sadd.s32 s3, s1;
	s3 =	simm.s32 $0x0  }
0x6: {  	s16 =	simm.s32 $0x14180;
	s17 =	simm.s32 $0x14D00;
	[smem:$0x7FF] =	sst s3  }
0x7: {  	s18 =	simm.s32 $0x14200;
	_ =	strace $0x8000004A;
	[dreg:$0x6] =	wrdreg s12  }
0x8: {  	s20 =	simm.s32 $0x14D80;
	s22 =	simm.s32 $0x14280;
	[dreg:$0x7] =	wrdreg s14  }
0x9: {  	s23 =	simm.s32 $0x14E00;
	s25 =	simm.s32 $0x14300;
	[dreg:$0x8] =	wrdreg s15  }
0xa: {  	s26 =	simm.s32 $0x14E80;
	s28 =	simm.s32 $0x14900;
	[dreg:$0x9] =	wrdreg s16  }
0xb: {  	s29 =	simm.s32 $0x15480;
	s30 =	simm.s32 $0x14980;
	[dreg:$0xa] =	wrdreg s17  }
0xc: {  	s31 =	simm.s32 $0x15500;
	s8 =	smul.u32 $0x14000, s10;
	[dreg:$0xb] =	wrdreg s18  }
0xd: {  	s4 =	sadd.s32 $0x8B800, s5;
	s21 =	smul.u32 $0x50000, s10;
	[dreg:$0xc] =	wrdreg s20  }
0xe: {  	s11 =	smul.u32 $0x140000, s0;
	s9 =	sshrl.u32 s8, $0x3;
	[dreg:$0xd] =	wrdreg s22  }
0xf: {  	s0 =	ssub.s32 $0x2, s0;
	s13 =	sadd.s32 s9, s5;
	[dreg:$0xe] =	wrdreg s23  }
0x10: {  	s19 =	sshrl.u32 s0, $0x1;
	s9 =	sadd.s32 $0x13000, s13;
	[dreg:$0xf] =	wrdreg s25  }
0x11: {  	s24 =	sshrl.u32 s21, $0x2;
	s21 =	simm.s32 $0x15100;
	[smem:$0x7F9] =	sst s9  }
0x12: {  	s0 =	ssub.s32 s0, s19;
	s13 =	simm.s32 $0x14F00;
	[dreg:$0x10] =	wrdreg s26  }
0x13: {  	s1 =	sshrl.u32 s1, $0x3;
	s0 =	smax.u32 s0, $0x1;
	[dreg:$0x12] =	wrdreg s13  }
0x14: {  	s19 =	simm.s32 $0x15080;
	s7 =	sadd.s32 s1, s5;
	[smem:$0x7FB] =	sst s0  }
0x15: {  	s1 =	sadd.s32 s1, s6;
	s6 =	sadd.s32 s8, s11;
	[dreg:$0x18] =	wrdreg s19  }
0x16: {  	s8 =	sadd.s32 s24, s2;
	s11 =	simm.s32 $0x14380;
	[dreg:$0x1a] =	wrdreg s21  }
0x17: {  	s12 =	sshll.u32 s10, $0x6;
	s14 =	simm.s32 $0x14400;
	[dreg:$0x5] =	wrdreg s1  }
0x18: {  	s15 =	simm.s32 $0x14F80;
	s16 =	simm.s32 $0x14480;
	[dreg:$0x11] =	wrdreg s11  }
0x19: {  	s17 =	simm.s32 $0x15000;
	s10 =	simm.s32 $0x5;
	[dreg:$0x13] =	wrdreg s14  }
0x1a: {  	s18 =	simm.s32 $0x14500;
	s20 =	simm.s32 $0x14580;
	[dreg:$0x14] =	wrdreg s15  }
0x1b: {  	s13 =	simm.s32 $0x64;
	s22 =	simm.s32 $0x14600;
	[dreg:$0x15] =	wrdreg s16  }
0x1c: {  	s23 =	simm.s32 $0x15180;
	s24 =	simm.s32 $0x14680;
	[dreg:$0x16] =	wrdreg s17  }
0x1d: {  	s25 =	simm.s32 $0x15200;
	s26 =	simm.s32 $0x14700;
	[dreg:$0x17] =	wrdreg s18  }
0x1e: {  	s19 =	simm.s32 $0x4;
	s21 =	simm.s32 $0x14780;
	[dreg:$0x19] =	wrdreg s20  }
0x1f: {  	s0 =	simm.s32 $0x0;
	s7 =	sadd.s32 $0x4000, s7;
	[dreg:$0x1b] =	wrdreg s22  }
0x20: {  	s6 =	sshrl.u32 s6, $0x3;
	s11 =	simm.s32 $0x14000;
	[dreg:$0x1c] =	wrdreg s23  }
0x21: {  	s14 =	simm.s32 $0x15800;
	s15 =	simm.s32 $0x18C00;
	[dreg:$0x1d] =	wrdreg s24  }
0x22: {  	s16 =	simm.s32 $0x1;
	s17 =	simm.s32 $0x3;
	[dreg:$0x1e] =	wrdreg s25  }
0x23: {  	s18 =	simm.s32 $0x2;
	[dreg:$0x1f] =	wrdreg s26;
	s20 =	simm.s32 $0x15280  }
0x24: {  	s22 =	simm.s32 $0x15300;
	s23 =	simm.s32 $0x14800;
	s24 =	simm.s32 $0x15380  }
0x25: {  	[dreg:$0x4] =	wrdreg s7;
	s5 =	sadd.s32 s6, s5;
	s6 =	sor.u32 $0x1C05, s12  }
0x26: {  	s25 =	simm.s32 $0x14880;
	s7 =	sshrl.u32 s8, $0x3;
	[smem:$0x7FC] =	sst s6  }
0x27: {  	s26 =	simm.s32 $0x15400;
	s5 =	sadd.s32 $0xB3800, s5;
	[smem:$0x7FD] =	sst s7  }
0x28: {  	s1 =	simm.s32 $0x15580;
	s12 =	simm.s32 $0x14C00;
	[smem:$0x7FA] =	sst s5  }
.LBB2_1:
0x29: {  	s5 =	sld [smem:$0x7F9];
	_ =	sdelay $0x2  }
0x2a: {  	[spmem:s7], [sflag:s6] =	dma.local [hbm:s5], $0x2800  }
0x2b: {  	_ =	swait.ge [sflag:s10], $0x2800  }
0x2c: {  	[sflag:s10] =	ssyncset.done $0x0  }
0x2d: {  	[sflag:s10] =	ssyncadd.s32 $0xFFFFD800  }
0x2e: {  	[bflag:$0x0] =	sbarrier.arrive $0xFFFF  }
0x2f: {  	s9 =	rddreg [dreg:$0x5]  }
0x30: {  	s5 =	sadd.s32 $0x0, s9  }
0x31: {  	[tilespmem:s11], [sflag:$0x5] =	stream.linear.gather [hbm4b:s5+s3], $0xA00, $0x38;
	[tilespmem:$0x1C000] =	vst v63  }
0x32: {  	_ =	swait.ge [sflag:s10], $0xA00  }
0x33: {  	p0 =	por $0x1, $0x1;
	[sflag:s10] =	ssyncset.done $0x0  }
0x34: {  	s5 =	simm.s32 @!p0 $0x3;
	[sflag:s10] =	ssyncadd.s32 $0xFFFFF600  }
0x35: {  	_ =	swait.ge @!p0 [sflag:s5], $0x3200  }
0x36: {  	[sflag:s5] =	ssyncset.done @!p0 $0x0  }
0x37: {  	[sflag:s5] =	ssyncadd.s32 @!p0 $0xFFFFCE00;
	s5 =	simm.s32 @!p0 $0x4  }
0x38: {  	_ =	swait.ge @!p0 [sflag:s5], $0x3200  }
0x39: {  	s6 =	rddreg [dreg:$0x4];
	[sflag:s5] =	ssyncset.done @!p0 $0x0  }
0x3a: {  	[sflag:s5] =	ssyncadd.s32 @!p0 $0xFFFFCE00;
	s7 =	sadd.s32 $0x0, s6  }
0x3b: {  	[tilespmem:s12], [sflag:$0x5] =	stream.linear.gather [hbm4b:s7+s3], $0xA00, $0x38;
	[tilespmem:$0x1C000] =	vst v63  }
0x3c: {  	_ =	swait.ge [sflag:s10], $0xA00  }
0x3d: {  	[sflag:s10] =	ssyncset.done $0x0  }
0x3e: {  	[sflag:s10] =	ssyncadd.s32 $0xFFFFF600  }
0x3f: {  	[tilespmem:s14], [sflag:$0x1] =	stream.indirect.gather [hbm4b:s4+s13], $0x80, s11, s13, $0xb8;
	[tilespmem:$0x1C000] =	vst v63  }
0x40: {  	s8 =	rddreg [dreg:$0x6]  }
0x41: {  	[tilespmem:s15], [sflag:$0x2] =	stream.indirect.gather [hbm4b:s4+s13], $0x80, s8, s13, $0xb8;
	[tilespmem:$0x1C000] =	vst v63  }
0x42: {  	_ =	swait.ge [sflag:s16], $0x3200  }
0x43: {  	[sflag:s16] =	ssyncset.done $0x0  }
0x44: {  	[sflag:s16] =	ssyncadd.s32 $0xFFFFCE00  }
0x45: {  	[spmem:s2] =	stream.indirect.scatter.add.f32 [tilespmem:s14], [sflag:$0x3], $0x80, s12, s13, $0xb8;
	[tilespmem:$0x1C000] =	vst v63  }
0x46: {  	_ =	swait.ge [sflag:s17], $0x3200  }
0x47: {  	[sflag:s17] =	ssyncset.done $0x0  }
0x48: {  	s9 =	rddreg [dreg:$0x7];
	[sflag:s17] =	ssyncadd.s32 $0xFFFFCE00  }
0x49: {  	[tilespmem:s14], [sflag:$0x1] =	stream.indirect.gather [hbm4b:s4+s13], $0x80, s9, s13, $0xb8;
	[tilespmem:$0x1C000] =	vst v63  }
0x4a: {  	_ =	swait.ge [sflag:s18], $0x3200  }
0x4b: {  	[sflag:s18] =	ssyncset.done $0x0  }
0x4c: {  	s6 =	rddreg [dreg:$0x8];
	[sflag:s18] =	ssyncadd.s32 $0xFFFFCE00  }
0x4d: {  	[spmem:s2] =	stream.indirect.scatter.add.f32 [tilespmem:s15], [sflag:$0x4], $0x80, s6, s13, $0xb8;
	[tilespmem:$0x1C000] =	vst v63  }
0x4e: {  	_ =	swait.ge [sflag:s19], $0x3200  }
0x4f: {  	[sflag:s19] =	ssyncset.done $0x0  }
0x50: {  	s7 =	rddreg [dreg:$0x9];
	[sflag:s19] =	ssyncadd.s32 $0xFFFFCE00  }
0x51: {  	[tilespmem:s15], [sflag:$0x2] =	stream.indirect.gather [hbm4b:s4+s13], $0x80, s7, s13, $0xb8;
	[tilespmem:$0x1C000] =	vst v63  }
0x52: {  	_ =	swait.ge [sflag:s16], $0x3200  }
0x53: {  	[sflag:s16] =	ssyncset.done $0x0  }
0x54: {  	s8 =	rddreg [dreg:$0xa];
	[sflag:s16] =	ssyncadd.s32 $0xFFFFCE00  }
0x55: {  	[spmem:s2] =	stream.indirect.scatter.add.f32 [tilespmem:s14], [sflag:$0x3], $0x80, s8, s13, $0xb8;
	[tilespmem:$0x1C000] =	vst v63  }
0x56: {  	_ =	swait.ge [sflag:s17], $0x3200  }
0x57: {  	[sflag:s17] =	ssyncset.done $0x0  }
0x58: {  	s9 =	rddreg [dreg:$0xb];
	[sflag:s17] =	ssyncadd.s32 $0xFFFFCE00  }
0x59: {  	[tilespmem:s14], [sflag:$0x1] =	stream.indirect.gather [hbm4b:s4+s13], $0x80, s9, s13, $0xb8;
	[tilespmem:$0x1C000] =	vst v63  }
0x5a: {  	_ =	swait.ge [sflag:s18], $0x3200  }
0x5b: {  	[sflag:s18] =	ssyncset.done $0x0  }
0x5c: {  	s6 =	rddreg [dreg:$0xc];
	[sflag:s18] =	ssyncadd.s32 $0xFFFFCE00  }
0x5d: {  	[spmem:s2] =	stream.indirect.scatter.add.f32 [tilespmem:s15], [sflag:$0x4], $0x80, s6, s13, $0xb8;
	[tilespmem:$0x1C000] =	vst v63  }
0x5e: {  	_ =	swait.ge [sflag:s19], $0x3200  }
0x5f: {  	[sflag:s19] =	ssyncset.done $0x0  }
0x60: {  	s7 =	rddreg [dreg:$0xd];
	[sflag:s19] =	ssyncadd.s32 $0xFFFFCE00  }
0x61: {  	[tilespmem:s15], [sflag:$0x2] =	stream.indirect.gather [hbm4b:s4+s13], $0x80, s7, s13, $0xb8;
	[tilespmem:$0x1C000] =	vst v63  }
0x62: {  	_ =	swait.ge [sflag:s16], $0x3200  }
0x63: {  	[sflag:s16] =	ssyncset.done $0x0  }
0x64: {  	s8 =	rddreg [dreg:$0xe];
	[sflag:s16] =	ssyncadd.s32 $0xFFFFCE00  }
0x65: {  	[spmem:s2] =	stream.indirect.scatter.add.f32 [tilespmem:s14], [sflag:$0x3], $0x80, s8, s13, $0xb8;
	[tilespmem:$0x1C000] =	vst v63  }
0x66: {  	_ =	swait.ge [sflag:s17], $0x3200  }
0x67: {  	[sflag:s17] =	ssyncset.done $0x0  }
0x68: {  	s9 =	rddreg [dreg:$0xf];
	[sflag:s17] =	ssyncadd.s32 $0xFFFFCE00  }
0x69: {  	[tilespmem:s14], [sflag:$0x1] =	stream.indirect.gather [hbm4b:s4+s13], $0x80, s9, s13, $0xb8;
	[tilespmem:$0x1C000] =	vst v63  }
0x6a: {  	_ =	swait.ge [sflag:s18], $0x3200  }
0x6b: {  	[sflag:s18] =	ssyncset.done $0x0  }
0x6c: {  	s6 =	rddreg [dreg:$0x10];
	[sflag:s18] =	ssyncadd.s32 $0xFFFFCE00  }
0x6d: {  	[spmem:s2] =	stream.indirect.scatter.add.f32 [tilespmem:s15], [sflag:$0x4], $0x80, s6, s13, $0xb8;
	[tilespmem:$0x1C000] =	vst v63  }
0x6e: {  	_ =	swait.ge [sflag:s19], $0x3200  }
0x6f: {  	[sflag:s19] =	ssyncset.done $0x0  }
0x70: {  	s7 =	rddreg [dreg:$0x11];
	[sflag:s19] =	ssyncadd.s32 $0xFFFFCE00  }
0x71: {  	[tilespmem:s15], [sflag:$0x2] =	stream.indirect.gather [hbm4b:s4+s13], $0x80, s7, s13, $0xb8;
	[tilespmem:$0x1C000] =	vst v63  }
0x72: {  	_ =	swait.ge [sflag:s16], $0x3200  }
0x73: {  	[sflag:s16] =	ssyncset.done $0x0  }
0x74: {  	s8 =	rddreg [dreg:$0x12];
	[sflag:s16] =	ssyncadd.s32 $0xFFFFCE00  }
0x75: {  	[spmem:s2] =	stream.indirect.scatter.add.f32 [tilespmem:s14], [sflag:$0x3], $0x80, s8, s13, $0xb8;
	[tilespmem:$0x1C000] =	vst v63  }
0x76: {  	_ =	swait.ge [sflag:s17], $0x3200  }
0x77: {  	[sflag:s17] =	ssyncset.done $0x0  }
0x78: {  	s9 =	rddreg [dreg:$0x13];
	[sflag:s17] =	ssyncadd.s32 $0xFFFFCE00  }
0x79: {  	[tilespmem:s14], [sflag:$0x1] =	stream.indirect.gather [hbm4b:s4+s13], $0x80, s9, s13, $0xb8;
	[tilespmem:$0x1C000] =	vst v63  }
0x7a: {  	_ =	swait.ge [sflag:s18], $0x3200  }
0x7b: {  	[sflag:s18] =	ssyncset.done $0x0  }
0x7c: {  	s6 =	rddreg [dreg:$0x14];
	[sflag:s18] =	ssyncadd.s32 $0xFFFFCE00  }
0x7d: {  	[spmem:s2] =	stream.indirect.scatter.add.f32 [tilespmem:s15], [sflag:$0x4], $0x80, s6, s13, $0xb8;
	[tilespmem:$0x1C000] =	vst v63  }
0x7e: {  	_ =	swait.ge [sflag:s19], $0x3200  }
0x7f: {  	[sflag:s19] =	ssyncset.done $0x0  }
0x80: {  	s7 =	rddreg [dreg:$0x15];
	[sflag:s19] =	ssyncadd.s32 $0xFFFFCE00  }
0x81: {  	[tilespmem:s15], [sflag:$0x2] =	stream.indirect.gather [hbm4b:s4+s13], $0x80, s7, s13, $0xb8;
	[tilespmem:$0x1C000] =	vst v63  }
0x82: {  	_ =	swait.ge [sflag:s16], $0x3200  }
0x83: {  	[sflag:s16] =	ssyncset.done $0x0  }
0x84: {  	s8 =	rddreg [dreg:$0x16];
	[sflag:s16] =	ssyncadd.s32 $0xFFFFCE00  }
0x85: {  	[spmem:s2] =	stream.indirect.scatter.add.f32 [tilespmem:s14], [sflag:$0x3], $0x80, s8, s13, $0xb8;
	[tilespmem:$0x1C000] =	vst v63  }
0x86: {  	_ =	swait.ge [sflag:s17], $0x3200  }
0x87: {  	[sflag:s17] =	ssyncset.done $0x0  }
0x88: {  	s9 =	rddreg [dreg:$0x17];
	[sflag:s17] =	ssyncadd.s32 $0xFFFFCE00  }
0x89: {  	[tilespmem:s14], [sflag:$0x1] =	stream.indirect.gather [hbm4b:s4+s13], $0x80, s9, s13, $0xb8;
	[tilespmem:$0x1C000] =	vst v63  }
0x8a: {  	_ =	swait.ge [sflag:s18], $0x3200  }
0x8b: {  	[sflag:s18] =	ssyncset.done $0x0  }
0x8c: {  	s6 =	rddreg [dreg:$0x18];
	[sflag:s18] =	ssyncadd.s32 $0xFFFFCE00  }
0x8d: {  	[spmem:s2] =	stream.indirect.scatter.add.f32 [tilespmem:s15], [sflag:$0x4], $0x80, s6, s13, $0xb8;
	[tilespmem:$0x1C000] =	vst v63  }
0x8e: {  	_ =	swait.ge [sflag:s19], $0x3200  }
0x8f: {  	[sflag:s19] =	ssyncset.done $0x0  }
0x90: {  	s7 =	rddreg [dreg:$0x19];
	[sflag:s19] =	ssyncadd.s32 $0xFFFFCE00  }
0x91: {  	[tilespmem:s15], [sflag:$0x2] =	stream.indirect.gather [hbm4b:s4+s13], $0x80, s7, s13, $0xb8;
	[tilespmem:$0x1C000] =	vst v63  }
0x92: {  	_ =	swait.ge [sflag:s16], $0x3200  }
0x93: {  	[sflag:s16] =	ssyncset.done $0x0  }
0x94: {  	s8 =	rddreg [dreg:$0x1a];
	[sflag:s16] =	ssyncadd.s32 $0xFFFFCE00  }
0x95: {  	[spmem:s2] =	stream.indirect.scatter.add.f32 [tilespmem:s14], [sflag:$0x3], $0x80, s8, s13, $0xb8;
	[tilespmem:$0x1C000] =	vst v63  }
0x96: {  	_ =	swait.ge [sflag:s17], $0x3200  }
0x97: {  	[sflag:s17] =	ssyncset.done $0x0  }
0x98: {  	s9 =	rddreg [dreg:$0x1b];
	[sflag:s17] =	ssyncadd.s32 $0xFFFFCE00  }
0x99: {  	[tilespmem:s14], [sflag:$0x1] =	stream.indirect.gather [hbm4b:s4+s13], $0x80, s9, s13, $0xb8;
	[tilespmem:$0x1C000] =	vst v63  }
0x9a: {  	_ =	swait.ge [sflag:s18], $0x3200  }
0x9b: {  	[sflag:s18] =	ssyncset.done $0x0  }
0x9c: {  	s6 =	rddreg [dreg:$0x1c];
	[sflag:s18] =	ssyncadd.s32 $0xFFFFCE00  }
0x9d: {  	[spmem:s2] =	stream.indirect.scatter.add.f32 [tilespmem:s15], [sflag:$0x4], $0x80, s6, s13, $0xb8;
	[tilespmem:$0x1C000] =	vst v63  }
0x9e: {  	_ =	swait.ge [sflag:s19], $0x3200  }
0x9f: {  	[sflag:s19] =	ssyncset.done $0x0  }
0xa0: {  	s7 =	rddreg [dreg:$0x1d];
	[sflag:s19] =	ssyncadd.s32 $0xFFFFCE00  }
0xa1: {  	[tilespmem:s15], [sflag:$0x2] =	stream.indirect.gather [hbm4b:s4+s13], $0x80, s7, s13, $0xb8;
	[tilespmem:$0x1C000] =	vst v63  }
0xa2: {  	_ =	swait.ge [sflag:s16], $0x3200  }
0xa3: {  	[sflag:s16] =	ssyncset.done $0x0  }
0xa4: {  	s8 =	rddreg [dreg:$0x1e];
	[sflag:s16] =	ssyncadd.s32 $0xFFFFCE00  }
0xa5: {  	[spmem:s2] =	stream.indirect.scatter.add.f32 [tilespmem:s14], [sflag:$0x3], $0x80, s8, s13, $0xb8;
	[tilespmem:$0x1C000] =	vst v63  }
0xa6: {  	_ =	swait.ge [sflag:s17], $0x3200  }
0xa7: {  	[sflag:s17] =	ssyncset.done $0x0  }
0xa8: {  	s9 =	rddreg [dreg:$0x1f];
	[sflag:s17] =	ssyncadd.s32 $0xFFFFCE00  }
0xa9: {  	[tilespmem:s14], [sflag:$0x1] =	stream.indirect.gather [hbm4b:s4+s13], $0x80, s9, s13, $0xb8;
	[tilespmem:$0x1C000] =	vst v63  }
0xaa: {  	_ =	swait.ge [sflag:s18], $0x3200  }
0xab: {  	[sflag:s18] =	ssyncset.done $0x0  }
0xac: {  	[sflag:s18] =	ssyncadd.s32 $0xFFFFCE00  }
0xad: {  	[spmem:s2] =	stream.indirect.scatter.add.f32 [tilespmem:s15], [sflag:$0x4], $0x80, s20, s13, $0xb8;
	[tilespmem:$0x1C000] =	vst v63  }
0xae: {  	_ =	swait.ge [sflag:s19], $0x3200  }
0xaf: {  	[sflag:s19] =	ssyncset.done $0x0  }
0xb0: {  	[sflag:s19] =	ssyncadd.s32 $0xFFFFCE00  }
0xb1: {  	[tilespmem:s15], [sflag:$0x2] =	stream.indirect.gather [hbm4b:s4+s13], $0x80, s21, s13, $0xb8;
	[tilespmem:$0x1C000] =	vst v63  }
0xb2: {  	_ =	swait.ge [sflag:s16], $0x3200  }
0xb3: {  	[sflag:s16] =	ssyncset.done $0x0  }
0xb4: {  	[sflag:s16] =	ssyncadd.s32 $0xFFFFCE00  }
0xb5: {  	[spmem:s2] =	stream.indirect.scatter.add.f32 [tilespmem:s14], [sflag:$0x3], $0x80, s22, s13, $0xb8;
	[tilespmem:$0x1C000] =	vst v63  }
0xb6: {  	_ =	swait.ge [sflag:s17], $0x3200  }
0xb7: {  	[sflag:s17] =	ssyncset.done $0x0  }
0xb8: {  	[sflag:s17] =	ssyncadd.s32 $0xFFFFCE00  }
0xb9: {  	[tilespmem:s14], [sflag:$0x1] =	stream.indirect.gather [hbm4b:s4+s13], $0x80, s23, s13, $0xb8;
	[tilespmem:$0x1C000] =	vst v63  }
0xba: {  	_ =	swait.ge [sflag:s18], $0x3200  }
0xbb: {  	[sflag:s18] =	ssyncset.done $0x0  }
0xbc: {  	[sflag:s18] =	ssyncadd.s32 $0xFFFFCE00  }
0xbd: {  	[spmem:s2] =	stream.indirect.scatter.add.f32 [tilespmem:s15], [sflag:$0x4], $0x80, s24, s13, $0xb8;
	[tilespmem:$0x1C000] =	vst v63  }
0xbe: {  	_ =	swait.ge [sflag:s19], $0x3200  }
0xbf: {  	[sflag:s19] =	ssyncset.done $0x0  }
0xc0: {  	[sflag:s19] =	ssyncadd.s32 $0xFFFFCE00  }
0xc1: {  	[tilespmem:s15], [sflag:$0x2] =	stream.indirect.gather [hbm4b:s4+s13], $0x80, s25, s13, $0xb8;
	[tilespmem:$0x1C000] =	vst v63  }
0xc2: {  	_ =	swait.ge [sflag:s16], $0x3200  }
0xc3: {  	[sflag:s16] =	ssyncset.done $0x0  }
0xc4: {  	[sflag:s16] =	ssyncadd.s32 $0xFFFFCE00  }
0xc5: {  	[spmem:s2] =	stream.indirect.scatter.add.f32 [tilespmem:s14], [sflag:$0x3], $0x80, s26, s13, $0xb8;
	[tilespmem:$0x1C000] =	vst v63  }
0xc6: {  	_ =	swait.ge [sflag:s17], $0x3200  }
0xc7: {  	[sflag:s17] =	ssyncset.done $0x0  }
0xc8: {  	[sflag:s17] =	ssyncadd.s32 $0xFFFFCE00  }
0xc9: {  	[tilespmem:s14], [sflag:$0x1] =	stream.indirect.gather [hbm4b:s4+s13], $0x80, s28, s13, $0xb8;
	[tilespmem:$0x1C000] =	vst v63  }
0xca: {  	_ =	swait.ge [sflag:s18], $0x3200  }
0xcb: {  	[sflag:s18] =	ssyncset.done $0x0  }
0xcc: {  	[sflag:s18] =	ssyncadd.s32 $0xFFFFCE00  }
0xcd: {  	[spmem:s2] =	stream.indirect.scatter.add.f32 [tilespmem:s15], [sflag:$0x4], $0x80, s29, s13, $0xb8;
	[tilespmem:$0x1C000] =	vst v63  }
0xce: {  	_ =	swait.ge [sflag:s19], $0x3200  }
0xcf: {  	[sflag:s19] =	ssyncset.done $0x0  }
0xd0: {  	[sflag:s19] =	ssyncadd.s32 $0xFFFFCE00  }
0xd1: {  	[tilespmem:s15], [sflag:$0x2] =	stream.indirect.gather [hbm4b:s4+s13], $0x80, s30, s13, $0xb8;
	[tilespmem:$0x1C000] =	vst v63  }
0xd2: {  	_ =	swait.ge [sflag:s16], $0x3200  }
0xd3: {  	[sflag:s16] =	ssyncset.done $0x0  }
0xd4: {  	[sflag:s16] =	ssyncadd.s32 $0xFFFFCE00  }
0xd5: {  	[spmem:s2] =	stream.indirect.scatter.add.f32 [tilespmem:s14], [sflag:$0x3], $0x80, s31, s13, $0xb8;
	[tilespmem:$0x1C000] =	vst v63  }
0xd6: {  	_ =	swait.ge [sflag:s18], $0x3200  }
0xd7: {  	s5 =	simm.s32 $0x180;
	[sflag:s18] =	ssyncset.done $0x0  }
0xd8: {  	s7 =	simm.s32 $0x300;
	s8 =	rddreg [dreg:$0x5];
	[sflag:s18] =	ssyncadd.s32 $0xFFFFCE00  }
.LBB2_2:
0xd9: {  	[spmem:s2] =	stream.indirect.scatter.add.f32 [tilespmem:s15], [sflag:$0x4], $0x80, s1, s13, $0xb8;
	[tilespmem:$0x1C000] =	vst v63  }
0xda: {  	s8 =	sadd.s32 s5, s8  }
0xdb: {  	[tilespmem:s11], [sflag:$0x5] =	stream.linear.gather [hbm4b:s8+s3], $0xA00, $0x38;
	[tilespmem:$0x1C000] =	vst v63  }
0xdc: {  	_ =	swait.ge [sflag:s10], $0xA00  }
0xdd: {  	p1 =	seq.s32 s5, $0x0;
	[sflag:s10] =	ssyncset.done $0x0  }
0xde: {  	s8 =	simm.s32 @!p1 $0x3;
	[sflag:s10] =	ssyncadd.s32 $0xFFFFF600  }
0xdf: {  	_ =	swait.ge @!p1 [sflag:s8], $0x3200  }
0xe0: {  	[sflag:s8] =	ssyncset.done @!p1 $0x0  }
0xe1: {  	[sflag:s8] =	ssyncadd.s32 @!p1 $0xFFFFCE00;
	s8 =	simm.s32 @!p1 $0x4  }
0xe2: {  	_ =	swait.ge @!p1 [sflag:s8], $0x3200  }
0xe3: {  	s9 =	rddreg [dreg:$0x4];
	[sflag:s8] =	ssyncset.done @!p1 $0x0  }
0xe4: {  	[sflag:s8] =	ssyncadd.s32 @!p1 $0xFFFFCE00;
	s9 =	sadd.s32 s5, s9  }
0xe5: {  	[tilespmem:s12], [sflag:$0x5] =	stream.linear.gather [hbm4b:s9+s3], $0xA00, $0x38;
	[tilespmem:$0x1C000] =	vst v63  }
0xe6: {  	_ =	swait.ge [sflag:s10], $0xA00  }
0xe7: {  	[sflag:s10] =	ssyncset.done $0x0  }
0xe8: {  	[sflag:s10] =	ssyncadd.s32 $0xFFFFF600  }
0xe9: {  	[tilespmem:s14], [sflag:$0x1] =	stream.indirect.gather [hbm4b:s4+s13], $0x80, s11, s13, $0xb8;
	[tilespmem:$0x1C000] =	vst v63  }
0xea: {  	s8 =	rddreg [dreg:$0x6]  }
0xeb: {  	[tilespmem:s15], [sflag:$0x2] =	stream.indirect.gather [hbm4b:s4+s13], $0x80, s8, s13, $0xb8;
	[tilespmem:$0x1C000] =	vst v63  }
0xec: {  	_ =	swait.ge [sflag:s16], $0x3200  }
0xed: {  	[sflag:s16] =	ssyncset.done $0x0  }
0xee: {  	[sflag:s16] =	ssyncadd.s32 $0xFFFFCE00  }
0xef: {  	[spmem:s2] =	stream.indirect.scatter.add.f32 [tilespmem:s14], [sflag:$0x3], $0x80, s12, s13, $0xb8;
	[tilespmem:$0x1C000] =	vst v63  }
0xf0: {  	_ =	swait.ge [sflag:s17], $0x3200  }
0xf1: {  	[sflag:s17] =	ssyncset.done $0x0  }
0xf2: {  	s9 =	rddreg [dreg:$0x7];
	[sflag:s17] =	ssyncadd.s32 $0xFFFFCE00  }
0xf3: {  	[tilespmem:s14], [sflag:$0x1] =	stream.indirect.gather [hbm4b:s4+s13], $0x80, s9, s13, $0xb8;
	[tilespmem:$0x1C000] =	vst v63  }
0xf4: {  	_ =	swait.ge [sflag:s18], $0x3200  }
0xf5: {  	[sflag:s18] =	ssyncset.done $0x0  }
0xf6: {  	s8 =	rddreg [dreg:$0x8];
	[sflag:s18] =	ssyncadd.s32 $0xFFFFCE00  }
0xf7: {  	[spmem:s2] =	stream.indirect.scatter.add.f32 [tilespmem:s15], [sflag:$0x4], $0x80, s8, s13, $0xb8;
	[tilespmem:$0x1C000] =	vst v63  }
0xf8: {  	_ =	swait.ge [sflag:s19], $0x3200  }
0xf9: {  	[sflag:s19] =	ssyncset.done $0x0  }
0xfa: {  	s9 =	rddreg [dreg:$0x9];
	[sflag:s19] =	ssyncadd.s32 $0xFFFFCE00  }
0xfb: {  	[tilespmem:s15], [sflag:$0x2] =	stream.indirect.gather [hbm4b:s4+s13], $0x80, s9, s13, $0xb8;
	[tilespmem:$0x1C000] =	vst v63  }
0xfc: {  	_ =	swait.ge [sflag:s16], $0x3200  }
0xfd: {  	[sflag:s16] =	ssyncset.done $0x0  }
0xfe: {  	s8 =	rddreg [dreg:$0xa];
	[sflag:s16] =	ssyncadd.s32 $0xFFFFCE00  }
0xff: {  	[spmem:s2] =	stream.indirect.scatter.add.f32 [tilespmem:s14], [sflag:$0x3], $0x80, s8, s13, $0xb8;
	[tilespmem:$0x1C000] =	vst v63  }
0x100: {  	_ =	swait.ge [sflag:s17], $0x3200  }
0x101: {  	[sflag:s17] =	ssyncset.done $0x0  }
0x102: {  	s9 =	rddreg [dreg:$0xb];
	[sflag:s17] =	ssyncadd.s32 $0xFFFFCE00  }
0x103: {  	[tilespmem:s14], [sflag:$0x1] =	stream.indirect.gather [hbm4b:s4+s13], $0x80, s9, s13, $0xb8;
	[tilespmem:$0x1C000] =	vst v63  }
0x104: {  	_ =	swait.ge [sflag:s18], $0x3200  }
0x105: {  	[sflag:s18] =	ssyncset.done $0x0  }
0x106: {  	s8 =	rddreg [dreg:$0xc];
	[sflag:s18] =	ssyncadd.s32 $0xFFFFCE00  }
0x107: {  	[spmem:s2] =	stream.indirect.scatter.add.f32 [tilespmem:s15], [sflag:$0x4], $0x80, s8, s13, $0xb8;
	[tilespmem:$0x1C000] =	vst v63  }
0x108: {  	_ =	swait.ge [sflag:s19], $0x3200  }
0x109: {  	[sflag:s19] =	ssyncset.done $0x0  }
0x10a: {  	s9 =	rddreg [dreg:$0xd];
	[sflag:s19] =	ssyncadd.s32 $0xFFFFCE00  }
0x10b: {  	[tilespmem:s15], [sflag:$0x2] =	stream.indirect.gather [hbm4b:s4+s13], $0x80, s9, s13, $0xb8;
	[tilespmem:$0x1C000] =	vst v63  }
0x10c: {  	_ =	swait.ge [sflag:s16], $0x3200  }
0x10d: {  	[sflag:s16] =	ssyncset.done $0x0  }
0x10e: {  	s8 =	rddreg [dreg:$0xe];
	[sflag:s16] =	ssyncadd.s32 $0xFFFFCE00  }
0x10f: {  	[spmem:s2] =	stream.indirect.scatter.add.f32 [tilespmem:s14], [sflag:$0x3], $0x80, s8, s13, $0xb8;
	[tilespmem:$0x1C000] =	vst v63  }
0x110: {  	_ =	swait.ge [sflag:s17], $0x3200  }
0x111: {  	[sflag:s17] =	ssyncset.done $0x0  }
0x112: {  	s9 =	rddreg [dreg:$0xf];
	[sflag:s17] =	ssyncadd.s32 $0xFFFFCE00  }
0x113: {  	[tilespmem:s14], [sflag:$0x1] =	stream.indirect.gather [hbm4b:s4+s13], $0x80, s9, s13, $0xb8;
	[tilespmem:$0x1C000] =	vst v63  }
0x114: {  	_ =	swait.ge [sflag:s18], $0x3200  }
0x115: {  	[sflag:s18] =	ssyncset.done $0x0  }
0x116: {  	s8 =	rddreg [dreg:$0x10];
	[sflag:s18] =	ssyncadd.s32 $0xFFFFCE00  }
0x117: {  	[spmem:s2] =	stream.indirect.scatter.add.f32 [tilespmem:s15], [sflag:$0x4], $0x80, s8, s13, $0xb8;
	[tilespmem:$0x1C000] =	vst v63  }
0x118: {  	_ =	swait.ge [sflag:s19], $0x3200  }
0x119: {  	[sflag:s19] =	ssyncset.done $0x0  }
0x11a: {  	s9 =	rddreg [dreg:$0x11];
	[sflag:s19] =	ssyncadd.s32 $0xFFFFCE00  }
0x11b: {  	[tilespmem:s15], [sflag:$0x2] =	stream.indirect.gather [hbm4b:s4+s13], $0x80, s9, s13, $0xb8;
	[tilespmem:$0x1C000] =	vst v63  }
0x11c: {  	_ =	swait.ge [sflag:s16], $0x3200  }
0x11d: {  	[sflag:s16] =	ssyncset.done $0x0  }
0x11e: {  	s8 =	rddreg [dreg:$0x12];
	[sflag:s16] =	ssyncadd.s32 $0xFFFFCE00  }
0x11f: {  	[spmem:s2] =	stream.indirect.scatter.add.f32 [tilespmem:s14], [sflag:$0x3], $0x80, s8, s13, $0xb8;
	[tilespmem:$0x1C000] =	vst v63  }
0x120: {  	_ =	swait.ge [sflag:s17], $0x3200  }
0x121: {  	[sflag:s17] =	ssyncset.done $0x0  }
0x122: {  	s9 =	rddreg [dreg:$0x13];
	[sflag:s17] =	ssyncadd.s32 $0xFFFFCE00  }
0x123: {  	[tilespmem:s14], [sflag:$0x1] =	stream.indirect.gather [hbm4b:s4+s13], $0x80, s9, s13, $0xb8;
	[tilespmem:$0x1C000] =	vst v63  }
0x124: {  	_ =	swait.ge [sflag:s18], $0x3200  }
0x125: {  	[sflag:s18] =	ssyncset.done $0x0  }
0x126: {  	s8 =	rddreg [dreg:$0x14];
	[sflag:s18] =	ssyncadd.s32 $0xFFFFCE00  }
0x127: {  	[spmem:s2] =	stream.indirect.scatter.add.f32 [tilespmem:s15], [sflag:$0x4], $0x80, s8, s13, $0xb8;
	[tilespmem:$0x1C000] =	vst v63  }
0x128: {  	_ =	swait.ge [sflag:s19], $0x3200  }
0x129: {  	[sflag:s19] =	ssyncset.done $0x0  }
0x12a: {  	s9 =	rddreg [dreg:$0x15];
	[sflag:s19] =	ssyncadd.s32 $0xFFFFCE00  }
0x12b: {  	[tilespmem:s15], [sflag:$0x2] =	stream.indirect.gather [hbm4b:s4+s13], $0x80, s9, s13, $0xb8;
	[tilespmem:$0x1C000] =	vst v63  }
0x12c: {  	_ =	swait.ge [sflag:s16], $0x3200  }
0x12d: {  	[sflag:s16] =	ssyncset.done $0x0  }
0x12e: {  	s8 =	rddreg [dreg:$0x16];
	[sflag:s16] =	ssyncadd.s32 $0xFFFFCE00  }
0x12f: {  	[spmem:s2] =	stream.indirect.scatter.add.f32 [tilespmem:s14], [sflag:$0x3], $0x80, s8, s13, $0xb8;
	[tilespmem:$0x1C000] =	vst v63  }
0x130: {  	_ =	swait.ge [sflag:s17], $0x3200  }
0x131: {  	[sflag:s17] =	ssyncset.done $0x0  }
0x132: {  	s9 =	rddreg [dreg:$0x17];
	[sflag:s17] =	ssyncadd.s32 $0xFFFFCE00  }
0x133: {  	[tilespmem:s14], [sflag:$0x1] =	stream.indirect.gather [hbm4b:s4+s13], $0x80, s9, s13, $0xb8;
	[tilespmem:$0x1C000] =	vst v63  }
0x134: {  	_ =	swait.ge [sflag:s18], $0x3200  }
0x135: {  	[sflag:s18] =	ssyncset.done $0x0  }
0x136: {  	s8 =	rddreg [dreg:$0x18];
	[sflag:s18] =	ssyncadd.s32 $0xFFFFCE00  }
0x137: {  	[spmem:s2] =	stream.indirect.scatter.add.f32 [tilespmem:s15], [sflag:$0x4], $0x80, s8, s13, $0xb8;
	[tilespmem:$0x1C000] =	vst v63  }
0x138: {  	_ =	swait.ge [sflag:s19], $0x3200  }
0x139: {  	[sflag:s19] =	ssyncset.done $0x0  }
0x13a: {  	s9 =	rddreg [dreg:$0x19];
	[sflag:s19] =	ssyncadd.s32 $0xFFFFCE00  }
0x13b: {  	[tilespmem:s15], [sflag:$0x2] =	stream.indirect.gather [hbm4b:s4+s13], $0x80, s9, s13, $0xb8;
	[tilespmem:$0x1C000] =	vst v63  }
0x13c: {  	_ =	swait.ge [sflag:s16], $0x3200  }
0x13d: {  	[sflag:s16] =	ssyncset.done $0x0  }
0x13e: {  	s8 =	rddreg [dreg:$0x1a];
	[sflag:s16] =	ssyncadd.s32 $0xFFFFCE00  }
0x13f: {  	[spmem:s2] =	stream.indirect.scatter.add.f32 [tilespmem:s14], [sflag:$0x3], $0x80, s8, s13, $0xb8;
	[tilespmem:$0x1C000] =	vst v63  }
0x140: {  	_ =	swait.ge [sflag:s17], $0x3200  }
0x141: {  	[sflag:s17] =	ssyncset.done $0x0  }
0x142: {  	s9 =	rddreg [dreg:$0x1b];
	[sflag:s17] =	ssyncadd.s32 $0xFFFFCE00  }
0x143: {  	[tilespmem:s14], [sflag:$0x1] =	stream.indirect.gather [hbm4b:s4+s13], $0x80, s9, s13, $0xb8;
	[tilespmem:$0x1C000] =	vst v63  }
0x144: {  	_ =	swait.ge [sflag:s18], $0x3200  }
0x145: {  	[sflag:s18] =	ssyncset.done $0x0  }
0x146: {  	s8 =	rddreg [dreg:$0x1c];
	[sflag:s18] =	ssyncadd.s32 $0xFFFFCE00  }
0x147: {  	[spmem:s2] =	stream.indirect.scatter.add.f32 [tilespmem:s15], [sflag:$0x4], $0x80, s8, s13, $0xb8;
	[tilespmem:$0x1C000] =	vst v63  }
0x148: {  	_ =	swait.ge [sflag:s19], $0x3200  }
0x149: {  	[sflag:s19] =	ssyncset.done $0x0  }
0x14a: {  	s9 =	rddreg [dreg:$0x1d];
	[sflag:s19] =	ssyncadd.s32 $0xFFFFCE00  }
0x14b: {  	[tilespmem:s15], [sflag:$0x2] =	stream.indirect.gather [hbm4b:s4+s13], $0x80, s9, s13, $0xb8;
	[tilespmem:$0x1C000] =	vst v63  }
0x14c: {  	_ =	swait.ge [sflag:s16], $0x3200  }
0x14d: {  	[sflag:s16] =	ssyncset.done $0x0  }
0x14e: {  	s8 =	rddreg [dreg:$0x1e];
	[sflag:s16] =	ssyncadd.s32 $0xFFFFCE00  }
0x14f: {  	[spmem:s2] =	stream.indirect.scatter.add.f32 [tilespmem:s14], [sflag:$0x3], $0x80, s8, s13, $0xb8;
	[tilespmem:$0x1C000] =	vst v63  }
0x150: {  	_ =	swait.ge [sflag:s17], $0x3200  }
0x151: {  	[sflag:s17] =	ssyncset.done $0x0  }
0x152: {  	s9 =	rddreg [dreg:$0x1f];
	[sflag:s17] =	ssyncadd.s32 $0xFFFFCE00  }
0x153: {  	[tilespmem:s14], [sflag:$0x1] =	stream.indirect.gather [hbm4b:s4+s13], $0x80, s9, s13, $0xb8;
	[tilespmem:$0x1C000] =	vst v63  }
0x154: {  	_ =	swait.ge [sflag:s18], $0x3200  }
0x155: {  	[sflag:s18] =	ssyncset.done $0x0  }
0x156: {  	[sflag:s18] =	ssyncadd.s32 $0xFFFFCE00  }
0x157: {  	[spmem:s2] =	stream.indirect.scatter.add.f32 [tilespmem:s15], [sflag:$0x4], $0x80, s20, s13, $0xb8;
	[tilespmem:$0x1C000] =	vst v63  }
0x158: {  	_ =	swait.ge [sflag:s19], $0x3200  }
0x159: {  	[sflag:s19] =	ssyncset.done $0x0  }
0x15a: {  	[sflag:s19] =	ssyncadd.s32 $0xFFFFCE00  }
0x15b: {  	[tilespmem:s15], [sflag:$0x2] =	stream.indirect.gather [hbm4b:s4+s13], $0x80, s21, s13, $0xb8;
	[tilespmem:$0x1C000] =	vst v63  }
0x15c: {  	_ =	swait.ge [sflag:s16], $0x3200  }
0x15d: {  	[sflag:s16] =	ssyncset.done $0x0  }
0x15e: {  	[sflag:s16] =	ssyncadd.s32 $0xFFFFCE00  }
0x15f: {  	[spmem:s2] =	stream.indirect.scatter.add.f32 [tilespmem:s14], [sflag:$0x3], $0x80, s22, s13, $0xb8;
	[tilespmem:$0x1C000] =	vst v63  }
0x160: {  	_ =	swait.ge [sflag:s17], $0x3200  }
0x161: {  	[sflag:s17] =	ssyncset.done $0x0  }
0x162: {  	[sflag:s17] =	ssyncadd.s32 $0xFFFFCE00  }
0x163: {  	[tilespmem:s14], [sflag:$0x1] =	stream.indirect.gather [hbm4b:s4+s13], $0x80, s23, s13, $0xb8;
	[tilespmem:$0x1C000] =	vst v63  }
0x164: {  	_ =	swait.ge [sflag:s18], $0x3200  }
0x165: {  	[sflag:s18] =	ssyncset.done $0x0  }
0x166: {  	[sflag:s18] =	ssyncadd.s32 $0xFFFFCE00  }
0x167: {  	[spmem:s2] =	stream.indirect.scatter.add.f32 [tilespmem:s15], [sflag:$0x4], $0x80, s24, s13, $0xb8;
	[tilespmem:$0x1C000] =	vst v63  }
0x168: {  	_ =	swait.ge [sflag:s19], $0x3200  }
0x169: {  	[sflag:s19] =	ssyncset.done $0x0  }
0x16a: {  	[sflag:s19] =	ssyncadd.s32 $0xFFFFCE00  }
0x16b: {  	[tilespmem:s15], [sflag:$0x2] =	stream.indirect.gather [hbm4b:s4+s13], $0x80, s25, s13, $0xb8;
	[tilespmem:$0x1C000] =	vst v63  }
0x16c: {  	_ =	swait.ge [sflag:s16], $0x3200  }
0x16d: {  	[sflag:s16] =	ssyncset.done $0x0  }
0x16e: {  	[sflag:s16] =	ssyncadd.s32 $0xFFFFCE00  }
0x16f: {  	[spmem:s2] =	stream.indirect.scatter.add.f32 [tilespmem:s14], [sflag:$0x3], $0x80, s26, s13, $0xb8;
	[tilespmem:$0x1C000] =	vst v63  }
0x170: {  	_ =	swait.ge [sflag:s17], $0x3200  }
0x171: {  	[sflag:s17] =	ssyncset.done $0x0  }
0x172: {  	[sflag:s17] =	ssyncadd.s32 $0xFFFFCE00  }
0x173: {  	[tilespmem:s14], [sflag:$0x1] =	stream.indirect.gather [hbm4b:s4+s13], $0x80, s28, s13, $0xb8;
	[tilespmem:$0x1C000] =	vst v63  }
0x174: {  	_ =	swait.ge [sflag:s18], $0x3200  }
0x175: {  	[sflag:s18] =	ssyncset.done $0x0  }
0x176: {  	[sflag:s18] =	ssyncadd.s32 $0xFFFFCE00  }
0x177: {  	[spmem:s2] =	stream.indirect.scatter.add.f32 [tilespmem:s15], [sflag:$0x4], $0x80, s29, s13, $0xb8;
	[tilespmem:$0x1C000] =	vst v63  }
0x178: {  	_ =	swait.ge [sflag:s19], $0x3200  }
0x179: {  	[sflag:s19] =	ssyncset.done $0x0  }
0x17a: {  	[sflag:s19] =	ssyncadd.s32 $0xFFFFCE00  }
0x17b: {  	[tilespmem:s15], [sflag:$0x2] =	stream.indirect.gather [hbm4b:s4+s13], $0x80, s30, s13, $0xb8;
	[tilespmem:$0x1C000] =	vst v63  }
0x17c: {  	s6 =	smov.u32 s7;
	s7 =	sadd.s32 $0x180, s7;
	_ =	swait.ge [sflag:s16], $0x3200  }
0x17d: {  	p0 =	sne.s32 s7, $0x780;
	[sflag:s16] =	ssyncset.done $0x0  }
.Ltmp0:
0x17e: {  	[sflag:s16] =	ssyncadd.s32 $0xFFFFCE00;
	(pc) =	sbr.rel @p0 .LBB2_2-.Ltmp0, $4  }
0x17f: {  	[spmem:s2] =	stream.indirect.scatter.add.f32 [tilespmem:s14], [sflag:$0x3], $0x80, s31, s13, $0xb8;
	[tilespmem:$0x1C000] =	vst v63  }
0x180: {  	_ =	swait.ge [sflag:s18], $0x3200  }
0x181: {  	[sflag:s18] =	ssyncset.done $0x0  }
0x182: {  	s5 =	smov.u32 s6;
	s8 =	rddreg [dreg:$0x5];
	[sflag:s18] =	ssyncadd.s32 $0xFFFFCE00  }
0x183: {  	[spmem:s2] =	stream.indirect.scatter.add.f32 [tilespmem:s15], [sflag:$0x4], $0x80, s1, s13, $0xb8;
	[tilespmem:$0x1C000] =	vst v63  }
0x184: {  	s6 =	sadd.s32 s5, s8  }
0x185: {  	[tilespmem:s11], [sflag:$0x5] =	stream.linear.gather [hbm4b:s6+s3], $0xA00, $0x38;
	[tilespmem:$0x1C000] =	vst v63  }
0x186: {  	_ =	swait.ge [sflag:s10], $0xA00  }
0x187: {  	p0 =	seq.s32 s5, $0x0;
	[sflag:s10] =	ssyncset.done $0x0  }
0x188: {  	s6 =	simm.s32 @!p0 $0x3;
	[sflag:s10] =	ssyncadd.s32 $0xFFFFF600  }
0x189: {  	_ =	swait.ge @!p0 [sflag:s6], $0x3200  }
0x18a: {  	[sflag:s6] =	ssyncset.done @!p0 $0x0  }
0x18b: {  	[sflag:s6] =	ssyncadd.s32 @!p0 $0xFFFFCE00;
	s6 =	simm.s32 @!p0 $0x4  }
0x18c: {  	_ =	swait.ge @!p0 [sflag:s6], $0x3200  }
0x18d: {  	s7 =	rddreg [dreg:$0x4];
	[sflag:s6] =	ssyncset.done @!p0 $0x0  }
0x18e: {  	[sflag:s6] =	ssyncadd.s32 @!p0 $0xFFFFCE00;
	s9 =	sadd.s32 s5, s7  }
0x18f: {  	[tilespmem:s12], [sflag:$0x5] =	stream.linear.gather [hbm4b:s9+s3], $0xA00, $0x38;
	[tilespmem:$0x1C000] =	vst v63  }
0x190: {  	_ =	swait.ge [sflag:s10], $0xA00  }
0x191: {  	[sflag:s10] =	ssyncset.done $0x0  }
0x192: {  	[sflag:s10] =	ssyncadd.s32 $0xFFFFF600  }
0x193: {  	[tilespmem:s14], [sflag:$0x1] =	stream.indirect.gather [hbm4b:s4+s13], $0x80, s11, s13, $0xb8;
	[tilespmem:$0x1C000] =	vst v63  }
0x194: {  	s6 =	rddreg [dreg:$0x6]  }
0x195: {  	[tilespmem:s15], [sflag:$0x2] =	stream.indirect.gather [hbm4b:s4+s13], $0x80, s6, s13, $0xb8;
	[tilespmem:$0x1C000] =	vst v63  }
0x196: {  	_ =	swait.ge [sflag:s16], $0x3200  }
0x197: {  	[sflag:s16] =	ssyncset.done $0x0  }
0x198: {  	[sflag:s16] =	ssyncadd.s32 $0xFFFFCE00  }
0x199: {  	[spmem:s2] =	stream.indirect.scatter.add.f32 [tilespmem:s14], [sflag:$0x3], $0x80, s12, s13, $0xb8;
	[tilespmem:$0x1C000] =	vst v63  }
0x19a: {  	_ =	swait.ge [sflag:s17], $0x3200  }
0x19b: {  	[sflag:s17] =	ssyncset.done $0x0  }
0x19c: {  	s7 =	rddreg [dreg:$0x7];
	[sflag:s17] =	ssyncadd.s32 $0xFFFFCE00  }
0x19d: {  	[tilespmem:s14], [sflag:$0x1] =	stream.indirect.gather [hbm4b:s4+s13], $0x80, s7, s13, $0xb8;
	[tilespmem:$0x1C000] =	vst v63  }
0x19e: {  	_ =	swait.ge [sflag:s18], $0x3200  }
0x19f: {  	[sflag:s18] =	ssyncset.done $0x0  }
0x1a0: {  	s8 =	rddreg [dreg:$0x8];
	[sflag:s18] =	ssyncadd.s32 $0xFFFFCE00  }
0x1a1: {  	[spmem:s2] =	stream.indirect.scatter.add.f32 [tilespmem:s15], [sflag:$0x4], $0x80, s8, s13, $0xb8;
	[tilespmem:$0x1C000] =	vst v63  }
0x1a2: {  	_ =	swait.ge [sflag:s19], $0x3200  }
0x1a3: {  	[sflag:s19] =	ssyncset.done $0x0  }
0x1a4: {  	s9 =	rddreg [dreg:$0x9];
	[sflag:s19] =	ssyncadd.s32 $0xFFFFCE00  }
0x1a5: {  	[tilespmem:s15], [sflag:$0x2] =	stream.indirect.gather [hbm4b:s4+s13], $0x80, s9, s13, $0xb8;
	[tilespmem:$0x1C000] =	vst v63  }
0x1a6: {  	_ =	swait.ge [sflag:s16], $0x3200  }
0x1a7: {  	[sflag:s16] =	ssyncset.done $0x0  }
0x1a8: {  	s6 =	rddreg [dreg:$0xa];
	[sflag:s16] =	ssyncadd.s32 $0xFFFFCE00  }
0x1a9: {  	[spmem:s2] =	stream.indirect.scatter.add.f32 [tilespmem:s14], [sflag:$0x3], $0x80, s6, s13, $0xb8;
	[tilespmem:$0x1C000] =	vst v63  }
0x1aa: {  	_ =	swait.ge [sflag:s17], $0x3200  }
0x1ab: {  	[sflag:s17] =	ssyncset.done $0x0  }
0x1ac: {  	s7 =	rddreg [dreg:$0xb];
	[sflag:s17] =	ssyncadd.s32 $0xFFFFCE00  }
0x1ad: {  	[tilespmem:s14], [sflag:$0x1] =	stream.indirect.gather [hbm4b:s4+s13], $0x80, s7, s13, $0xb8;
	[tilespmem:$0x1C000] =	vst v63  }
0x1ae: {  	_ =	swait.ge [sflag:s18], $0x3200  }
0x1af: {  	[sflag:s18] =	ssyncset.done $0x0  }
0x1b0: {  	s8 =	rddreg [dreg:$0xc];
	[sflag:s18] =	ssyncadd.s32 $0xFFFFCE00  }
0x1b1: {  	[spmem:s2] =	stream.indirect.scatter.add.f32 [tilespmem:s15], [sflag:$0x4], $0x80, s8, s13, $0xb8;
	[tilespmem:$0x1C000] =	vst v63  }
0x1b2: {  	_ =	swait.ge [sflag:s19], $0x3200  }
0x1b3: {  	[sflag:s19] =	ssyncset.done $0x0  }
0x1b4: {  	s9 =	rddreg [dreg:$0xd];
	[sflag:s19] =	ssyncadd.s32 $0xFFFFCE00  }
0x1b5: {  	[tilespmem:s15], [sflag:$0x2] =	stream.indirect.gather [hbm4b:s4+s13], $0x80, s9, s13, $0xb8;
	[tilespmem:$0x1C000] =	vst v63  }
0x1b6: {  	_ =	swait.ge [sflag:s16], $0x3200  }
0x1b7: {  	[sflag:s16] =	ssyncset.done $0x0  }
0x1b8: {  	s6 =	rddreg [dreg:$0xe];
	[sflag:s16] =	ssyncadd.s32 $0xFFFFCE00  }
0x1b9: {  	[spmem:s2] =	stream.indirect.scatter.add.f32 [tilespmem:s14], [sflag:$0x3], $0x80, s6, s13, $0xb8;
	[tilespmem:$0x1C000] =	vst v63  }
0x1ba: {  	_ =	swait.ge [sflag:s17], $0x3200  }
0x1bb: {  	[sflag:s17] =	ssyncset.done $0x0  }
0x1bc: {  	s7 =	rddreg [dreg:$0xf];
	[sflag:s17] =	ssyncadd.s32 $0xFFFFCE00  }
0x1bd: {  	[tilespmem:s14], [sflag:$0x1] =	stream.indirect.gather [hbm4b:s4+s13], $0x80, s7, s13, $0xb8;
	[tilespmem:$0x1C000] =	vst v63  }
0x1be: {  	_ =	swait.ge [sflag:s18], $0x3200  }
0x1bf: {  	[sflag:s18] =	ssyncset.done $0x0  }
0x1c0: {  	s8 =	rddreg [dreg:$0x10];
	[sflag:s18] =	ssyncadd.s32 $0xFFFFCE00  }
0x1c1: {  	[spmem:s2] =	stream.indirect.scatter.add.f32 [tilespmem:s15], [sflag:$0x4], $0x80, s8, s13, $0xb8;
	[tilespmem:$0x1C000] =	vst v63  }
0x1c2: {  	_ =	swait.ge [sflag:s19], $0x3200  }
0x1c3: {  	[sflag:s19] =	ssyncset.done $0x0  }
0x1c4: {  	s9 =	rddreg [dreg:$0x11];
	[sflag:s19] =	ssyncadd.s32 $0xFFFFCE00  }
0x1c5: {  	[tilespmem:s15], [sflag:$0x2] =	stream.indirect.gather [hbm4b:s4+s13], $0x80, s9, s13, $0xb8;
	[tilespmem:$0x1C000] =	vst v63  }
0x1c6: {  	_ =	swait.ge [sflag:s16], $0x3200  }
0x1c7: {  	[sflag:s16] =	ssyncset.done $0x0  }
0x1c8: {  	s6 =	rddreg [dreg:$0x12];
	[sflag:s16] =	ssyncadd.s32 $0xFFFFCE00  }
0x1c9: {  	[spmem:s2] =	stream.indirect.scatter.add.f32 [tilespmem:s14], [sflag:$0x3], $0x80, s6, s13, $0xb8;
	[tilespmem:$0x1C000] =	vst v63  }
0x1ca: {  	_ =	swait.ge [sflag:s17], $0x3200  }
0x1cb: {  	[sflag:s17] =	ssyncset.done $0x0  }
0x1cc: {  	s7 =	rddreg [dreg:$0x13];
	[sflag:s17] =	ssyncadd.s32 $0xFFFFCE00  }
0x1cd: {  	[tilespmem:s14], [sflag:$0x1] =	stream.indirect.gather [hbm4b:s4+s13], $0x80, s7, s13, $0xb8;
	[tilespmem:$0x1C000] =	vst v63  }
0x1ce: {  	_ =	swait.ge [sflag:s18], $0x3200  }
0x1cf: {  	[sflag:s18] =	ssyncset.done $0x0  }
0x1d0: {  	s8 =	rddreg [dreg:$0x14];
	[sflag:s18] =	ssyncadd.s32 $0xFFFFCE00  }
0x1d1: {  	[spmem:s2] =	stream.indirect.scatter.add.f32 [tilespmem:s15], [sflag:$0x4], $0x80, s8, s13, $0xb8;
	[tilespmem:$0x1C000] =	vst v63  }
0x1d2: {  	_ =	swait.ge [sflag:s19], $0x3200  }
0x1d3: {  	[sflag:s19] =	ssyncset.done $0x0  }
0x1d4: {  	s9 =	rddreg [dreg:$0x15];
	[sflag:s19] =	ssyncadd.s32 $0xFFFFCE00  }
0x1d5: {  	[tilespmem:s15], [sflag:$0x2] =	stream.indirect.gather [hbm4b:s4+s13], $0x80, s9, s13, $0xb8;
	[tilespmem:$0x1C000] =	vst v63  }
0x1d6: {  	_ =	swait.ge [sflag:s16], $0x3200  }
0x1d7: {  	[sflag:s16] =	ssyncset.done $0x0  }
0x1d8: {  	s6 =	rddreg [dreg:$0x16];
	[sflag:s16] =	ssyncadd.s32 $0xFFFFCE00  }
0x1d9: {  	[spmem:s2] =	stream.indirect.scatter.add.f32 [tilespmem:s14], [sflag:$0x3], $0x80, s6, s13, $0xb8;
	[tilespmem:$0x1C000] =	vst v63  }
0x1da: {  	_ =	swait.ge [sflag:s17], $0x3200  }
0x1db: {  	[sflag:s17] =	ssyncset.done $0x0  }
0x1dc: {  	s7 =	rddreg [dreg:$0x17];
	[sflag:s17] =	ssyncadd.s32 $0xFFFFCE00  }
0x1dd: {  	[tilespmem:s14], [sflag:$0x1] =	stream.indirect.gather [hbm4b:s4+s13], $0x80, s7, s13, $0xb8;
	[tilespmem:$0x1C000] =	vst v63  }
0x1de: {  	_ =	swait.ge [sflag:s18], $0x3200  }
0x1df: {  	[sflag:s18] =	ssyncset.done $0x0  }
0x1e0: {  	s8 =	rddreg [dreg:$0x18];
	[sflag:s18] =	ssyncadd.s32 $0xFFFFCE00  }
0x1e1: {  	[spmem:s2] =	stream.indirect.scatter.add.f32 [tilespmem:s15], [sflag:$0x4], $0x80, s8, s13, $0xb8;
	[tilespmem:$0x1C000] =	vst v63  }
0x1e2: {  	_ =	swait.ge [sflag:s19], $0x3200  }
0x1e3: {  	[sflag:s19] =	ssyncset.done $0x0  }
0x1e4: {  	s9 =	rddreg [dreg:$0x19];
	[sflag:s19] =	ssyncadd.s32 $0xFFFFCE00  }
0x1e5: {  	[tilespmem:s15], [sflag:$0x2] =	stream.indirect.gather [hbm4b:s4+s13], $0x80, s9, s13, $0xb8;
	[tilespmem:$0x1C000] =	vst v63  }
0x1e6: {  	_ =	swait.ge [sflag:s16], $0x3200  }
0x1e7: {  	[sflag:s16] =	ssyncset.done $0x0  }
0x1e8: {  	s6 =	rddreg [dreg:$0x1a];
	[sflag:s16] =	ssyncadd.s32 $0xFFFFCE00  }
0x1e9: {  	[spmem:s2] =	stream.indirect.scatter.add.f32 [tilespmem:s14], [sflag:$0x3], $0x80, s6, s13, $0xb8;
	[tilespmem:$0x1C000] =	vst v63  }
0x1ea: {  	_ =	swait.ge [sflag:s17], $0x3200  }
0x1eb: {  	[sflag:s17] =	ssyncset.done $0x0  }
0x1ec: {  	s7 =	rddreg [dreg:$0x1b];
	[sflag:s17] =	ssyncadd.s32 $0xFFFFCE00  }
0x1ed: {  	[tilespmem:s14], [sflag:$0x1] =	stream.indirect.gather [hbm4b:s4+s13], $0x80, s7, s13, $0xb8;
	[tilespmem:$0x1C000] =	vst v63  }
0x1ee: {  	_ =	swait.ge [sflag:s18], $0x3200  }
0x1ef: {  	[sflag:s18] =	ssyncset.done $0x0  }
0x1f0: {  	s8 =	rddreg [dreg:$0x1c];
	[sflag:s18] =	ssyncadd.s32 $0xFFFFCE00  }
0x1f1: {  	[spmem:s2] =	stream.indirect.scatter.add.f32 [tilespmem:s15], [sflag:$0x4], $0x80, s8, s13, $0xb8;
	[tilespmem:$0x1C000] =	vst v63  }
0x1f2: {  	_ =	swait.ge [sflag:s19], $0x3200  }
0x1f3: {  	[sflag:s19] =	ssyncset.done $0x0  }
0x1f4: {  	s9 =	rddreg [dreg:$0x1d];
	[sflag:s19] =	ssyncadd.s32 $0xFFFFCE00  }
0x1f5: {  	[tilespmem:s15], [sflag:$0x2] =	stream.indirect.gather [hbm4b:s4+s13], $0x80, s9, s13, $0xb8;
	[tilespmem:$0x1C000] =	vst v63  }
0x1f6: {  	_ =	swait.ge [sflag:s16], $0x3200  }
0x1f7: {  	[sflag:s16] =	ssyncset.done $0x0  }
0x1f8: {  	s6 =	rddreg [dreg:$0x1e];
	[sflag:s16] =	ssyncadd.s32 $0xFFFFCE00  }
0x1f9: {  	[spmem:s2] =	stream.indirect.scatter.add.f32 [tilespmem:s14], [sflag:$0x3], $0x80, s6, s13, $0xb8;
	[tilespmem:$0x1C000] =	vst v63  }
0x1fa: {  	_ =	swait.ge [sflag:s17], $0x3200  }
0x1fb: {  	[sflag:s17] =	ssyncset.done $0x0  }
0x1fc: {  	s7 =	rddreg [dreg:$0x1f];
	[sflag:s17] =	ssyncadd.s32 $0xFFFFCE00  }
0x1fd: {  	[tilespmem:s14], [sflag:$0x1] =	stream.indirect.gather [hbm4b:s4+s13], $0x80, s7, s13, $0xb8;
	[tilespmem:$0x1C000] =	vst v63  }
0x1fe: {  	_ =	swait.ge [sflag:s18], $0x3200  }
0x1ff: {  	[sflag:s18] =	ssyncset.done $0x0  }
0x200: {  	[sflag:s18] =	ssyncadd.s32 $0xFFFFCE00  }
0x201: {  	[spmem:s2] =	stream.indirect.scatter.add.f32 [tilespmem:s15], [sflag:$0x4], $0x80, s20, s13, $0xb8;
	[tilespmem:$0x1C000] =	vst v63  }
0x202: {  	_ =	swait.ge [sflag:s19], $0x3200  }
0x203: {  	[sflag:s19] =	ssyncset.done $0x0  }
0x204: {  	[sflag:s19] =	ssyncadd.s32 $0xFFFFCE00  }
0x205: {  	[tilespmem:s15], [sflag:$0x2] =	stream.indirect.gather [hbm4b:s4+s13], $0x80, s21, s13, $0xb8;
	[tilespmem:$0x1C000] =	vst v63  }
0x206: {  	_ =	swait.ge [sflag:s16], $0x3200  }
0x207: {  	[sflag:s16] =	ssyncset.done $0x0  }
0x208: {  	[sflag:s16] =	ssyncadd.s32 $0xFFFFCE00  }
0x209: {  	[spmem:s2] =	stream.indirect.scatter.add.f32 [tilespmem:s14], [sflag:$0x3], $0x80, s22, s13, $0xb8;
	[tilespmem:$0x1C000] =	vst v63  }
0x20a: {  	_ =	swait.ge [sflag:s17], $0x3200  }
0x20b: {  	[sflag:s17] =	ssyncset.done $0x0  }
0x20c: {  	[sflag:s17] =	ssyncadd.s32 $0xFFFFCE00  }
0x20d: {  	[tilespmem:s14], [sflag:$0x1] =	stream.indirect.gather [hbm4b:s4+s13], $0x80, s23, s13, $0xb8;
	[tilespmem:$0x1C000] =	vst v63  }
0x20e: {  	_ =	swait.ge [sflag:s18], $0x3200  }
0x20f: {  	[sflag:s18] =	ssyncset.done $0x0  }
0x210: {  	[sflag:s18] =	ssyncadd.s32 $0xFFFFCE00  }
0x211: {  	[spmem:s2] =	stream.indirect.scatter.add.f32 [tilespmem:s15], [sflag:$0x4], $0x80, s24, s13, $0xb8;
	[tilespmem:$0x1C000] =	vst v63  }
0x212: {  	_ =	swait.ge [sflag:s19], $0x3200  }
0x213: {  	[sflag:s19] =	ssyncset.done $0x0  }
0x214: {  	[sflag:s19] =	ssyncadd.s32 $0xFFFFCE00  }
0x215: {  	[tilespmem:s15], [sflag:$0x2] =	stream.indirect.gather [hbm4b:s4+s13], $0x80, s25, s13, $0xb8;
	[tilespmem:$0x1C000] =	vst v63  }
0x216: {  	_ =	swait.ge [sflag:s16], $0x3200  }
0x217: {  	[sflag:s16] =	ssyncset.done $0x0  }
0x218: {  	[sflag:s16] =	ssyncadd.s32 $0xFFFFCE00  }
0x219: {  	[spmem:s2] =	stream.indirect.scatter.add.f32 [tilespmem:s14], [sflag:$0x3], $0x80, s26, s13, $0xb8;
	[tilespmem:$0x1C000] =	vst v63  }
0x21a: {  	_ =	swait.ge [sflag:s17], $0x3200  }
0x21b: {  	[sflag:s17] =	ssyncset.done $0x0  }
0x21c: {  	[sflag:s17] =	ssyncadd.s32 $0xFFFFCE00  }
0x21d: {  	[tilespmem:s14], [sflag:$0x1] =	stream.indirect.gather [hbm4b:s4+s13], $0x80, s28, s13, $0xb8;
	[tilespmem:$0x1C000] =	vst v63  }
0x21e: {  	_ =	swait.ge [sflag:s18], $0x3200  }
0x21f: {  	[sflag:s18] =	ssyncset.done $0x0  }
0x220: {  	[sflag:s18] =	ssyncadd.s32 $0xFFFFCE00  }
0x221: {  	[spmem:s2] =	stream.indirect.scatter.add.f32 [tilespmem:s15], [sflag:$0x4], $0x80, s29, s13, $0xb8;
	[tilespmem:$0x1C000] =	vst v63  }
0x222: {  	_ =	swait.ge [sflag:s19], $0x3200  }
0x223: {  	[sflag:s19] =	ssyncset.done $0x0  }
0x224: {  	[sflag:s19] =	ssyncadd.s32 $0xFFFFCE00  }
0x225: {  	[tilespmem:s15], [sflag:$0x2] =	stream.indirect.gather [hbm4b:s4+s13], $0x80, s30, s13, $0xb8;
	[tilespmem:$0x1C000] =	vst v63  }
0x226: {  	_ =	swait.ge [sflag:s16], $0x3200  }
0x227: {  	[sflag:s16] =	ssyncset.done $0x0  }
0x228: {  	[sflag:s16] =	ssyncadd.s32 $0xFFFFCE00  }
0x229: {  	[spmem:s2] =	stream.indirect.scatter.add.f32 [tilespmem:s14], [sflag:$0x3], $0x80, s31, s13, $0xb8;
	[tilespmem:$0x1C000] =	vst v63  }
0x22a: {  	_ =	swait.ge [sflag:s18], $0x3200  }
0x22b: {  	[sflag:s18] =	ssyncset.done $0x0  }
0x22c: {  	[sflag:s18] =	ssyncadd.s32 $0xFFFFCE00  }
0x22d: {  	[spmem:s2] =	stream.indirect.scatter.add.f32 [tilespmem:s15], [sflag:$0x4], $0x80, s1, s13, $0xb8;
	[tilespmem:$0x1C000] =	vst v63  }
0x22e: {  	_ =	swait.ge [sflag:s17], $0x3200  }
0x22f: {  	[sflag:s17] =	ssyncset.done $0x0  }
0x230: {  	[sflag:s17] =	ssyncadd.s32 $0xFFFFCE00  }
0x231: {  	_ =	swait.ge [sflag:s19], $0x3200  }
0x232: {  	[sflag:s19] =	ssyncset.done $0x0  }
0x233: {  	[sflag:s19] =	ssyncadd.s32 $0xFFFFCE00  }
0x234: {  	[bflag:$0x0] =	sbarrier.arrive $0xFFFF  }
0x235: {  	s6 =	sld [smem:$0x7FC]  }
0x236: {  	s8 =	sld [smem:$0x7FA]  }
0x237: {  	s7 =	sld [smem:$0x7FD];
	_ =	sdelay $0x2  }
0x238: {  	[hbm:s8], [sflag:s6] =	dma.local [spmem:s7], $0x2800  }
0x239: {  	_ =	swait.ge [sflag:s10], $0x2800  }
0x23a: {  	s9 =	sld [smem:$0x7FB];
	_ =	sdelay $0x1  }
0x23b: {  	s0 =	sadd.s32 $0x1, s0  }
0x23c: {  	p0 =	sne.s32 s0, s9  }
.Ltmp1:
0x23d: {  	_ = 	snop;
	(pc) =	sbr.rel @p0 .LBB2_1-.Ltmp1, $3  }
0x23e: {  	_ =	sdelay $0x1  }
0x23f: {  	[sflag:s10] =	ssyncset.done $0x0  }
0x240: {  	[sflag:s10] =	ssyncadd.s32 $0xFFFFD800  }
0x241: {  	_ =	sfence.sel $0x180000  }
0x242: {  	[bflag:$0x0] =	sbarrier.arrive $0xFFFF  }
0x243: {  	_ =	strace $0x9000004A  }
0x244: {  	s0 =	stileid.u32;
	[bflag:$0x2] =	sbarrier.arrive $0xFFFF  }
0x245: {  	p0 =	sne.s32 s0, $0x0;
	s0 =	rddreg [dreg:$0x3]  }
0x246: {  	s0 =	sadd.s32 @!p0 $0x100000, s0  }
0x247: {  	[sflag:s0] =	ssyncadd.tile.s32 @!p0 $0x1;
	_ =	shalt  }
.Lfunc_end2:
_tile_overlayer_lowered:
.L_overlay_start_2:
0x248: {  	(tag) =	ssettag $0x2  }
0x249: {  	s0 =	rddreg [dreg:$0x0];
	s2 =	stileid.u32  }
0x24a: {  	s1 =	rddreg [dreg:$0x1];
	p0 =	sne.s32 s2, $0x0  }
0x24b: {  	s3 =	rddreg [dreg:$0x2];
	[bflag:$0x3] =	sbarrier.arrive $0xFFFF;
	s2 =	simm.s32 @!p0 $0x1C05  }
0x24c: {  	[timem:s3], [sflag:s2] =	dma.local @!p0 [hbm:s0], s1  }
0x24d: {  	s0 =	simm.s32 @!p0 $0x5  }
0x24e: {  	_ =	swait.ge @!p0 [sflag:s0], s1  }
0x24f: {  	s1 =	ssub.s32 @!p0 $0x0, s1;
	[sflag:s0] =	ssyncset.done @!p0 $0x0  }
0x250: {  	[sflag:s0] =	ssyncadd.s32 @!p0 s1  }
0x251: {  	[bflag:$0x3] =	sbarrier.arrive $0xFFFF  }
0x252: {  	_ =	shalt  }

// kernel: kernel.15.cloned.1.call-start
scs
__scs_entry_jumppad:
0x0: {  	(pc) =	sbr.rel $0x88, $3  }
0x1: {  	(tag) =	ssettag $0x0;
	lr =	simm.s32 $0x1  }
0x2: {  	[smem:$0x3F96] =	sst lr;
	_ =	strace $0xD0000000  }
0x3: {  	_ = 	snop  }
0x4: {  	_ = 	snop  }
0x5: {  	_ = 	snop  }
0x6: {  	_ = 	snop  }
0x7: {  	_ = 	snop  }
__scs_overlays_trampoline_lowered:
0x8: {  	[smem:$0x3FA5] =	sst s0  }
0x9: {  	[smem:$0x3FA6] =	sst s1  }
0xa: {  	[smem:$0x3FA7] =	sst s2  }
0xb: {  	[smem:$0x3FA8] =	sst s3  }
0xc: {  	[smem:$0x3FA9] =	sst s4  }
0xd: {  	[smem:$0x3FAA] =	sst s5  }
0xe: {  	[smem:$0x3FAB] =	sst s6  }
0xf: {  	[smem:$0x3FAC] =	sst s7  }
0x10: {  	[smem:$0x3FAD] =	sst s8  }
0x11: {  	[smem:$0x3FAE] =	sst s9;
	s0 =	simm.s32 @!p0 $0x0  }
0x12: {  	s1 =	sld [smem:$0x3F94];
	s0 =	simm.s32 @p0 $0x1  }
0x13: {  	[smem:$0x3FAF] =	sst s0;
	s0 =	simm.s32 @!p1 $0x0  }
0x14: {  	s2 =	sld [smem:$0x3F93];
	s0 =	simm.s32 @p1 $0x1  }
0x15: {  	[smem:$0x3FB0] =	sst s0;
	s0 =	simm.s32 @!p2 $0x0  }
0x16: {  	s3 =	sld [smem:$0x3FDB];
	s0 =	simm.s32 @p2 $0x1  }
0x17: {  	s4 =	simm.s32 $0x1BF5;
	[smem:$0x3FB2] =	sst s0  }
0x18: {  	s0 =	sld [smem:$0x3F95];
	_ =	swait.ge [sflag:s4], $0x0  }
0x19: {  	s7 =	sld [smem:$0x3F96]  }
0x1a: {  	s8 =	sadd.s32 $0xFFFFE003, lr  }
0x1b: {  	s9 =	sadd.s32 $0xFFFFFEF7, lr;
	s5 =	simm.s32 $0xFFFFFFFF;
	p2 =	slt.u32 s8, $0xFFFFF086  }
0x1c: {  	p1 =	slt.u32 s9, $0xF7A;
	s5 =	simm.s32 @!p2 $0x0  }
0x1d: {  	s5 =	simm.s32 @p1 $0x1;
	p0 =	seq.s32 s7, s2  }
0x1e: {  	s7 =	smul.u32 @!p0 $0xF7A, s2;
	p2 =	seq.s32 @!p0 s5, $0x0  }
0x1f: {  	s9 =	smul.u32 $0xF7A, s1;
	s8 =	simm.s32 @!p0 $0x1BF5;
	p2 =	por !p2, p0  }
0x20: {  	[sflag:s8] =	ssyncset.s32 @!p0 $0xFFFFF086;
	s6 =	sadd.s32 @!p0 s3, s7;
	s7 =	simm.s32 @!p0 $0x108  }
0x21: {  	s3 =	sadd.s32 s3, s9;
	s6 =	sadd.s32 @!p0 $0x88, s6;
	s7 =	simm.s32 @p2 $0x1082  }
0x22: {  	[simem:s7], [sflag:s8] =	dma.local @!p0 [hbm:s6], $0xF7A  }
0x23: {  	s9 =	sor.u32 $0xD0000000, s2;
	s6 =	simm.s32 $0x108;
	_ =	swait.ge @!p0 [sflag:s8], $0x0  }
0x24: {  	s3 =	sadd.s32 $0x88, s3;
	s6 =	simm.s32 @!p1 $0x1082;
	[sflag:s4] =	ssyncset.s32 $0xFFFFF086  }
0x25: {  	[simem:s6], [sflag:s4] =	dma.local [hbm:s3], $0xF7A  }
0x26: {  	[smem:$0x3F96] =	sst s1;
	(tag) =	ssettag s2;
	_ =	strace s9  }
0x27: {  	s1 =	sld [smem:$0x3FA6]  }
0x28: {  	s2 =	sld [smem:$0x3FA7]  }
0x29: {  	s4 =	sld [smem:$0x3FA9]  }
0x2a: {  	p0 =	seq.s32 s5, $0x0;
	s5 =	sld [smem:$0x3FAA]  }
0x2b: {  	s6 =	sld [smem:$0x3FAB]  }
0x2c: {  	s7 =	sld [smem:$0x3FAC]  }
0x2d: {  	s3 =	simm.s32 $0x108;
	s8 =	sld [smem:$0x3FAD]  }
0x2e: {  	s3 =	simm.s32 @!p0 $0x1082;
	s9 =	sld [smem:$0x3FAE]  }
0x2f: {  	lr =	sadd.s32 s0, s3;
	s0 =	sld [smem:$0x3FA5]  }
0x30: {  	s3 =	sld [smem:$0x3FA8]  }
0x31: {  	[smem:$0x3FB1] =	sst s10  }
0x32: {  	s10 =	sld [smem:$0x3FAF];
	_ =	sdelay $0x3  }
0x33: {  	p0 =	seq.s32 s10, $0x1;
	s10 =	sld [smem:$0x3FB1];
	_ =	sdelay $0x3  }
0x34: {  	[smem:$0x3FB1] =	sst s10  }
0x35: {  	s10 =	sld [smem:$0x3FB0];
	_ =	sdelay $0x3  }
0x36: {  	p1 =	seq.s32 s10, $0x1;
	s10 =	sld [smem:$0x3FB1];
	_ =	sdelay $0x3  }
0x37: {  	[smem:$0x3FB1] =	sst s10  }
0x38: {  	s10 =	sld [smem:$0x3FB2]  }
0x39: {  	_ = 	snop;
	(pc) =	sbr.ind lr, $3  }
0x3a: {  	_ = 	snop  }
0x3b: {  	_ = 	snop  }
0x3c: {  	p2 =	seq.s32 s10, $0x1;
	s10 =	sld [smem:$0x3FB1]  }
0x3d: {  	_ =	shalt  }
0x3e: {  	_ =	shalt  }
0x3f: {  	_ =	shalt  }
0x40: {  	_ =	shalt  }
0x41: {  	_ =	shalt  }
0x42: {  	_ =	shalt  }
0x43: {  	_ =	shalt  }
0x44: {  	_ =	shalt  }
0x45: {  	_ =	shalt  }
0x46: {  	_ =	shalt  }
0x47: {  	_ =	shalt  }
0x48: {  	_ =	shalt  }
0x49: {  	_ =	shalt  }
0x4a: {  	_ =	shalt  }
0x4b: {  	_ =	shalt  }
0x4c: {  	_ =	shalt  }
0x4d: {  	_ =	shalt  }
0x4e: {  	_ =	shalt  }
0x4f: {  	_ =	shalt  }
0x50: {  	_ =	shalt  }
0x51: {  	_ =	shalt  }
0x52: {  	_ =	shalt  }
0x53: {  	_ =	shalt  }
0x54: {  	_ =	shalt  }
0x55: {  	_ =	shalt  }
0x56: {  	_ =	shalt  }
0x57: {  	_ =	shalt  }
0x58: {  	_ =	shalt  }
0x59: {  	_ =	shalt  }
0x5a: {  	_ =	shalt  }
0x5b: {  	_ =	shalt  }
0x5c: {  	_ =	shalt  }
0x5d: {  	_ =	shalt  }
0x5e: {  	_ =	shalt  }
0x5f: {  	_ =	shalt  }
0x60: {  	_ =	shalt  }
0x61: {  	_ =	shalt  }
0x62: {  	_ =	shalt  }
0x63: {  	_ =	shalt  }
0x64: {  	_ =	shalt  }
0x65: {  	_ =	shalt  }
0x66: {  	_ =	shalt  }
0x67: {  	_ =	shalt  }
0x68: {  	_ =	shalt  }
0x69: {  	_ =	shalt  }
0x6a: {  	_ =	shalt  }
0x6b: {  	_ =	shalt  }
0x6c: {  	_ =	shalt  }
0x6d: {  	_ =	shalt  }
0x6e: {  	_ =	shalt  }
0x6f: {  	_ =	shalt  }
0x70: {  	_ =	shalt  }
0x71: {  	_ =	shalt  }
0x72: {  	_ =	shalt  }
0x73: {  	_ =	shalt  }
0x74: {  	_ =	shalt  }
0x75: {  	_ =	shalt  }
0x76: {  	_ =	shalt  }
0x77: {  	_ =	shalt  }
0x78: {  	_ =	shalt  }
0x79: {  	_ =	shalt  }
0x7a: {  	_ =	shalt  }
0x7b: {  	_ =	shalt  }
0x7c: {  	_ =	shalt  }
0x7d: {  	_ =	shalt  }
0x7e: {  	_ =	shalt  }
0x7f: {  	_ =	shalt  }
0x80: {  	_ =	shalt  }
0x81: {  	_ =	shalt  }
0x82: {  	_ =	shalt  }
0x83: {  	_ =	shalt  }
0x84: {  	_ =	shalt  }
0x85: {  	_ =	shalt  }
0x86: {  	_ =	shalt  }
0x87: {  	_ =	shalt  }
.Lfunc_end0:
.L_simem_size_0:
called_computation.2_lowered:
.L_overlay_start_0:
0x88: {  	s2 =	sld [smem:$0x3FD9]  }
0x89: {  	s3 =	sld [smem:$0x3FFE];
	_ =	sdelay $0x1  }
0x8a: {  	s1 =	srdreg.scid  }
0x8b: {  	s0 =	sand.u32 $0x1, s1  }
0x8c: {  	s17 =	sshll.u32 s0, $0xA;
	s2 =	sadd.s32 s3, s2  }
0x8d: {  	s2 =	sadd.s32 s2, s17  }
0x8e: {  	[smem:$0x3FBD] =	sst s2  }
0x8f: {  	_ = 	snop  }
0x90: {  	s2 =	sld [smem:$0x3FD0];
	(tm) =	ssettm $0x1  }
0x91: {  	s18 =	sld [smem:$0x3FFB];
	_ =	sdelay $0x3  }
0x92: {  	_ =	strace s18  }
0x93: {  	s3 =	sld [smem:$0x3FFC];
	_ =	sdelay $0x3  }
0x94: {  	_ =	strace s3  }
0x95: {  	s3 =	sld [smem:$0x3FFD];
	_ =	sdelay $0x3  }
0x96: {  	_ =	strace s3  }
0x97: {  	_ =	strace $0x8FFFFFFF  }
0x98: {  	s19 =	sld [smem:$0x3FDB];
	_ =	sdelay $0x1  }
0x99: {  	s4 =	simm.s32 $_scs_section_size  }
0x9a: {  	s5 =	simm.s32 $_size__tile_overlayer_lowered;
	s6 =	simm.s32 $_tile_overlayer_lowered  }
0x9b: {  	s22 =	simm.s32 $0x1BFF;
	s21 =	sshll.u32 s6, $0x1;
	s3 =	sadd.s32 s4, s19  }
0x9c: {  	s7 =	simm.s32 $0x0;
	s20 =	sshll.u32 s5, $0x1;
	s5 =	sadd.s32 s21, s3  }
0x9d: {  	[timem:s7], [sflag:s22] =	dma.local [hbm:s5], s20  }
0x9e: {  	_ =	swait.ge [sflag:s22], s20  }
0x9f: {  	s4 =	ssub.s32 $0x0, s20;
	[sflag:s22] =	ssyncset.done $0x0  }
0xa0: {  	[sflag:s22] =	ssyncadd.s32 s4;
	_ =	sdelay $0x1  }
0xa1: {  	s23 =	simm.s32 $0x1B8B  }
0xa2: {  	_ =	swait.ge [sflag:s23], $0x1  }
0xa3: {  	[sflag:s23] =	ssyncset.done $0x0  }
0xa4: {  	s25 =	simm.s32 $0x1B8E;
	s24 =	sld [smem:$0x3FFE];
	[sflag:s23] =	ssyncadd.s32 $0xFFFFFFFF  }
0xa5: {  	s26 =	simm.s32 $execute0_lowered;
	[smem:$0x3FD2] =	sst s25  }
0xa6: {  	s5 =	sshll.u32 s26, $0x1;
	_ =	strace $0x8000004C;
	[dreg:$0x1] =	wrdreg $0xFFFFFFFF  }
0xa7: {  	s28 =	simm.s32 $_size_execute0_lowered;
	s3 =	sadd.s32 s3, s5;
	[dreg:$0x0] =	wrdreg $0x0  }
0xa8: {  	s5 =	sshll.u32 s28, $0x1;
	[dreg:$0x2] =	wrdreg s3  }
0xa9: {  	[dreg:$0x3] =	wrdreg s5  }
0xaa: {  	[dreg:$0x4] =	wrdreg $0xC0  }
0xab: {  	_ =	task [dreg:s7], $0x5FFFF  }
0xac: {  	[dreg:$0x1] =	wrdreg $0xFFFFFFFF  }
0xad: {  	[dreg:$0x0] =	wrdreg $0x60  }
0xae: {  	[dreg:$0x2] =	wrdreg s24  }
0xaf: {  	[dreg:$0x3] =	wrdreg s2  }
0xb0: {  	[dreg:$0x4] =	wrdreg $0x0  }
0xb1: {  	[dreg:$0x5] =	wrdreg $0x9  }
0xb2: {  	_ =	task.clear_ibuf [dreg:s7], $0x6FFFF;
	_ =	strace $0x9000004C  }
0xb3: {  	s29 =	simm.s32 $0x9;
	_ =	strace $0x8000004E  }
0xb4: {  	_ =	swait.ge [sflag:s29], $0x1  }
0xb5: {  	[sflag:s29] =	ssyncadd.s32 $0xFFFFFFFF  }
0xb6: {  	_ =	strace $0x9000004E  }
0xb7: {  	_ =	sfence  }
0xb8: {  	s30 =	sld [smem:$0x0];
	_ =	sdelay $0x2  }
0xb9: {  	s31 =	sshll.u32 s1, $0xD;
	s1 =	sshrl.u32 s1, $0x2  }
0xba: {  	s3 =	sand.u32 $0x4000, s31;
	s1 =	sadd.s32 s1, s30  }
0xbb: {  	s0 =	sor.u32 s3, s0;
	s1 =	sshll.u32 s1, $0x11  }
0xbc: {  	s0 =	sor.u32 s1, s0  }
0xbd: {  	s0 =	sadd.s32 $0x8F2B, s0  }
0xbe: {  	[sflag:s0] =	ssyncadd.remote.s32 $0x1  }
0xbf: {  	_ =	sfence.sel $0xFFFF  }
0xc0: {  	[dreg:$0x0] =	wrdreg $0xFFFFFFFF;
	(pc) =	sbr.abs _section_cstart, $3  }
0xc1: {  	[dreg:$0x1] =	wrdreg $0xFFFFFFFF  }
0xc2: {  	_ =	task.clear_ibuf [dreg:s7], $0x2FFFF;
	_ =	strace $0x9FFFFFFF  }
0xc3: {  	(tm) =	ssettm $0x7FFFFFFF  }
tec
execute0_lowered:
.L_overlay_start_1:
0x0: {  	(tag) =	ssettag $0x1  }
0x1: {  	s0 =	srdreg.scid;
	s10 =	stileid.u32  }
0x2: {  	s5 =	rddreg [dreg:$0x0];
	s0 =	sand.u32 $0x1, s0;
	s3 =	smul.u32 $0x3C00, s10  }
0x3: {  	s6 =	rddreg [dreg:$0x1];
	s1 =	smul.u32 $0x3C000, s0  }
0x4: {  	s2 =	rddreg [dreg:$0x2];
	s12 =	simm.s32 $0x14080;
	s14 =	simm.s32 $0x14100  }
0x5: {  	s15 =	simm.s32 $0x14C80;
	s1 =	sadd.s32 s3, s1;
	s3 =	simm.s32 $0x0  }
0x6: {  	s16 =	simm.s32 $0x14180;
	s17 =	simm.s32 $0x14D00;
	[smem:$0x7FF] =	sst s3  }
0x7: {  	s18 =	simm.s32 $0x14200;
	_ =	strace $0x8000004D;
	[dreg:$0x6] =	wrdreg s12  }
0x8: {  	s20 =	simm.s32 $0x14D80;
	s22 =	simm.s32 $0x14280;
	[dreg:$0x7] =	wrdreg s14  }
0x9: {  	s23 =	simm.s32 $0x14E00;
	s25 =	simm.s32 $0x14300;
	[dreg:$0x8] =	wrdreg s15  }
0xa: {  	s26 =	simm.s32 $0x14E80;
	s28 =	simm.s32 $0x14900;
	[dreg:$0x9] =	wrdreg s16  }
0xb: {  	s29 =	simm.s32 $0x15480;
	s30 =	simm.s32 $0x14980;
	[dreg:$0xa] =	wrdreg s17  }
0xc: {  	s31 =	simm.s32 $0x15500;
	s8 =	smul.u32 $0x14000, s10;
	[dreg:$0xb] =	wrdreg s18  }
0xd: {  	s4 =	sadd.s32 $0x63800, s5;
	s21 =	smul.u32 $0x50000, s10;
	[dreg:$0xc] =	wrdreg s20  }
0xe: {  	s11 =	smul.u32 $0x140000, s0;
	s9 =	sshrl.u32 s8, $0x3;
	[dreg:$0xd] =	wrdreg s22  }
0xf: {  	s0 =	ssub.s32 $0x2, s0;
	s13 =	sadd.s32 s9, s5;
	[dreg:$0xe] =	wrdreg s23  }
0x10: {  	s19 =	sshrl.u32 s0, $0x1;
	s9 =	sadd.s32 $0x13000, s13;
	[dreg:$0xf] =	wrdreg s25  }
0x11: {  	s24 =	sshrl.u32 s21, $0x2;
	s21 =	simm.s32 $0x15100;
	[smem:$0x7F9] =	sst s9  }
0x12: {  	s0 =	ssub.s32 s0, s19;
	s13 =	simm.s32 $0x14F00;
	[dreg:$0x10] =	wrdreg s26  }
0x13: {  	s1 =	sshrl.u32 s1, $0x3;
	s0 =	smax.u32 s0, $0x1;
	[dreg:$0x12] =	wrdreg s13  }
0x14: {  	s19 =	simm.s32 $0x15080;
	s7 =	sadd.s32 s1, s5;
	[smem:$0x7FB] =	sst s0  }
0x15: {  	s1 =	sadd.s32 s1, s6;
	s6 =	sadd.s32 s8, s11;
	[dreg:$0x18] =	wrdreg s19  }
0x16: {  	s8 =	sadd.s32 s24, s2;
	s11 =	simm.s32 $0x14380;
	[dreg:$0x1a] =	wrdreg s21  }
0x17: {  	s12 =	sshll.u32 s10, $0x6;
	s14 =	simm.s32 $0x14400;
	[dreg:$0x5] =	wrdreg s1  }
0x18: {  	s15 =	simm.s32 $0x14F80;
	s16 =	simm.s32 $0x14480;
	[dreg:$0x11] =	wrdreg s11  }
0x19: {  	s17 =	simm.s32 $0x15000;
	s10 =	simm.s32 $0x5;
	[dreg:$0x13] =	wrdreg s14  }
0x1a: {  	s18 =	simm.s32 $0x14500;
	s20 =	simm.s32 $0x14580;
	[dreg:$0x14] =	wrdreg s15  }
0x1b: {  	s13 =	simm.s32 $0x64;
	s22 =	simm.s32 $0x14600;
	[dreg:$0x15] =	wrdreg s16  }
0x1c: {  	s23 =	simm.s32 $0x15180;
	s24 =	simm.s32 $0x14680;
	[dreg:$0x16] =	wrdreg s17  }
0x1d: {  	s25 =	simm.s32 $0x15200;
	s26 =	simm.s32 $0x14700;
	[dreg:$0x17] =	wrdreg s18  }
0x1e: {  	s19 =	simm.s32 $0x4;
	s21 =	simm.s32 $0x14780;
	[dreg:$0x19] =	wrdreg s20  }
0x1f: {  	s0 =	simm.s32 $0x0;
	s7 =	sadd.s32 $0x4000, s7;
	[dreg:$0x1b] =	wrdreg s22  }
0x20: {  	s6 =	sshrl.u32 s6, $0x3;
	s11 =	simm.s32 $0x14000;
	[dreg:$0x1c] =	wrdreg s23  }
0x21: {  	s14 =	simm.s32 $0x15800;
	s15 =	simm.s32 $0x18C00;
	[dreg:$0x1d] =	wrdreg s24  }
0x22: {  	s16 =	simm.s32 $0x1;
	s17 =	simm.s32 $0x3;
	[dreg:$0x1e] =	wrdreg s25  }
0x23: {  	s18 =	simm.s32 $0x2;
	[dreg:$0x1f] =	wrdreg s26;
	s20 =	simm.s32 $0x15280  }
0x24: {  	s22 =	simm.s32 $0x15300;
	s23 =	simm.s32 $0x14800;
	s24 =	simm.s32 $0x15380  }
0x25: {  	[dreg:$0x4] =	wrdreg s7;
	s5 =	sadd.s32 s6, s5;
	s6 =	sor.u32 $0x1C05, s12  }
0x26: {  	s25 =	simm.s32 $0x14880;
	s7 =	sshrl.u32 s8, $0x3;
	[smem:$0x7FC] =	sst s6  }
0x27: {  	s26 =	simm.s32 $0x15400;
	s5 =	sadd.s32 $0xB3800, s5;
	[smem:$0x7FD] =	sst s7  }
0x28: {  	s1 =	simm.s32 $0x15580;
	s12 =	simm.s32 $0x14C00;
	[smem:$0x7FA] =	sst s5  }
.LBB2_1:
0x29: {  	s5 =	sld [smem:$0x7F9];
	_ =	sdelay $0x2  }
0x2a: {  	[spmem:s7], [sflag:s6] =	dma.local [hbm:s5], $0x2800  }
0x2b: {  	_ =	swait.ge [sflag:s10], $0x2800  }
0x2c: {  	[sflag:s10] =	ssyncset.done $0x0  }
0x2d: {  	[sflag:s10] =	ssyncadd.s32 $0xFFFFD800  }
0x2e: {  	[bflag:$0x0] =	sbarrier.arrive $0xFFFF  }
0x2f: {  	s9 =	rddreg [dreg:$0x5]  }
0x30: {  	s5 =	sadd.s32 $0x0, s9  }
0x31: {  	[tilespmem:s11], [sflag:$0x5] =	stream.linear.gather [hbm4b:s5+s3], $0xA00, $0x38;
	[tilespmem:$0x1C000] =	vst v63  }
0x32: {  	_ =	swait.ge [sflag:s10], $0xA00  }
0x33: {  	p0 =	por $0x1, $0x1;
	[sflag:s10] =	ssyncset.done $0x0  }
0x34: {  	s5 =	simm.s32 @!p0 $0x3;
	[sflag:s10] =	ssyncadd.s32 $0xFFFFF600  }
0x35: {  	_ =	swait.ge @!p0 [sflag:s5], $0x3200  }
0x36: {  	[sflag:s5] =	ssyncset.done @!p0 $0x0  }
0x37: {  	[sflag:s5] =	ssyncadd.s32 @!p0 $0xFFFFCE00;
	s5 =	simm.s32 @!p0 $0x4  }
0x38: {  	_ =	swait.ge @!p0 [sflag:s5], $0x3200  }
0x39: {  	s6 =	rddreg [dreg:$0x4];
	[sflag:s5] =	ssyncset.done @!p0 $0x0  }
0x3a: {  	[sflag:s5] =	ssyncadd.s32 @!p0 $0xFFFFCE00;
	s7 =	sadd.s32 $0x0, s6  }
0x3b: {  	[tilespmem:s12], [sflag:$0x5] =	stream.linear.gather [hbm4b:s7+s3], $0xA00, $0x38;
	[tilespmem:$0x1C000] =	vst v63  }
0x3c: {  	_ =	swait.ge [sflag:s10], $0xA00  }
0x3d: {  	[sflag:s10] =	ssyncset.done $0x0  }
0x3e: {  	[sflag:s10] =	ssyncadd.s32 $0xFFFFF600  }
0x3f: {  	[tilespmem:s14], [sflag:$0x1] =	stream.indirect.gather [hbm4b:s4+s13], $0x80, s11, s13, $0xb8;
	[tilespmem:$0x1C000] =	vst v63  }
0x40: {  	s8 =	rddreg [dreg:$0x6]  }
0x41: {  	[tilespmem:s15], [sflag:$0x2] =	stream.indirect.gather [hbm4b:s4+s13], $0x80, s8, s13, $0xb8;
	[tilespmem:$0x1C000] =	vst v63  }
0x42: {  	_ =	swait.ge [sflag:s16], $0x3200  }
0x43: {  	[sflag:s16] =	ssyncset.done $0x0  }
0x44: {  	[sflag:s16] =	ssyncadd.s32 $0xFFFFCE00  }
0x45: {  	[spmem:s2] =	stream.indirect.scatter.add.f32 [tilespmem:s14], [sflag:$0x3], $0x80, s12, s13, $0xb8;
	[tilespmem:$0x1C000] =	vst v63  }
0x46: {  	_ =	swait.ge [sflag:s17], $0x3200  }
0x47: {  	[sflag:s17] =	ssyncset.done $0x0  }
0x48: {  	s9 =	rddreg [dreg:$0x7];
	[sflag:s17] =	ssyncadd.s32 $0xFFFFCE00  }
0x49: {  	[tilespmem:s14], [sflag:$0x1] =	stream.indirect.gather [hbm4b:s4+s13], $0x80, s9, s13, $0xb8;
	[tilespmem:$0x1C000] =	vst v63  }
0x4a: {  	_ =	swait.ge [sflag:s18], $0x3200  }
0x4b: {  	[sflag:s18] =	ssyncset.done $0x0  }
0x4c: {  	s6 =	rddreg [dreg:$0x8];
	[sflag:s18] =	ssyncadd.s32 $0xFFFFCE00  }
0x4d: {  	[spmem:s2] =	stream.indirect.scatter.add.f32 [tilespmem:s15], [sflag:$0x4], $0x80, s6, s13, $0xb8;
	[tilespmem:$0x1C000] =	vst v63  }
0x4e: {  	_ =	swait.ge [sflag:s19], $0x3200  }
0x4f: {  	[sflag:s19] =	ssyncset.done $0x0  }
0x50: {  	s7 =	rddreg [dreg:$0x9];
	[sflag:s19] =	ssyncadd.s32 $0xFFFFCE00  }
0x51: {  	[tilespmem:s15], [sflag:$0x2] =	stream.indirect.gather [hbm4b:s4+s13], $0x80, s7, s13, $0xb8;
	[tilespmem:$0x1C000] =	vst v63  }
0x52: {  	_ =	swait.ge [sflag:s16], $0x3200  }
0x53: {  	[sflag:s16] =	ssyncset.done $0x0  }
0x54: {  	s8 =	rddreg [dreg:$0xa];
	[sflag:s16] =	ssyncadd.s32 $0xFFFFCE00  }
0x55: {  	[spmem:s2] =	stream.indirect.scatter.add.f32 [tilespmem:s14], [sflag:$0x3], $0x80, s8, s13, $0xb8;
	[tilespmem:$0x1C000] =	vst v63  }
0x56: {  	_ =	swait.ge [sflag:s17], $0x3200  }
0x57: {  	[sflag:s17] =	ssyncset.done $0x0  }
0x58: {  	s9 =	rddreg [dreg:$0xb];
	[sflag:s17] =	ssyncadd.s32 $0xFFFFCE00  }
0x59: {  	[tilespmem:s14], [sflag:$0x1] =	stream.indirect.gather [hbm4b:s4+s13], $0x80, s9, s13, $0xb8;
	[tilespmem:$0x1C000] =	vst v63  }
0x5a: {  	_ =	swait.ge [sflag:s18], $0x3200  }
0x5b: {  	[sflag:s18] =	ssyncset.done $0x0  }
0x5c: {  	s6 =	rddreg [dreg:$0xc];
	[sflag:s18] =	ssyncadd.s32 $0xFFFFCE00  }
0x5d: {  	[spmem:s2] =	stream.indirect.scatter.add.f32 [tilespmem:s15], [sflag:$0x4], $0x80, s6, s13, $0xb8;
	[tilespmem:$0x1C000] =	vst v63  }
0x5e: {  	_ =	swait.ge [sflag:s19], $0x3200  }
0x5f: {  	[sflag:s19] =	ssyncset.done $0x0  }
0x60: {  	s7 =	rddreg [dreg:$0xd];
	[sflag:s19] =	ssyncadd.s32 $0xFFFFCE00  }
0x61: {  	[tilespmem:s15], [sflag:$0x2] =	stream.indirect.gather [hbm4b:s4+s13], $0x80, s7, s13, $0xb8;
	[tilespmem:$0x1C000] =	vst v63  }
0x62: {  	_ =	swait.ge [sflag:s16], $0x3200  }
0x63: {  	[sflag:s16] =	ssyncset.done $0x0  }
0x64: {  	s8 =	rddreg [dreg:$0xe];
	[sflag:s16] =	ssyncadd.s32 $0xFFFFCE00  }
0x65: {  	[spmem:s2] =	stream.indirect.scatter.add.f32 [tilespmem:s14], [sflag:$0x3], $0x80, s8, s13, $0xb8;
	[tilespmem:$0x1C000] =	vst v63  }
0x66: {  	_ =	swait.ge [sflag:s17], $0x3200  }
0x67: {  	[sflag:s17] =	ssyncset.done $0x0  }
0x68: {  	s9 =	rddreg [dreg:$0xf];
	[sflag:s17] =	ssyncadd.s32 $0xFFFFCE00  }
0x69: {  	[tilespmem:s14], [sflag:$0x1] =	stream.indirect.gather [hbm4b:s4+s13], $0x80, s9, s13, $0xb8;
	[tilespmem:$0x1C000] =	vst v63  }
0x6a: {  	_ =	swait.ge [sflag:s18], $0x3200  }
0x6b: {  	[sflag:s18] =	ssyncset.done $0x0  }
0x6c: {  	s6 =	rddreg [dreg:$0x10];
	[sflag:s18] =	ssyncadd.s32 $0xFFFFCE00  }
0x6d: {  	[spmem:s2] =	stream.indirect.scatter.add.f32 [tilespmem:s15], [sflag:$0x4], $0x80, s6, s13, $0xb8;
	[tilespmem:$0x1C000] =	vst v63  }
0x6e: {  	_ =	swait.ge [sflag:s19], $0x3200  }
0x6f: {  	[sflag:s19] =	ssyncset.done $0x0  }
0x70: {  	s7 =	rddreg [dreg:$0x11];
	[sflag:s19] =	ssyncadd.s32 $0xFFFFCE00  }
0x71: {  	[tilespmem:s15], [sflag:$0x2] =	stream.indirect.gather [hbm4b:s4+s13], $0x80, s7, s13, $0xb8;
	[tilespmem:$0x1C000] =	vst v63  }
0x72: {  	_ =	swait.ge [sflag:s16], $0x3200  }
0x73: {  	[sflag:s16] =	ssyncset.done $0x0  }
0x74: {  	s8 =	rddreg [dreg:$0x12];
	[sflag:s16] =	ssyncadd.s32 $0xFFFFCE00  }
0x75: {  	[spmem:s2] =	stream.indirect.scatter.add.f32 [tilespmem:s14], [sflag:$0x3], $0x80, s8, s13, $0xb8;
	[tilespmem:$0x1C000] =	vst v63  }
0x76: {  	_ =	swait.ge [sflag:s17], $0x3200  }
0x77: {  	[sflag:s17] =	ssyncset.done $0x0  }
0x78: {  	s9 =	rddreg [dreg:$0x13];
	[sflag:s17] =	ssyncadd.s32 $0xFFFFCE00  }
0x79: {  	[tilespmem:s14], [sflag:$0x1] =	stream.indirect.gather [hbm4b:s4+s13], $0x80, s9, s13, $0xb8;
	[tilespmem:$0x1C000] =	vst v63  }
0x7a: {  	_ =	swait.ge [sflag:s18], $0x3200  }
0x7b: {  	[sflag:s18] =	ssyncset.done $0x0  }
0x7c: {  	s6 =	rddreg [dreg:$0x14];
	[sflag:s18] =	ssyncadd.s32 $0xFFFFCE00  }
0x7d: {  	[spmem:s2] =	stream.indirect.scatter.add.f32 [tilespmem:s15], [sflag:$0x4], $0x80, s6, s13, $0xb8;
	[tilespmem:$0x1C000] =	vst v63  }
0x7e: {  	_ =	swait.ge [sflag:s19], $0x3200  }
0x7f: {  	[sflag:s19] =	ssyncset.done $0x0  }
0x80: {  	s7 =	rddreg [dreg:$0x15];
	[sflag:s19] =	ssyncadd.s32 $0xFFFFCE00  }
0x81: {  	[tilespmem:s15], [sflag:$0x2] =	stream.indirect.gather [hbm4b:s4+s13], $0x80, s7, s13, $0xb8;
	[tilespmem:$0x1C000] =	vst v63  }
0x82: {  	_ =	swait.ge [sflag:s16], $0x3200  }
0x83: {  	[sflag:s16] =	ssyncset.done $0x0  }
0x84: {  	s8 =	rddreg [dreg:$0x16];
	[sflag:s16] =	ssyncadd.s32 $0xFFFFCE00  }
0x85: {  	[spmem:s2] =	stream.indirect.scatter.add.f32 [tilespmem:s14], [sflag:$0x3], $0x80, s8, s13, $0xb8;
	[tilespmem:$0x1C000] =	vst v63  }
0x86: {  	_ =	swait.ge [sflag:s17], $0x3200  }
0x87: {  	[sflag:s17] =	ssyncset.done $0x0  }
0x88: {  	s9 =	rddreg [dreg:$0x17];
	[sflag:s17] =	ssyncadd.s32 $0xFFFFCE00  }
0x89: {  	[tilespmem:s14], [sflag:$0x1] =	stream.indirect.gather [hbm4b:s4+s13], $0x80, s9, s13, $0xb8;
	[tilespmem:$0x1C000] =	vst v63  }
0x8a: {  	_ =	swait.ge [sflag:s18], $0x3200  }
0x8b: {  	[sflag:s18] =	ssyncset.done $0x0  }
0x8c: {  	s6 =	rddreg [dreg:$0x18];
	[sflag:s18] =	ssyncadd.s32 $0xFFFFCE00  }
0x8d: {  	[spmem:s2] =	stream.indirect.scatter.add.f32 [tilespmem:s15], [sflag:$0x4], $0x80, s6, s13, $0xb8;
	[tilespmem:$0x1C000] =	vst v63  }
0x8e: {  	_ =	swait.ge [sflag:s19], $0x3200  }
0x8f: {  	[sflag:s19] =	ssyncset.done $0x0  }
0x90: {  	s7 =	rddreg [dreg:$0x19];
	[sflag:s19] =	ssyncadd.s32 $0xFFFFCE00  }
0x91: {  	[tilespmem:s15], [sflag:$0x2] =	stream.indirect.gather [hbm4b:s4+s13], $0x80, s7, s13, $0xb8;
	[tilespmem:$0x1C000] =	vst v63  }
0x92: {  	_ =	swait.ge [sflag:s16], $0x3200  }
0x93: {  	[sflag:s16] =	ssyncset.done $0x0  }
0x94: {  	s8 =	rddreg [dreg:$0x1a];
	[sflag:s16] =	ssyncadd.s32 $0xFFFFCE00  }
0x95: {  	[spmem:s2] =	stream.indirect.scatter.add.f32 [tilespmem:s14], [sflag:$0x3], $0x80, s8, s13, $0xb8;
	[tilespmem:$0x1C000] =	vst v63  }
0x96: {  	_ =	swait.ge [sflag:s17], $0x3200  }
0x97: {  	[sflag:s17] =	ssyncset.done $0x0  }
0x98: {  	s9 =	rddreg [dreg:$0x1b];
	[sflag:s17] =	ssyncadd.s32 $0xFFFFCE00  }
0x99: {  	[tilespmem:s14], [sflag:$0x1] =	stream.indirect.gather [hbm4b:s4+s13], $0x80, s9, s13, $0xb8;
	[tilespmem:$0x1C000] =	vst v63  }
0x9a: {  	_ =	swait.ge [sflag:s18], $0x3200  }
0x9b: {  	[sflag:s18] =	ssyncset.done $0x0  }
0x9c: {  	s6 =	rddreg [dreg:$0x1c];
	[sflag:s18] =	ssyncadd.s32 $0xFFFFCE00  }
0x9d: {  	[spmem:s2] =	stream.indirect.scatter.add.f32 [tilespmem:s15], [sflag:$0x4], $0x80, s6, s13, $0xb8;
	[tilespmem:$0x1C000] =	vst v63  }
0x9e: {  	_ =	swait.ge [sflag:s19], $0x3200  }
0x9f: {  	[sflag:s19] =	ssyncset.done $0x0  }
0xa0: {  	s7 =	rddreg [dreg:$0x1d];
	[sflag:s19] =	ssyncadd.s32 $0xFFFFCE00  }
0xa1: {  	[tilespmem:s15], [sflag:$0x2] =	stream.indirect.gather [hbm4b:s4+s13], $0x80, s7, s13, $0xb8;
	[tilespmem:$0x1C000] =	vst v63  }
0xa2: {  	_ =	swait.ge [sflag:s16], $0x3200  }
0xa3: {  	[sflag:s16] =	ssyncset.done $0x0  }
0xa4: {  	s8 =	rddreg [dreg:$0x1e];
	[sflag:s16] =	ssyncadd.s32 $0xFFFFCE00  }
0xa5: {  	[spmem:s2] =	stream.indirect.scatter.add.f32 [tilespmem:s14], [sflag:$0x3], $0x80, s8, s13, $0xb8;
	[tilespmem:$0x1C000] =	vst v63  }
0xa6: {  	_ =	swait.ge [sflag:s17], $0x3200  }
0xa7: {  	[sflag:s17] =	ssyncset.done $0x0  }
0xa8: {  	s9 =	rddreg [dreg:$0x1f];
	[sflag:s17] =	ssyncadd.s32 $0xFFFFCE00  }
0xa9: {  	[tilespmem:s14], [sflag:$0x1] =	stream.indirect.gather [hbm4b:s4+s13], $0x80, s9, s13, $0xb8;
	[tilespmem:$0x1C000] =	vst v63  }
0xaa: {  	_ =	swait.ge [sflag:s18], $0x3200  }
0xab: {  	[sflag:s18] =	ssyncset.done $0x0  }
0xac: {  	[sflag:s18] =	ssyncadd.s32 $0xFFFFCE00  }
0xad: {  	[spmem:s2] =	stream.indirect.scatter.add.f32 [tilespmem:s15], [sflag:$0x4], $0x80, s20, s13, $0xb8;
	[tilespmem:$0x1C000] =	vst v63  }
0xae: {  	_ =	swait.ge [sflag:s19], $0x3200  }
0xaf: {  	[sflag:s19] =	ssyncset.done $0x0  }
0xb0: {  	[sflag:s19] =	ssyncadd.s32 $0xFFFFCE00  }
0xb1: {  	[tilespmem:s15], [sflag:$0x2] =	stream.indirect.gather [hbm4b:s4+s13], $0x80, s21, s13, $0xb8;
	[tilespmem:$0x1C000] =	vst v63  }
0xb2: {  	_ =	swait.ge [sflag:s16], $0x3200  }
0xb3: {  	[sflag:s16] =	ssyncset.done $0x0  }
0xb4: {  	[sflag:s16] =	ssyncadd.s32 $0xFFFFCE00  }
0xb5: {  	[spmem:s2] =	stream.indirect.scatter.add.f32 [tilespmem:s14], [sflag:$0x3], $0x80, s22, s13, $0xb8;
	[tilespmem:$0x1C000] =	vst v63  }
0xb6: {  	_ =	swait.ge [sflag:s17], $0x3200  }
0xb7: {  	[sflag:s17] =	ssyncset.done $0x0  }
0xb8: {  	[sflag:s17] =	ssyncadd.s32 $0xFFFFCE00  }
0xb9: {  	[tilespmem:s14], [sflag:$0x1] =	stream.indirect.gather [hbm4b:s4+s13], $0x80, s23, s13, $0xb8;
	[tilespmem:$0x1C000] =	vst v63  }
0xba: {  	_ =	swait.ge [sflag:s18], $0x3200  }
0xbb: {  	[sflag:s18] =	ssyncset.done $0x0  }
0xbc: {  	[sflag:s18] =	ssyncadd.s32 $0xFFFFCE00  }
0xbd: {  	[spmem:s2] =	stream.indirect.scatter.add.f32 [tilespmem:s15], [sflag:$0x4], $0x80, s24, s13, $0xb8;
	[tilespmem:$0x1C000] =	vst v63  }
0xbe: {  	_ =	swait.ge [sflag:s19], $0x3200  }
0xbf: {  	[sflag:s19] =	ssyncset.done $0x0  }
0xc0: {  	[sflag:s19] =	ssyncadd.s32 $0xFFFFCE00  }
0xc1: {  	[tilespmem:s15], [sflag:$0x2] =	stream.indirect.gather [hbm4b:s4+s13], $0x80, s25, s13, $0xb8;
	[tilespmem:$0x1C000] =	vst v63  }
0xc2: {  	_ =	swait.ge [sflag:s16], $0x3200  }
0xc3: {  	[sflag:s16] =	ssyncset.done $0x0  }
0xc4: {  	[sflag:s16] =	ssyncadd.s32 $0xFFFFCE00  }
0xc5: {  	[spmem:s2] =	stream.indirect.scatter.add.f32 [tilespmem:s14], [sflag:$0x3], $0x80, s26, s13, $0xb8;
	[tilespmem:$0x1C000] =	vst v63  }
0xc6: {  	_ =	swait.ge [sflag:s17], $0x3200  }
0xc7: {  	[sflag:s17] =	ssyncset.done $0x0  }
0xc8: {  	[sflag:s17] =	ssyncadd.s32 $0xFFFFCE00  }
0xc9: {  	[tilespmem:s14], [sflag:$0x1] =	stream.indirect.gather [hbm4b:s4+s13], $0x80, s28, s13, $0xb8;
	[tilespmem:$0x1C000] =	vst v63  }
0xca: {  	_ =	swait.ge [sflag:s18], $0x3200  }
0xcb: {  	[sflag:s18] =	ssyncset.done $0x0  }
0xcc: {  	[sflag:s18] =	ssyncadd.s32 $0xFFFFCE00  }
0xcd: {  	[spmem:s2] =	stream.indirect.scatter.add.f32 [tilespmem:s15], [sflag:$0x4], $0x80, s29, s13, $0xb8;
	[tilespmem:$0x1C000] =	vst v63  }
0xce: {  	_ =	swait.ge [sflag:s19], $0x3200  }
0xcf: {  	[sflag:s19] =	ssyncset.done $0x0  }
0xd0: {  	[sflag:s19] =	ssyncadd.s32 $0xFFFFCE00  }
0xd1: {  	[tilespmem:s15], [sflag:$0x2] =	stream.indirect.gather [hbm4b:s4+s13], $0x80, s30, s13, $0xb8;
	[tilespmem:$0x1C000] =	vst v63  }
0xd2: {  	_ =	swait.ge [sflag:s16], $0x3200  }
0xd3: {  	[sflag:s16] =	ssyncset.done $0x0  }
0xd4: {  	[sflag:s16] =	ssyncadd.s32 $0xFFFFCE00  }
0xd5: {  	[spmem:s2] =	stream.indirect.scatter.add.f32 [tilespmem:s14], [sflag:$0x3], $0x80, s31, s13, $0xb8;
	[tilespmem:$0x1C000] =	vst v63  }
0xd6: {  	_ =	swait.ge [sflag:s18], $0x3200  }
0xd7: {  	s5 =	simm.s32 $0x180;
	[sflag:s18] =	ssyncset.done $0x0  }
0xd8: {  	s7 =	simm.s32 $0x300;
	s8 =	rddreg [dreg:$0x5];
	[sflag:s18] =	ssyncadd.s32 $0xFFFFCE00  }
.LBB2_2:
0xd9: {  	[spmem:s2] =	stream.indirect.scatter.add.f32 [tilespmem:s15], [sflag:$0x4], $0x80, s1, s13, $0xb8;
	[tilespmem:$0x1C000] =	vst v63  }
0xda: {  	s8 =	sadd.s32 s5, s8  }
0xdb: {  	[tilespmem:s11], [sflag:$0x5] =	stream.linear.gather [hbm4b:s8+s3], $0xA00, $0x38;
	[tilespmem:$0x1C000] =	vst v63  }
0xdc: {  	_ =	swait.ge [sflag:s10], $0xA00  }
0xdd: {  	p1 =	seq.s32 s5, $0x0;
	[sflag:s10] =	ssyncset.done $0x0  }
0xde: {  	s8 =	simm.s32 @!p1 $0x3;
	[sflag:s10] =	ssyncadd.s32 $0xFFFFF600  }
0xdf: {  	_ =	swait.ge @!p1 [sflag:s8], $0x3200  }
0xe0: {  	[sflag:s8] =	ssyncset.done @!p1 $0x0  }
0xe1: {  	[sflag:s8] =	ssyncadd.s32 @!p1 $0xFFFFCE00;
	s8 =	simm.s32 @!p1 $0x4  }
0xe2: {  	_ =	swait.ge @!p1 [sflag:s8], $0x3200  }
0xe3: {  	s9 =	rddreg [dreg:$0x4];
	[sflag:s8] =	ssyncset.done @!p1 $0x0  }
0xe4: {  	[sflag:s8] =	ssyncadd.s32 @!p1 $0xFFFFCE00;
	s9 =	sadd.s32 s5, s9  }
0xe5: {  	[tilespmem:s12], [sflag:$0x5] =	stream.linear.gather [hbm4b:s9+s3], $0xA00, $0x38;
	[tilespmem:$0x1C000] =	vst v63  }
0xe6: {  	_ =	swait.ge [sflag:s10], $0xA00  }
0xe7: {  	[sflag:s10] =	ssyncset.done $0x0  }
0xe8: {  	[sflag:s10] =	ssyncadd.s32 $0xFFFFF600  }
0xe9: {  	[tilespmem:s14], [sflag:$0x1] =	stream.indirect.gather [hbm4b:s4+s13], $0x80, s11, s13, $0xb8;
	[tilespmem:$0x1C000] =	vst v63  }
0xea: {  	s8 =	rddreg [dreg:$0x6]  }
0xeb: {  	[tilespmem:s15], [sflag:$0x2] =	stream.indirect.gather [hbm4b:s4+s13], $0x80, s8, s13, $0xb8;
	[tilespmem:$0x1C000] =	vst v63  }
0xec: {  	_ =	swait.ge [sflag:s16], $0x3200  }
0xed: {  	[sflag:s16] =	ssyncset.done $0x0  }
0xee: {  	[sflag:s16] =	ssyncadd.s32 $0xFFFFCE00  }
0xef: {  	[spmem:s2] =	stream.indirect.scatter.add.f32 [tilespmem:s14], [sflag:$0x3], $0x80, s12, s13, $0xb8;
	[tilespmem:$0x1C000] =	vst v63  }
0xf0: {  	_ =	swait.ge [sflag:s17], $0x3200  }
0xf1: {  	[sflag:s17] =	ssyncset.done $0x0  }
0xf2: {  	s9 =	rddreg [dreg:$0x7];
	[sflag:s17] =	ssyncadd.s32 $0xFFFFCE00  }
0xf3: {  	[tilespmem:s14], [sflag:$0x1] =	stream.indirect.gather [hbm4b:s4+s13], $0x80, s9, s13, $0xb8;
	[tilespmem:$0x1C000] =	vst v63  }
0xf4: {  	_ =	swait.ge [sflag:s18], $0x3200  }
0xf5: {  	[sflag:s18] =	ssyncset.done $0x0  }
0xf6: {  	s8 =	rddreg [dreg:$0x8];
	[sflag:s18] =	ssyncadd.s32 $0xFFFFCE00  }
0xf7: {  	[spmem:s2] =	stream.indirect.scatter.add.f32 [tilespmem:s15], [sflag:$0x4], $0x80, s8, s13, $0xb8;
	[tilespmem:$0x1C000] =	vst v63  }
0xf8: {  	_ =	swait.ge [sflag:s19], $0x3200  }
0xf9: {  	[sflag:s19] =	ssyncset.done $0x0  }
0xfa: {  	s9 =	rddreg [dreg:$0x9];
	[sflag:s19] =	ssyncadd.s32 $0xFFFFCE00  }
0xfb: {  	[tilespmem:s15], [sflag:$0x2] =	stream.indirect.gather [hbm4b:s4+s13], $0x80, s9, s13, $0xb8;
	[tilespmem:$0x1C000] =	vst v63  }
0xfc: {  	_ =	swait.ge [sflag:s16], $0x3200  }
0xfd: {  	[sflag:s16] =	ssyncset.done $0x0  }
0xfe: {  	s8 =	rddreg [dreg:$0xa];
	[sflag:s16] =	ssyncadd.s32 $0xFFFFCE00  }
0xff: {  	[spmem:s2] =	stream.indirect.scatter.add.f32 [tilespmem:s14], [sflag:$0x3], $0x80, s8, s13, $0xb8;
	[tilespmem:$0x1C000] =	vst v63  }
0x100: {  	_ =	swait.ge [sflag:s17], $0x3200  }
0x101: {  	[sflag:s17] =	ssyncset.done $0x0  }
0x102: {  	s9 =	rddreg [dreg:$0xb];
	[sflag:s17] =	ssyncadd.s32 $0xFFFFCE00  }
0x103: {  	[tilespmem:s14], [sflag:$0x1] =	stream.indirect.gather [hbm4b:s4+s13], $0x80, s9, s13, $0xb8;
	[tilespmem:$0x1C000] =	vst v63  }
0x104: {  	_ =	swait.ge [sflag:s18], $0x3200  }
0x105: {  	[sflag:s18] =	ssyncset.done $0x0  }
0x106: {  	s8 =	rddreg [dreg:$0xc];
	[sflag:s18] =	ssyncadd.s32 $0xFFFFCE00  }
0x107: {  	[spmem:s2] =	stream.indirect.scatter.add.f32 [tilespmem:s15], [sflag:$0x4], $0x80, s8, s13, $0xb8;
	[tilespmem:$0x1C000] =	vst v63  }
0x108: {  	_ =	swait.ge [sflag:s19], $0x3200  }
0x109: {  	[sflag:s19] =	ssyncset.done $0x0  }
0x10a: {  	s9 =	rddreg [dreg:$0xd];
	[sflag:s19] =	ssyncadd.s32 $0xFFFFCE00  }
0x10b: {  	[tilespmem:s15], [sflag:$0x2] =	stream.indirect.gather [hbm4b:s4+s13], $0x80, s9, s13, $0xb8;
	[tilespmem:$0x1C000] =	vst v63  }
0x10c: {  	_ =	swait.ge [sflag:s16], $0x3200  }
0x10d: {  	[sflag:s16] =	ssyncset.done $0x0  }
0x10e: {  	s8 =	rddreg [dreg:$0xe];
	[sflag:s16] =	ssyncadd.s32 $0xFFFFCE00  }
0x10f: {  	[spmem:s2] =	stream.indirect.scatter.add.f32 [tilespmem:s14], [sflag:$0x3], $0x80, s8, s13, $0xb8;
	[tilespmem:$0x1C000] =	vst v63  }
0x110: {  	_ =	swait.ge [sflag:s17], $0x3200  }
0x111: {  	[sflag:s17] =	ssyncset.done $0x0  }
0x112: {  	s9 =	rddreg [dreg:$0xf];
	[sflag:s17] =	ssyncadd.s32 $0xFFFFCE00  }
0x113: {  	[tilespmem:s14], [sflag:$0x1] =	stream.indirect.gather [hbm4b:s4+s13], $0x80, s9, s13, $0xb8;
	[tilespmem:$0x1C000] =	vst v63  }
0x114: {  	_ =	swait.ge [sflag:s18], $0x3200  }
0x115: {  	[sflag:s18] =	ssyncset.done $0x0  }
0x116: {  	s8 =	rddreg [dreg:$0x10];
	[sflag:s18] =	ssyncadd.s32 $0xFFFFCE00  }
0x117: {  	[spmem:s2] =	stream.indirect.scatter.add.f32 [tilespmem:s15], [sflag:$0x4], $0x80, s8, s13, $0xb8;
	[tilespmem:$0x1C000] =	vst v63  }
0x118: {  	_ =	swait.ge [sflag:s19], $0x3200  }
0x119: {  	[sflag:s19] =	ssyncset.done $0x0  }
0x11a: {  	s9 =	rddreg [dreg:$0x11];
	[sflag:s19] =	ssyncadd.s32 $0xFFFFCE00  }
0x11b: {  	[tilespmem:s15], [sflag:$0x2] =	stream.indirect.gather [hbm4b:s4+s13], $0x80, s9, s13, $0xb8;
	[tilespmem:$0x1C000] =	vst v63  }
0x11c: {  	_ =	swait.ge [sflag:s16], $0x3200  }
0x11d: {  	[sflag:s16] =	ssyncset.done $0x0  }
0x11e: {  	s8 =	rddreg [dreg:$0x12];
	[sflag:s16] =	ssyncadd.s32 $0xFFFFCE00  }
0x11f: {  	[spmem:s2] =	stream.indirect.scatter.add.f32 [tilespmem:s14], [sflag:$0x3], $0x80, s8, s13, $0xb8;
	[tilespmem:$0x1C000] =	vst v63  }
0x120: {  	_ =	swait.ge [sflag:s17], $0x3200  }
0x121: {  	[sflag:s17] =	ssyncset.done $0x0  }
0x122: {  	s9 =	rddreg [dreg:$0x13];
	[sflag:s17] =	ssyncadd.s32 $0xFFFFCE00  }
0x123: {  	[tilespmem:s14], [sflag:$0x1] =	stream.indirect.gather [hbm4b:s4+s13], $0x80, s9, s13, $0xb8;
	[tilespmem:$0x1C000] =	vst v63  }
0x124: {  	_ =	swait.ge [sflag:s18], $0x3200  }
0x125: {  	[sflag:s18] =	ssyncset.done $0x0  }
0x126: {  	s8 =	rddreg [dreg:$0x14];
	[sflag:s18] =	ssyncadd.s32 $0xFFFFCE00  }
0x127: {  	[spmem:s2] =	stream.indirect.scatter.add.f32 [tilespmem:s15], [sflag:$0x4], $0x80, s8, s13, $0xb8;
	[tilespmem:$0x1C000] =	vst v63  }
0x128: {  	_ =	swait.ge [sflag:s19], $0x3200  }
0x129: {  	[sflag:s19] =	ssyncset.done $0x0  }
0x12a: {  	s9 =	rddreg [dreg:$0x15];
	[sflag:s19] =	ssyncadd.s32 $0xFFFFCE00  }
0x12b: {  	[tilespmem:s15], [sflag:$0x2] =	stream.indirect.gather [hbm4b:s4+s13], $0x80, s9, s13, $0xb8;
	[tilespmem:$0x1C000] =	vst v63  }
0x12c: {  	_ =	swait.ge [sflag:s16], $0x3200  }
0x12d: {  	[sflag:s16] =	ssyncset.done $0x0  }
0x12e: {  	s8 =	rddreg [dreg:$0x16];
	[sflag:s16] =	ssyncadd.s32 $0xFFFFCE00  }
0x12f: {  	[spmem:s2] =	stream.indirect.scatter.add.f32 [tilespmem:s14], [sflag:$0x3], $0x80, s8, s13, $0xb8;
	[tilespmem:$0x1C000] =	vst v63  }
0x130: {  	_ =	swait.ge [sflag:s17], $0x3200  }
0x131: {  	[sflag:s17] =	ssyncset.done $0x0  }
0x132: {  	s9 =	rddreg [dreg:$0x17];
	[sflag:s17] =	ssyncadd.s32 $0xFFFFCE00  }
0x133: {  	[tilespmem:s14], [sflag:$0x1] =	stream.indirect.gather [hbm4b:s4+s13], $0x80, s9, s13, $0xb8;
	[tilespmem:$0x1C000] =	vst v63  }
0x134: {  	_ =	swait.ge [sflag:s18], $0x3200  }
0x135: {  	[sflag:s18] =	ssyncset.done $0x0  }
0x136: {  	s8 =	rddreg [dreg:$0x18];
	[sflag:s18] =	ssyncadd.s32 $0xFFFFCE00  }
0x137: {  	[spmem:s2] =	stream.indirect.scatter.add.f32 [tilespmem:s15], [sflag:$0x4], $0x80, s8, s13, $0xb8;
	[tilespmem:$0x1C000] =	vst v63  }
0x138: {  	_ =	swait.ge [sflag:s19], $0x3200  }
0x139: {  	[sflag:s19] =	ssyncset.done $0x0  }
0x13a: {  	s9 =	rddreg [dreg:$0x19];
	[sflag:s19] =	ssyncadd.s32 $0xFFFFCE00  }
0x13b: {  	[tilespmem:s15], [sflag:$0x2] =	stream.indirect.gather [hbm4b:s4+s13], $0x80, s9, s13, $0xb8;
	[tilespmem:$0x1C000] =	vst v63  }
0x13c: {  	_ =	swait.ge [sflag:s16], $0x3200  }
0x13d: {  	[sflag:s16] =	ssyncset.done $0x0  }
0x13e: {  	s8 =	rddreg [dreg:$0x1a];
	[sflag:s16] =	ssyncadd.s32 $0xFFFFCE00  }
0x13f: {  	[spmem:s2] =	stream.indirect.scatter.add.f32 [tilespmem:s14], [sflag:$0x3], $0x80, s8, s13, $0xb8;
	[tilespmem:$0x1C000] =	vst v63  }
0x140: {  	_ =	swait.ge [sflag:s17], $0x3200  }
0x141: {  	[sflag:s17] =	ssyncset.done $0x0  }
0x142: {  	s9 =	rddreg [dreg:$0x1b];
	[sflag:s17] =	ssyncadd.s32 $0xFFFFCE00  }
0x143: {  	[tilespmem:s14], [sflag:$0x1] =	stream.indirect.gather [hbm4b:s4+s13], $0x80, s9, s13, $0xb8;
	[tilespmem:$0x1C000] =	vst v63  }
0x144: {  	_ =	swait.ge [sflag:s18], $0x3200  }
0x145: {  	[sflag:s18] =	ssyncset.done $0x0  }
0x146: {  	s8 =	rddreg [dreg:$0x1c];
	[sflag:s18] =	ssyncadd.s32 $0xFFFFCE00  }
0x147: {  	[spmem:s2] =	stream.indirect.scatter.add.f32 [tilespmem:s15], [sflag:$0x4], $0x80, s8, s13, $0xb8;
	[tilespmem:$0x1C000] =	vst v63  }
0x148: {  	_ =	swait.ge [sflag:s19], $0x3200  }
0x149: {  	[sflag:s19] =	ssyncset.done $0x0  }
0x14a: {  	s9 =	rddreg [dreg:$0x1d];
	[sflag:s19] =	ssyncadd.s32 $0xFFFFCE00  }
0x14b: {  	[tilespmem:s15], [sflag:$0x2] =	stream.indirect.gather [hbm4b:s4+s13], $0x80, s9, s13, $0xb8;
	[tilespmem:$0x1C000] =	vst v63  }
0x14c: {  	_ =	swait.ge [sflag:s16], $0x3200  }
0x14d: {  	[sflag:s16] =	ssyncset.done $0x0  }
0x14e: {  	s8 =	rddreg [dreg:$0x1e];
	[sflag:s16] =	ssyncadd.s32 $0xFFFFCE00  }
0x14f: {  	[spmem:s2] =	stream.indirect.scatter.add.f32 [tilespmem:s14], [sflag:$0x3], $0x80, s8, s13, $0xb8;
	[tilespmem:$0x1C000] =	vst v63  }
0x150: {  	_ =	swait.ge [sflag:s17], $0x3200  }
0x151: {  	[sflag:s17] =	ssyncset.done $0x0  }
0x152: {  	s9 =	rddreg [dreg:$0x1f];
	[sflag:s17] =	ssyncadd.s32 $0xFFFFCE00  }
0x153: {  	[tilespmem:s14], [sflag:$0x1] =	stream.indirect.gather [hbm4b:s4+s13], $0x80, s9, s13, $0xb8;
	[tilespmem:$0x1C000] =	vst v63  }
0x154: {  	_ =	swait.ge [sflag:s18], $0x3200  }
0x155: {  	[sflag:s18] =	ssyncset.done $0x0  }
0x156: {  	[sflag:s18] =	ssyncadd.s32 $0xFFFFCE00  }
0x157: {  	[spmem:s2] =	stream.indirect.scatter.add.f32 [tilespmem:s15], [sflag:$0x4], $0x80, s20, s13, $0xb8;
	[tilespmem:$0x1C000] =	vst v63  }
0x158: {  	_ =	swait.ge [sflag:s19], $0x3200  }
0x159: {  	[sflag:s19] =	ssyncset.done $0x0  }
0x15a: {  	[sflag:s19] =	ssyncadd.s32 $0xFFFFCE00  }
0x15b: {  	[tilespmem:s15], [sflag:$0x2] =	stream.indirect.gather [hbm4b:s4+s13], $0x80, s21, s13, $0xb8;
	[tilespmem:$0x1C000] =	vst v63  }
0x15c: {  	_ =	swait.ge [sflag:s16], $0x3200  }
0x15d: {  	[sflag:s16] =	ssyncset.done $0x0  }
0x15e: {  	[sflag:s16] =	ssyncadd.s32 $0xFFFFCE00  }
0x15f: {  	[spmem:s2] =	stream.indirect.scatter.add.f32 [tilespmem:s14], [sflag:$0x3], $0x80, s22, s13, $0xb8;
	[tilespmem:$0x1C000] =	vst v63  }
0x160: {  	_ =	swait.ge [sflag:s17], $0x3200  }
0x161: {  	[sflag:s17] =	ssyncset.done $0x0  }
0x162: {  	[sflag:s17] =	ssyncadd.s32 $0xFFFFCE00  }
0x163: {  	[tilespmem:s14], [sflag:$0x1] =	stream.indirect.gather [hbm4b:s4+s13], $0x80, s23, s13, $0xb8;
	[tilespmem:$0x1C000] =	vst v63  }
0x164: {  	_ =	swait.ge [sflag:s18], $0x3200  }
0x165: {  	[sflag:s18] =	ssyncset.done $0x0  }
0x166: {  	[sflag:s18] =	ssyncadd.s32 $0xFFFFCE00  }
0x167: {  	[spmem:s2] =	stream.indirect.scatter.add.f32 [tilespmem:s15], [sflag:$0x4], $0x80, s24, s13, $0xb8;
	[tilespmem:$0x1C000] =	vst v63  }
0x168: {  	_ =	swait.ge [sflag:s19], $0x3200  }
0x169: {  	[sflag:s19] =	ssyncset.done $0x0  }
0x16a: {  	[sflag:s19] =	ssyncadd.s32 $0xFFFFCE00  }
0x16b: {  	[tilespmem:s15], [sflag:$0x2] =	stream.indirect.gather [hbm4b:s4+s13], $0x80, s25, s13, $0xb8;
	[tilespmem:$0x1C000] =	vst v63  }
0x16c: {  	_ =	swait.ge [sflag:s16], $0x3200  }
0x16d: {  	[sflag:s16] =	ssyncset.done $0x0  }
0x16e: {  	[sflag:s16] =	ssyncadd.s32 $0xFFFFCE00  }
0x16f: {  	[spmem:s2] =	stream.indirect.scatter.add.f32 [tilespmem:s14], [sflag:$0x3], $0x80, s26, s13, $0xb8;
	[tilespmem:$0x1C000] =	vst v63  }
0x170: {  	_ =	swait.ge [sflag:s17], $0x3200  }
0x171: {  	[sflag:s17] =	ssyncset.done $0x0  }
0x172: {  	[sflag:s17] =	ssyncadd.s32 $0xFFFFCE00  }
0x173: {  	[tilespmem:s14], [sflag:$0x1] =	stream.indirect.gather [hbm4b:s4+s13], $0x80, s28, s13, $0xb8;
	[tilespmem:$0x1C000] =	vst v63  }
0x174: {  	_ =	swait.ge [sflag:s18], $0x3200  }
0x175: {  	[sflag:s18] =	ssyncset.done $0x0  }
0x176: {  	[sflag:s18] =	ssyncadd.s32 $0xFFFFCE00  }
0x177: {  	[spmem:s2] =	stream.indirect.scatter.add.f32 [tilespmem:s15], [sflag:$0x4], $0x80, s29, s13, $0xb8;
	[tilespmem:$0x1C000] =	vst v63  }
0x178: {  	_ =	swait.ge [sflag:s19], $0x3200  }
0x179: {  	[sflag:s19] =	ssyncset.done $0x0  }
0x17a: {  	[sflag:s19] =	ssyncadd.s32 $0xFFFFCE00  }
0x17b: {  	[tilespmem:s15], [sflag:$0x2] =	stream.indirect.gather [hbm4b:s4+s13], $0x80, s30, s13, $0xb8;
	[tilespmem:$0x1C000] =	vst v63  }
0x17c: {  	s6 =	smov.u32 s7;
	s7 =	sadd.s32 $0x180, s7;
	_ =	swait.ge [sflag:s16], $0x3200  }
0x17d: {  	p0 =	sne.s32 s7, $0x780;
	[sflag:s16] =	ssyncset.done $0x0  }
.Ltmp0:
0x17e: {  	[sflag:s16] =	ssyncadd.s32 $0xFFFFCE00;
	(pc) =	sbr.rel @p0 .LBB2_2-.Ltmp0, $4  }
0x17f: {  	[spmem:s2] =	stream.indirect.scatter.add.f32 [tilespmem:s14], [sflag:$0x3], $0x80, s31, s13, $0xb8;
	[tilespmem:$0x1C000] =	vst v63  }
0x180: {  	_ =	swait.ge [sflag:s18], $0x3200  }
0x181: {  	[sflag:s18] =	ssyncset.done $0x0  }
0x182: {  	s5 =	smov.u32 s6;
	s8 =	rddreg [dreg:$0x5];
	[sflag:s18] =	ssyncadd.s32 $0xFFFFCE00  }
0x183: {  	[spmem:s2] =	stream.indirect.scatter.add.f32 [tilespmem:s15], [sflag:$0x4], $0x80, s1, s13, $0xb8;
	[tilespmem:$0x1C000] =	vst v63  }
0x184: {  	s6 =	sadd.s32 s5, s8  }
0x185: {  	[tilespmem:s11], [sflag:$0x5] =	stream.linear.gather [hbm4b:s6+s3], $0xA00, $0x38;
	[tilespmem:$0x1C000] =	vst v63  }
0x186: {  	_ =	swait.ge [sflag:s10], $0xA00  }
0x187: {  	p0 =	seq.s32 s5, $0x0;
	[sflag:s10] =	ssyncset.done $0x0  }
0x188: {  	s6 =	simm.s32 @!p0 $0x3;
	[sflag:s10] =	ssyncadd.s32 $0xFFFFF600  }
0x189: {  	_ =	swait.ge @!p0 [sflag:s6], $0x3200  }
0x18a: {  	[sflag:s6] =	ssyncset.done @!p0 $0x0  }
0x18b: {  	[sflag:s6] =	ssyncadd.s32 @!p0 $0xFFFFCE00;
	s6 =	simm.s32 @!p0 $0x4  }
0x18c: {  	_ =	swait.ge @!p0 [sflag:s6], $0x3200  }
0x18d: {  	s7 =	rddreg [dreg:$0x4];
	[sflag:s6] =	ssyncset.done @!p0 $0x0  }
0x18e: {  	[sflag:s6] =	ssyncadd.s32 @!p0 $0xFFFFCE00;
	s9 =	sadd.s32 s5, s7  }
0x18f: {  	[tilespmem:s12], [sflag:$0x5] =	stream.linear.gather [hbm4b:s9+s3], $0xA00, $0x38;
	[tilespmem:$0x1C000] =	vst v63  }
0x190: {  	_ =	swait.ge [sflag:s10], $0xA00  }
0x191: {  	[sflag:s10] =	ssyncset.done $0x0  }
0x192: {  	[sflag:s10] =	ssyncadd.s32 $0xFFFFF600  }
0x193: {  	[tilespmem:s14], [sflag:$0x1] =	stream.indirect.gather [hbm4b:s4+s13], $0x80, s11, s13, $0xb8;
	[tilespmem:$0x1C000] =	vst v63  }
0x194: {  	s6 =	rddreg [dreg:$0x6]  }
0x195: {  	[tilespmem:s15], [sflag:$0x2] =	stream.indirect.gather [hbm4b:s4+s13], $0x80, s6, s13, $0xb8;
	[tilespmem:$0x1C000] =	vst v63  }
0x196: {  	_ =	swait.ge [sflag:s16], $0x3200  }
0x197: {  	[sflag:s16] =	ssyncset.done $0x0  }
0x198: {  	[sflag:s16] =	ssyncadd.s32 $0xFFFFCE00  }
0x199: {  	[spmem:s2] =	stream.indirect.scatter.add.f32 [tilespmem:s14], [sflag:$0x3], $0x80, s12, s13, $0xb8;
	[tilespmem:$0x1C000] =	vst v63  }
0x19a: {  	_ =	swait.ge [sflag:s17], $0x3200  }
0x19b: {  	[sflag:s17] =	ssyncset.done $0x0  }
0x19c: {  	s7 =	rddreg [dreg:$0x7];
	[sflag:s17] =	ssyncadd.s32 $0xFFFFCE00  }
0x19d: {  	[tilespmem:s14], [sflag:$0x1] =	stream.indirect.gather [hbm4b:s4+s13], $0x80, s7, s13, $0xb8;
	[tilespmem:$0x1C000] =	vst v63  }
0x19e: {  	_ =	swait.ge [sflag:s18], $0x3200  }
0x19f: {  	[sflag:s18] =	ssyncset.done $0x0  }
0x1a0: {  	s8 =	rddreg [dreg:$0x8];
	[sflag:s18] =	ssyncadd.s32 $0xFFFFCE00  }
0x1a1: {  	[spmem:s2] =	stream.indirect.scatter.add.f32 [tilespmem:s15], [sflag:$0x4], $0x80, s8, s13, $0xb8;
	[tilespmem:$0x1C000] =	vst v63  }
0x1a2: {  	_ =	swait.ge [sflag:s19], $0x3200  }
0x1a3: {  	[sflag:s19] =	ssyncset.done $0x0  }
0x1a4: {  	s9 =	rddreg [dreg:$0x9];
	[sflag:s19] =	ssyncadd.s32 $0xFFFFCE00  }
0x1a5: {  	[tilespmem:s15], [sflag:$0x2] =	stream.indirect.gather [hbm4b:s4+s13], $0x80, s9, s13, $0xb8;
	[tilespmem:$0x1C000] =	vst v63  }
0x1a6: {  	_ =	swait.ge [sflag:s16], $0x3200  }
0x1a7: {  	[sflag:s16] =	ssyncset.done $0x0  }
0x1a8: {  	s6 =	rddreg [dreg:$0xa];
	[sflag:s16] =	ssyncadd.s32 $0xFFFFCE00  }
0x1a9: {  	[spmem:s2] =	stream.indirect.scatter.add.f32 [tilespmem:s14], [sflag:$0x3], $0x80, s6, s13, $0xb8;
	[tilespmem:$0x1C000] =	vst v63  }
0x1aa: {  	_ =	swait.ge [sflag:s17], $0x3200  }
0x1ab: {  	[sflag:s17] =	ssyncset.done $0x0  }
0x1ac: {  	s7 =	rddreg [dreg:$0xb];
	[sflag:s17] =	ssyncadd.s32 $0xFFFFCE00  }
0x1ad: {  	[tilespmem:s14], [sflag:$0x1] =	stream.indirect.gather [hbm4b:s4+s13], $0x80, s7, s13, $0xb8;
	[tilespmem:$0x1C000] =	vst v63  }
0x1ae: {  	_ =	swait.ge [sflag:s18], $0x3200  }
0x1af: {  	[sflag:s18] =	ssyncset.done $0x0  }
0x1b0: {  	s8 =	rddreg [dreg:$0xc];
	[sflag:s18] =	ssyncadd.s32 $0xFFFFCE00  }
0x1b1: {  	[spmem:s2] =	stream.indirect.scatter.add.f32 [tilespmem:s15], [sflag:$0x4], $0x80, s8, s13, $0xb8;
	[tilespmem:$0x1C000] =	vst v63  }
0x1b2: {  	_ =	swait.ge [sflag:s19], $0x3200  }
0x1b3: {  	[sflag:s19] =	ssyncset.done $0x0  }
0x1b4: {  	s9 =	rddreg [dreg:$0xd];
	[sflag:s19] =	ssyncadd.s32 $0xFFFFCE00  }
0x1b5: {  	[tilespmem:s15], [sflag:$0x2] =	stream.indirect.gather [hbm4b:s4+s13], $0x80, s9, s13, $0xb8;
	[tilespmem:$0x1C000] =	vst v63  }
0x1b6: {  	_ =	swait.ge [sflag:s16], $0x3200  }
0x1b7: {  	[sflag:s16] =	ssyncset.done $0x0  }
0x1b8: {  	s6 =	rddreg [dreg:$0xe];
	[sflag:s16] =	ssyncadd.s32 $0xFFFFCE00  }
0x1b9: {  	[spmem:s2] =	stream.indirect.scatter.add.f32 [tilespmem:s14], [sflag:$0x3], $0x80, s6, s13, $0xb8;
	[tilespmem:$0x1C000] =	vst v63  }
0x1ba: {  	_ =	swait.ge [sflag:s17], $0x3200  }
0x1bb: {  	[sflag:s17] =	ssyncset.done $0x0  }
0x1bc: {  	s7 =	rddreg [dreg:$0xf];
	[sflag:s17] =	ssyncadd.s32 $0xFFFFCE00  }
0x1bd: {  	[tilespmem:s14], [sflag:$0x1] =	stream.indirect.gather [hbm4b:s4+s13], $0x80, s7, s13, $0xb8;
	[tilespmem:$0x1C000] =	vst v63  }
0x1be: {  	_ =	swait.ge [sflag:s18], $0x3200  }
0x1bf: {  	[sflag:s18] =	ssyncset.done $0x0  }
0x1c0: {  	s8 =	rddreg [dreg:$0x10];
	[sflag:s18] =	ssyncadd.s32 $0xFFFFCE00  }
0x1c1: {  	[spmem:s2] =	stream.indirect.scatter.add.f32 [tilespmem:s15], [sflag:$0x4], $0x80, s8, s13, $0xb8;
	[tilespmem:$0x1C000] =	vst v63  }
0x1c2: {  	_ =	swait.ge [sflag:s19], $0x3200  }
0x1c3: {  	[sflag:s19] =	ssyncset.done $0x0  }
0x1c4: {  	s9 =	rddreg [dreg:$0x11];
	[sflag:s19] =	ssyncadd.s32 $0xFFFFCE00  }
0x1c5: {  	[tilespmem:s15], [sflag:$0x2] =	stream.indirect.gather [hbm4b:s4+s13], $0x80, s9, s13, $0xb8;
	[tilespmem:$0x1C000] =	vst v63  }
0x1c6: {  	_ =	swait.ge [sflag:s16], $0x3200  }
0x1c7: {  	[sflag:s16] =	ssyncset.done $0x0  }
0x1c8: {  	s6 =	rddreg [dreg:$0x12];
	[sflag:s16] =	ssyncadd.s32 $0xFFFFCE00  }
0x1c9: {  	[spmem:s2] =	stream.indirect.scatter.add.f32 [tilespmem:s14], [sflag:$0x3], $0x80, s6, s13, $0xb8;
	[tilespmem:$0x1C000] =	vst v63  }
0x1ca: {  	_ =	swait.ge [sflag:s17], $0x3200  }
0x1cb: {  	[sflag:s17] =	ssyncset.done $0x0  }
0x1cc: {  	s7 =	rddreg [dreg:$0x13];
	[sflag:s17] =	ssyncadd.s32 $0xFFFFCE00  }
0x1cd: {  	[tilespmem:s14], [sflag:$0x1] =	stream.indirect.gather [hbm4b:s4+s13], $0x80, s7, s13, $0xb8;
	[tilespmem:$0x1C000] =	vst v63  }
0x1ce: {  	_ =	swait.ge [sflag:s18], $0x3200  }
0x1cf: {  	[sflag:s18] =	ssyncset.done $0x0  }
0x1d0: {  	s8 =	rddreg [dreg:$0x14];
	[sflag:s18] =	ssyncadd.s32 $0xFFFFCE00  }
0x1d1: {  	[spmem:s2] =	stream.indirect.scatter.add.f32 [tilespmem:s15], [sflag:$0x4], $0x80, s8, s13, $0xb8;
	[tilespmem:$0x1C000] =	vst v63  }
0x1d2: {  	_ =	swait.ge [sflag:s19], $0x3200  }
0x1d3: {  	[sflag:s19] =	ssyncset.done $0x0  }
0x1d4: {  	s9 =	rddreg [dreg:$0x15];
	[sflag:s19] =	ssyncadd.s32 $0xFFFFCE00  }
0x1d5: {  	[tilespmem:s15], [sflag:$0x2] =	stream.indirect.gather [hbm4b:s4+s13], $0x80, s9, s13, $0xb8;
	[tilespmem:$0x1C000] =	vst v63  }
0x1d6: {  	_ =	swait.ge [sflag:s16], $0x3200  }
0x1d7: {  	[sflag:s16] =	ssyncset.done $0x0  }
0x1d8: {  	s6 =	rddreg [dreg:$0x16];
	[sflag:s16] =	ssyncadd.s32 $0xFFFFCE00  }
0x1d9: {  	[spmem:s2] =	stream.indirect.scatter.add.f32 [tilespmem:s14], [sflag:$0x3], $0x80, s6, s13, $0xb8;
	[tilespmem:$0x1C000] =	vst v63  }
0x1da: {  	_ =	swait.ge [sflag:s17], $0x3200  }
0x1db: {  	[sflag:s17] =	ssyncset.done $0x0  }
0x1dc: {  	s7 =	rddreg [dreg:$0x17];
	[sflag:s17] =	ssyncadd.s32 $0xFFFFCE00  }
0x1dd: {  	[tilespmem:s14], [sflag:$0x1] =	stream.indirect.gather [hbm4b:s4+s13], $0x80, s7, s13, $0xb8;
	[tilespmem:$0x1C000] =	vst v63  }
0x1de: {  	_ =	swait.ge [sflag:s18], $0x3200  }
0x1df: {  	[sflag:s18] =	ssyncset.done $0x0  }
0x1e0: {  	s8 =	rddreg [dreg:$0x18];
	[sflag:s18] =	ssyncadd.s32 $0xFFFFCE00  }
0x1e1: {  	[spmem:s2] =	stream.indirect.scatter.add.f32 [tilespmem:s15], [sflag:$0x4], $0x80, s8, s13, $0xb8;
	[tilespmem:$0x1C000] =	vst v63  }
0x1e2: {  	_ =	swait.ge [sflag:s19], $0x3200  }
0x1e3: {  	[sflag:s19] =	ssyncset.done $0x0  }
0x1e4: {  	s9 =	rddreg [dreg:$0x19];
	[sflag:s19] =	ssyncadd.s32 $0xFFFFCE00  }
0x1e5: {  	[tilespmem:s15], [sflag:$0x2] =	stream.indirect.gather [hbm4b:s4+s13], $0x80, s9, s13, $0xb8;
	[tilespmem:$0x1C000] =	vst v63  }
0x1e6: {  	_ =	swait.ge [sflag:s16], $0x3200  }
0x1e7: {  	[sflag:s16] =	ssyncset.done $0x0  }
0x1e8: {  	s6 =	rddreg [dreg:$0x1a];
	[sflag:s16] =	ssyncadd.s32 $0xFFFFCE00  }
0x1e9: {  	[spmem:s2] =	stream.indirect.scatter.add.f32 [tilespmem:s14], [sflag:$0x3], $0x80, s6, s13, $0xb8;
	[tilespmem:$0x1C000] =	vst v63  }
0x1ea: {  	_ =	swait.ge [sflag:s17], $0x3200  }
0x1eb: {  	[sflag:s17] =	ssyncset.done $0x0  }
0x1ec: {  	s7 =	rddreg [dreg:$0x1b];
	[sflag:s17] =	ssyncadd.s32 $0xFFFFCE00  }
0x1ed: {  	[tilespmem:s14], [sflag:$0x1] =	stream.indirect.gather [hbm4b:s4+s13], $0x80, s7, s13, $0xb8;
	[tilespmem:$0x1C000] =	vst v63  }
0x1ee: {  	_ =	swait.ge [sflag:s18], $0x3200  }
0x1ef: {  	[sflag:s18] =	ssyncset.done $0x0  }
0x1f0: {  	s8 =	rddreg [dreg:$0x1c];
	[sflag:s18] =	ssyncadd.s32 $0xFFFFCE00  }
0x1f1: {  	[spmem:s2] =	stream.indirect.scatter.add.f32 [tilespmem:s15], [sflag:$0x4], $0x80, s8, s13, $0xb8;
	[tilespmem:$0x1C000] =	vst v63  }
0x1f2: {  	_ =	swait.ge [sflag:s19], $0x3200  }
0x1f3: {  	[sflag:s19] =	ssyncset.done $0x0  }
0x1f4: {  	s9 =	rddreg [dreg:$0x1d];
	[sflag:s19] =	ssyncadd.s32 $0xFFFFCE00  }
0x1f5: {  	[tilespmem:s15], [sflag:$0x2] =	stream.indirect.gather [hbm4b:s4+s13], $0x80, s9, s13, $0xb8;
	[tilespmem:$0x1C000] =	vst v63  }
0x1f6: {  	_ =	swait.ge [sflag:s16], $0x3200  }
0x1f7: {  	[sflag:s16] =	ssyncset.done $0x0  }
0x1f8: {  	s6 =	rddreg [dreg:$0x1e];
	[sflag:s16] =	ssyncadd.s32 $0xFFFFCE00  }
0x1f9: {  	[spmem:s2] =	stream.indirect.scatter.add.f32 [tilespmem:s14], [sflag:$0x3], $0x80, s6, s13, $0xb8;
	[tilespmem:$0x1C000] =	vst v63  }
0x1fa: {  	_ =	swait.ge [sflag:s17], $0x3200  }
0x1fb: {  	[sflag:s17] =	ssyncset.done $0x0  }
0x1fc: {  	s7 =	rddreg [dreg:$0x1f];
	[sflag:s17] =	ssyncadd.s32 $0xFFFFCE00  }
0x1fd: {  	[tilespmem:s14], [sflag:$0x1] =	stream.indirect.gather [hbm4b:s4+s13], $0x80, s7, s13, $0xb8;
	[tilespmem:$0x1C000] =	vst v63  }
0x1fe: {  	_ =	swait.ge [sflag:s18], $0x3200  }
0x1ff: {  	[sflag:s18] =	ssyncset.done $0x0  }
0x200: {  	[sflag:s18] =	ssyncadd.s32 $0xFFFFCE00  }
0x201: {  	[spmem:s2] =	stream.indirect.scatter.add.f32 [tilespmem:s15], [sflag:$0x4], $0x80, s20, s13, $0xb8;
	[tilespmem:$0x1C000] =	vst v63  }
0x202: {  	_ =	swait.ge [sflag:s19], $0x3200  }
0x203: {  	[sflag:s19] =	ssyncset.done $0x0  }
0x204: {  	[sflag:s19] =	ssyncadd.s32 $0xFFFFCE00  }
0x205: {  	[tilespmem:s15], [sflag:$0x2] =	stream.indirect.gather [hbm4b:s4+s13], $0x80, s21, s13, $0xb8;
	[tilespmem:$0x1C000] =	vst v63  }
0x206: {  	_ =	swait.ge [sflag:s16], $0x3200  }
0x207: {  	[sflag:s16] =	ssyncset.done $0x0  }
0x208: {  	[sflag:s16] =	ssyncadd.s32 $0xFFFFCE00  }
0x209: {  	[spmem:s2] =	stream.indirect.scatter.add.f32 [tilespmem:s14], [sflag:$0x3], $0x80, s22, s13, $0xb8;
	[tilespmem:$0x1C000] =	vst v63  }
0x20a: {  	_ =	swait.ge [sflag:s17], $0x3200  }
0x20b: {  	[sflag:s17] =	ssyncset.done $0x0  }
0x20c: {  	[sflag:s17] =	ssyncadd.s32 $0xFFFFCE00  }
0x20d: {  	[tilespmem:s14], [sflag:$0x1] =	stream.indirect.gather [hbm4b:s4+s13], $0x80, s23, s13, $0xb8;
	[tilespmem:$0x1C000] =	vst v63  }
0x20e: {  	_ =	swait.ge [sflag:s18], $0x3200  }
0x20f: {  	[sflag:s18] =	ssyncset.done $0x0  }
0x210: {  	[sflag:s18] =	ssyncadd.s32 $0xFFFFCE00  }
0x211: {  	[spmem:s2] =	stream.indirect.scatter.add.f32 [tilespmem:s15], [sflag:$0x4], $0x80, s24, s13, $0xb8;
	[tilespmem:$0x1C000] =	vst v63  }
0x212: {  	_ =	swait.ge [sflag:s19], $0x3200  }
0x213: {  	[sflag:s19] =	ssyncset.done $0x0  }
0x214: {  	[sflag:s19] =	ssyncadd.s32 $0xFFFFCE00  }
0x215: {  	[tilespmem:s15], [sflag:$0x2] =	stream.indirect.gather [hbm4b:s4+s13], $0x80, s25, s13, $0xb8;
	[tilespmem:$0x1C000] =	vst v63  }
0x216: {  	_ =	swait.ge [sflag:s16], $0x3200  }
0x217: {  	[sflag:s16] =	ssyncset.done $0x0  }
0x218: {  	[sflag:s16] =	ssyncadd.s32 $0xFFFFCE00  }
0x219: {  	[spmem:s2] =	stream.indirect.scatter.add.f32 [tilespmem:s14], [sflag:$0x3], $0x80, s26, s13, $0xb8;
	[tilespmem:$0x1C000] =	vst v63  }
0x21a: {  	_ =	swait.ge [sflag:s17], $0x3200  }
0x21b: {  	[sflag:s17] =	ssyncset.done $0x0  }
0x21c: {  	[sflag:s17] =	ssyncadd.s32 $0xFFFFCE00  }
0x21d: {  	[tilespmem:s14], [sflag:$0x1] =	stream.indirect.gather [hbm4b:s4+s13], $0x80, s28, s13, $0xb8;
	[tilespmem:$0x1C000] =	vst v63  }
0x21e: {  	_ =	swait.ge [sflag:s18], $0x3200  }
0x21f: {  	[sflag:s18] =	ssyncset.done $0x0  }
0x220: {  	[sflag:s18] =	ssyncadd.s32 $0xFFFFCE00  }
0x221: {  	[spmem:s2] =	stream.indirect.scatter.add.f32 [tilespmem:s15], [sflag:$0x4], $0x80, s29, s13, $0xb8;
	[tilespmem:$0x1C000] =	vst v63  }
0x222: {  	_ =	swait.ge [sflag:s19], $0x3200  }
0x223: {  	[sflag:s19] =	ssyncset.done $0x0  }
0x224: {  	[sflag:s19] =	ssyncadd.s32 $0xFFFFCE00  }
0x225: {  	[tilespmem:s15], [sflag:$0x2] =	stream.indirect.gather [hbm4b:s4+s13], $0x80, s30, s13, $0xb8;
	[tilespmem:$0x1C000] =	vst v63  }
0x226: {  	_ =	swait.ge [sflag:s16], $0x3200  }
0x227: {  	[sflag:s16] =	ssyncset.done $0x0  }
0x228: {  	[sflag:s16] =	ssyncadd.s32 $0xFFFFCE00  }
0x229: {  	[spmem:s2] =	stream.indirect.scatter.add.f32 [tilespmem:s14], [sflag:$0x3], $0x80, s31, s13, $0xb8;
	[tilespmem:$0x1C000] =	vst v63  }
0x22a: {  	_ =	swait.ge [sflag:s18], $0x3200  }
0x22b: {  	[sflag:s18] =	ssyncset.done $0x0  }
0x22c: {  	[sflag:s18] =	ssyncadd.s32 $0xFFFFCE00  }
0x22d: {  	[spmem:s2] =	stream.indirect.scatter.add.f32 [tilespmem:s15], [sflag:$0x4], $0x80, s1, s13, $0xb8;
	[tilespmem:$0x1C000] =	vst v63  }
0x22e: {  	_ =	swait.ge [sflag:s17], $0x3200  }
0x22f: {  	[sflag:s17] =	ssyncset.done $0x0  }
0x230: {  	[sflag:s17] =	ssyncadd.s32 $0xFFFFCE00  }
0x231: {  	_ =	swait.ge [sflag:s19], $0x3200  }
0x232: {  	[sflag:s19] =	ssyncset.done $0x0  }
0x233: {  	[sflag:s19] =	ssyncadd.s32 $0xFFFFCE00  }
0x234: {  	[bflag:$0x0] =	sbarrier.arrive $0xFFFF  }
0x235: {  	s6 =	sld [smem:$0x7FC]  }
0x236: {  	s8 =	sld [smem:$0x7FA]  }
0x237: {  	s7 =	sld [smem:$0x7FD];
	_ =	sdelay $0x2  }
0x238: {  	[hbm:s8], [sflag:s6] =	dma.local [spmem:s7], $0x2800  }
0x239: {  	_ =	swait.ge [sflag:s10], $0x2800  }
0x23a: {  	s9 =	sld [smem:$0x7FB];
	_ =	sdelay $0x1  }
0x23b: {  	s0 =	sadd.s32 $0x1, s0  }
0x23c: {  	p0 =	sne.s32 s0, s9  }
.Ltmp1:
0x23d: {  	_ = 	snop;
	(pc) =	sbr.rel @p0 .LBB2_1-.Ltmp1, $3  }
0x23e: {  	_ =	sdelay $0x1  }
0x23f: {  	[sflag:s10] =	ssyncset.done $0x0  }
0x240: {  	[sflag:s10] =	ssyncadd.s32 $0xFFFFD800  }
0x241: {  	_ =	sfence.sel $0x180000  }
0x242: {  	[bflag:$0x0] =	sbarrier.arrive $0xFFFF  }
0x243: {  	_ =	strace $0x9000004D  }
0x244: {  	s0 =	stileid.u32;
	[bflag:$0x2] =	sbarrier.arrive $0xFFFF  }
0x245: {  	p0 =	sne.s32 s0, $0x0;
	s0 =	rddreg [dreg:$0x3]  }
0x246: {  	s0 =	sadd.s32 @!p0 $0x100000, s0  }
0x247: {  	[sflag:s0] =	ssyncadd.tile.s32 @!p0 $0x1;
	_ =	shalt  }
.Lfunc_end2:
_tile_overlayer_lowered:
.L_overlay_start_2:
0x248: {  	(tag) =	ssettag $0x2  }
0x249: {  	s0 =	rddreg [dreg:$0x0];
	s2 =	stileid.u32  }
0x24a: {  	s1 =	rddreg [dreg:$0x1];
	p0 =	sne.s32 s2, $0x0  }
0x24b: {  	s3 =	rddreg [dreg:$0x2];
	[bflag:$0x3] =	sbarrier.arrive $0xFFFF;
	s2 =	simm.s32 @!p0 $0x1C05  }
0x24c: {  	[timem:s3], [sflag:s2] =	dma.local @!p0 [hbm:s0], s1  }
0x24d: {  	s0 =	simm.s32 @!p0 $0x5  }
0x24e: {  	_ =	swait.ge @!p0 [sflag:s0], s1  }
0x24f: {  	s1 =	ssub.s32 @!p0 $0x0, s1;
	[sflag:s0] =	ssyncset.done @!p0 $0x0  }
0x250: {  	[sflag:s0] =	ssyncadd.s32 @!p0 s1  }
0x251: {  	[bflag:$0x3] =	sbarrier.arrive $0xFFFF  }
0x252: {  	_ =	shalt  }

// kernel: kernel.18.cloned.1.call-start
scs
__scs_entry_jumppad:
0x0: {  	(pc) =	sbr.rel $0x88, $3  }
0x1: {  	(tag) =	ssettag $0x0;
	lr =	simm.s32 $0x1  }
0x2: {  	[smem:$0x3F96] =	sst lr;
	_ =	strace $0xD0000000  }
0x3: {  	_ = 	snop  }
0x4: {  	_ = 	snop  }
0x5: {  	_ = 	snop  }
0x6: {  	_ = 	snop  }
0x7: {  	_ = 	snop  }
__scs_overlays_trampoline_lowered:
0x8: {  	[smem:$0x3FA5] =	sst s0  }
0x9: {  	[smem:$0x3FA6] =	sst s1  }
0xa: {  	[smem:$0x3FA7] =	sst s2  }
0xb: {  	[smem:$0x3FA8] =	sst s3  }
0xc: {  	[smem:$0x3FA9] =	sst s4  }
0xd: {  	[smem:$0x3FAA] =	sst s5  }
0xe: {  	[smem:$0x3FAB] =	sst s6  }
0xf: {  	[smem:$0x3FAC] =	sst s7  }
0x10: {  	[smem:$0x3FAD] =	sst s8  }
0x11: {  	[smem:$0x3FAE] =	sst s9;
	s0 =	simm.s32 @!p0 $0x0  }
0x12: {  	s1 =	sld [smem:$0x3F94];
	s0 =	simm.s32 @p0 $0x1  }
0x13: {  	[smem:$0x3FAF] =	sst s0;
	s0 =	simm.s32 @!p1 $0x0  }
0x14: {  	s2 =	sld [smem:$0x3F93];
	s0 =	simm.s32 @p1 $0x1  }
0x15: {  	[smem:$0x3FB0] =	sst s0;
	s0 =	simm.s32 @!p2 $0x0  }
0x16: {  	s3 =	sld [smem:$0x3FDB];
	s0 =	simm.s32 @p2 $0x1  }
0x17: {  	s4 =	simm.s32 $0x1BF5;
	[smem:$0x3FB2] =	sst s0  }
0x18: {  	s0 =	sld [smem:$0x3F95];
	_ =	swait.ge [sflag:s4], $0x0  }
0x19: {  	s7 =	sld [smem:$0x3F96]  }
0x1a: {  	s8 =	sadd.s32 $0xFFFFE003, lr  }
0x1b: {  	s9 =	sadd.s32 $0xFFFFFEF7, lr;
	s5 =	simm.s32 $0xFFFFFFFF;
	p2 =	slt.u32 s8, $0xFFFFF086  }
0x1c: {  	p1 =	slt.u32 s9, $0xF7A;
	s5 =	simm.s32 @!p2 $0x0  }
0x1d: {  	s5 =	simm.s32 @p1 $0x1;
	p0 =	seq.s32 s7, s2  }
0x1e: {  	s7 =	smul.u32 @!p0 $0xF7A, s2;
	p2 =	seq.s32 @!p0 s5, $0x0  }
0x1f: {  	s9 =	smul.u32 $0xF7A, s1;
	s8 =	simm.s32 @!p0 $0x1BF5;
	p2 =	por !p2, p0  }
0x20: {  	[sflag:s8] =	ssyncset.s32 @!p0 $0xFFFFF086;
	s6 =	sadd.s32 @!p0 s3, s7;
	s7 =	simm.s32 @!p0 $0x108  }
0x21: {  	s3 =	sadd.s32 s3, s9;
	s6 =	sadd.s32 @!p0 $0x88, s6;
	s7 =	simm.s32 @p2 $0x1082  }
0x22: {  	[simem:s7], [sflag:s8] =	dma.local @!p0 [hbm:s6], $0xF7A  }
0x23: {  	s9 =	sor.u32 $0xD0000000, s2;
	s6 =	simm.s32 $0x108;
	_ =	swait.ge @!p0 [sflag:s8], $0x0  }
0x24: {  	s3 =	sadd.s32 $0x88, s3;
	s6 =	simm.s32 @!p1 $0x1082;
	[sflag:s4] =	ssyncset.s32 $0xFFFFF086  }
0x25: {  	[simem:s6], [sflag:s4] =	dma.local [hbm:s3], $0xF7A  }
0x26: {  	[smem:$0x3F96] =	sst s1;
	(tag) =	ssettag s2;
	_ =	strace s9  }
0x27: {  	s1 =	sld [smem:$0x3FA6]  }
0x28: {  	s2 =	sld [smem:$0x3FA7]  }
0x29: {  	s4 =	sld [smem:$0x3FA9]  }
0x2a: {  	p0 =	seq.s32 s5, $0x0;
	s5 =	sld [smem:$0x3FAA]  }
0x2b: {  	s6 =	sld [smem:$0x3FAB]  }
0x2c: {  	s7 =	sld [smem:$0x3FAC]  }
0x2d: {  	s3 =	simm.s32 $0x108;
	s8 =	sld [smem:$0x3FAD]  }
0x2e: {  	s3 =	simm.s32 @!p0 $0x1082;
	s9 =	sld [smem:$0x3FAE]  }
0x2f: {  	lr =	sadd.s32 s0, s3;
	s0 =	sld [smem:$0x3FA5]  }
0x30: {  	s3 =	sld [smem:$0x3FA8]  }
0x31: {  	[smem:$0x3FB1] =	sst s10  }
0x32: {  	s10 =	sld [smem:$0x3FAF];
	_ =	sdelay $0x3  }
0x33: {  	p0 =	seq.s32 s10, $0x1;
	s10 =	sld [smem:$0x3FB1];
	_ =	sdelay $0x3  }
0x34: {  	[smem:$0x3FB1] =	sst s10  }
0x35: {  	s10 =	sld [smem:$0x3FB0];
	_ =	sdelay $0x3  }
0x36: {  	p1 =	seq.s32 s10, $0x1;
	s10 =	sld [smem:$0x3FB1];
	_ =	sdelay $0x3  }
0x37: {  	[smem:$0x3FB1] =	sst s10  }
0x38: {  	s10 =	sld [smem:$0x3FB2]  }
0x39: {  	_ = 	snop;
	(pc) =	sbr.ind lr, $3  }
0x3a: {  	_ = 	snop  }
0x3b: {  	_ = 	snop  }
0x3c: {  	p2 =	seq.s32 s10, $0x1;
	s10 =	sld [smem:$0x3FB1]  }
0x3d: {  	_ =	shalt  }
0x3e: {  	_ =	shalt  }
0x3f: {  	_ =	shalt  }
0x40: {  	_ =	shalt  }
0x41: {  	_ =	shalt  }
0x42: {  	_ =	shalt  }
0x43: {  	_ =	shalt  }
0x44: {  	_ =	shalt  }
0x45: {  	_ =	shalt  }
0x46: {  	_ =	shalt  }
0x47: {  	_ =	shalt  }
0x48: {  	_ =	shalt  }
0x49: {  	_ =	shalt  }
0x4a: {  	_ =	shalt  }
0x4b: {  	_ =	shalt  }
0x4c: {  	_ =	shalt  }
0x4d: {  	_ =	shalt  }
0x4e: {  	_ =	shalt  }
0x4f: {  	_ =	shalt  }
0x50: {  	_ =	shalt  }
0x51: {  	_ =	shalt  }
0x52: {  	_ =	shalt  }
0x53: {  	_ =	shalt  }
0x54: {  	_ =	shalt  }
0x55: {  	_ =	shalt  }
0x56: {  	_ =	shalt  }
0x57: {  	_ =	shalt  }
0x58: {  	_ =	shalt  }
0x59: {  	_ =	shalt  }
0x5a: {  	_ =	shalt  }
0x5b: {  	_ =	shalt  }
0x5c: {  	_ =	shalt  }
0x5d: {  	_ =	shalt  }
0x5e: {  	_ =	shalt  }
0x5f: {  	_ =	shalt  }
0x60: {  	_ =	shalt  }
0x61: {  	_ =	shalt  }
0x62: {  	_ =	shalt  }
0x63: {  	_ =	shalt  }
0x64: {  	_ =	shalt  }
0x65: {  	_ =	shalt  }
0x66: {  	_ =	shalt  }
0x67: {  	_ =	shalt  }
0x68: {  	_ =	shalt  }
0x69: {  	_ =	shalt  }
0x6a: {  	_ =	shalt  }
0x6b: {  	_ =	shalt  }
0x6c: {  	_ =	shalt  }
0x6d: {  	_ =	shalt  }
0x6e: {  	_ =	shalt  }
0x6f: {  	_ =	shalt  }
0x70: {  	_ =	shalt  }
0x71: {  	_ =	shalt  }
0x72: {  	_ =	shalt  }
0x73: {  	_ =	shalt  }
0x74: {  	_ =	shalt  }
0x75: {  	_ =	shalt  }
0x76: {  	_ =	shalt  }
0x77: {  	_ =	shalt  }
0x78: {  	_ =	shalt  }
0x79: {  	_ =	shalt  }
0x7a: {  	_ =	shalt  }
0x7b: {  	_ =	shalt  }
0x7c: {  	_ =	shalt  }
0x7d: {  	_ =	shalt  }
0x7e: {  	_ =	shalt  }
0x7f: {  	_ =	shalt  }
0x80: {  	_ =	shalt  }
0x81: {  	_ =	shalt  }
0x82: {  	_ =	shalt  }
0x83: {  	_ =	shalt  }
0x84: {  	_ =	shalt  }
0x85: {  	_ =	shalt  }
0x86: {  	_ =	shalt  }
0x87: {  	_ =	shalt  }
.Lfunc_end0:
.L_simem_size_0:
called_computation.3_lowered:
.L_overlay_start_0:
0x88: {  	s2 =	sld [smem:$0x3FD9]  }
0x89: {  	s3 =	sld [smem:$0x3FFE];
	_ =	sdelay $0x1  }
0x8a: {  	s1 =	srdreg.scid  }
0x8b: {  	s0 =	sand.u32 $0x1, s1  }
0x8c: {  	s17 =	sshll.u32 s0, $0xA;
	s2 =	sadd.s32 s3, s2  }
0x8d: {  	s2 =	sadd.s32 s2, s17  }
0x8e: {  	[smem:$0x3FBD] =	sst s2  }
0x8f: {  	_ = 	snop  }
0x90: {  	s2 =	sld [smem:$0x3FD0];
	(tm) =	ssettm $0x1  }
0x91: {  	s18 =	sld [smem:$0x3FFB];
	_ =	sdelay $0x3  }
0x92: {  	_ =	strace s18  }
0x93: {  	s3 =	sld [smem:$0x3FFC];
	_ =	sdelay $0x3  }
0x94: {  	_ =	strace s3  }
0x95: {  	s3 =	sld [smem:$0x3FFD];
	_ =	sdelay $0x3  }
0x96: {  	_ =	strace s3  }
0x97: {  	_ =	strace $0x8FFFFFFF  }
0x98: {  	s19 =	sld [smem:$0x3FDB];
	_ =	sdelay $0x1  }
0x99: {  	s4 =	simm.s32 $_scs_section_size  }
0x9a: {  	s5 =	simm.s32 $_size__tile_overlayer_lowered;
	s6 =	simm.s32 $_tile_overlayer_lowered  }
0x9b: {  	s22 =	simm.s32 $0x1BFF;
	s21 =	sshll.u32 s6, $0x1;
	s3 =	sadd.s32 s4, s19  }
0x9c: {  	s7 =	simm.s32 $0x0;
	s20 =	sshll.u32 s5, $0x1;
	s5 =	sadd.s32 s21, s3  }
0x9d: {  	[timem:s7], [sflag:s22] =	dma.local [hbm:s5], s20  }
0x9e: {  	_ =	swait.ge [sflag:s22], s20  }
0x9f: {  	s4 =	ssub.s32 $0x0, s20;
	[sflag:s22] =	ssyncset.done $0x0  }
0xa0: {  	[sflag:s22] =	ssyncadd.s32 s4;
	_ =	sdelay $0x1  }
0xa1: {  	s23 =	simm.s32 $0x1B8B  }
0xa2: {  	_ =	swait.ge [sflag:s23], $0x1  }
0xa3: {  	[sflag:s23] =	ssyncset.done $0x0  }
0xa4: {  	s25 =	simm.s32 $0x1B8E;
	s24 =	sld [smem:$0x3FFE];
	[sflag:s23] =	ssyncadd.s32 $0xFFFFFFFF  }
0xa5: {  	s26 =	simm.s32 $execute0_lowered;
	[smem:$0x3FD2] =	sst s25  }
0xa6: {  	s5 =	sshll.u32 s26, $0x1;
	_ =	strace $0x8000004F;
	[dreg:$0x1] =	wrdreg $0xFFFFFFFF  }
0xa7: {  	s28 =	simm.s32 $_size_execute0_lowered;
	s3 =	sadd.s32 s3, s5;
	[dreg:$0x0] =	wrdreg $0x0  }
0xa8: {  	s5 =	sshll.u32 s28, $0x1;
	[dreg:$0x2] =	wrdreg s3  }
0xa9: {  	[dreg:$0x3] =	wrdreg s5  }
0xaa: {  	[dreg:$0x4] =	wrdreg $0xC0  }
0xab: {  	_ =	task [dreg:s7], $0x5FFFF  }
0xac: {  	[dreg:$0x1] =	wrdreg $0xFFFFFFFF  }
0xad: {  	[dreg:$0x0] =	wrdreg $0x60  }
0xae: {  	[dreg:$0x2] =	wrdreg s24  }
0xaf: {  	[dreg:$0x3] =	wrdreg s2  }
0xb0: {  	[dreg:$0x4] =	wrdreg $0x0  }
0xb1: {  	[dreg:$0x5] =	wrdreg $0x9  }
0xb2: {  	_ =	task.clear_ibuf [dreg:s7], $0x6FFFF;
	_ =	strace $0x9000004F  }
0xb3: {  	s29 =	simm.s32 $0x9;
	_ =	strace $0x80000051  }
0xb4: {  	_ =	swait.ge [sflag:s29], $0x1  }
0xb5: {  	[sflag:s29] =	ssyncadd.s32 $0xFFFFFFFF  }
0xb6: {  	_ =	strace $0x90000051  }
0xb7: {  	_ =	sfence  }
0xb8: {  	s30 =	sld [smem:$0x0];
	_ =	sdelay $0x2  }
0xb9: {  	s31 =	sshll.u32 s1, $0xD;
	s1 =	sshrl.u32 s1, $0x2  }
0xba: {  	s3 =	sand.u32 $0x4000, s31;
	s1 =	sadd.s32 s1, s30  }
0xbb: {  	s0 =	sor.u32 s3, s0;
	s1 =	sshll.u32 s1, $0x11  }
0xbc: {  	s0 =	sor.u32 s1, s0  }
0xbd: {  	s0 =	sadd.s32 $0x8F2B, s0  }
0xbe: {  	[sflag:s0] =	ssyncadd.remote.s32 $0x1  }
0xbf: {  	_ =	sfence.sel $0xFFFF  }
0xc0: {  	[dreg:$0x0] =	wrdreg $0xFFFFFFFF;
	(pc) =	sbr.abs _section_cstart, $3  }
0xc1: {  	[dreg:$0x1] =	wrdreg $0xFFFFFFFF  }
0xc2: {  	_ =	task.clear_ibuf [dreg:s7], $0x2FFFF;
	_ =	strace $0x9FFFFFFF  }
0xc3: {  	(tm) =	ssettm $0x7FFFFFFF  }
tec
execute0_lowered:
.L_overlay_start_1:
0x0: {  	(tag) =	ssettag $0x1  }
0x1: {  	s0 =	srdreg.scid;
	s10 =	stileid.u32  }
0x2: {  	s5 =	rddreg [dreg:$0x0];
	s0 =	sand.u32 $0x1, s0;
	s3 =	smul.u32 $0x3C00, s10  }
0x3: {  	s6 =	rddreg [dreg:$0x1];
	s1 =	smul.u32 $0x3C000, s0  }
0x4: {  	s2 =	rddreg [dreg:$0x2];
	s12 =	simm.s32 $0x14080;
	s14 =	simm.s32 $0x14100  }
0x5: {  	s15 =	simm.s32 $0x14C80;
	s1 =	sadd.s32 s3, s1;
	s3 =	simm.s32 $0x0  }
0x6: {  	s16 =	simm.s32 $0x14180;
	s17 =	simm.s32 $0x14D00;
	[smem:$0x7FF] =	sst s3  }
0x7: {  	s18 =	simm.s32 $0x14200;
	_ =	strace $0x80000050;
	[dreg:$0x6] =	wrdreg s12  }
0x8: {  	s20 =	simm.s32 $0x14D80;
	s22 =	simm.s32 $0x14280;
	[dreg:$0x7] =	wrdreg s14  }
0x9: {  	s23 =	simm.s32 $0x14E00;
	s25 =	simm.s32 $0x14300;
	[dreg:$0x8] =	wrdreg s15  }
0xa: {  	s26 =	simm.s32 $0x14E80;
	s28 =	simm.s32 $0x14900;
	[dreg:$0x9] =	wrdreg s16  }
0xb: {  	s29 =	simm.s32 $0x15480;
	s30 =	simm.s32 $0x14980;
	[dreg:$0xa] =	wrdreg s17  }
0xc: {  	s31 =	simm.s32 $0x15500;
	s8 =	smul.u32 $0x14000, s10;
	[dreg:$0xb] =	wrdreg s18  }
0xd: {  	s4 =	sadd.s32 $0xB3800, s5;
	s21 =	smul.u32 $0x50000, s10;
	[dreg:$0xc] =	wrdreg s20  }
0xe: {  	s11 =	smul.u32 $0x140000, s0;
	s9 =	sshrl.u32 s8, $0x3;
	[dreg:$0xd] =	wrdreg s22  }
0xf: {  	s0 =	ssub.s32 $0x2, s0;
	s13 =	sadd.s32 s9, s5;
	[dreg:$0xe] =	wrdreg s23  }
0x10: {  	s19 =	sshrl.u32 s0, $0x1;
	s9 =	sadd.s32 $0x13000, s13;
	[dreg:$0xf] =	wrdreg s25  }
0x11: {  	s24 =	sshrl.u32 s21, $0x2;
	s21 =	simm.s32 $0x15100;
	[smem:$0x7F9] =	sst s9  }
0x12: {  	s0 =	ssub.s32 s0, s19;
	s13 =	simm.s32 $0x14F00;
	[dreg:$0x10] =	wrdreg s26  }
0x13: {  	s1 =	sshrl.u32 s1, $0x3;
	s0 =	smax.u32 s0, $0x1;
	[dreg:$0x12] =	wrdreg s13  }
0x14: {  	s19 =	simm.s32 $0x15080;
	s7 =	sadd.s32 s1, s5;
	[smem:$0x7FB] =	sst s0  }
0x15: {  	s1 =	sadd.s32 s1, s6;
	s6 =	sadd.s32 s8, s11;
	[dreg:$0x18] =	wrdreg s19  }
0x16: {  	s8 =	sadd.s32 s24, s2;
	s11 =	simm.s32 $0x14380;
	[dreg:$0x1a] =	wrdreg s21  }
0x17: {  	s12 =	sshll.u32 s10, $0x6;
	s14 =	simm.s32 $0x14400;
	[dreg:$0x5] =	wrdreg s1  }
0x18: {  	s15 =	simm.s32 $0x14F80;
	s16 =	simm.s32 $0x14480;
	[dreg:$0x11] =	wrdreg s11  }
0x19: {  	s17 =	simm.s32 $0x15000;
	s10 =	simm.s32 $0x5;
	[dreg:$0x13] =	wrdreg s14  }
0x1a: {  	s18 =	simm.s32 $0x14500;
	s20 =	simm.s32 $0x14580;
	[dreg:$0x14] =	wrdreg s15  }
0x1b: {  	s13 =	simm.s32 $0x64;
	s22 =	simm.s32 $0x14600;
	[dreg:$0x15] =	wrdreg s16  }
0x1c: {  	s23 =	simm.s32 $0x15180;
	s24 =	simm.s32 $0x14680;
	[dreg:$0x16] =	wrdreg s17  }
0x1d: {  	s25 =	simm.s32 $0x15200;
	s26 =	simm.s32 $0x14700;
	[dreg:$0x17] =	wrdreg s18  }
0x1e: {  	s19 =	simm.s32 $0x4;
	s21 =	simm.s32 $0x14780;
	[dreg:$0x19] =	wrdreg s20  }
0x1f: {  	s0 =	simm.s32 $0x0;
	s7 =	sadd.s32 $0x4000, s7;
	[dreg:$0x1b] =	wrdreg s22  }
0x20: {  	s6 =	sshrl.u32 s6, $0x3;
	s11 =	simm.s32 $0x14000;
	[dreg:$0x1c] =	wrdreg s23  }
0x21: {  	s14 =	simm.s32 $0x15800;
	s15 =	simm.s32 $0x18C00;
	[dreg:$0x1d] =	wrdreg s24  }
0x22: {  	s16 =	simm.s32 $0x1;
	s17 =	simm.s32 $0x3;
	[dreg:$0x1e] =	wrdreg s25  }
0x23: {  	s18 =	simm.s32 $0x2;
	[dreg:$0x1f] =	wrdreg s26;
	s20 =	simm.s32 $0x15280  }
0x24: {  	s22 =	simm.s32 $0x15300;
	s23 =	simm.s32 $0x14800;
	s24 =	simm.s32 $0x15380  }
0x25: {  	[dreg:$0x4] =	wrdreg s7;
	s5 =	sadd.s32 s6, s5;
	s6 =	sor.u32 $0x1C05, s12  }
0x26: {  	s25 =	simm.s32 $0x14880;
	s7 =	sshrl.u32 s8, $0x3;
	[smem:$0x7FC] =	sst s6  }
0x27: {  	s26 =	simm.s32 $0x15400;
	s5 =	sadd.s32 $0xDB800, s5;
	[smem:$0x7FD] =	sst s7  }
0x28: {  	s1 =	simm.s32 $0x15580;
	s12 =	simm.s32 $0x14C00;
	[smem:$0x7FA] =	sst s5  }
.LBB2_1:
0x29: {  	s5 =	sld [smem:$0x7F9];
	_ =	sdelay $0x2  }
0x2a: {  	[spmem:s7], [sflag:s6] =	dma.local [hbm:s5], $0x2800  }
0x2b: {  	_ =	swait.ge [sflag:s10], $0x2800  }
0x2c: {  	[sflag:s10] =	ssyncset.done $0x0  }
0x2d: {  	[sflag:s10] =	ssyncadd.s32 $0xFFFFD800  }
0x2e: {  	[bflag:$0x0] =	sbarrier.arrive $0xFFFF  }
0x2f: {  	s9 =	rddreg [dreg:$0x5]  }
0x30: {  	s5 =	sadd.s32 $0x0, s9  }
0x31: {  	[tilespmem:s11], [sflag:$0x5] =	stream.linear.gather [hbm4b:s5+s3], $0xA00, $0x38;
	[tilespmem:$0x1C000] =	vst v63  }
0x32: {  	_ =	swait.ge [sflag:s10], $0xA00  }
0x33: {  	p0 =	por $0x1, $0x1;
	[sflag:s10] =	ssyncset.done $0x0  }
0x34: {  	s5 =	simm.s32 @!p0 $0x3;
	[sflag:s10] =	ssyncadd.s32 $0xFFFFF600  }
0x35: {  	_ =	swait.ge @!p0 [sflag:s5], $0x3200  }
0x36: {  	[sflag:s5] =	ssyncset.done @!p0 $0x0  }
0x37: {  	[sflag:s5] =	ssyncadd.s32 @!p0 $0xFFFFCE00;
	s5 =	simm.s32 @!p0 $0x4  }
0x38: {  	_ =	swait.ge @!p0 [sflag:s5], $0x3200  }
0x39: {  	s6 =	rddreg [dreg:$0x4];
	[sflag:s5] =	ssyncset.done @!p0 $0x0  }
0x3a: {  	[sflag:s5] =	ssyncadd.s32 @!p0 $0xFFFFCE00;
	s7 =	sadd.s32 $0x0, s6  }
0x3b: {  	[tilespmem:s12], [sflag:$0x5] =	stream.linear.gather [hbm4b:s7+s3], $0xA00, $0x38;
	[tilespmem:$0x1C000] =	vst v63  }
0x3c: {  	_ =	swait.ge [sflag:s10], $0xA00  }
0x3d: {  	[sflag:s10] =	ssyncset.done $0x0  }
0x3e: {  	[sflag:s10] =	ssyncadd.s32 $0xFFFFF600  }
0x3f: {  	[tilespmem:s14], [sflag:$0x1] =	stream.indirect.gather [hbm4b:s4+s13], $0x80, s11, s13, $0xb8;
	[tilespmem:$0x1C000] =	vst v63  }
0x40: {  	s8 =	rddreg [dreg:$0x6]  }
0x41: {  	[tilespmem:s15], [sflag:$0x2] =	stream.indirect.gather [hbm4b:s4+s13], $0x80, s8, s13, $0xb8;
	[tilespmem:$0x1C000] =	vst v63  }
0x42: {  	_ =	swait.ge [sflag:s16], $0x3200  }
0x43: {  	[sflag:s16] =	ssyncset.done $0x0  }
0x44: {  	[sflag:s16] =	ssyncadd.s32 $0xFFFFCE00  }
0x45: {  	[spmem:s2] =	stream.indirect.scatter.add.f32 [tilespmem:s14], [sflag:$0x3], $0x80, s12, s13, $0xb8;
	[tilespmem:$0x1C000] =	vst v63  }
0x46: {  	_ =	swait.ge [sflag:s17], $0x3200  }
0x47: {  	[sflag:s17] =	ssyncset.done $0x0  }
0x48: {  	s9 =	rddreg [dreg:$0x7];
	[sflag:s17] =	ssyncadd.s32 $0xFFFFCE00  }
0x49: {  	[tilespmem:s14], [sflag:$0x1] =	stream.indirect.gather [hbm4b:s4+s13], $0x80, s9, s13, $0xb8;
	[tilespmem:$0x1C000] =	vst v63  }
0x4a: {  	_ =	swait.ge [sflag:s18], $0x3200  }
0x4b: {  	[sflag:s18] =	ssyncset.done $0x0  }
0x4c: {  	s6 =	rddreg [dreg:$0x8];
	[sflag:s18] =	ssyncadd.s32 $0xFFFFCE00  }
0x4d: {  	[spmem:s2] =	stream.indirect.scatter.add.f32 [tilespmem:s15], [sflag:$0x4], $0x80, s6, s13, $0xb8;
	[tilespmem:$0x1C000] =	vst v63  }
0x4e: {  	_ =	swait.ge [sflag:s19], $0x3200  }
0x4f: {  	[sflag:s19] =	ssyncset.done $0x0  }
0x50: {  	s7 =	rddreg [dreg:$0x9];
	[sflag:s19] =	ssyncadd.s32 $0xFFFFCE00  }
0x51: {  	[tilespmem:s15], [sflag:$0x2] =	stream.indirect.gather [hbm4b:s4+s13], $0x80, s7, s13, $0xb8;
	[tilespmem:$0x1C000] =	vst v63  }
0x52: {  	_ =	swait.ge [sflag:s16], $0x3200  }
0x53: {  	[sflag:s16] =	ssyncset.done $0x0  }
0x54: {  	s8 =	rddreg [dreg:$0xa];
	[sflag:s16] =	ssyncadd.s32 $0xFFFFCE00  }
0x55: {  	[spmem:s2] =	stream.indirect.scatter.add.f32 [tilespmem:s14], [sflag:$0x3], $0x80, s8, s13, $0xb8;
	[tilespmem:$0x1C000] =	vst v63  }
0x56: {  	_ =	swait.ge [sflag:s17], $0x3200  }
0x57: {  	[sflag:s17] =	ssyncset.done $0x0  }
0x58: {  	s9 =	rddreg [dreg:$0xb];
	[sflag:s17] =	ssyncadd.s32 $0xFFFFCE00  }
0x59: {  	[tilespmem:s14], [sflag:$0x1] =	stream.indirect.gather [hbm4b:s4+s13], $0x80, s9, s13, $0xb8;
	[tilespmem:$0x1C000] =	vst v63  }
0x5a: {  	_ =	swait.ge [sflag:s18], $0x3200  }
0x5b: {  	[sflag:s18] =	ssyncset.done $0x0  }
0x5c: {  	s6 =	rddreg [dreg:$0xc];
	[sflag:s18] =	ssyncadd.s32 $0xFFFFCE00  }
0x5d: {  	[spmem:s2] =	stream.indirect.scatter.add.f32 [tilespmem:s15], [sflag:$0x4], $0x80, s6, s13, $0xb8;
	[tilespmem:$0x1C000] =	vst v63  }
0x5e: {  	_ =	swait.ge [sflag:s19], $0x3200  }
0x5f: {  	[sflag:s19] =	ssyncset.done $0x0  }
0x60: {  	s7 =	rddreg [dreg:$0xd];
	[sflag:s19] =	ssyncadd.s32 $0xFFFFCE00  }
0x61: {  	[tilespmem:s15], [sflag:$0x2] =	stream.indirect.gather [hbm4b:s4+s13], $0x80, s7, s13, $0xb8;
	[tilespmem:$0x1C000] =	vst v63  }
0x62: {  	_ =	swait.ge [sflag:s16], $0x3200  }
0x63: {  	[sflag:s16] =	ssyncset.done $0x0  }
0x64: {  	s8 =	rddreg [dreg:$0xe];
	[sflag:s16] =	ssyncadd.s32 $0xFFFFCE00  }
0x65: {  	[spmem:s2] =	stream.indirect.scatter.add.f32 [tilespmem:s14], [sflag:$0x3], $0x80, s8, s13, $0xb8;
	[tilespmem:$0x1C000] =	vst v63  }
0x66: {  	_ =	swait.ge [sflag:s17], $0x3200  }
0x67: {  	[sflag:s17] =	ssyncset.done $0x0  }
0x68: {  	s9 =	rddreg [dreg:$0xf];
	[sflag:s17] =	ssyncadd.s32 $0xFFFFCE00  }
0x69: {  	[tilespmem:s14], [sflag:$0x1] =	stream.indirect.gather [hbm4b:s4+s13], $0x80, s9, s13, $0xb8;
	[tilespmem:$0x1C000] =	vst v63  }
0x6a: {  	_ =	swait.ge [sflag:s18], $0x3200  }
0x6b: {  	[sflag:s18] =	ssyncset.done $0x0  }
0x6c: {  	s6 =	rddreg [dreg:$0x10];
	[sflag:s18] =	ssyncadd.s32 $0xFFFFCE00  }
0x6d: {  	[spmem:s2] =	stream.indirect.scatter.add.f32 [tilespmem:s15], [sflag:$0x4], $0x80, s6, s13, $0xb8;
	[tilespmem:$0x1C000] =	vst v63  }
0x6e: {  	_ =	swait.ge [sflag:s19], $0x3200  }
0x6f: {  	[sflag:s19] =	ssyncset.done $0x0  }
0x70: {  	s7 =	rddreg [dreg:$0x11];
	[sflag:s19] =	ssyncadd.s32 $0xFFFFCE00  }
0x71: {  	[tilespmem:s15], [sflag:$0x2] =	stream.indirect.gather [hbm4b:s4+s13], $0x80, s7, s13, $0xb8;
	[tilespmem:$0x1C000] =	vst v63  }
0x72: {  	_ =	swait.ge [sflag:s16], $0x3200  }
0x73: {  	[sflag:s16] =	ssyncset.done $0x0  }
0x74: {  	s8 =	rddreg [dreg:$0x12];
	[sflag:s16] =	ssyncadd.s32 $0xFFFFCE00  }
0x75: {  	[spmem:s2] =	stream.indirect.scatter.add.f32 [tilespmem:s14], [sflag:$0x3], $0x80, s8, s13, $0xb8;
	[tilespmem:$0x1C000] =	vst v63  }
0x76: {  	_ =	swait.ge [sflag:s17], $0x3200  }
0x77: {  	[sflag:s17] =	ssyncset.done $0x0  }
0x78: {  	s9 =	rddreg [dreg:$0x13];
	[sflag:s17] =	ssyncadd.s32 $0xFFFFCE00  }
0x79: {  	[tilespmem:s14], [sflag:$0x1] =	stream.indirect.gather [hbm4b:s4+s13], $0x80, s9, s13, $0xb8;
	[tilespmem:$0x1C000] =	vst v63  }
0x7a: {  	_ =	swait.ge [sflag:s18], $0x3200  }
0x7b: {  	[sflag:s18] =	ssyncset.done $0x0  }
0x7c: {  	s6 =	rddreg [dreg:$0x14];
	[sflag:s18] =	ssyncadd.s32 $0xFFFFCE00  }
0x7d: {  	[spmem:s2] =	stream.indirect.scatter.add.f32 [tilespmem:s15], [sflag:$0x4], $0x80, s6, s13, $0xb8;
	[tilespmem:$0x1C000] =	vst v63  }
0x7e: {  	_ =	swait.ge [sflag:s19], $0x3200  }
0x7f: {  	[sflag:s19] =	ssyncset.done $0x0  }
0x80: {  	s7 =	rddreg [dreg:$0x15];
	[sflag:s19] =	ssyncadd.s32 $0xFFFFCE00  }
0x81: {  	[tilespmem:s15], [sflag:$0x2] =	stream.indirect.gather [hbm4b:s4+s13], $0x80, s7, s13, $0xb8;
	[tilespmem:$0x1C000] =	vst v63  }
0x82: {  	_ =	swait.ge [sflag:s16], $0x3200  }
0x83: {  	[sflag:s16] =	ssyncset.done $0x0  }
0x84: {  	s8 =	rddreg [dreg:$0x16];
	[sflag:s16] =	ssyncadd.s32 $0xFFFFCE00  }
0x85: {  	[spmem:s2] =	stream.indirect.scatter.add.f32 [tilespmem:s14], [sflag:$0x3], $0x80, s8, s13, $0xb8;
	[tilespmem:$0x1C000] =	vst v63  }
0x86: {  	_ =	swait.ge [sflag:s17], $0x3200  }
0x87: {  	[sflag:s17] =	ssyncset.done $0x0  }
0x88: {  	s9 =	rddreg [dreg:$0x17];
	[sflag:s17] =	ssyncadd.s32 $0xFFFFCE00  }
0x89: {  	[tilespmem:s14], [sflag:$0x1] =	stream.indirect.gather [hbm4b:s4+s13], $0x80, s9, s13, $0xb8;
	[tilespmem:$0x1C000] =	vst v63  }
0x8a: {  	_ =	swait.ge [sflag:s18], $0x3200  }
0x8b: {  	[sflag:s18] =	ssyncset.done $0x0  }
0x8c: {  	s6 =	rddreg [dreg:$0x18];
	[sflag:s18] =	ssyncadd.s32 $0xFFFFCE00  }
0x8d: {  	[spmem:s2] =	stream.indirect.scatter.add.f32 [tilespmem:s15], [sflag:$0x4], $0x80, s6, s13, $0xb8;
	[tilespmem:$0x1C000] =	vst v63  }
0x8e: {  	_ =	swait.ge [sflag:s19], $0x3200  }
0x8f: {  	[sflag:s19] =	ssyncset.done $0x0  }
0x90: {  	s7 =	rddreg [dreg:$0x19];
	[sflag:s19] =	ssyncadd.s32 $0xFFFFCE00  }
0x91: {  	[tilespmem:s15], [sflag:$0x2] =	stream.indirect.gather [hbm4b:s4+s13], $0x80, s7, s13, $0xb8;
	[tilespmem:$0x1C000] =	vst v63  }
0x92: {  	_ =	swait.ge [sflag:s16], $0x3200  }
0x93: {  	[sflag:s16] =	ssyncset.done $0x0  }
0x94: {  	s8 =	rddreg [dreg:$0x1a];
	[sflag:s16] =	ssyncadd.s32 $0xFFFFCE00  }
0x95: {  	[spmem:s2] =	stream.indirect.scatter.add.f32 [tilespmem:s14], [sflag:$0x3], $0x80, s8, s13, $0xb8;
	[tilespmem:$0x1C000] =	vst v63  }
0x96: {  	_ =	swait.ge [sflag:s17], $0x3200  }
0x97: {  	[sflag:s17] =	ssyncset.done $0x0  }
0x98: {  	s9 =	rddreg [dreg:$0x1b];
	[sflag:s17] =	ssyncadd.s32 $0xFFFFCE00  }
0x99: {  	[tilespmem:s14], [sflag:$0x1] =	stream.indirect.gather [hbm4b:s4+s13], $0x80, s9, s13, $0xb8;
	[tilespmem:$0x1C000] =	vst v63  }
0x9a: {  	_ =	swait.ge [sflag:s18], $0x3200  }
0x9b: {  	[sflag:s18] =	ssyncset.done $0x0  }
0x9c: {  	s6 =	rddreg [dreg:$0x1c];
	[sflag:s18] =	ssyncadd.s32 $0xFFFFCE00  }
0x9d: {  	[spmem:s2] =	stream.indirect.scatter.add.f32 [tilespmem:s15], [sflag:$0x4], $0x80, s6, s13, $0xb8;
	[tilespmem:$0x1C000] =	vst v63  }
0x9e: {  	_ =	swait.ge [sflag:s19], $0x3200  }
0x9f: {  	[sflag:s19] =	ssyncset.done $0x0  }
0xa0: {  	s7 =	rddreg [dreg:$0x1d];
	[sflag:s19] =	ssyncadd.s32 $0xFFFFCE00  }
0xa1: {  	[tilespmem:s15], [sflag:$0x2] =	stream.indirect.gather [hbm4b:s4+s13], $0x80, s7, s13, $0xb8;
	[tilespmem:$0x1C000] =	vst v63  }
0xa2: {  	_ =	swait.ge [sflag:s16], $0x3200  }
0xa3: {  	[sflag:s16] =	ssyncset.done $0x0  }
0xa4: {  	s8 =	rddreg [dreg:$0x1e];
	[sflag:s16] =	ssyncadd.s32 $0xFFFFCE00  }
0xa5: {  	[spmem:s2] =	stream.indirect.scatter.add.f32 [tilespmem:s14], [sflag:$0x3], $0x80, s8, s13, $0xb8;
	[tilespmem:$0x1C000] =	vst v63  }
0xa6: {  	_ =	swait.ge [sflag:s17], $0x3200  }
0xa7: {  	[sflag:s17] =	ssyncset.done $0x0  }
0xa8: {  	s9 =	rddreg [dreg:$0x1f];
	[sflag:s17] =	ssyncadd.s32 $0xFFFFCE00  }
0xa9: {  	[tilespmem:s14], [sflag:$0x1] =	stream.indirect.gather [hbm4b:s4+s13], $0x80, s9, s13, $0xb8;
	[tilespmem:$0x1C000] =	vst v63  }
0xaa: {  	_ =	swait.ge [sflag:s18], $0x3200  }
0xab: {  	[sflag:s18] =	ssyncset.done $0x0  }
0xac: {  	[sflag:s18] =	ssyncadd.s32 $0xFFFFCE00  }
0xad: {  	[spmem:s2] =	stream.indirect.scatter.add.f32 [tilespmem:s15], [sflag:$0x4], $0x80, s20, s13, $0xb8;
	[tilespmem:$0x1C000] =	vst v63  }
0xae: {  	_ =	swait.ge [sflag:s19], $0x3200  }
0xaf: {  	[sflag:s19] =	ssyncset.done $0x0  }
0xb0: {  	[sflag:s19] =	ssyncadd.s32 $0xFFFFCE00  }
0xb1: {  	[tilespmem:s15], [sflag:$0x2] =	stream.indirect.gather [hbm4b:s4+s13], $0x80, s21, s13, $0xb8;
	[tilespmem:$0x1C000] =	vst v63  }
0xb2: {  	_ =	swait.ge [sflag:s16], $0x3200  }
0xb3: {  	[sflag:s16] =	ssyncset.done $0x0  }
0xb4: {  	[sflag:s16] =	ssyncadd.s32 $0xFFFFCE00  }
0xb5: {  	[spmem:s2] =	stream.indirect.scatter.add.f32 [tilespmem:s14], [sflag:$0x3], $0x80, s22, s13, $0xb8;
	[tilespmem:$0x1C000] =	vst v63  }
0xb6: {  	_ =	swait.ge [sflag:s17], $0x3200  }
0xb7: {  	[sflag:s17] =	ssyncset.done $0x0  }
0xb8: {  	[sflag:s17] =	ssyncadd.s32 $0xFFFFCE00  }
0xb9: {  	[tilespmem:s14], [sflag:$0x1] =	stream.indirect.gather [hbm4b:s4+s13], $0x80, s23, s13, $0xb8;
	[tilespmem:$0x1C000] =	vst v63  }
0xba: {  	_ =	swait.ge [sflag:s18], $0x3200  }
0xbb: {  	[sflag:s18] =	ssyncset.done $0x0  }
0xbc: {  	[sflag:s18] =	ssyncadd.s32 $0xFFFFCE00  }
0xbd: {  	[spmem:s2] =	stream.indirect.scatter.add.f32 [tilespmem:s15], [sflag:$0x4], $0x80, s24, s13, $0xb8;
	[tilespmem:$0x1C000] =	vst v63  }
0xbe: {  	_ =	swait.ge [sflag:s19], $0x3200  }
0xbf: {  	[sflag:s19] =	ssyncset.done $0x0  }
0xc0: {  	[sflag:s19] =	ssyncadd.s32 $0xFFFFCE00  }
0xc1: {  	[tilespmem:s15], [sflag:$0x2] =	stream.indirect.gather [hbm4b:s4+s13], $0x80, s25, s13, $0xb8;
	[tilespmem:$0x1C000] =	vst v63  }
0xc2: {  	_ =	swait.ge [sflag:s16], $0x3200  }
0xc3: {  	[sflag:s16] =	ssyncset.done $0x0  }
0xc4: {  	[sflag:s16] =	ssyncadd.s32 $0xFFFFCE00  }
0xc5: {  	[spmem:s2] =	stream.indirect.scatter.add.f32 [tilespmem:s14], [sflag:$0x3], $0x80, s26, s13, $0xb8;
	[tilespmem:$0x1C000] =	vst v63  }
0xc6: {  	_ =	swait.ge [sflag:s17], $0x3200  }
0xc7: {  	[sflag:s17] =	ssyncset.done $0x0  }
0xc8: {  	[sflag:s17] =	ssyncadd.s32 $0xFFFFCE00  }
0xc9: {  	[tilespmem:s14], [sflag:$0x1] =	stream.indirect.gather [hbm4b:s4+s13], $0x80, s28, s13, $0xb8;
	[tilespmem:$0x1C000] =	vst v63  }
0xca: {  	_ =	swait.ge [sflag:s18], $0x3200  }
0xcb: {  	[sflag:s18] =	ssyncset.done $0x0  }
0xcc: {  	[sflag:s18] =	ssyncadd.s32 $0xFFFFCE00  }
0xcd: {  	[spmem:s2] =	stream.indirect.scatter.add.f32 [tilespmem:s15], [sflag:$0x4], $0x80, s29, s13, $0xb8;
	[tilespmem:$0x1C000] =	vst v63  }
0xce: {  	_ =	swait.ge [sflag:s19], $0x3200  }
0xcf: {  	[sflag:s19] =	ssyncset.done $0x0  }
0xd0: {  	[sflag:s19] =	ssyncadd.s32 $0xFFFFCE00  }
0xd1: {  	[tilespmem:s15], [sflag:$0x2] =	stream.indirect.gather [hbm4b:s4+s13], $0x80, s30, s13, $0xb8;
	[tilespmem:$0x1C000] =	vst v63  }
0xd2: {  	_ =	swait.ge [sflag:s16], $0x3200  }
0xd3: {  	[sflag:s16] =	ssyncset.done $0x0  }
0xd4: {  	[sflag:s16] =	ssyncadd.s32 $0xFFFFCE00  }
0xd5: {  	[spmem:s2] =	stream.indirect.scatter.add.f32 [tilespmem:s14], [sflag:$0x3], $0x80, s31, s13, $0xb8;
	[tilespmem:$0x1C000] =	vst v63  }
0xd6: {  	_ =	swait.ge [sflag:s18], $0x3200  }
0xd7: {  	s5 =	simm.s32 $0x180;
	[sflag:s18] =	ssyncset.done $0x0  }
0xd8: {  	s7 =	simm.s32 $0x300;
	s8 =	rddreg [dreg:$0x5];
	[sflag:s18] =	ssyncadd.s32 $0xFFFFCE00  }
.LBB2_2:
0xd9: {  	[spmem:s2] =	stream.indirect.scatter.add.f32 [tilespmem:s15], [sflag:$0x4], $0x80, s1, s13, $0xb8;
	[tilespmem:$0x1C000] =	vst v63  }
0xda: {  	s8 =	sadd.s32 s5, s8  }
0xdb: {  	[tilespmem:s11], [sflag:$0x5] =	stream.linear.gather [hbm4b:s8+s3], $0xA00, $0x38;
	[tilespmem:$0x1C000] =	vst v63  }
0xdc: {  	_ =	swait.ge [sflag:s10], $0xA00  }
0xdd: {  	p1 =	seq.s32 s5, $0x0;
	[sflag:s10] =	ssyncset.done $0x0  }
0xde: {  	s8 =	simm.s32 @!p1 $0x3;
	[sflag:s10] =	ssyncadd.s32 $0xFFFFF600  }
0xdf: {  	_ =	swait.ge @!p1 [sflag:s8], $0x3200  }
0xe0: {  	[sflag:s8] =	ssyncset.done @!p1 $0x0  }
0xe1: {  	[sflag:s8] =	ssyncadd.s32 @!p1 $0xFFFFCE00;
	s8 =	simm.s32 @!p1 $0x4  }
0xe2: {  	_ =	swait.ge @!p1 [sflag:s8], $0x3200  }
0xe3: {  	s9 =	rddreg [dreg:$0x4];
	[sflag:s8] =	ssyncset.done @!p1 $0x0  }
0xe4: {  	[sflag:s8] =	ssyncadd.s32 @!p1 $0xFFFFCE00;
	s9 =	sadd.s32 s5, s9  }
0xe5: {  	[tilespmem:s12], [sflag:$0x5] =	stream.linear.gather [hbm4b:s9+s3], $0xA00, $0x38;
	[tilespmem:$0x1C000] =	vst v63  }
0xe6: {  	_ =	swait.ge [sflag:s10], $0xA00  }
0xe7: {  	[sflag:s10] =	ssyncset.done $0x0  }
0xe8: {  	[sflag:s10] =	ssyncadd.s32 $0xFFFFF600  }
0xe9: {  	[tilespmem:s14], [sflag:$0x1] =	stream.indirect.gather [hbm4b:s4+s13], $0x80, s11, s13, $0xb8;
	[tilespmem:$0x1C000] =	vst v63  }
0xea: {  	s8 =	rddreg [dreg:$0x6]  }
0xeb: {  	[tilespmem:s15], [sflag:$0x2] =	stream.indirect.gather [hbm4b:s4+s13], $0x80, s8, s13, $0xb8;
	[tilespmem:$0x1C000] =	vst v63  }
0xec: {  	_ =	swait.ge [sflag:s16], $0x3200  }
0xed: {  	[sflag:s16] =	ssyncset.done $0x0  }
0xee: {  	[sflag:s16] =	ssyncadd.s32 $0xFFFFCE00  }
0xef: {  	[spmem:s2] =	stream.indirect.scatter.add.f32 [tilespmem:s14], [sflag:$0x3], $0x80, s12, s13, $0xb8;
	[tilespmem:$0x1C000] =	vst v63  }
0xf0: {  	_ =	swait.ge [sflag:s17], $0x3200  }
0xf1: {  	[sflag:s17] =	ssyncset.done $0x0  }
0xf2: {  	s9 =	rddreg [dreg:$0x7];
	[sflag:s17] =	ssyncadd.s32 $0xFFFFCE00  }
0xf3: {  	[tilespmem:s14], [sflag:$0x1] =	stream.indirect.gather [hbm4b:s4+s13], $0x80, s9, s13, $0xb8;
	[tilespmem:$0x1C000] =	vst v63  }
0xf4: {  	_ =	swait.ge [sflag:s18], $0x3200  }
0xf5: {  	[sflag:s18] =	ssyncset.done $0x0  }
0xf6: {  	s8 =	rddreg [dreg:$0x8];
	[sflag:s18] =	ssyncadd.s32 $0xFFFFCE00  }
0xf7: {  	[spmem:s2] =	stream.indirect.scatter.add.f32 [tilespmem:s15], [sflag:$0x4], $0x80, s8, s13, $0xb8;
	[tilespmem:$0x1C000] =	vst v63  }
0xf8: {  	_ =	swait.ge [sflag:s19], $0x3200  }
0xf9: {  	[sflag:s19] =	ssyncset.done $0x0  }
0xfa: {  	s9 =	rddreg [dreg:$0x9];
	[sflag:s19] =	ssyncadd.s32 $0xFFFFCE00  }
0xfb: {  	[tilespmem:s15], [sflag:$0x2] =	stream.indirect.gather [hbm4b:s4+s13], $0x80, s9, s13, $0xb8;
	[tilespmem:$0x1C000] =	vst v63  }
0xfc: {  	_ =	swait.ge [sflag:s16], $0x3200  }
0xfd: {  	[sflag:s16] =	ssyncset.done $0x0  }
0xfe: {  	s8 =	rddreg [dreg:$0xa];
	[sflag:s16] =	ssyncadd.s32 $0xFFFFCE00  }
0xff: {  	[spmem:s2] =	stream.indirect.scatter.add.f32 [tilespmem:s14], [sflag:$0x3], $0x80, s8, s13, $0xb8;
	[tilespmem:$0x1C000] =	vst v63  }
0x100: {  	_ =	swait.ge [sflag:s17], $0x3200  }
0x101: {  	[sflag:s17] =	ssyncset.done $0x0  }
0x102: {  	s9 =	rddreg [dreg:$0xb];
	[sflag:s17] =	ssyncadd.s32 $0xFFFFCE00  }
0x103: {  	[tilespmem:s14], [sflag:$0x1] =	stream.indirect.gather [hbm4b:s4+s13], $0x80, s9, s13, $0xb8;
	[tilespmem:$0x1C000] =	vst v63  }
0x104: {  	_ =	swait.ge [sflag:s18], $0x3200  }
0x105: {  	[sflag:s18] =	ssyncset.done $0x0  }
0x106: {  	s8 =	rddreg [dreg:$0xc];
	[sflag:s18] =	ssyncadd.s32 $0xFFFFCE00  }
0x107: {  	[spmem:s2] =	stream.indirect.scatter.add.f32 [tilespmem:s15], [sflag:$0x4], $0x80, s8, s13, $0xb8;
	[tilespmem:$0x1C000] =	vst v63  }
0x108: {  	_ =	swait.ge [sflag:s19], $0x3200  }
0x109: {  	[sflag:s19] =	ssyncset.done $0x0  }
0x10a: {  	s9 =	rddreg [dreg:$0xd];
	[sflag:s19] =	ssyncadd.s32 $0xFFFFCE00  }
0x10b: {  	[tilespmem:s15], [sflag:$0x2] =	stream.indirect.gather [hbm4b:s4+s13], $0x80, s9, s13, $0xb8;
	[tilespmem:$0x1C000] =	vst v63  }
0x10c: {  	_ =	swait.ge [sflag:s16], $0x3200  }
0x10d: {  	[sflag:s16] =	ssyncset.done $0x0  }
0x10e: {  	s8 =	rddreg [dreg:$0xe];
	[sflag:s16] =	ssyncadd.s32 $0xFFFFCE00  }
0x10f: {  	[spmem:s2] =	stream.indirect.scatter.add.f32 [tilespmem:s14], [sflag:$0x3], $0x80, s8, s13, $0xb8;
	[tilespmem:$0x1C000] =	vst v63  }
0x110: {  	_ =	swait.ge [sflag:s17], $0x3200  }
0x111: {  	[sflag:s17] =	ssyncset.done $0x0  }
0x112: {  	s9 =	rddreg [dreg:$0xf];
	[sflag:s17] =	ssyncadd.s32 $0xFFFFCE00  }
0x113: {  	[tilespmem:s14], [sflag:$0x1] =	stream.indirect.gather [hbm4b:s4+s13], $0x80, s9, s13, $0xb8;
	[tilespmem:$0x1C000] =	vst v63  }
0x114: {  	_ =	swait.ge [sflag:s18], $0x3200  }
0x115: {  	[sflag:s18] =	ssyncset.done $0x0  }
0x116: {  	s8 =	rddreg [dreg:$0x10];
	[sflag:s18] =	ssyncadd.s32 $0xFFFFCE00  }
0x117: {  	[spmem:s2] =	stream.indirect.scatter.add.f32 [tilespmem:s15], [sflag:$0x4], $0x80, s8, s13, $0xb8;
	[tilespmem:$0x1C000] =	vst v63  }
0x118: {  	_ =	swait.ge [sflag:s19], $0x3200  }
0x119: {  	[sflag:s19] =	ssyncset.done $0x0  }
0x11a: {  	s9 =	rddreg [dreg:$0x11];
	[sflag:s19] =	ssyncadd.s32 $0xFFFFCE00  }
0x11b: {  	[tilespmem:s15], [sflag:$0x2] =	stream.indirect.gather [hbm4b:s4+s13], $0x80, s9, s13, $0xb8;
	[tilespmem:$0x1C000] =	vst v63  }
0x11c: {  	_ =	swait.ge [sflag:s16], $0x3200  }
0x11d: {  	[sflag:s16] =	ssyncset.done $0x0  }
0x11e: {  	s8 =	rddreg [dreg:$0x12];
	[sflag:s16] =	ssyncadd.s32 $0xFFFFCE00  }
0x11f: {  	[spmem:s2] =	stream.indirect.scatter.add.f32 [tilespmem:s14], [sflag:$0x3], $0x80, s8, s13, $0xb8;
	[tilespmem:$0x1C000] =	vst v63  }
0x120: {  	_ =	swait.ge [sflag:s17], $0x3200  }
0x121: {  	[sflag:s17] =	ssyncset.done $0x0  }
0x122: {  	s9 =	rddreg [dreg:$0x13];
	[sflag:s17] =	ssyncadd.s32 $0xFFFFCE00  }
0x123: {  	[tilespmem:s14], [sflag:$0x1] =	stream.indirect.gather [hbm4b:s4+s13], $0x80, s9, s13, $0xb8;
	[tilespmem:$0x1C000] =	vst v63  }
0x124: {  	_ =	swait.ge [sflag:s18], $0x3200  }
0x125: {  	[sflag:s18] =	ssyncset.done $0x0  }
0x126: {  	s8 =	rddreg [dreg:$0x14];
	[sflag:s18] =	ssyncadd.s32 $0xFFFFCE00  }
0x127: {  	[spmem:s2] =	stream.indirect.scatter.add.f32 [tilespmem:s15], [sflag:$0x4], $0x80, s8, s13, $0xb8;
	[tilespmem:$0x1C000] =	vst v63  }
0x128: {  	_ =	swait.ge [sflag:s19], $0x3200  }
0x129: {  	[sflag:s19] =	ssyncset.done $0x0  }
0x12a: {  	s9 =	rddreg [dreg:$0x15];
	[sflag:s19] =	ssyncadd.s32 $0xFFFFCE00  }
0x12b: {  	[tilespmem:s15], [sflag:$0x2] =	stream.indirect.gather [hbm4b:s4+s13], $0x80, s9, s13, $0xb8;
	[tilespmem:$0x1C000] =	vst v63  }
0x12c: {  	_ =	swait.ge [sflag:s16], $0x3200  }
0x12d: {  	[sflag:s16] =	ssyncset.done $0x0  }
0x12e: {  	s8 =	rddreg [dreg:$0x16];
	[sflag:s16] =	ssyncadd.s32 $0xFFFFCE00  }
0x12f: {  	[spmem:s2] =	stream.indirect.scatter.add.f32 [tilespmem:s14], [sflag:$0x3], $0x80, s8, s13, $0xb8;
	[tilespmem:$0x1C000] =	vst v63  }
0x130: {  	_ =	swait.ge [sflag:s17], $0x3200  }
0x131: {  	[sflag:s17] =	ssyncset.done $0x0  }
0x132: {  	s9 =	rddreg [dreg:$0x17];
	[sflag:s17] =	ssyncadd.s32 $0xFFFFCE00  }
0x133: {  	[tilespmem:s14], [sflag:$0x1] =	stream.indirect.gather [hbm4b:s4+s13], $0x80, s9, s13, $0xb8;
	[tilespmem:$0x1C000] =	vst v63  }
0x134: {  	_ =	swait.ge [sflag:s18], $0x3200  }
0x135: {  	[sflag:s18] =	ssyncset.done $0x0  }
0x136: {  	s8 =	rddreg [dreg:$0x18];
	[sflag:s18] =	ssyncadd.s32 $0xFFFFCE00  }
0x137: {  	[spmem:s2] =	stream.indirect.scatter.add.f32 [tilespmem:s15], [sflag:$0x4], $0x80, s8, s13, $0xb8;
	[tilespmem:$0x1C000] =	vst v63  }
0x138: {  	_ =	swait.ge [sflag:s19], $0x3200  }
0x139: {  	[sflag:s19] =	ssyncset.done $0x0  }
0x13a: {  	s9 =	rddreg [dreg:$0x19];
	[sflag:s19] =	ssyncadd.s32 $0xFFFFCE00  }
0x13b: {  	[tilespmem:s15], [sflag:$0x2] =	stream.indirect.gather [hbm4b:s4+s13], $0x80, s9, s13, $0xb8;
	[tilespmem:$0x1C000] =	vst v63  }
0x13c: {  	_ =	swait.ge [sflag:s16], $0x3200  }
0x13d: {  	[sflag:s16] =	ssyncset.done $0x0  }
0x13e: {  	s8 =	rddreg [dreg:$0x1a];
	[sflag:s16] =	ssyncadd.s32 $0xFFFFCE00  }
0x13f: {  	[spmem:s2] =	stream.indirect.scatter.add.f32 [tilespmem:s14], [sflag:$0x3], $0x80, s8, s13, $0xb8;
	[tilespmem:$0x1C000] =	vst v63  }
0x140: {  	_ =	swait.ge [sflag:s17], $0x3200  }
0x141: {  	[sflag:s17] =	ssyncset.done $0x0  }
0x142: {  	s9 =	rddreg [dreg:$0x1b];
	[sflag:s17] =	ssyncadd.s32 $0xFFFFCE00  }
0x143: {  	[tilespmem:s14], [sflag:$0x1] =	stream.indirect.gather [hbm4b:s4+s13], $0x80, s9, s13, $0xb8;
	[tilespmem:$0x1C000] =	vst v63  }
0x144: {  	_ =	swait.ge [sflag:s18], $0x3200  }
0x145: {  	[sflag:s18] =	ssyncset.done $0x0  }
0x146: {  	s8 =	rddreg [dreg:$0x1c];
	[sflag:s18] =	ssyncadd.s32 $0xFFFFCE00  }
0x147: {  	[spmem:s2] =	stream.indirect.scatter.add.f32 [tilespmem:s15], [sflag:$0x4], $0x80, s8, s13, $0xb8;
	[tilespmem:$0x1C000] =	vst v63  }
0x148: {  	_ =	swait.ge [sflag:s19], $0x3200  }
0x149: {  	[sflag:s19] =	ssyncset.done $0x0  }
0x14a: {  	s9 =	rddreg [dreg:$0x1d];
	[sflag:s19] =	ssyncadd.s32 $0xFFFFCE00  }
0x14b: {  	[tilespmem:s15], [sflag:$0x2] =	stream.indirect.gather [hbm4b:s4+s13], $0x80, s9, s13, $0xb8;
	[tilespmem:$0x1C000] =	vst v63  }
0x14c: {  	_ =	swait.ge [sflag:s16], $0x3200  }
0x14d: {  	[sflag:s16] =	ssyncset.done $0x0  }
0x14e: {  	s8 =	rddreg [dreg:$0x1e];
	[sflag:s16] =	ssyncadd.s32 $0xFFFFCE00  }
0x14f: {  	[spmem:s2] =	stream.indirect.scatter.add.f32 [tilespmem:s14], [sflag:$0x3], $0x80, s8, s13, $0xb8;
	[tilespmem:$0x1C000] =	vst v63  }
0x150: {  	_ =	swait.ge [sflag:s17], $0x3200  }
0x151: {  	[sflag:s17] =	ssyncset.done $0x0  }
0x152: {  	s9 =	rddreg [dreg:$0x1f];
	[sflag:s17] =	ssyncadd.s32 $0xFFFFCE00  }
0x153: {  	[tilespmem:s14], [sflag:$0x1] =	stream.indirect.gather [hbm4b:s4+s13], $0x80, s9, s13, $0xb8;
	[tilespmem:$0x1C000] =	vst v63  }
0x154: {  	_ =	swait.ge [sflag:s18], $0x3200  }
0x155: {  	[sflag:s18] =	ssyncset.done $0x0  }
0x156: {  	[sflag:s18] =	ssyncadd.s32 $0xFFFFCE00  }
0x157: {  	[spmem:s2] =	stream.indirect.scatter.add.f32 [tilespmem:s15], [sflag:$0x4], $0x80, s20, s13, $0xb8;
	[tilespmem:$0x1C000] =	vst v63  }
0x158: {  	_ =	swait.ge [sflag:s19], $0x3200  }
0x159: {  	[sflag:s19] =	ssyncset.done $0x0  }
0x15a: {  	[sflag:s19] =	ssyncadd.s32 $0xFFFFCE00  }
0x15b: {  	[tilespmem:s15], [sflag:$0x2] =	stream.indirect.gather [hbm4b:s4+s13], $0x80, s21, s13, $0xb8;
	[tilespmem:$0x1C000] =	vst v63  }
0x15c: {  	_ =	swait.ge [sflag:s16], $0x3200  }
0x15d: {  	[sflag:s16] =	ssyncset.done $0x0  }
0x15e: {  	[sflag:s16] =	ssyncadd.s32 $0xFFFFCE00  }
0x15f: {  	[spmem:s2] =	stream.indirect.scatter.add.f32 [tilespmem:s14], [sflag:$0x3], $0x80, s22, s13, $0xb8;
	[tilespmem:$0x1C000] =	vst v63  }
0x160: {  	_ =	swait.ge [sflag:s17], $0x3200  }
0x161: {  	[sflag:s17] =	ssyncset.done $0x0  }
0x162: {  	[sflag:s17] =	ssyncadd.s32 $0xFFFFCE00  }
0x163: {  	[tilespmem:s14], [sflag:$0x1] =	stream.indirect.gather [hbm4b:s4+s13], $0x80, s23, s13, $0xb8;
	[tilespmem:$0x1C000] =	vst v63  }
0x164: {  	_ =	swait.ge [sflag:s18], $0x3200  }
0x165: {  	[sflag:s18] =	ssyncset.done $0x0  }
0x166: {  	[sflag:s18] =	ssyncadd.s32 $0xFFFFCE00  }
0x167: {  	[spmem:s2] =	stream.indirect.scatter.add.f32 [tilespmem:s15], [sflag:$0x4], $0x80, s24, s13, $0xb8;
	[tilespmem:$0x1C000] =	vst v63  }
0x168: {  	_ =	swait.ge [sflag:s19], $0x3200  }
0x169: {  	[sflag:s19] =	ssyncset.done $0x0  }
0x16a: {  	[sflag:s19] =	ssyncadd.s32 $0xFFFFCE00  }
0x16b: {  	[tilespmem:s15], [sflag:$0x2] =	stream.indirect.gather [hbm4b:s4+s13], $0x80, s25, s13, $0xb8;
	[tilespmem:$0x1C000] =	vst v63  }
0x16c: {  	_ =	swait.ge [sflag:s16], $0x3200  }
0x16d: {  	[sflag:s16] =	ssyncset.done $0x0  }
0x16e: {  	[sflag:s16] =	ssyncadd.s32 $0xFFFFCE00  }
0x16f: {  	[spmem:s2] =	stream.indirect.scatter.add.f32 [tilespmem:s14], [sflag:$0x3], $0x80, s26, s13, $0xb8;
	[tilespmem:$0x1C000] =	vst v63  }
0x170: {  	_ =	swait.ge [sflag:s17], $0x3200  }
0x171: {  	[sflag:s17] =	ssyncset.done $0x0  }
0x172: {  	[sflag:s17] =	ssyncadd.s32 $0xFFFFCE00  }
0x173: {  	[tilespmem:s14], [sflag:$0x1] =	stream.indirect.gather [hbm4b:s4+s13], $0x80, s28, s13, $0xb8;
	[tilespmem:$0x1C000] =	vst v63  }
0x174: {  	_ =	swait.ge [sflag:s18], $0x3200  }
0x175: {  	[sflag:s18] =	ssyncset.done $0x0  }
0x176: {  	[sflag:s18] =	ssyncadd.s32 $0xFFFFCE00  }
0x177: {  	[spmem:s2] =	stream.indirect.scatter.add.f32 [tilespmem:s15], [sflag:$0x4], $0x80, s29, s13, $0xb8;
	[tilespmem:$0x1C000] =	vst v63  }
0x178: {  	_ =	swait.ge [sflag:s19], $0x3200  }
0x179: {  	[sflag:s19] =	ssyncset.done $0x0  }
0x17a: {  	[sflag:s19] =	ssyncadd.s32 $0xFFFFCE00  }
0x17b: {  	[tilespmem:s15], [sflag:$0x2] =	stream.indirect.gather [hbm4b:s4+s13], $0x80, s30, s13, $0xb8;
	[tilespmem:$0x1C000] =	vst v63  }
0x17c: {  	s6 =	smov.u32 s7;
	s7 =	sadd.s32 $0x180, s7;
	_ =	swait.ge [sflag:s16], $0x3200  }
0x17d: {  	p0 =	sne.s32 s7, $0x780;
	[sflag:s16] =	ssyncset.done $0x0  }
.Ltmp0:
0x17e: {  	[sflag:s16] =	ssyncadd.s32 $0xFFFFCE00;
	(pc) =	sbr.rel @p0 .LBB2_2-.Ltmp0, $4  }
0x17f: {  	[spmem:s2] =	stream.indirect.scatter.add.f32 [tilespmem:s14], [sflag:$0x3], $0x80, s31, s13, $0xb8;
	[tilespmem:$0x1C000] =	vst v63  }
0x180: {  	_ =	swait.ge [sflag:s18], $0x3200  }
0x181: {  	[sflag:s18] =	ssyncset.done $0x0  }
0x182: {  	s5 =	smov.u32 s6;
	s8 =	rddreg [dreg:$0x5];
	[sflag:s18] =	ssyncadd.s32 $0xFFFFCE00  }
0x183: {  	[spmem:s2] =	stream.indirect.scatter.add.f32 [tilespmem:s15], [sflag:$0x4], $0x80, s1, s13, $0xb8;
	[tilespmem:$0x1C000] =	vst v63  }
0x184: {  	s6 =	sadd.s32 s5, s8  }
0x185: {  	[tilespmem:s11], [sflag:$0x5] =	stream.linear.gather [hbm4b:s6+s3], $0xA00, $0x38;
	[tilespmem:$0x1C000] =	vst v63  }
0x186: {  	_ =	swait.ge [sflag:s10], $0xA00  }
0x187: {  	p0 =	seq.s32 s5, $0x0;
	[sflag:s10] =	ssyncset.done $0x0  }
0x188: {  	s6 =	simm.s32 @!p0 $0x3;
	[sflag:s10] =	ssyncadd.s32 $0xFFFFF600  }
0x189: {  	_ =	swait.ge @!p0 [sflag:s6], $0x3200  }
0x18a: {  	[sflag:s6] =	ssyncset.done @!p0 $0x0  }
0x18b: {  	[sflag:s6] =	ssyncadd.s32 @!p0 $0xFFFFCE00;
	s6 =	simm.s32 @!p0 $0x4  }
0x18c: {  	_ =	swait.ge @!p0 [sflag:s6], $0x3200  }
0x18d: {  	s7 =	rddreg [dreg:$0x4];
	[sflag:s6] =	ssyncset.done @!p0 $0x0  }
0x18e: {  	[sflag:s6] =	ssyncadd.s32 @!p0 $0xFFFFCE00;
	s9 =	sadd.s32 s5, s7  }
0x18f: {  	[tilespmem:s12], [sflag:$0x5] =	stream.linear.gather [hbm4b:s9+s3], $0xA00, $0x38;
	[tilespmem:$0x1C000] =	vst v63  }
0x190: {  	_ =	swait.ge [sflag:s10], $0xA00  }
0x191: {  	[sflag:s10] =	ssyncset.done $0x0  }
0x192: {  	[sflag:s10] =	ssyncadd.s32 $0xFFFFF600  }
0x193: {  	[tilespmem:s14], [sflag:$0x1] =	stream.indirect.gather [hbm4b:s4+s13], $0x80, s11, s13, $0xb8;
	[tilespmem:$0x1C000] =	vst v63  }
0x194: {  	s6 =	rddreg [dreg:$0x6]  }
0x195: {  	[tilespmem:s15], [sflag:$0x2] =	stream.indirect.gather [hbm4b:s4+s13], $0x80, s6, s13, $0xb8;
	[tilespmem:$0x1C000] =	vst v63  }
0x196: {  	_ =	swait.ge [sflag:s16], $0x3200  }
0x197: {  	[sflag:s16] =	ssyncset.done $0x0  }
0x198: {  	[sflag:s16] =	ssyncadd.s32 $0xFFFFCE00  }
0x199: {  	[spmem:s2] =	stream.indirect.scatter.add.f32 [tilespmem:s14], [sflag:$0x3], $0x80, s12, s13, $0xb8;
	[tilespmem:$0x1C000] =	vst v63  }
0x19a: {  	_ =	swait.ge [sflag:s17], $0x3200  }
0x19b: {  	[sflag:s17] =	ssyncset.done $0x0  }
0x19c: {  	s7 =	rddreg [dreg:$0x7];
	[sflag:s17] =	ssyncadd.s32 $0xFFFFCE00  }
0x19d: {  	[tilespmem:s14], [sflag:$0x1] =	stream.indirect.gather [hbm4b:s4+s13], $0x80, s7, s13, $0xb8;
	[tilespmem:$0x1C000] =	vst v63  }
0x19e: {  	_ =	swait.ge [sflag:s18], $0x3200  }
0x19f: {  	[sflag:s18] =	ssyncset.done $0x0  }
0x1a0: {  	s8 =	rddreg [dreg:$0x8];
	[sflag:s18] =	ssyncadd.s32 $0xFFFFCE00  }
0x1a1: {  	[spmem:s2] =	stream.indirect.scatter.add.f32 [tilespmem:s15], [sflag:$0x4], $0x80, s8, s13, $0xb8;
	[tilespmem:$0x1C000] =	vst v63  }
0x1a2: {  	_ =	swait.ge [sflag:s19], $0x3200  }
0x1a3: {  	[sflag:s19] =	ssyncset.done $0x0  }
0x1a4: {  	s9 =	rddreg [dreg:$0x9];
	[sflag:s19] =	ssyncadd.s32 $0xFFFFCE00  }
0x1a5: {  	[tilespmem:s15], [sflag:$0x2] =	stream.indirect.gather [hbm4b:s4+s13], $0x80, s9, s13, $0xb8;
	[tilespmem:$0x1C000] =	vst v63  }
0x1a6: {  	_ =	swait.ge [sflag:s16], $0x3200  }
0x1a7: {  	[sflag:s16] =	ssyncset.done $0x0  }
0x1a8: {  	s6 =	rddreg [dreg:$0xa];
	[sflag:s16] =	ssyncadd.s32 $0xFFFFCE00  }
0x1a9: {  	[spmem:s2] =	stream.indirect.scatter.add.f32 [tilespmem:s14], [sflag:$0x3], $0x80, s6, s13, $0xb8;
	[tilespmem:$0x1C000] =	vst v63  }
0x1aa: {  	_ =	swait.ge [sflag:s17], $0x3200  }
0x1ab: {  	[sflag:s17] =	ssyncset.done $0x0  }
0x1ac: {  	s7 =	rddreg [dreg:$0xb];
	[sflag:s17] =	ssyncadd.s32 $0xFFFFCE00  }
0x1ad: {  	[tilespmem:s14], [sflag:$0x1] =	stream.indirect.gather [hbm4b:s4+s13], $0x80, s7, s13, $0xb8;
	[tilespmem:$0x1C000] =	vst v63  }
0x1ae: {  	_ =	swait.ge [sflag:s18], $0x3200  }
0x1af: {  	[sflag:s18] =	ssyncset.done $0x0  }
0x1b0: {  	s8 =	rddreg [dreg:$0xc];
	[sflag:s18] =	ssyncadd.s32 $0xFFFFCE00  }
0x1b1: {  	[spmem:s2] =	stream.indirect.scatter.add.f32 [tilespmem:s15], [sflag:$0x4], $0x80, s8, s13, $0xb8;
	[tilespmem:$0x1C000] =	vst v63  }
0x1b2: {  	_ =	swait.ge [sflag:s19], $0x3200  }
0x1b3: {  	[sflag:s19] =	ssyncset.done $0x0  }
0x1b4: {  	s9 =	rddreg [dreg:$0xd];
	[sflag:s19] =	ssyncadd.s32 $0xFFFFCE00  }
0x1b5: {  	[tilespmem:s15], [sflag:$0x2] =	stream.indirect.gather [hbm4b:s4+s13], $0x80, s9, s13, $0xb8;
	[tilespmem:$0x1C000] =	vst v63  }
0x1b6: {  	_ =	swait.ge [sflag:s16], $0x3200  }
0x1b7: {  	[sflag:s16] =	ssyncset.done $0x0  }
0x1b8: {  	s6 =	rddreg [dreg:$0xe];
	[sflag:s16] =	ssyncadd.s32 $0xFFFFCE00  }
0x1b9: {  	[spmem:s2] =	stream.indirect.scatter.add.f32 [tilespmem:s14], [sflag:$0x3], $0x80, s6, s13, $0xb8;
	[tilespmem:$0x1C000] =	vst v63  }
0x1ba: {  	_ =	swait.ge [sflag:s17], $0x3200  }
0x1bb: {  	[sflag:s17] =	ssyncset.done $0x0  }
0x1bc: {  	s7 =	rddreg [dreg:$0xf];
	[sflag:s17] =	ssyncadd.s32 $0xFFFFCE00  }
0x1bd: {  	[tilespmem:s14], [sflag:$0x1] =	stream.indirect.gather [hbm4b:s4+s13], $0x80, s7, s13, $0xb8;
	[tilespmem:$0x1C000] =	vst v63  }
0x1be: {  	_ =	swait.ge [sflag:s18], $0x3200  }
0x1bf: {  	[sflag:s18] =	ssyncset.done $0x0  }
0x1c0: {  	s8 =	rddreg [dreg:$0x10];
	[sflag:s18] =	ssyncadd.s32 $0xFFFFCE00  }
0x1c1: {  	[spmem:s2] =	stream.indirect.scatter.add.f32 [tilespmem:s15], [sflag:$0x4], $0x80, s8, s13, $0xb8;
	[tilespmem:$0x1C000] =	vst v63  }
0x1c2: {  	_ =	swait.ge [sflag:s19], $0x3200  }
0x1c3: {  	[sflag:s19] =	ssyncset.done $0x0  }
0x1c4: {  	s9 =	rddreg [dreg:$0x11];
	[sflag:s19] =	ssyncadd.s32 $0xFFFFCE00  }
0x1c5: {  	[tilespmem:s15], [sflag:$0x2] =	stream.indirect.gather [hbm4b:s4+s13], $0x80, s9, s13, $0xb8;
	[tilespmem:$0x1C000] =	vst v63  }
0x1c6: {  	_ =	swait.ge [sflag:s16], $0x3200  }
0x1c7: {  	[sflag:s16] =	ssyncset.done $0x0  }
0x1c8: {  	s6 =	rddreg [dreg:$0x12];
	[sflag:s16] =	ssyncadd.s32 $0xFFFFCE00  }
0x1c9: {  	[spmem:s2] =	stream.indirect.scatter.add.f32 [tilespmem:s14], [sflag:$0x3], $0x80, s6, s13, $0xb8;
	[tilespmem:$0x1C000] =	vst v63  }
0x1ca: {  	_ =	swait.ge [sflag:s17], $0x3200  }
0x1cb: {  	[sflag:s17] =	ssyncset.done $0x0  }
0x1cc: {  	s7 =	rddreg [dreg:$0x13];
	[sflag:s17] =	ssyncadd.s32 $0xFFFFCE00  }
0x1cd: {  	[tilespmem:s14], [sflag:$0x1] =	stream.indirect.gather [hbm4b:s4+s13], $0x80, s7, s13, $0xb8;
	[tilespmem:$0x1C000] =	vst v63  }
0x1ce: {  	_ =	swait.ge [sflag:s18], $0x3200  }
0x1cf: {  	[sflag:s18] =	ssyncset.done $0x0  }
0x1d0: {  	s8 =	rddreg [dreg:$0x14];
	[sflag:s18] =	ssyncadd.s32 $0xFFFFCE00  }
0x1d1: {  	[spmem:s2] =	stream.indirect.scatter.add.f32 [tilespmem:s15], [sflag:$0x4], $0x80, s8, s13, $0xb8;
	[tilespmem:$0x1C000] =	vst v63  }
0x1d2: {  	_ =	swait.ge [sflag:s19], $0x3200  }
0x1d3: {  	[sflag:s19] =	ssyncset.done $0x0  }
0x1d4: {  	s9 =	rddreg [dreg:$0x15];
	[sflag:s19] =	ssyncadd.s32 $0xFFFFCE00  }
0x1d5: {  	[tilespmem:s15], [sflag:$0x2] =	stream.indirect.gather [hbm4b:s4+s13], $0x80, s9, s13, $0xb8;
	[tilespmem:$0x1C000] =	vst v63  }
0x1d6: {  	_ =	swait.ge [sflag:s16], $0x3200  }
0x1d7: {  	[sflag:s16] =	ssyncset.done $0x0  }
0x1d8: {  	s6 =	rddreg [dreg:$0x16];
	[sflag:s16] =	ssyncadd.s32 $0xFFFFCE00  }
0x1d9: {  	[spmem:s2] =	stream.indirect.scatter.add.f32 [tilespmem:s14], [sflag:$0x3], $0x80, s6, s13, $0xb8;
	[tilespmem:$0x1C000] =	vst v63  }
0x1da: {  	_ =	swait.ge [sflag:s17], $0x3200  }
0x1db: {  	[sflag:s17] =	ssyncset.done $0x0  }
0x1dc: {  	s7 =	rddreg [dreg:$0x17];
	[sflag:s17] =	ssyncadd.s32 $0xFFFFCE00  }
0x1dd: {  	[tilespmem:s14], [sflag:$0x1] =	stream.indirect.gather [hbm4b:s4+s13], $0x80, s7, s13, $0xb8;
	[tilespmem:$0x1C000] =	vst v63  }
0x1de: {  	_ =	swait.ge [sflag:s18], $0x3200  }
0x1df: {  	[sflag:s18] =	ssyncset.done $0x0  }
0x1e0: {  	s8 =	rddreg [dreg:$0x18];
	[sflag:s18] =	ssyncadd.s32 $0xFFFFCE00  }
0x1e1: {  	[spmem:s2] =	stream.indirect.scatter.add.f32 [tilespmem:s15], [sflag:$0x4], $0x80, s8, s13, $0xb8;
	[tilespmem:$0x1C000] =	vst v63  }
0x1e2: {  	_ =	swait.ge [sflag:s19], $0x3200  }
0x1e3: {  	[sflag:s19] =	ssyncset.done $0x0  }
0x1e4: {  	s9 =	rddreg [dreg:$0x19];
	[sflag:s19] =	ssyncadd.s32 $0xFFFFCE00  }
0x1e5: {  	[tilespmem:s15], [sflag:$0x2] =	stream.indirect.gather [hbm4b:s4+s13], $0x80, s9, s13, $0xb8;
	[tilespmem:$0x1C000] =	vst v63  }
0x1e6: {  	_ =	swait.ge [sflag:s16], $0x3200  }
0x1e7: {  	[sflag:s16] =	ssyncset.done $0x0  }
0x1e8: {  	s6 =	rddreg [dreg:$0x1a];
	[sflag:s16] =	ssyncadd.s32 $0xFFFFCE00  }
0x1e9: {  	[spmem:s2] =	stream.indirect.scatter.add.f32 [tilespmem:s14], [sflag:$0x3], $0x80, s6, s13, $0xb8;
	[tilespmem:$0x1C000] =	vst v63  }
0x1ea: {  	_ =	swait.ge [sflag:s17], $0x3200  }
0x1eb: {  	[sflag:s17] =	ssyncset.done $0x0  }
0x1ec: {  	s7 =	rddreg [dreg:$0x1b];
	[sflag:s17] =	ssyncadd.s32 $0xFFFFCE00  }
0x1ed: {  	[tilespmem:s14], [sflag:$0x1] =	stream.indirect.gather [hbm4b:s4+s13], $0x80, s7, s13, $0xb8;
	[tilespmem:$0x1C000] =	vst v63  }
0x1ee: {  	_ =	swait.ge [sflag:s18], $0x3200  }
0x1ef: {  	[sflag:s18] =	ssyncset.done $0x0  }
0x1f0: {  	s8 =	rddreg [dreg:$0x1c];
	[sflag:s18] =	ssyncadd.s32 $0xFFFFCE00  }
0x1f1: {  	[spmem:s2] =	stream.indirect.scatter.add.f32 [tilespmem:s15], [sflag:$0x4], $0x80, s8, s13, $0xb8;
	[tilespmem:$0x1C000] =	vst v63  }
0x1f2: {  	_ =	swait.ge [sflag:s19], $0x3200  }
0x1f3: {  	[sflag:s19] =	ssyncset.done $0x0  }
0x1f4: {  	s9 =	rddreg [dreg:$0x1d];
	[sflag:s19] =	ssyncadd.s32 $0xFFFFCE00  }
0x1f5: {  	[tilespmem:s15], [sflag:$0x2] =	stream.indirect.gather [hbm4b:s4+s13], $0x80, s9, s13, $0xb8;
	[tilespmem:$0x1C000] =	vst v63  }
0x1f6: {  	_ =	swait.ge [sflag:s16], $0x3200  }
0x1f7: {  	[sflag:s16] =	ssyncset.done $0x0  }
0x1f8: {  	s6 =	rddreg [dreg:$0x1e];
	[sflag:s16] =	ssyncadd.s32 $0xFFFFCE00  }
0x1f9: {  	[spmem:s2] =	stream.indirect.scatter.add.f32 [tilespmem:s14], [sflag:$0x3], $0x80, s6, s13, $0xb8;
	[tilespmem:$0x1C000] =	vst v63  }
0x1fa: {  	_ =	swait.ge [sflag:s17], $0x3200  }
0x1fb: {  	[sflag:s17] =	ssyncset.done $0x0  }
0x1fc: {  	s7 =	rddreg [dreg:$0x1f];
	[sflag:s17] =	ssyncadd.s32 $0xFFFFCE00  }
0x1fd: {  	[tilespmem:s14], [sflag:$0x1] =	stream.indirect.gather [hbm4b:s4+s13], $0x80, s7, s13, $0xb8;
	[tilespmem:$0x1C000] =	vst v63  }
0x1fe: {  	_ =	swait.ge [sflag:s18], $0x3200  }
0x1ff: {  	[sflag:s18] =	ssyncset.done $0x0  }
0x200: {  	[sflag:s18] =	ssyncadd.s32 $0xFFFFCE00  }
0x201: {  	[spmem:s2] =	stream.indirect.scatter.add.f32 [tilespmem:s15], [sflag:$0x4], $0x80, s20, s13, $0xb8;
	[tilespmem:$0x1C000] =	vst v63  }
0x202: {  	_ =	swait.ge [sflag:s19], $0x3200  }
0x203: {  	[sflag:s19] =	ssyncset.done $0x0  }
0x204: {  	[sflag:s19] =	ssyncadd.s32 $0xFFFFCE00  }
0x205: {  	[tilespmem:s15], [sflag:$0x2] =	stream.indirect.gather [hbm4b:s4+s13], $0x80, s21, s13, $0xb8;
	[tilespmem:$0x1C000] =	vst v63  }
0x206: {  	_ =	swait.ge [sflag:s16], $0x3200  }
0x207: {  	[sflag:s16] =	ssyncset.done $0x0  }
0x208: {  	[sflag:s16] =	ssyncadd.s32 $0xFFFFCE00  }
0x209: {  	[spmem:s2] =	stream.indirect.scatter.add.f32 [tilespmem:s14], [sflag:$0x3], $0x80, s22, s13, $0xb8;
	[tilespmem:$0x1C000] =	vst v63  }
0x20a: {  	_ =	swait.ge [sflag:s17], $0x3200  }
0x20b: {  	[sflag:s17] =	ssyncset.done $0x0  }
0x20c: {  	[sflag:s17] =	ssyncadd.s32 $0xFFFFCE00  }
0x20d: {  	[tilespmem:s14], [sflag:$0x1] =	stream.indirect.gather [hbm4b:s4+s13], $0x80, s23, s13, $0xb8;
	[tilespmem:$0x1C000] =	vst v63  }
0x20e: {  	_ =	swait.ge [sflag:s18], $0x3200  }
0x20f: {  	[sflag:s18] =	ssyncset.done $0x0  }
0x210: {  	[sflag:s18] =	ssyncadd.s32 $0xFFFFCE00  }
0x211: {  	[spmem:s2] =	stream.indirect.scatter.add.f32 [tilespmem:s15], [sflag:$0x4], $0x80, s24, s13, $0xb8;
	[tilespmem:$0x1C000] =	vst v63  }
0x212: {  	_ =	swait.ge [sflag:s19], $0x3200  }
0x213: {  	[sflag:s19] =	ssyncset.done $0x0  }
0x214: {  	[sflag:s19] =	ssyncadd.s32 $0xFFFFCE00  }
0x215: {  	[tilespmem:s15], [sflag:$0x2] =	stream.indirect.gather [hbm4b:s4+s13], $0x80, s25, s13, $0xb8;
	[tilespmem:$0x1C000] =	vst v63  }
0x216: {  	_ =	swait.ge [sflag:s16], $0x3200  }
0x217: {  	[sflag:s16] =	ssyncset.done $0x0  }
0x218: {  	[sflag:s16] =	ssyncadd.s32 $0xFFFFCE00  }
0x219: {  	[spmem:s2] =	stream.indirect.scatter.add.f32 [tilespmem:s14], [sflag:$0x3], $0x80, s26, s13, $0xb8;
	[tilespmem:$0x1C000] =	vst v63  }
0x21a: {  	_ =	swait.ge [sflag:s17], $0x3200  }
0x21b: {  	[sflag:s17] =	ssyncset.done $0x0  }
0x21c: {  	[sflag:s17] =	ssyncadd.s32 $0xFFFFCE00  }
0x21d: {  	[tilespmem:s14], [sflag:$0x1] =	stream.indirect.gather [hbm4b:s4+s13], $0x80, s28, s13, $0xb8;
	[tilespmem:$0x1C000] =	vst v63  }
0x21e: {  	_ =	swait.ge [sflag:s18], $0x3200  }
0x21f: {  	[sflag:s18] =	ssyncset.done $0x0  }
0x220: {  	[sflag:s18] =	ssyncadd.s32 $0xFFFFCE00  }
0x221: {  	[spmem:s2] =	stream.indirect.scatter.add.f32 [tilespmem:s15], [sflag:$0x4], $0x80, s29, s13, $0xb8;
	[tilespmem:$0x1C000] =	vst v63  }
0x222: {  	_ =	swait.ge [sflag:s19], $0x3200  }
0x223: {  	[sflag:s19] =	ssyncset.done $0x0  }
0x224: {  	[sflag:s19] =	ssyncadd.s32 $0xFFFFCE00  }
0x225: {  	[tilespmem:s15], [sflag:$0x2] =	stream.indirect.gather [hbm4b:s4+s13], $0x80, s30, s13, $0xb8;
	[tilespmem:$0x1C000] =	vst v63  }
0x226: {  	_ =	swait.ge [sflag:s16], $0x3200  }
0x227: {  	[sflag:s16] =	ssyncset.done $0x0  }
0x228: {  	[sflag:s16] =	ssyncadd.s32 $0xFFFFCE00  }
0x229: {  	[spmem:s2] =	stream.indirect.scatter.add.f32 [tilespmem:s14], [sflag:$0x3], $0x80, s31, s13, $0xb8;
	[tilespmem:$0x1C000] =	vst v63  }
0x22a: {  	_ =	swait.ge [sflag:s18], $0x3200  }
0x22b: {  	[sflag:s18] =	ssyncset.done $0x0  }
0x22c: {  	[sflag:s18] =	ssyncadd.s32 $0xFFFFCE00  }
0x22d: {  	[spmem:s2] =	stream.indirect.scatter.add.f32 [tilespmem:s15], [sflag:$0x4], $0x80, s1, s13, $0xb8;
	[tilespmem:$0x1C000] =	vst v63  }
0x22e: {  	_ =	swait.ge [sflag:s17], $0x3200  }
0x22f: {  	[sflag:s17] =	ssyncset.done $0x0  }
0x230: {  	[sflag:s17] =	ssyncadd.s32 $0xFFFFCE00  }
0x231: {  	_ =	swait.ge [sflag:s19], $0x3200  }
0x232: {  	[sflag:s19] =	ssyncset.done $0x0  }
0x233: {  	[sflag:s19] =	ssyncadd.s32 $0xFFFFCE00  }
0x234: {  	[bflag:$0x0] =	sbarrier.arrive $0xFFFF  }
0x235: {  	s6 =	sld [smem:$0x7FC]  }
0x236: {  	s8 =	sld [smem:$0x7FA]  }
0x237: {  	s7 =	sld [smem:$0x7FD];
	_ =	sdelay $0x2  }
0x238: {  	[hbm:s8], [sflag:s6] =	dma.local [spmem:s7], $0x2800  }
0x239: {  	_ =	swait.ge [sflag:s10], $0x2800  }
0x23a: {  	s9 =	sld [smem:$0x7FB];
	_ =	sdelay $0x1  }
0x23b: {  	s0 =	sadd.s32 $0x1, s0  }
0x23c: {  	p0 =	sne.s32 s0, s9  }
.Ltmp1:
0x23d: {  	_ = 	snop;
	(pc) =	sbr.rel @p0 .LBB2_1-.Ltmp1, $3  }
0x23e: {  	_ =	sdelay $0x1  }
0x23f: {  	[sflag:s10] =	ssyncset.done $0x0  }
0x240: {  	[sflag:s10] =	ssyncadd.s32 $0xFFFFD800  }
0x241: {  	_ =	sfence.sel $0x180000  }
0x242: {  	[bflag:$0x0] =	sbarrier.arrive $0xFFFF  }
0x243: {  	_ =	strace $0x90000050  }
0x244: {  	s0 =	stileid.u32;
	[bflag:$0x2] =	sbarrier.arrive $0xFFFF  }
0x245: {  	p0 =	sne.s32 s0, $0x0;
	s0 =	rddreg [dreg:$0x3]  }
0x246: {  	s0 =	sadd.s32 @!p0 $0x100000, s0  }
0x247: {  	[sflag:s0] =	ssyncadd.tile.s32 @!p0 $0x1;
	_ =	shalt  }
.Lfunc_end2:
_tile_overlayer_lowered:
.L_overlay_start_2:
0x248: {  	(tag) =	ssettag $0x2  }
0x249: {  	s0 =	rddreg [dreg:$0x0];
	s2 =	stileid.u32  }
0x24a: {  	s1 =	rddreg [dreg:$0x1];
	p0 =	sne.s32 s2, $0x0  }
0x24b: {  	s3 =	rddreg [dreg:$0x2];
	[bflag:$0x3] =	sbarrier.arrive $0xFFFF;
	s2 =	simm.s32 @!p0 $0x1C05  }
0x24c: {  	[timem:s3], [sflag:s2] =	dma.local @!p0 [hbm:s0], s1  }
0x24d: {  	s0 =	simm.s32 @!p0 $0x5  }
0x24e: {  	_ =	swait.ge @!p0 [sflag:s0], s1  }
0x24f: {  	s1 =	ssub.s32 @!p0 $0x0, s1;
	[sflag:s0] =	ssyncset.done @!p0 $0x0  }
0x250: {  	[sflag:s0] =	ssyncadd.s32 @!p0 s1  }
0x251: {  	[bflag:$0x3] =	sbarrier.arrive $0xFFFF  }
0x252: {  	_ =	shalt  }

// kernel: kernel.9.cloned.1.call-start
scs
__scs_entry_jumppad:
0x0: {  	(pc) =	sbr.rel $0x88, $3  }
0x1: {  	(tag) =	ssettag $0x0;
	lr =	simm.s32 $0x1  }
0x2: {  	[smem:$0x3F96] =	sst lr;
	_ =	strace $0xD0000000  }
0x3: {  	_ = 	snop  }
0x4: {  	_ = 	snop  }
0x5: {  	_ = 	snop  }
0x6: {  	_ = 	snop  }
0x7: {  	_ = 	snop  }
__scs_overlays_trampoline_lowered:
0x8: {  	[smem:$0x3FA5] =	sst s0  }
0x9: {  	[smem:$0x3FA6] =	sst s1  }
0xa: {  	[smem:$0x3FA7] =	sst s2  }
0xb: {  	[smem:$0x3FA8] =	sst s3  }
0xc: {  	[smem:$0x3FA9] =	sst s4  }
0xd: {  	[smem:$0x3FAA] =	sst s5  }
0xe: {  	[smem:$0x3FAB] =	sst s6  }
0xf: {  	[smem:$0x3FAC] =	sst s7  }
0x10: {  	[smem:$0x3FAD] =	sst s8  }
0x11: {  	[smem:$0x3FAE] =	sst s9;
	s0 =	simm.s32 @!p0 $0x0  }
0x12: {  	s1 =	sld [smem:$0x3F94];
	s0 =	simm.s32 @p0 $0x1  }
0x13: {  	[smem:$0x3FAF] =	sst s0;
	s0 =	simm.s32 @!p1 $0x0  }
0x14: {  	s2 =	sld [smem:$0x3F93];
	s0 =	simm.s32 @p1 $0x1  }
0x15: {  	[smem:$0x3FB0] =	sst s0;
	s0 =	simm.s32 @!p2 $0x0  }
0x16: {  	s3 =	sld [smem:$0x3FDB];
	s0 =	simm.s32 @p2 $0x1  }
0x17: {  	s4 =	simm.s32 $0x1BF5;
	[smem:$0x3FB2] =	sst s0  }
0x18: {  	s0 =	sld [smem:$0x3F95];
	_ =	swait.ge [sflag:s4], $0x0  }
0x19: {  	s7 =	sld [smem:$0x3F96]  }
0x1a: {  	s8 =	sadd.s32 $0xFFFFE003, lr  }
0x1b: {  	s9 =	sadd.s32 $0xFFFFFEF7, lr;
	s5 =	simm.s32 $0xFFFFFFFF;
	p2 =	slt.u32 s8, $0xFFFFF086  }
0x1c: {  	p1 =	slt.u32 s9, $0xF7A;
	s5 =	simm.s32 @!p2 $0x0  }
0x1d: {  	s5 =	simm.s32 @p1 $0x1;
	p0 =	seq.s32 s7, s2  }
0x1e: {  	s7 =	smul.u32 @!p0 $0xF7A, s2;
	p2 =	seq.s32 @!p0 s5, $0x0  }
0x1f: {  	s9 =	smul.u32 $0xF7A, s1;
	s8 =	simm.s32 @!p0 $0x1BF5;
	p2 =	por !p2, p0  }
0x20: {  	[sflag:s8] =	ssyncset.s32 @!p0 $0xFFFFF086;
	s6 =	sadd.s32 @!p0 s3, s7;
	s7 =	simm.s32 @!p0 $0x108  }
0x21: {  	s3 =	sadd.s32 s3, s9;
	s6 =	sadd.s32 @!p0 $0x88, s6;
	s7 =	simm.s32 @p2 $0x1082  }
0x22: {  	[simem:s7], [sflag:s8] =	dma.local @!p0 [hbm:s6], $0xF7A  }
0x23: {  	s9 =	sor.u32 $0xD0000000, s2;
	s6 =	simm.s32 $0x108;
	_ =	swait.ge @!p0 [sflag:s8], $0x0  }
0x24: {  	s3 =	sadd.s32 $0x88, s3;
	s6 =	simm.s32 @!p1 $0x1082;
	[sflag:s4] =	ssyncset.s32 $0xFFFFF086  }
0x25: {  	[simem:s6], [sflag:s4] =	dma.local [hbm:s3], $0xF7A  }
0x26: {  	[smem:$0x3F96] =	sst s1;
	(tag) =	ssettag s2;
	_ =	strace s9  }
0x27: {  	s1 =	sld [smem:$0x3FA6]  }
0x28: {  	s2 =	sld [smem:$0x3FA7]  }
0x29: {  	s4 =	sld [smem:$0x3FA9]  }
0x2a: {  	p0 =	seq.s32 s5, $0x0;
	s5 =	sld [smem:$0x3FAA]  }
0x2b: {  	s6 =	sld [smem:$0x3FAB]  }
0x2c: {  	s7 =	sld [smem:$0x3FAC]  }
0x2d: {  	s3 =	simm.s32 $0x108;
	s8 =	sld [smem:$0x3FAD]  }
0x2e: {  	s3 =	simm.s32 @!p0 $0x1082;
	s9 =	sld [smem:$0x3FAE]  }
0x2f: {  	lr =	sadd.s32 s0, s3;
	s0 =	sld [smem:$0x3FA5]  }
0x30: {  	s3 =	sld [smem:$0x3FA8]  }
0x31: {  	[smem:$0x3FB1] =	sst s10  }
0x32: {  	s10 =	sld [smem:$0x3FAF];
	_ =	sdelay $0x3  }
0x33: {  	p0 =	seq.s32 s10, $0x1;
	s10 =	sld [smem:$0x3FB1];
	_ =	sdelay $0x3  }
0x34: {  	[smem:$0x3FB1] =	sst s10  }
0x35: {  	s10 =	sld [smem:$0x3FB0];
	_ =	sdelay $0x3  }
0x36: {  	p1 =	seq.s32 s10, $0x1;
	s10 =	sld [smem:$0x3FB1];
	_ =	sdelay $0x3  }
0x37: {  	[smem:$0x3FB1] =	sst s10  }
0x38: {  	s10 =	sld [smem:$0x3FB2]  }
0x39: {  	_ = 	snop;
	(pc) =	sbr.ind lr, $3  }
0x3a: {  	_ = 	snop  }
0x3b: {  	_ = 	snop  }
0x3c: {  	p2 =	seq.s32 s10, $0x1;
	s10 =	sld [smem:$0x3FB1]  }
0x3d: {  	_ =	shalt  }
0x3e: {  	_ =	shalt  }
0x3f: {  	_ =	shalt  }
0x40: {  	_ =	shalt  }
0x41: {  	_ =	shalt  }
0x42: {  	_ =	shalt  }
0x43: {  	_ =	shalt  }
0x44: {  	_ =	shalt  }
0x45: {  	_ =	shalt  }
0x46: {  	_ =	shalt  }
0x47: {  	_ =	shalt  }
0x48: {  	_ =	shalt  }
0x49: {  	_ =	shalt  }
0x4a: {  	_ =	shalt  }
0x4b: {  	_ =	shalt  }
0x4c: {  	_ =	shalt  }
0x4d: {  	_ =	shalt  }
0x4e: {  	_ =	shalt  }
0x4f: {  	_ =	shalt  }
0x50: {  	_ =	shalt  }
0x51: {  	_ =	shalt  }
0x52: {  	_ =	shalt  }
0x53: {  	_ =	shalt  }
0x54: {  	_ =	shalt  }
0x55: {  	_ =	shalt  }
0x56: {  	_ =	shalt  }
0x57: {  	_ =	shalt  }
0x58: {  	_ =	shalt  }
0x59: {  	_ =	shalt  }
0x5a: {  	_ =	shalt  }
0x5b: {  	_ =	shalt  }
0x5c: {  	_ =	shalt  }
0x5d: {  	_ =	shalt  }
0x5e: {  	_ =	shalt  }
0x5f: {  	_ =	shalt  }
0x60: {  	_ =	shalt  }
0x61: {  	_ =	shalt  }
0x62: {  	_ =	shalt  }
0x63: {  	_ =	shalt  }
0x64: {  	_ =	shalt  }
0x65: {  	_ =	shalt  }
0x66: {  	_ =	shalt  }
0x67: {  	_ =	shalt  }
0x68: {  	_ =	shalt  }
0x69: {  	_ =	shalt  }
0x6a: {  	_ =	shalt  }
0x6b: {  	_ =	shalt  }
0x6c: {  	_ =	shalt  }
0x6d: {  	_ =	shalt  }
0x6e: {  	_ =	shalt  }
0x6f: {  	_ =	shalt  }
0x70: {  	_ =	shalt  }
0x71: {  	_ =	shalt  }
0x72: {  	_ =	shalt  }
0x73: {  	_ =	shalt  }
0x74: {  	_ =	shalt  }
0x75: {  	_ =	shalt  }
0x76: {  	_ =	shalt  }
0x77: {  	_ =	shalt  }
0x78: {  	_ =	shalt  }
0x79: {  	_ =	shalt  }
0x7a: {  	_ =	shalt  }
0x7b: {  	_ =	shalt  }
0x7c: {  	_ =	shalt  }
0x7d: {  	_ =	shalt  }
0x7e: {  	_ =	shalt  }
0x7f: {  	_ =	shalt  }
0x80: {  	_ =	shalt  }
0x81: {  	_ =	shalt  }
0x82: {  	_ =	shalt  }
0x83: {  	_ =	shalt  }
0x84: {  	_ =	shalt  }
0x85: {  	_ =	shalt  }
0x86: {  	_ =	shalt  }
0x87: {  	_ =	shalt  }
.Lfunc_end0:
.L_simem_size_0:
called_computation_lowered:
.L_overlay_start_0:
0x88: {  	s2 =	sld [smem:$0x3FD9]  }
0x89: {  	s3 =	sld [smem:$0x3FFE];
	_ =	sdelay $0x1  }
0x8a: {  	s1 =	srdreg.scid  }
0x8b: {  	s0 =	sand.u32 $0x1, s1  }
0x8c: {  	s16 =	sshll.u32 s0, $0xA;
	s2 =	sadd.s32 s3, s2  }
0x8d: {  	s2 =	sadd.s32 s2, s16  }
0x8e: {  	[smem:$0x3FBD] =	sst s2  }
0x8f: {  	_ = 	snop  }
0x90: {  	(tm) =	ssettm $0x1  }
0x91: {  	s17 =	sld [smem:$0x3FFB];
	_ =	sdelay $0x3  }
0x92: {  	_ =	strace s17  }
0x93: {  	s2 =	sld [smem:$0x3FFC];
	_ =	sdelay $0x3  }
0x94: {  	_ =	strace s2  }
0x95: {  	s2 =	sld [smem:$0x3FFD];
	_ =	sdelay $0x3  }
0x96: {  	_ =	strace s2  }
0x97: {  	_ =	strace $0x8FFFFFFF  }
0x98: {  	s18 =	sld [smem:$0x3FDB];
	_ =	sdelay $0x1  }
0x99: {  	s19 =	simm.s32 $_scs_section_size  }
0x9a: {  	s4 =	simm.s32 $_size__tile_overlayer_lowered;
	s5 =	simm.s32 $_tile_overlayer_lowered  }
0x9b: {  	s22 =	simm.s32 $0x1BFF;
	s21 =	sshll.u32 s5, $0x1;
	s2 =	sadd.s32 s19, s18  }
0x9c: {  	s6 =	simm.s32 $0x0;
	s20 =	sshll.u32 s4, $0x1;
	s4 =	sadd.s32 s21, s2  }
0x9d: {  	[timem:s6], [sflag:s22] =	dma.local [hbm:s4], s20  }
0x9e: {  	_ =	swait.ge [sflag:s22], s20  }
0x9f: {  	s3 =	ssub.s32 $0x0, s20;
	[sflag:s22] =	ssyncset.done $0x0  }
0xa0: {  	[sflag:s22] =	ssyncadd.s32 s3;
	_ =	sdelay $0x1  }
0xa1: {  	s23 =	simm.s32 $0x1B8B  }
0xa2: {  	_ =	swait.ge [sflag:s23], $0x1  }
0xa3: {  	[sflag:s23] =	ssyncset.done $0x0  }
0xa4: {  	s25 =	simm.s32 $0x1B8E;
	s24 =	sld [smem:$0x3FFE];
	[sflag:s23] =	ssyncadd.s32 $0xFFFFFFFF  }
0xa5: {  	s26 =	simm.s32 $execute0_lowered;
	[smem:$0x3FD2] =	sst s25  }
0xa6: {  	s4 =	sshll.u32 s26, $0x1;
	_ =	strace $0x80000046;
	[dreg:$0x1] =	wrdreg $0xFFFFFFFF  }
0xa7: {  	s28 =	simm.s32 $_size_execute0_lowered;
	s2 =	sadd.s32 s2, s4;
	[dreg:$0x0] =	wrdreg $0x0  }
0xa8: {  	s4 =	sshll.u32 s28, $0x1;
	[dreg:$0x2] =	wrdreg s2  }
0xa9: {  	[dreg:$0x3] =	wrdreg s4  }
0xaa: {  	[dreg:$0x4] =	wrdreg $0xC0  }
0xab: {  	_ =	task [dreg:s6], $0x5FFFF  }
0xac: {  	[dreg:$0x1] =	wrdreg $0xFFFFFFFF  }
0xad: {  	[dreg:$0x0] =	wrdreg $0x60  }
0xae: {  	[dreg:$0x2] =	wrdreg s24  }
0xaf: {  	[dreg:$0x3] =	wrdreg $0x0  }
0xb0: {  	[dreg:$0x4] =	wrdreg $0x9  }
0xb1: {  	_ =	task.clear_ibuf [dreg:s6], $0x5FFFF;
	_ =	strace $0x90000046  }
0xb2: {  	s29 =	simm.s32 $0x9;
	_ =	strace $0x80000048  }
0xb3: {  	_ =	swait.ge [sflag:s29], $0x1  }
0xb4: {  	[sflag:s29] =	ssyncadd.s32 $0xFFFFFFFF  }
0xb5: {  	_ =	strace $0x90000048  }
0xb6: {  	_ =	sfence  }
0xb7: {  	s30 =	sld [smem:$0x0];
	_ =	sdelay $0x2  }
0xb8: {  	s31 =	sshll.u32 s1, $0xD;
	s1 =	sshrl.u32 s1, $0x2  }
0xb9: {  	s3 =	sand.u32 $0x4000, s31;
	s1 =	sadd.s32 s1, s30  }
0xba: {  	s0 =	sor.u32 s3, s0;
	s1 =	sshll.u32 s1, $0x11  }
0xbb: {  	s0 =	sor.u32 s1, s0  }
0xbc: {  	s0 =	sadd.s32 $0x8F2B, s0  }
0xbd: {  	[sflag:s0] =	ssyncadd.remote.s32 $0x1  }
0xbe: {  	_ =	sfence.sel $0xFFFF  }
0xbf: {  	[dreg:$0x0] =	wrdreg $0xFFFFFFFF;
	(pc) =	sbr.abs _section_cstart, $3  }
0xc0: {  	[dreg:$0x1] =	wrdreg $0xFFFFFFFF  }
0xc1: {  	_ =	task.clear_ibuf [dreg:s6], $0x2FFFF;
	_ =	strace $0x9FFFFFFF  }
0xc2: {  	(tm) =	ssettm $0x7FFFFFFF  }
0xc3: {  	_ =	shalt  }
tec
execute0_lowered:
.L_overlay_start_1:
0x0: {  	(tag) =	ssettag $0x1  }
0x1: {  	s0 =	srdreg.scid;
	s1 =	rddreg [dreg:$0x0]  }
0x2: {  	s9 =	stileid.u32;
	s2 =	rddreg [dreg:$0x1];
	s3 =	simm.s32 $0x0  }
0x3: {  	s11 =	simm.s32 $0x2;
	s12 =	simm.s32 $0x14C00;
	s13 =	simm.s32 $0x14000  }
0x4: {  	s14 =	simm.s32 $0x64;
	s15 =	simm.s32 $0x14080;
	s16 =	simm.s32 $0x14100  }
0x5: {  	s17 =	simm.s32 $0x14180;
	s18 =	simm.s32 $0x14200;
	s19 =	simm.s32 $0x14280  }
0x6: {  	s20 =	simm.s32 $0x14300;
	s28 =	simm.s32 $0x14680;
	s29 =	simm.s32 $0x14700  }
0x7: {  	s30 =	simm.s32 $0x14780;
	s31 =	simm.s32 $0x14800;
	s5 =	smul.u32 $0x3C00, s9  }
0x8: {  	s10 =	simm.s32 $0x0;
	s0 =	sand.u32 $0x1, s0;
	s21 =	smul.u32 $0x14000, s9  }
0x9: {  	[smem:$0x7FF] =	sst s3;
	s7 =	sadd.s32 $0x3B000, s1;
	s23 =	smul.u32 $0x50000, s9  }
0xa: {  	s26 =	sshll.u32 s9, $0x6;
	s4 =	smul.u32 $0x3C000, s0;
	_ =	strace $0x80000047  }
0xb: {  	s6 =	smul.u32 $0x140000, s0;
	[dreg:$0x3] =	wrdreg s7;
	s0 =	ssub.s32 $0x2, s0  }
0xc: {  	s22 =	sshrl.u32 s21, $0x3;
	s8 =	sshrl.u32 s0, $0x1;
	s24 =	sshrl.u32 s23, $0x2  }
0xd: {  	s23 =	simm.s32 $0x14480;
	s4 =	sadd.s32 s5, s4;
	s5 =	sadd.s32 s21, s6  }
0xe: {  	s7 =	sadd.s32 s22, s1;
	s0 =	ssub.s32 s0, s8;
	s21 =	simm.s32 $0x14380  }
0xf: {  	s22 =	simm.s32 $0x14400;
	s4 =	sshrl.u32 s4, $0x3;
	s5 =	sshrl.u32 s5, $0x3  }
0x10: {  	s25 =	sadd.s32 $0x13000, s7;
	s7 =	sor.u32 $0x1C02, s26;
	s0 =	smax.u32 s0, $0x1  }
0x11: {  	s26 =	simm.s32 $0x14600;
	s4 =	sadd.s32 s4, s1;
	[dreg:$0x4] =	wrdreg s25  }
0x12: {  	s1 =	sadd.s32 s5, s1;
	s5 =	sadd.s32 s24, s2;
	[dreg:$0x7] =	wrdreg s0  }
0x13: {  	s24 =	simm.s32 $0x14500;
	s25 =	simm.s32 $0x14580;
	s0 =	simm.s32 $0x14900  }
0x14: {  	[dreg:$0x5] =	wrdreg s7;
	s1 =	sadd.s32 $0x3B800, s1;
	s9 =	sadd.s32 $0x4000, s4  }
0x15: {  	s8 =	sshrl.u32 s5, $0x3;
	s4 =	simm.s32 $0x14980;
	[dreg:$0x6] =	wrdreg s1  }
0x16: {  	s5 =	simm.s32 $0x1;
	s1 =	simm.s32 $0x14880;
	[dreg:$0x8] =	wrdreg s8  }
.LBB2_1:
0x17: {  	[dreg:$0x9] =	wrdreg s10  }
0x18: {  	s6 =	rddreg [dreg:$0x4]  }
0x19: {  	[spmem:s8], [sflag:s7] =	dma.local [hbm:s6], $0x2800  }
0x1a: {  	_ =	swait.ge [sflag:s11], $0x2800  }
0x1b: {  	[sflag:s11] =	ssyncset.done $0x0  }
0x1c: {  	s8 =	rddreg [dreg:$0x3];
	[sflag:s11] =	ssyncadd.s32 $0xFFFFD800  }
0x1d: {  	[tilespmem:s12], [sflag:$0x2] =	stream.linear.gather [hbm4b:s8+s3], $0x3200, $0x38;
	[tilespmem:$0x18000] =	vst v63  }
0x1e: {  	_ =	swait.ge [sflag:s11], $0x3200  }
0x1f: {  	[sflag:s11] =	ssyncset.done $0x0  }
0x20: {  	[sflag:s11] =	ssyncadd.s32 $0xFFFFCE00  }
0x21: {  	s10 =	sadd.s32 $0x0, s9;
	[bflag:$0x0] =	sbarrier.arrive $0xFFFF  }
0x22: {  	[tilespmem:s13], [sflag:$0x2] =	stream.linear.gather [hbm4b:s10+s3], $0xA00, $0x38;
	[tilespmem:$0x18000] =	vst v63  }
0x23: {  	_ =	swait.ge [sflag:s11], $0xA00  }
0x24: {  	[sflag:s11] =	ssyncset.done $0x0  }
0x25: {  	[sflag:s11] =	ssyncadd.s32 $0xFFFFF600  }
0x26: {  	[spmem:s2] =	stream.indirect.scatter.add.f32 [tilespmem:s12], [sflag:$0x1], $0x80, s13, s14, $0xb8;
	[tilespmem:$0x18000] =	vst v63  }
0x27: {  	_ = 	snop  }
0x28: {  	[spmem:s2] =	stream.indirect.scatter.add.f32 [tilespmem:s12], [sflag:$0x1], $0x80, s15, s14, $0xb8;
	[tilespmem:$0x18000] =	vst v63  }
0x29: {  	_ = 	snop  }
0x2a: {  	[spmem:s2] =	stream.indirect.scatter.add.f32 [tilespmem:s12], [sflag:$0x1], $0x80, s16, s14, $0xb8;
	[tilespmem:$0x18000] =	vst v63  }
0x2b: {  	_ = 	snop  }
0x2c: {  	[spmem:s2] =	stream.indirect.scatter.add.f32 [tilespmem:s12], [sflag:$0x1], $0x80, s17, s14, $0xb8;
	[tilespmem:$0x18000] =	vst v63  }
0x2d: {  	_ = 	snop  }
0x2e: {  	[spmem:s2] =	stream.indirect.scatter.add.f32 [tilespmem:s12], [sflag:$0x1], $0x80, s18, s14, $0xb8;
	[tilespmem:$0x18000] =	vst v63  }
0x2f: {  	_ = 	snop  }
0x30: {  	[spmem:s2] =	stream.indirect.scatter.add.f32 [tilespmem:s12], [sflag:$0x1], $0x80, s19, s14, $0xb8;
	[tilespmem:$0x18000] =	vst v63  }
0x31: {  	_ = 	snop  }
0x32: {  	[spmem:s2] =	stream.indirect.scatter.add.f32 [tilespmem:s12], [sflag:$0x1], $0x80, s20, s14, $0xb8;
	[tilespmem:$0x18000] =	vst v63  }
0x33: {  	_ = 	snop  }
0x34: {  	[spmem:s2] =	stream.indirect.scatter.add.f32 [tilespmem:s12], [sflag:$0x1], $0x80, s21, s14, $0xb8;
	[tilespmem:$0x18000] =	vst v63  }
0x35: {  	_ = 	snop  }
0x36: {  	[spmem:s2] =	stream.indirect.scatter.add.f32 [tilespmem:s12], [sflag:$0x1], $0x80, s22, s14, $0xb8;
	[tilespmem:$0x18000] =	vst v63  }
0x37: {  	_ = 	snop  }
0x38: {  	[spmem:s2] =	stream.indirect.scatter.add.f32 [tilespmem:s12], [sflag:$0x1], $0x80, s23, s14, $0xb8;
	[tilespmem:$0x18000] =	vst v63  }
0x39: {  	_ = 	snop  }
0x3a: {  	[spmem:s2] =	stream.indirect.scatter.add.f32 [tilespmem:s12], [sflag:$0x1], $0x80, s24, s14, $0xb8;
	[tilespmem:$0x18000] =	vst v63  }
0x3b: {  	_ = 	snop  }
0x3c: {  	[spmem:s2] =	stream.indirect.scatter.add.f32 [tilespmem:s12], [sflag:$0x1], $0x80, s25, s14, $0xb8;
	[tilespmem:$0x18000] =	vst v63  }
0x3d: {  	_ = 	snop  }
0x3e: {  	[spmem:s2] =	stream.indirect.scatter.add.f32 [tilespmem:s12], [sflag:$0x1], $0x80, s26, s14, $0xb8;
	[tilespmem:$0x18000] =	vst v63  }
0x3f: {  	_ = 	snop  }
0x40: {  	[spmem:s2] =	stream.indirect.scatter.add.f32 [tilespmem:s12], [sflag:$0x1], $0x80, s28, s14, $0xb8;
	[tilespmem:$0x18000] =	vst v63  }
0x41: {  	_ = 	snop  }
0x42: {  	[spmem:s2] =	stream.indirect.scatter.add.f32 [tilespmem:s12], [sflag:$0x1], $0x80, s29, s14, $0xb8;
	[tilespmem:$0x18000] =	vst v63  }
0x43: {  	_ = 	snop  }
0x44: {  	[spmem:s2] =	stream.indirect.scatter.add.f32 [tilespmem:s12], [sflag:$0x1], $0x80, s30, s14, $0xb8;
	[tilespmem:$0x18000] =	vst v63  }
0x45: {  	_ = 	snop  }
0x46: {  	[spmem:s2] =	stream.indirect.scatter.add.f32 [tilespmem:s12], [sflag:$0x1], $0x80, s31, s14, $0xb8;
	[tilespmem:$0x18000] =	vst v63  }
0x47: {  	_ = 	snop  }
0x48: {  	[spmem:s2] =	stream.indirect.scatter.add.f32 [tilespmem:s12], [sflag:$0x1], $0x80, s1, s14, $0xb8;
	[tilespmem:$0x18000] =	vst v63  }
0x49: {  	_ = 	snop  }
0x4a: {  	[spmem:s2] =	stream.indirect.scatter.add.f32 [tilespmem:s12], [sflag:$0x1], $0x80, s0, s14, $0xb8;
	[tilespmem:$0x18000] =	vst v63  }
0x4b: {  	_ = 	snop  }
0x4c: {  	[spmem:s2] =	stream.indirect.scatter.add.f32 [tilespmem:s12], [sflag:$0x1], $0x80, s4, s14, $0xb8;
	[tilespmem:$0x18000] =	vst v63  }
0x4d: {  	_ =	swait.ge [sflag:s5], $0x3200  }
0x4e: {  	[sflag:s5] =	ssyncset.done $0x0  }
0x4f: {  	[sflag:s5] =	ssyncadd.s32 $0xFFFFCE00  }
0x50: {  	_ =	swait.ge [sflag:s5], $0x3200  }
0x51: {  	[sflag:s5] =	ssyncset.done $0x0  }
0x52: {  	[sflag:s5] =	ssyncadd.s32 $0xFFFFCE00  }
0x53: {  	_ =	swait.ge [sflag:s5], $0x3200  }
0x54: {  	[sflag:s5] =	ssyncset.done $0x0  }
0x55: {  	[sflag:s5] =	ssyncadd.s32 $0xFFFFCE00  }
0x56: {  	_ =	swait.ge [sflag:s5], $0x3200  }
0x57: {  	[sflag:s5] =	ssyncset.done $0x0  }
0x58: {  	[sflag:s5] =	ssyncadd.s32 $0xFFFFCE00  }
0x59: {  	_ =	swait.ge [sflag:s5], $0x3200  }
0x5a: {  	[sflag:s5] =	ssyncset.done $0x0  }
0x5b: {  	[sflag:s5] =	ssyncadd.s32 $0xFFFFCE00  }
0x5c: {  	_ =	swait.ge [sflag:s5], $0x3200  }
0x5d: {  	[sflag:s5] =	ssyncset.done $0x0  }
0x5e: {  	[sflag:s5] =	ssyncadd.s32 $0xFFFFCE00  }
0x5f: {  	_ =	swait.ge [sflag:s5], $0x3200  }
0x60: {  	[sflag:s5] =	ssyncset.done $0x0  }
0x61: {  	[sflag:s5] =	ssyncadd.s32 $0xFFFFCE00  }
0x62: {  	_ =	swait.ge [sflag:s5], $0x3200  }
0x63: {  	[sflag:s5] =	ssyncset.done $0x0  }
0x64: {  	[sflag:s5] =	ssyncadd.s32 $0xFFFFCE00  }
0x65: {  	_ =	swait.ge [sflag:s5], $0x3200  }
0x66: {  	[sflag:s5] =	ssyncset.done $0x0  }
0x67: {  	[sflag:s5] =	ssyncadd.s32 $0xFFFFCE00  }
0x68: {  	_ =	swait.ge [sflag:s5], $0x3200  }
0x69: {  	[sflag:s5] =	ssyncset.done $0x0  }
0x6a: {  	[sflag:s5] =	ssyncadd.s32 $0xFFFFCE00  }
0x6b: {  	_ =	swait.ge [sflag:s5], $0x3200  }
0x6c: {  	[sflag:s5] =	ssyncset.done $0x0  }
0x6d: {  	[sflag:s5] =	ssyncadd.s32 $0xFFFFCE00  }
0x6e: {  	_ =	swait.ge [sflag:s5], $0x3200  }
0x6f: {  	[sflag:s5] =	ssyncset.done $0x0  }
0x70: {  	[sflag:s5] =	ssyncadd.s32 $0xFFFFCE00  }
0x71: {  	_ =	swait.ge [sflag:s5], $0x3200  }
0x72: {  	[sflag:s5] =	ssyncset.done $0x0  }
0x73: {  	[sflag:s5] =	ssyncadd.s32 $0xFFFFCE00  }
0x74: {  	_ =	swait.ge [sflag:s5], $0x3200  }
0x75: {  	[sflag:s5] =	ssyncset.done $0x0  }
0x76: {  	[sflag:s5] =	ssyncadd.s32 $0xFFFFCE00  }
0x77: {  	_ =	swait.ge [sflag:s5], $0x3200  }
0x78: {  	[sflag:s5] =	ssyncset.done $0x0  }
0x79: {  	[sflag:s5] =	ssyncadd.s32 $0xFFFFCE00  }
0x7a: {  	_ =	swait.ge [sflag:s5], $0x3200  }
0x7b: {  	[sflag:s5] =	ssyncset.done $0x0  }
0x7c: {  	[sflag:s5] =	ssyncadd.s32 $0xFFFFCE00  }
0x7d: {  	_ =	swait.ge [sflag:s5], $0x3200  }
0x7e: {  	[sflag:s5] =	ssyncset.done $0x0  }
0x7f: {  	[sflag:s5] =	ssyncadd.s32 $0xFFFFCE00  }
0x80: {  	_ =	swait.ge [sflag:s5], $0x3200  }
0x81: {  	[sflag:s5] =	ssyncset.done $0x0  }
0x82: {  	[sflag:s5] =	ssyncadd.s32 $0xFFFFCE00  }
0x83: {  	_ =	swait.ge [sflag:s5], $0x3200  }
0x84: {  	[sflag:s5] =	ssyncset.done $0x0  }
0x85: {  	[sflag:s5] =	ssyncadd.s32 $0xFFFFCE00  }
0x86: {  	_ =	swait.ge [sflag:s5], $0x3200  }
0x87: {  	s6 =	simm.s32 $0x300;
	s8 =	simm.s32 $0x180;
	[sflag:s5] =	ssyncset.done $0x0  }
.LBB2_2:
0x88: {  	s7 =	sadd.s32 s8, s9  }
0x89: {  	[sflag:s5] =	ssyncadd.s32 $0xFFFFCE00;
	s8 =	smov.u32 s6;
	s10 =	sadd.s32 $0x180, s6  }
0x8a: {  	[tilespmem:s13], [sflag:$0x2] =	stream.linear.gather [hbm4b:s7+s3], $0xA00, $0x38;
	[tilespmem:$0x18000] =	vst v63  }
0x8b: {  	p0 =	sne.s32 s6, $0x600;
	_ =	swait.ge [sflag:s11], $0xA00  }
0x8c: {  	[sflag:s11] =	ssyncset.done $0x0  }
0x8d: {  	[sflag:s11] =	ssyncadd.s32 $0xFFFFF600  }
0x8e: {  	[spmem:s2] =	stream.indirect.scatter.add.f32 [tilespmem:s12], [sflag:$0x1], $0x80, s13, s14, $0xb8;
	[tilespmem:$0x18000] =	vst v63  }
0x8f: {  	_ = 	snop  }
0x90: {  	[spmem:s2] =	stream.indirect.scatter.add.f32 [tilespmem:s12], [sflag:$0x1], $0x80, s15, s14, $0xb8;
	[tilespmem:$0x18000] =	vst v63  }
0x91: {  	_ = 	snop  }
0x92: {  	[spmem:s2] =	stream.indirect.scatter.add.f32 [tilespmem:s12], [sflag:$0x1], $0x80, s16, s14, $0xb8;
	[tilespmem:$0x18000] =	vst v63  }
0x93: {  	_ = 	snop  }
0x94: {  	[spmem:s2] =	stream.indirect.scatter.add.f32 [tilespmem:s12], [sflag:$0x1], $0x80, s17, s14, $0xb8;
	[tilespmem:$0x18000] =	vst v63  }
0x95: {  	_ = 	snop  }
0x96: {  	[spmem:s2] =	stream.indirect.scatter.add.f32 [tilespmem:s12], [sflag:$0x1], $0x80, s18, s14, $0xb8;
	[tilespmem:$0x18000] =	vst v63  }
0x97: {  	_ = 	snop  }
0x98: {  	[spmem:s2] =	stream.indirect.scatter.add.f32 [tilespmem:s12], [sflag:$0x1], $0x80, s19, s14, $0xb8;
	[tilespmem:$0x18000] =	vst v63  }
0x99: {  	_ = 	snop  }
0x9a: {  	[spmem:s2] =	stream.indirect.scatter.add.f32 [tilespmem:s12], [sflag:$0x1], $0x80, s20, s14, $0xb8;
	[tilespmem:$0x18000] =	vst v63  }
0x9b: {  	_ = 	snop  }
0x9c: {  	[spmem:s2] =	stream.indirect.scatter.add.f32 [tilespmem:s12], [sflag:$0x1], $0x80, s21, s14, $0xb8;
	[tilespmem:$0x18000] =	vst v63  }
0x9d: {  	_ = 	snop  }
0x9e: {  	[spmem:s2] =	stream.indirect.scatter.add.f32 [tilespmem:s12], [sflag:$0x1], $0x80, s22, s14, $0xb8;
	[tilespmem:$0x18000] =	vst v63  }
0x9f: {  	_ = 	snop  }
0xa0: {  	[spmem:s2] =	stream.indirect.scatter.add.f32 [tilespmem:s12], [sflag:$0x1], $0x80, s23, s14, $0xb8;
	[tilespmem:$0x18000] =	vst v63  }
0xa1: {  	_ = 	snop  }
0xa2: {  	[spmem:s2] =	stream.indirect.scatter.add.f32 [tilespmem:s12], [sflag:$0x1], $0x80, s24, s14, $0xb8;
	[tilespmem:$0x18000] =	vst v63  }
0xa3: {  	_ = 	snop  }
0xa4: {  	[spmem:s2] =	stream.indirect.scatter.add.f32 [tilespmem:s12], [sflag:$0x1], $0x80, s25, s14, $0xb8;
	[tilespmem:$0x18000] =	vst v63  }
0xa5: {  	_ = 	snop  }
0xa6: {  	[spmem:s2] =	stream.indirect.scatter.add.f32 [tilespmem:s12], [sflag:$0x1], $0x80, s26, s14, $0xb8;
	[tilespmem:$0x18000] =	vst v63  }
0xa7: {  	_ = 	snop  }
0xa8: {  	[spmem:s2] =	stream.indirect.scatter.add.f32 [tilespmem:s12], [sflag:$0x1], $0x80, s28, s14, $0xb8;
	[tilespmem:$0x18000] =	vst v63  }
0xa9: {  	_ = 	snop  }
0xaa: {  	[spmem:s2] =	stream.indirect.scatter.add.f32 [tilespmem:s12], [sflag:$0x1], $0x80, s29, s14, $0xb8;
	[tilespmem:$0x18000] =	vst v63  }
0xab: {  	_ = 	snop  }
0xac: {  	[spmem:s2] =	stream.indirect.scatter.add.f32 [tilespmem:s12], [sflag:$0x1], $0x80, s30, s14, $0xb8;
	[tilespmem:$0x18000] =	vst v63  }
0xad: {  	_ = 	snop  }
0xae: {  	[spmem:s2] =	stream.indirect.scatter.add.f32 [tilespmem:s12], [sflag:$0x1], $0x80, s31, s14, $0xb8;
	[tilespmem:$0x18000] =	vst v63  }
0xaf: {  	_ = 	snop  }
0xb0: {  	[spmem:s2] =	stream.indirect.scatter.add.f32 [tilespmem:s12], [sflag:$0x1], $0x80, s1, s14, $0xb8;
	[tilespmem:$0x18000] =	vst v63  }
0xb1: {  	_ = 	snop  }
0xb2: {  	[spmem:s2] =	stream.indirect.scatter.add.f32 [tilespmem:s12], [sflag:$0x1], $0x80, s0, s14, $0xb8;
	[tilespmem:$0x18000] =	vst v63  }
0xb3: {  	_ = 	snop  }
0xb4: {  	[spmem:s2] =	stream.indirect.scatter.add.f32 [tilespmem:s12], [sflag:$0x1], $0x80, s4, s14, $0xb8;
	[tilespmem:$0x18000] =	vst v63  }
0xb5: {  	_ =	swait.ge [sflag:s5], $0x3200  }
0xb6: {  	[sflag:s5] =	ssyncset.done $0x0  }
0xb7: {  	[sflag:s5] =	ssyncadd.s32 $0xFFFFCE00  }
0xb8: {  	_ =	swait.ge [sflag:s5], $0x3200  }
0xb9: {  	[sflag:s5] =	ssyncset.done $0x0  }
0xba: {  	[sflag:s5] =	ssyncadd.s32 $0xFFFFCE00  }
0xbb: {  	_ =	swait.ge [sflag:s5], $0x3200  }
0xbc: {  	[sflag:s5] =	ssyncset.done $0x0  }
0xbd: {  	[sflag:s5] =	ssyncadd.s32 $0xFFFFCE00  }
0xbe: {  	_ =	swait.ge [sflag:s5], $0x3200  }
0xbf: {  	[sflag:s5] =	ssyncset.done $0x0  }
0xc0: {  	[sflag:s5] =	ssyncadd.s32 $0xFFFFCE00  }
0xc1: {  	_ =	swait.ge [sflag:s5], $0x3200  }
0xc2: {  	[sflag:s5] =	ssyncset.done $0x0  }
0xc3: {  	[sflag:s5] =	ssyncadd.s32 $0xFFFFCE00  }
0xc4: {  	_ =	swait.ge [sflag:s5], $0x3200  }
0xc5: {  	[sflag:s5] =	ssyncset.done $0x0  }
0xc6: {  	[sflag:s5] =	ssyncadd.s32 $0xFFFFCE00  }
0xc7: {  	_ =	swait.ge [sflag:s5], $0x3200  }
0xc8: {  	[sflag:s5] =	ssyncset.done $0x0  }
0xc9: {  	[sflag:s5] =	ssyncadd.s32 $0xFFFFCE00  }
0xca: {  	_ =	swait.ge [sflag:s5], $0x3200  }
0xcb: {  	[sflag:s5] =	ssyncset.done $0x0  }
0xcc: {  	[sflag:s5] =	ssyncadd.s32 $0xFFFFCE00  }
0xcd: {  	_ =	swait.ge [sflag:s5], $0x3200  }
0xce: {  	[sflag:s5] =	ssyncset.done $0x0  }
0xcf: {  	[sflag:s5] =	ssyncadd.s32 $0xFFFFCE00  }
0xd0: {  	_ =	swait.ge [sflag:s5], $0x3200  }
0xd1: {  	[sflag:s5] =	ssyncset.done $0x0  }
0xd2: {  	[sflag:s5] =	ssyncadd.s32 $0xFFFFCE00  }
0xd3: {  	_ =	swait.ge [sflag:s5], $0x3200  }
0xd4: {  	[sflag:s5] =	ssyncset.done $0x0  }
0xd5: {  	[sflag:s5] =	ssyncadd.s32 $0xFFFFCE00  }
0xd6: {  	_ =	swait.ge [sflag:s5], $0x3200  }
0xd7: {  	[sflag:s5] =	ssyncset.done $0x0  }
0xd8: {  	[sflag:s5] =	ssyncadd.s32 $0xFFFFCE00  }
0xd9: {  	_ =	swait.ge [sflag:s5], $0x3200  }
0xda: {  	[sflag:s5] =	ssyncset.done $0x0  }
0xdb: {  	[sflag:s5] =	ssyncadd.s32 $0xFFFFCE00  }
0xdc: {  	_ =	swait.ge [sflag:s5], $0x3200  }
0xdd: {  	[sflag:s5] =	ssyncset.done $0x0  }
0xde: {  	[sflag:s5] =	ssyncadd.s32 $0xFFFFCE00  }
0xdf: {  	_ =	swait.ge [sflag:s5], $0x3200  }
0xe0: {  	[sflag:s5] =	ssyncset.done $0x0  }
0xe1: {  	[sflag:s5] =	ssyncadd.s32 $0xFFFFCE00  }
0xe2: {  	_ =	swait.ge [sflag:s5], $0x3200  }
0xe3: {  	[sflag:s5] =	ssyncset.done $0x0  }
0xe4: {  	[sflag:s5] =	ssyncadd.s32 $0xFFFFCE00  }
0xe5: {  	_ =	swait.ge [sflag:s5], $0x3200  }
0xe6: {  	[sflag:s5] =	ssyncset.done $0x0  }
0xe7: {  	[sflag:s5] =	ssyncadd.s32 $0xFFFFCE00  }
0xe8: {  	_ =	swait.ge [sflag:s5], $0x3200  }
0xe9: {  	[sflag:s5] =	ssyncset.done $0x0  }
0xea: {  	[sflag:s5] =	ssyncadd.s32 $0xFFFFCE00  }
.Ltmp0:
0xeb: {  	_ =	swait.ge [sflag:s5], $0x3200;
	(pc) =	sbr.rel @p0 .LBB2_2-.Ltmp0, $4  }
0xec: {  	[sflag:s5] =	ssyncset.done $0x0  }
0xed: {  	[sflag:s5] =	ssyncadd.s32 $0xFFFFCE00  }
0xee: {  	_ =	swait.ge [sflag:s5], $0x3200  }
0xef: {  	s6 =	smov.u32 s10;
	[sflag:s5] =	ssyncset.done $0x0  }
0xf0: {  	s6 =	sadd.s32 s8, s9;
	[sflag:s5] =	ssyncadd.s32 $0xFFFFCE00  }
0xf1: {  	[tilespmem:s13], [sflag:$0x2] =	stream.linear.gather [hbm4b:s6+s3], $0xA00, $0x38;
	[tilespmem:$0x18000] =	vst v63  }
0xf2: {  	_ =	swait.ge [sflag:s11], $0xA00  }
0xf3: {  	[sflag:s11] =	ssyncset.done $0x0  }
0xf4: {  	[sflag:s11] =	ssyncadd.s32 $0xFFFFF600  }
0xf5: {  	[spmem:s2] =	stream.indirect.scatter.add.f32 [tilespmem:s12], [sflag:$0x1], $0x80, s13, s14, $0xb8;
	[tilespmem:$0x18000] =	vst v63  }
0xf6: {  	_ = 	snop  }
0xf7: {  	[spmem:s2] =	stream.indirect.scatter.add.f32 [tilespmem:s12], [sflag:$0x1], $0x80, s15, s14, $0xb8;
	[tilespmem:$0x18000] =	vst v63  }
0xf8: {  	_ = 	snop  }
0xf9: {  	[spmem:s2] =	stream.indirect.scatter.add.f32 [tilespmem:s12], [sflag:$0x1], $0x80, s16, s14, $0xb8;
	[tilespmem:$0x18000] =	vst v63  }
0xfa: {  	_ = 	snop  }
0xfb: {  	[spmem:s2] =	stream.indirect.scatter.add.f32 [tilespmem:s12], [sflag:$0x1], $0x80, s17, s14, $0xb8;
	[tilespmem:$0x18000] =	vst v63  }
0xfc: {  	_ = 	snop  }
0xfd: {  	[spmem:s2] =	stream.indirect.scatter.add.f32 [tilespmem:s12], [sflag:$0x1], $0x80, s18, s14, $0xb8;
	[tilespmem:$0x18000] =	vst v63  }
0xfe: {  	_ = 	snop  }
0xff: {  	[spmem:s2] =	stream.indirect.scatter.add.f32 [tilespmem:s12], [sflag:$0x1], $0x80, s19, s14, $0xb8;
	[tilespmem:$0x18000] =	vst v63  }
0x100: {  	_ = 	snop  }
0x101: {  	[spmem:s2] =	stream.indirect.scatter.add.f32 [tilespmem:s12], [sflag:$0x1], $0x80, s20, s14, $0xb8;
	[tilespmem:$0x18000] =	vst v63  }
0x102: {  	_ = 	snop  }
0x103: {  	[spmem:s2] =	stream.indirect.scatter.add.f32 [tilespmem:s12], [sflag:$0x1], $0x80, s21, s14, $0xb8;
	[tilespmem:$0x18000] =	vst v63  }
0x104: {  	_ = 	snop  }
0x105: {  	[spmem:s2] =	stream.indirect.scatter.add.f32 [tilespmem:s12], [sflag:$0x1], $0x80, s22, s14, $0xb8;
	[tilespmem:$0x18000] =	vst v63  }
0x106: {  	_ = 	snop  }
0x107: {  	[spmem:s2] =	stream.indirect.scatter.add.f32 [tilespmem:s12], [sflag:$0x1], $0x80, s23, s14, $0xb8;
	[tilespmem:$0x18000] =	vst v63  }
0x108: {  	_ = 	snop  }
0x109: {  	[spmem:s2] =	stream.indirect.scatter.add.f32 [tilespmem:s12], [sflag:$0x1], $0x80, s24, s14, $0xb8;
	[tilespmem:$0x18000] =	vst v63  }
0x10a: {  	_ = 	snop  }
0x10b: {  	[spmem:s2] =	stream.indirect.scatter.add.f32 [tilespmem:s12], [sflag:$0x1], $0x80, s25, s14, $0xb8;
	[tilespmem:$0x18000] =	vst v63  }
0x10c: {  	_ = 	snop  }
0x10d: {  	[spmem:s2] =	stream.indirect.scatter.add.f32 [tilespmem:s12], [sflag:$0x1], $0x80, s26, s14, $0xb8;
	[tilespmem:$0x18000] =	vst v63  }
0x10e: {  	_ = 	snop  }
0x10f: {  	[spmem:s2] =	stream.indirect.scatter.add.f32 [tilespmem:s12], [sflag:$0x1], $0x80, s28, s14, $0xb8;
	[tilespmem:$0x18000] =	vst v63  }
0x110: {  	_ = 	snop  }
0x111: {  	[spmem:s2] =	stream.indirect.scatter.add.f32 [tilespmem:s12], [sflag:$0x1], $0x80, s29, s14, $0xb8;
	[tilespmem:$0x18000] =	vst v63  }
0x112: {  	_ = 	snop  }
0x113: {  	[spmem:s2] =	stream.indirect.scatter.add.f32 [tilespmem:s12], [sflag:$0x1], $0x80, s30, s14, $0xb8;
	[tilespmem:$0x18000] =	vst v63  }
0x114: {  	_ = 	snop  }
0x115: {  	[spmem:s2] =	stream.indirect.scatter.add.f32 [tilespmem:s12], [sflag:$0x1], $0x80, s31, s14, $0xb8;
	[tilespmem:$0x18000] =	vst v63  }
0x116: {  	_ = 	snop  }
0x117: {  	[spmem:s2] =	stream.indirect.scatter.add.f32 [tilespmem:s12], [sflag:$0x1], $0x80, s1, s14, $0xb8;
	[tilespmem:$0x18000] =	vst v63  }
0x118: {  	_ = 	snop  }
0x119: {  	[spmem:s2] =	stream.indirect.scatter.add.f32 [tilespmem:s12], [sflag:$0x1], $0x80, s0, s14, $0xb8;
	[tilespmem:$0x18000] =	vst v63  }
0x11a: {  	_ = 	snop  }
0x11b: {  	[spmem:s2] =	stream.indirect.scatter.add.f32 [tilespmem:s12], [sflag:$0x1], $0x80, s4, s14, $0xb8;
	[tilespmem:$0x18000] =	vst v63  }
0x11c: {  	_ =	swait.ge [sflag:s5], $0x3200  }
0x11d: {  	[sflag:s5] =	ssyncset.done $0x0  }
0x11e: {  	[sflag:s5] =	ssyncadd.s32 $0xFFFFCE00  }
0x11f: {  	_ =	swait.ge [sflag:s5], $0x3200  }
0x120: {  	[sflag:s5] =	ssyncset.done $0x0  }
0x121: {  	[sflag:s5] =	ssyncadd.s32 $0xFFFFCE00  }
0x122: {  	_ =	swait.ge [sflag:s5], $0x3200  }
0x123: {  	[sflag:s5] =	ssyncset.done $0x0  }
0x124: {  	[sflag:s5] =	ssyncadd.s32 $0xFFFFCE00  }
0x125: {  	_ =	swait.ge [sflag:s5], $0x3200  }
0x126: {  	[sflag:s5] =	ssyncset.done $0x0  }
0x127: {  	[sflag:s5] =	ssyncadd.s32 $0xFFFFCE00  }
0x128: {  	_ =	swait.ge [sflag:s5], $0x3200  }
0x129: {  	[sflag:s5] =	ssyncset.done $0x0  }
0x12a: {  	[sflag:s5] =	ssyncadd.s32 $0xFFFFCE00  }
0x12b: {  	_ =	swait.ge [sflag:s5], $0x3200  }
0x12c: {  	[sflag:s5] =	ssyncset.done $0x0  }
0x12d: {  	[sflag:s5] =	ssyncadd.s32 $0xFFFFCE00  }
0x12e: {  	_ =	swait.ge [sflag:s5], $0x3200  }
0x12f: {  	[sflag:s5] =	ssyncset.done $0x0  }
0x130: {  	[sflag:s5] =	ssyncadd.s32 $0xFFFFCE00  }
0x131: {  	_ =	swait.ge [sflag:s5], $0x3200  }
0x132: {  	[sflag:s5] =	ssyncset.done $0x0  }
0x133: {  	[sflag:s5] =	ssyncadd.s32 $0xFFFFCE00  }
0x134: {  	_ =	swait.ge [sflag:s5], $0x3200  }
0x135: {  	[sflag:s5] =	ssyncset.done $0x0  }
0x136: {  	[sflag:s5] =	ssyncadd.s32 $0xFFFFCE00  }
0x137: {  	_ =	swait.ge [sflag:s5], $0x3200  }
0x138: {  	[sflag:s5] =	ssyncset.done $0x0  }
0x139: {  	[sflag:s5] =	ssyncadd.s32 $0xFFFFCE00  }
0x13a: {  	_ =	swait.ge [sflag:s5], $0x3200  }
0x13b: {  	[sflag:s5] =	ssyncset.done $0x0  }
0x13c: {  	[sflag:s5] =	ssyncadd.s32 $0xFFFFCE00  }
0x13d: {  	_ =	swait.ge [sflag:s5], $0x3200  }
0x13e: {  	[sflag:s5] =	ssyncset.done $0x0  }
0x13f: {  	[sflag:s5] =	ssyncadd.s32 $0xFFFFCE00  }
0x140: {  	_ =	swait.ge [sflag:s5], $0x3200  }
0x141: {  	[sflag:s5] =	ssyncset.done $0x0  }
0x142: {  	[sflag:s5] =	ssyncadd.s32 $0xFFFFCE00  }
0x143: {  	_ =	swait.ge [sflag:s5], $0x3200  }
0x144: {  	[sflag:s5] =	ssyncset.done $0x0  }
0x145: {  	[sflag:s5] =	ssyncadd.s32 $0xFFFFCE00  }
0x146: {  	_ =	swait.ge [sflag:s5], $0x3200  }
0x147: {  	[sflag:s5] =	ssyncset.done $0x0  }
0x148: {  	[sflag:s5] =	ssyncadd.s32 $0xFFFFCE00  }
0x149: {  	_ =	swait.ge [sflag:s5], $0x3200  }
0x14a: {  	[sflag:s5] =	ssyncset.done $0x0  }
0x14b: {  	[sflag:s5] =	ssyncadd.s32 $0xFFFFCE00  }
0x14c: {  	_ =	swait.ge [sflag:s5], $0x3200  }
0x14d: {  	[sflag:s5] =	ssyncset.done $0x0  }
0x14e: {  	[sflag:s5] =	ssyncadd.s32 $0xFFFFCE00  }
0x14f: {  	_ =	swait.ge [sflag:s5], $0x3200  }
0x150: {  	[sflag:s5] =	ssyncset.done $0x0  }
0x151: {  	[sflag:s5] =	ssyncadd.s32 $0xFFFFCE00  }
0x152: {  	_ =	swait.ge [sflag:s5], $0x3200  }
0x153: {  	[sflag:s5] =	ssyncset.done $0x0  }
0x154: {  	[sflag:s5] =	ssyncadd.s32 $0xFFFFCE00  }
0x155: {  	_ =	swait.ge [sflag:s5], $0x3200  }
0x156: {  	[sflag:s5] =	ssyncset.done $0x0  }
0x157: {  	[sflag:s5] =	ssyncadd.s32 $0xFFFFCE00  }
0x158: {  	[bflag:$0x0] =	sbarrier.arrive $0xFFFF  }
0x159: {  	s7 =	rddreg [dreg:$0x5]  }
0x15a: {  	s10 =	rddreg [dreg:$0x6]  }
0x15b: {  	s8 =	rddreg [dreg:$0x8]  }
0x15c: {  	[hbm:s10], [sflag:s7] =	dma.local [spmem:s8], $0x2800  }
0x15d: {  	_ =	swait.ge [sflag:s11], $0x2800  }
0x15e: {  	s10 =	rddreg [dreg:$0x9]  }
0x15f: {  	s6 =	rddreg [dreg:$0x7];
	s10 =	sadd.s32 $0x1, s10  }
0x160: {  	p0 =	sne.s32 s10, s6  }
.Ltmp1:
0x161: {  	_ = 	snop;
	(pc) =	sbr.rel @p0 .LBB2_1-.Ltmp1, $3  }
0x162: {  	_ =	sdelay $0x1  }
0x163: {  	[sflag:s11] =	ssyncset.done $0x0  }
0x164: {  	[sflag:s11] =	ssyncadd.s32 $0xFFFFD800  }
0x165: {  	_ =	sfence.sel $0x180000  }
0x166: {  	[bflag:$0x0] =	sbarrier.arrive $0xFFFF  }
0x167: {  	_ =	strace $0x90000047  }
0x168: {  	s0 =	stileid.u32;
	[bflag:$0x2] =	sbarrier.arrive $0xFFFF  }
0x169: {  	p0 =	sne.s32 s0, $0x0;
	s0 =	rddreg [dreg:$0x2]  }
0x16a: {  	s0 =	sadd.s32 @!p0 $0x100000, s0  }
0x16b: {  	[sflag:s0] =	ssyncadd.tile.s32 @!p0 $0x1;
	_ =	shalt  }
.Lfunc_end2:
_tile_overlayer_lowered:
.L_overlay_start_2:
0x16c: {  	(tag) =	ssettag $0x2  }
0x16d: {  	s0 =	rddreg [dreg:$0x0];
	s2 =	stileid.u32  }
0x16e: {  	s1 =	rddreg [dreg:$0x1];
	p0 =	sne.s32 s2, $0x0  }
0x16f: {  	s3 =	rddreg [dreg:$0x2];
	[bflag:$0x3] =	sbarrier.arrive $0xFFFF;
	s2 =	simm.s32 @!p0 $0x1C02  }
0x170: {  	[timem:s3], [sflag:s2] =	dma.local @!p0 [hbm:s0], s1  }
0x171: {  	s0 =	simm.s32 @!p0 $0x2  }
0x172: {  	_ =	swait.ge @!p0 [sflag:s0], s1  }
0x173: {  	s1 =	ssub.s32 @!p0 $0x0, s1;
	[sflag:s0] =	ssyncset.done @!p0 $0x0  }
0x174: {  	[sflag:s0] =	ssyncadd.s32 @!p0 s1  }
0x175: {  	[bflag:$0x3] =	sbarrier.arrive $0xFFFF  }
0x176: {  	_ =	shalt  }

</sc_bundles>
